<compile_context>
chip_gen: v7x
topology: tpu7x:2x2x1
jax: 0.10.2.dev20260603
libtpu: 0.0.44.dev20260713+nightly
codegen_flags: <defaults>
</compile_context>

<pallas_src>
import functools

import jax
import jax.numpy as jnp
from jax import lax
from jax.experimental import pallas as pl
from jax.experimental.pallas import tpu as pltpu
from jax.experimental.pallas import tpu_sc as plsc

_DIM = 32
_VPAD = 128
_NC = 2
_NS = 16
_NW = _NC * _NS
_BT = 512


@functools.cache
def _make_sc_kernel(npos, nbatch):
    steps = npos
    mesh = plsc.VectorSubcoreMesh(core_axis_name="c", subcore_axis_name="s")

    @functools.partial(
        pl.kernel,
        mesh=mesh,
        compiler_params=pltpu.CompilerParams(
            needs_layout_passes=False, use_tc_tiling_on_sc=True),
        out_type=jax.ShapeDtypeStruct((npos, _DIM, nbatch), jnp.float32),
        scratch_types=[
            pltpu.VMEM((_VPAD // 4, 128), jnp.float32),
            pltpu.VMEM((_DIM * _DIM // 128, 128), jnp.float32),
            pltpu.VMEM((128,), jnp.float32),
            pltpu.VMEM((_VPAD // 4, 128), jnp.float32),
            pltpu.VMEM((_DIM * _VPAD * 16,), jnp.float32),
            pltpu.VMEM((2, _BT), jnp.int32),
            pltpu.VMEM((2, _DIM, _BT), jnp.float32),
            pltpu.SemaphoreType.DMA,
            pltpu.SemaphoreType.DMA,
        ],
    )
    def sc_kernel(idx_hbm, e_hbm, w_hbm, b_hbm, out_hbm,
                  e_v, w_v, b_v, t_f, t_rep, idx_v, st, sem_i, sem_o):
        pltpu.sync_copy(e_hbm, e_v)
        pltpu.sync_copy(w_hbm, w_v)
        pltpu.sync_copy(b_hbm, b_v)
        b0 = b_v[pl.ds(0, 16)]
        b1 = b_v[pl.ds(16, 16)]

        def build_row(v, carry):
            r = v >> 2
            c = (v & 3) * 32
            rowv = jnp.full((16,), r, dtype=jnp.int32)
            acc0, acc1 = b0, b1
            for k in range(_DIM):
                ek = plsc.load_gather(
                    e_v, [rowv, jnp.full((16,), c + k, dtype=jnp.int32)])
                wf = k * _DIM
                w0 = w_v[wf // 128, pl.ds(wf % 128, 16)]
                w1 = w_v[wf // 128, pl.ds(wf % 128 + 16, 16)]
                acc0 = acc0 + ek * w0
                acc1 = acc1 + ek * w1
            t_f[r, pl.ds(c, 16)] = acc0
            t_f[r, pl.ds(c + 16, 16)] = acc1
            return carry

        lax.fori_loop(0, _VPAD, build_row, 0)

        lane = lax.iota(jnp.int32, 16)
        lsel = [jnp.full((16,), i, dtype=jnp.int32) for i in range(16)]

        def rep_row(v, carry):
            r = v >> 2
            c = (v & 3) * 32
            r0 = t_f[r, pl.ds(c, 16)]
            r1 = t_f[r, pl.ds(c + 16, 16)]
            for j in range(_DIM):
                src = r0 if j < 16 else r1
                bv = lax.gather(
                    src, lsel[j % 16][:, None],
                    lax.GatherDimensionNumbers(
                        offset_dims=(), collapsed_slice_dims=(0,),
                        start_index_map=(0,)),
                    (1,), mode=lax.GatherScatterMode.PROMISE_IN_BOUNDS)
                t_rep[pl.ds(v * 16 + j * (_VPAD * 16), 16)] = bv
            return carry

        lax.fori_loop(0, _VPAD, rep_row, 0)

        wid = lax.axis_index("s") * _NC + lax.axis_index("c")
        col0 = wid * _BT

        def fire_idx(l, p):
            pltpu.async_copy(
                idx_hbm.at[l, pl.ds(col0, _BT)], idx_v.at[p], sem_i)

        def wait_idx(p):
            pltpu.make_async_copy(
                idx_hbm.at[0, pl.ds(col0, _BT)], idx_v.at[p], sem_i).wait()

        def wait_out():
            pltpu.make_async_copy(
                st.at[0], out_hbm.at[0, :, pl.ds(col0, _BT)], sem_o).wait()

        fire_idx(0, 0)

        def outer(o, carry):
            for p in range(2):
                l = o * 2 + p
                wait_idx(p)

                @pl.when(l + 1 < steps)
                def _prefetch():
                    fire_idx(l + 1, 1 - p)

                @pl.when(l >= 2)
                def _reclaim():
                    wait_out()

                sp = st.at[p]

                @plsc.parallel_loop(0, _BT // 16, unroll=2)
                def _gather(bb):
                    b0 = bb * 16
                    iv = idx_v[p, pl.ds(b0, 16)]
                    ivb = (iv << 4) + lane
                    for j in range(_DIM):
                        g = plsc.load_gather(t_rep, [ivb + j * (_VPAD * 16)])
                        sp[j, pl.ds(b0, 16)] = g

                pltpu.async_copy(
                    sp, out_hbm.at[l, :, pl.ds(col0, _BT)], sem_o)
            return carry

        lax.fori_loop(0, steps // 2, outer, 0)
        wait_out()
        wait_out()

    return sc_kernel


def kernel(x, embed_table, W, b):
    bsz, hist = x.shape
    xt = x.T.astype(jnp.int32)
    e2 = jnp.pad(embed_table.astype(jnp.float32),
                 ((0, _VPAD - embed_table.shape[0]), (0, 0))).reshape(-1, 128)
    w2 = W.astype(jnp.float32).T.reshape(-1, 128)
    b2 = jnp.pad(b.astype(jnp.float32), (0, 128 - _DIM))
    out3 = _make_sc_kernel(hist, bsz)(xt, e2, w2, b2)
    return out3.transpose(2, 0, 1)

# --- scband reference (transcript-rebuilt; emitter-appended) ---
"""Pipeline reference for scband-fake-hooked-transformer-59957743452536 (READ-ONLY COPY).

The authoritative reference and input builder live on the scoring server;
editing this copy changes nothing except your own understanding.
"""

import jax, jax.numpy as jnp
import numpy as np


def setup_inputs(seed: int = 0) -> dict:
    key = jax.random.key(seed)
    k1, k2, k3, k4 = jax.random.split(key, 4)
    # forward arg: token indices [batch, hist_len], values < 100 (vocab)
    x = jax.random.randint(k1, (16384, 200), 0, 100)
    # learned parameters sized per the module's hardcoded config:
    # nn.Embedding(100, 32)
    embed_table = jax.random.normal(k2, (100, 32), dtype=jnp.float32)
    # nn.Linear(32, 32): y = h @ W.T + b
    W = jax.random.normal(k3, (32, 32), dtype=jnp.float32) * 0.1
    b = jax.random.normal(k4, (32,), dtype=jnp.float32) * 0.1
    return {"x": x, "embed_table": embed_table, "W": W, "b": b}


def reference(x, embed_table, W, b):
    # x is integer dtype -> embedding lookup (gather)
    h = jnp.take(embed_table, x, axis=0)  # [B, L, 32]
    # x.view(x.shape[0], -1, 32).float()
    h = h.reshape(h.shape[0], -1, 32).astype(jnp.float32)
    # nn.Linear(32, 32)
    out = h @ W.T + b
    return out

if __name__ == "__main__":
    import jax
    _d = setup_inputs()
    print(jax.jit(kernel)(*tuple(_d.values())))

</pallas_src>

<mosaic_0001>
#map = affine_map<(d0, d1) -> (0, 0)>
#map1 = affine_map<(d0, d1) -> (0)>
#map2 = affine_map<(d0, d1) -> (0, 0, 0)>
module attributes {stable_mosaic.version = 14 : i64} {
  func.func @sc_kernel(%arg0: i32, %arg1: i32, %arg2: memref<200x16384xi32, #tpu.memory_space<hbm>>, %arg3: memref<32x128xf32, #tpu.memory_space<hbm>>, %arg4: memref<8x128xf32, #tpu.memory_space<hbm>>, %arg5: memref<128xf32, #tpu.memory_space<hbm>>, %arg6: memref<200x32x16384xf32, #tpu.memory_space<hbm>>, %arg7: memref<32x128xf32, #tpu.memory_space<vmem>>, %arg8: memref<8x128xf32, #tpu.memory_space<vmem>>, %arg9: memref<128xf32, #tpu.memory_space<vmem>>, %arg10: memref<32x128xf32, #tpu.memory_space<vmem>>, %arg11: memref<65536xf32, #tpu.memory_space<vmem>>, %arg12: memref<2x512xi32, #tpu.memory_space<vmem>>, %arg13: memref<2x32x512xf32, #tpu.memory_space<vmem>>, %arg14: memref<!tpu.dma_semaphore, #tpu.memory_space<semaphore_mem>>, %arg15: memref<!tpu.dma_semaphore, #tpu.memory_space<semaphore_mem>>) attributes {dimension_semantics = [#tpu.dimension_semantics<core_parallel>, #tpu.dimension_semantics<subcore_parallel>], iteration_bounds = array<i64: 2, 16>, scalar_prefetch = 0 : i64, scratch_operands = 9 : i64, tpu.core_type = #tpu.core_type<sc_vector_subcore>, window_params = [{transform_indices = #map}, {transform_indices = #map}, {transform_indices = #map}, {transform_indices = #map1}, {transform_indices = #map2}]} {
    "tpu.region"() ({
      %run_scoped3A = tpu.sem_alloc : memref<!tpu.dma_semaphore, #tpu.memory_space<semaphore_mem>>
      tpu.enqueue_dma source(%arg3 : memref<32x128xf32, #tpu.memory_space<hbm>>) target(%arg7 : memref<32x128xf32, #tpu.memory_space<vmem>>) target_semaphore(%run_scoped3A : memref<!tpu.dma_semaphore, #tpu.memory_space<semaphore_mem>>)
      tpu.wait_dma2 semaphore(%run_scoped3A : memref<!tpu.dma_semaphore, #tpu.memory_space<semaphore_mem>>) src(%arg3 : memref<32x128xf32, #tpu.memory_space<hbm>>) dst(%arg7 : memref<32x128xf32, #tpu.memory_space<vmem>>)
      tpu.yield
    }) : () -> ()
    "tpu.region"() ({
      %run_scoped3A = tpu.sem_alloc : memref<!tpu.dma_semaphore, #tpu.memory_space<semaphore_mem>>
      tpu.enqueue_dma source(%arg4 : memref<8x128xf32, #tpu.memory_space<hbm>>) target(%arg8 : memref<8x128xf32, #tpu.memory_space<vmem>>) target_semaphore(%run_scoped3A : memref<!tpu.dma_semaphore, #tpu.memory_space<semaphore_mem>>)
      tpu.wait_dma2 semaphore(%run_scoped3A : memref<!tpu.dma_semaphore, #tpu.memory_space<semaphore_mem>>) src(%arg4 : memref<8x128xf32, #tpu.memory_space<hbm>>) dst(%arg8 : memref<8x128xf32, #tpu.memory_space<vmem>>)
      tpu.yield
    }) : () -> ()
    "tpu.region"() ({
      %run_scoped3A = tpu.sem_alloc : memref<!tpu.dma_semaphore, #tpu.memory_space<semaphore_mem>>
      tpu.enqueue_dma source(%arg5 : memref<128xf32, #tpu.memory_space<hbm>>) target(%arg9 : memref<128xf32, #tpu.memory_space<vmem>>) target_semaphore(%run_scoped3A : memref<!tpu.dma_semaphore, #tpu.memory_space<semaphore_mem>>)
      tpu.wait_dma2 semaphore(%run_scoped3A : memref<!tpu.dma_semaphore, #tpu.memory_space<semaphore_mem>>) src(%arg5 : memref<128xf32, #tpu.memory_space<hbm>>) dst(%arg9 : memref<128xf32, #tpu.memory_space<vmem>>)
      tpu.yield
    }) : () -> ()
    %get3A = arith.constant 0 : index
    %get3A_0 = tpu.vector_load %arg9[%get3A] {strides = array<i32>} : memref<128xf32, #tpu.memory_space<vmem>>, vector<16xf32>,
    %get3A_1 = arith.constant 16 : index
    %get3A_2 = tpu.vector_load %arg9[%get3A_1] {strides = array<i32>} : memref<128xf32, #tpu.memory_space<vmem>>, vector<16xf32>,
    %scan3A = arith.constant 0 : i32
    %scan3A_3 = arith.constant 0 : i32
    %scan3A_4 = arith.constant 128 : i32
    %scan3A_5 = arith.addi %scan3A_3, %scan3A_4 : i32
    %scan3A_6 = arith.constant 1 : i32
    scf.for %scan3A_96 = %scan3A_3 to %scan3A_5 step %scan3A_6  : i32 {
      %shift_right_arithmetic3A = arith.constant 2 : i32
      %shift_right_arithmetic3A_97 = arith.shrsi %scan3A_96, %shift_right_arithmetic3A : i32
      %and3A = arith.constant 3 : i32
      %and3A_98 = arith.andi %scan3A_96, %and3A : i32
      %mul3A_99 = arith.constant 32 : i32
      %mul3A_100 = arith.muli %and3A_98, %mul3A_99 : i32
      %broadcast_in_dim3A_101 = vector.broadcast %shift_right_arithmetic3A_97 : i32 to vector<16xi32>
      %add3A_102 = arith.constant 0 : i32
      %add3A_103 = arith.addi %mul3A_100, %add3A_102 : i32
      %broadcast_in_dim3A_104 = vector.broadcast %add3A_103 : i32 to vector<16xi32>
      %gather3A = tpu.vector_load_idx %arg7[%broadcast_in_dim3A_101, %broadcast_in_dim3A_104] : memref<32x128xf32, #tpu.memory_space<vmem>>[vector<16xi32>, vector<16xi32>], vector<16xf32>,
      %get3A_105 = arith.constant 0 : i32
      %get3A_106 = arith.index_cast %get3A_105 : i32 to index
      %get3A_107 = arith.constant 0 : index
      %get3A_108 = tpu.vector_load %arg8[%get3A_106, %get3A_107] {strides = array<i32>} : memref<8x128xf32, #tpu.memory_space<vmem>>, vector<16xf32>,
      %get3A_109 = arith.constant 0 : i32
      %get3A_110 = arith.index_cast %get3A_109 : i32 to index
      %get3A_111 = arith.constant 16 : index
      %get3A_112 = tpu.vector_load %arg8[%get3A_110, %get3A_111] {strides = array<i32>} : memref<8x128xf32, #tpu.memory_space<vmem>>, vector<16xf32>,
      %mul3A_113 = arith.mulf %gather3A, %get3A_108 : vector<16xf32>
      %add3A_114 = arith.addf %get3A_0, %mul3A_113 : vector<16xf32>
      %mul3A_115 = arith.mulf %gather3A, %get3A_112 : vector<16xf32>
      %add3A_116 = arith.addf %get3A_2, %mul3A_115 : vector<16xf32>
      %add3A_117 = arith.constant 1 : i32
      %add3A_118 = arith.addi %mul3A_100, %add3A_117 : i32
      %broadcast_in_dim3A_119 = vector.broadcast %add3A_118 : i32 to vector<16xi32>
      %gather3A_120 = tpu.vector_load_idx %arg7[%broadcast_in_dim3A_101, %broadcast_in_dim3A_119] : memref<32x128xf32, #tpu.memory_space<vmem>>[vector<16xi32>, vector<16xi32>], vector<16xf32>,
      %get3A_121 = arith.constant 0 : i32
      %get3A_122 = arith.index_cast %get3A_121 : i32 to index
      %get3A_123 = arith.constant 32 : index
      %get3A_124 = tpu.vector_load %arg8[%get3A_122, %get3A_123] {strides = array<i32>} : memref<8x128xf32, #tpu.memory_space<vmem>>, vector<16xf32>,
      %get3A_125 = arith.constant 0 : i32
      %get3A_126 = arith.index_cast %get3A_125 : i32 to index
      %get3A_127 = arith.constant 48 : index
      %get3A_128 = tpu.vector_load %arg8[%get3A_126, %get3A_127] {strides = array<i32>} : memref<8x128xf32, #tpu.memory_space<vmem>>, vector<16xf32>,
      %mul3A_129 = arith.mulf %gather3A_120, %get3A_124 : vector<16xf32>
      %add3A_130 = arith.addf %add3A_114, %mul3A_129 : vector<16xf32>
      %mul3A_131 = arith.mulf %gather3A_120, %get3A_128 : vector<16xf32>
      %add3A_132 = arith.addf %add3A_116, %mul3A_131 : vector<16xf32>
      %add3A_133 = arith.constant 2 : i32
      %add3A_134 = arith.addi %mul3A_100, %add3A_133 : i32
      %broadcast_in_dim3A_135 = vector.broadcast %add3A_134 : i32 to vector<16xi32>
      %gather3A_136 = tpu.vector_load_idx %arg7[%broadcast_in_dim3A_101, %broadcast_in_dim3A_135] : memref<32x128xf32, #tpu.memory_space<vmem>>[vector<16xi32>, vector<16xi32>], vector<16xf32>,
      %get3A_137 = arith.constant 0 : i32
      %get3A_138 = arith.index_cast %get3A_137 : i32 to index
      %get3A_139 = arith.constant 64 : index
      %get3A_140 = tpu.vector_load %arg8[%get3A_138, %get3A_139] {strides = array<i32>} : memref<8x128xf32, #tpu.memory_space<vmem>>, vector<16xf32>,
      %get3A_141 = arith.constant 0 : i32
      %get3A_142 = arith.index_cast %get3A_141 : i32 to index
      %get3A_143 = arith.constant 80 : index
      %get3A_144 = tpu.vector_load %arg8[%get3A_142, %get3A_143] {strides = array<i32>} : memref<8x128xf32, #tpu.memory_space<vmem>>, vector<16xf32>,
      %mul3A_145 = arith.mulf %gather3A_136, %get3A_140 : vector<16xf32>
      %add3A_146 = arith.addf %add3A_130, %mul3A_145 : vector<16xf32>
      %mul3A_147 = arith.mulf %gather3A_136, %get3A_144 : vector<16xf32>
      %add3A_148 = arith.addf %add3A_132, %mul3A_147 : vector<16xf32>
      %add3A_149 = arith.constant 3 : i32
      %add3A_150 = arith.addi %mul3A_100, %add3A_149 : i32
      %broadcast_in_dim3A_151 = vector.broadcast %add3A_150 : i32 to vector<16xi32>
      %gather3A_152 = tpu.vector_load_idx %arg7[%broadcast_in_dim3A_101, %broadcast_in_dim3A_151] : memref<32x128xf32, #tpu.memory_space<vmem>>[vector<16xi32>, vector<16xi32>], vector<16xf32>,
      %get3A_153 = arith.constant 0 : i32
      %get3A_154 = arith.index_cast %get3A_153 : i32 to index
      %get3A_155 = arith.constant 96 : index
      %get3A_156 = tpu.vector_load %arg8[%get3A_154, %get3A_155] {strides = array<i32>} : memref<8x128xf32, #tpu.memory_space<vmem>>, vector<16xf32>,
      %get3A_157 = arith.constant 0 : i32
      %get3A_158 = arith.index_cast %get3A_157 : i32 to index
      %get3A_159 = arith.constant 112 : index
      %get3A_160 = tpu.vector_load %arg8[%get3A_158, %get3A_159] {strides = array<i32>} : memref<8x128xf32, #tpu.memory_space<vmem>>, vector<16xf32>,
      %mul3A_161 = arith.mulf %gather3A_152, %get3A_156 : vector<16xf32>
      %add3A_162 = arith.addf %add3A_146, %mul3A_161 : vector<16xf32>
      %mul3A_163 = arith.mulf %gather3A_152, %get3A_160 : vector<16xf32>
      %add3A_164 = arith.addf %add3A_148, %mul3A_163 : vector<16xf32>
      %add3A_165 = arith.constant 4 : i32
      %add3A_166 = arith.addi %mul3A_100, %add3A_165 : i32
      %broadcast_in_dim3A_167 = vector.broadcast %add3A_166 : i32 to vector<16xi32>
      %gather3A_168 = tpu.vector_load_idx %arg7[%broadcast_in_dim3A_101, %broadcast_in_dim3A_167] : memref<32x128xf32, #tpu.memory_space<vmem>>[vector<16xi32>, vector<16xi32>], vector<16xf32>,
      %get3A_169 = arith.constant 1 : i32
      %get3A_170 = arith.index_cast %get3A_169 : i32 to index
      %get3A_171 = arith.constant 0 : index
      %get3A_172 = tpu.vector_load %arg8[%get3A_170, %get3A_171] {strides = array<i32>} : memref<8x128xf32, #tpu.memory_space<vmem>>, vector<16xf32>,
      %get3A_173 = arith.constant 1 : i32
      %get3A_174 = arith.index_cast %get3A_173 : i32 to index
      %get3A_175 = arith.constant 16 : index
      %get3A_176 = tpu.vector_load %arg8[%get3A_174, %get3A_175] {strides = array<i32>} : memref<8x128xf32, #tpu.memory_space<vmem>>, vector<16xf32>,
      %mul3A_177 = arith.mulf %gather3A_168, %get3A_172 : vector<16xf32>
      %add3A_178 = arith.addf %add3A_162, %mul3A_177 : vector<16xf32>
      %mul3A_179 = arith.mulf %gather3A_168, %get3A_176 : vector<16xf32>
      %add3A_180 = arith.addf %add3A_164, %mul3A_179 : vector<16xf32>
      %add3A_181 = arith.constant 5 : i32
      %add3A_182 = arith.addi %mul3A_100, %add3A_181 : i32
      %broadcast_in_dim3A_183 = vector.broadcast %add3A_182 : i32 to vector<16xi32>
      %gather3A_184 = tpu.vector_load_idx %arg7[%broadcast_in_dim3A_101, %broadcast_in_dim3A_183] : memref<32x128xf32, #tpu.memory_space<vmem>>[vector<16xi32>, vector<16xi32>], vector<16xf32>,
      %get3A_185 = arith.constant 1 : i32
      %get3A_186 = arith.index_cast %get3A_185 : i32 to index
      %get3A_187 = arith.constant 32 : index
      %get3A_188 = tpu.vector_load %arg8[%get3A_186, %get3A_187] {strides = array<i32>} : memref<8x128xf32, #tpu.memory_space<vmem>>, vector<16xf32>,
      %get3A_189 = arith.constant 1 : i32
      %get3A_190 = arith.index_cast %get3A_189 : i32 to index
      %get3A_191 = arith.constant 48 : index
      %get3A_192 = tpu.vector_load %arg8[%get3A_190, %get3A_191] {strides = array<i32>} : memref<8x128xf32, #tpu.memory_space<vmem>>, vector<16xf32>,
      %mul3A_193 = arith.mulf %gather3A_184, %get3A_188 : vector<16xf32>
      %add3A_194 = arith.addf %add3A_178, %mul3A_193 : vector<16xf32>
      %mul3A_195 = arith.mulf %gather3A_184, %get3A_192 : vector<16xf32>
      %add3A_196 = arith.addf %add3A_180, %mul3A_195 : vector<16xf32>
      %add3A_197 = arith.constant 6 : i32
      %add3A_198 = arith.addi %mul3A_100, %add3A_197 : i32
      %broadcast_in_dim3A_199 = vector.broadcast %add3A_198 : i32 to vector<16xi32>
      %gather3A_200 = tpu.vector_load_idx %arg7[%broadcast_in_dim3A_101, %broadcast_in_dim3A_199] : memref<32x128xf32, #tpu.memory_space<vmem>>[vector<16xi32>, vector<16xi32>], vector<16xf32>,
      %get3A_201 = arith.constant 1 : i32
      %get3A_202 = arith.index_cast %get3A_201 : i32 to index
      %get3A_203 = arith.constant 64 : index
      %get3A_204 = tpu.vector_load %arg8[%get3A_202, %get3A_203] {strides = array<i32>} : memref<8x128xf32, #tpu.memory_space<vmem>>, vector<16xf32>,
      %get3A_205 = arith.constant 1 : i32
      %get3A_206 = arith.index_cast %get3A_205 : i32 to index
      %get3A_207 = arith.constant 80 : index
      %get3A_208 = tpu.vector_load %arg8[%get3A_206, %get3A_207] {strides = array<i32>} : memref<8x128xf32, #tpu.memory_space<vmem>>, vector<16xf32>,
      %mul3A_209 = arith.mulf %gather3A_200, %get3A_204 : vector<16xf32>
      %add3A_210 = arith.addf %add3A_194, %mul3A_209 : vector<16xf32>
      %mul3A_211 = arith.mulf %gather3A_200, %get3A_208 : vector<16xf32>
      %add3A_212 = arith.addf %add3A_196, %mul3A_211 : vector<16xf32>
      %add3A_213 = arith.constant 7 : i32
      %add3A_214 = arith.addi %mul3A_100, %add3A_213 : i32
      %broadcast_in_dim3A_215 = vector.broadcast %add3A_214 : i32 to vector<16xi32>
      %gather3A_216 = tpu.vector_load_idx %arg7[%broadcast_in_dim3A_101, %broadcast_in_dim3A_215] : memref<32x128xf32, #tpu.memory_space<vmem>>[vector<16xi32>, vector<16xi32>], vector<16xf32>,
      %get3A_217 = arith.constant 1 : i32
      %get3A_218 = arith.index_cast %get3A_217 : i32 to index
      %get3A_219 = arith.constant 96 : index
      %get3A_220 = tpu.vector_load %arg8[%get3A_218, %get3A_219] {strides = array<i32>} : memref<8x128xf32, #tpu.memory_space<vmem>>, vector<16xf32>,
      %get3A_221 = arith.constant 1 : i32
      %get3A_222 = arith.index_cast %get3A_221 : i32 to index
      %get3A_223 = arith.constant 112 : index
      %get3A_224 = tpu.vector_load %arg8[%get3A_222, %get3A_223] {strides = array<i32>} : memref<8x128xf32, #tpu.memory_space<vmem>>, vector<16xf32>,
      %mul3A_225 = arith.mulf %gather3A_216, %get3A_220 : vector<16xf32>
      %add3A_226 = arith.addf %add3A_210, %mul3A_225 : vector<16xf32>
      %mul3A_227 = arith.mulf %gather3A_216, %get3A_224 : vector<16xf32>
      %add3A_228 = arith.addf %add3A_212, %mul3A_227 : vector<16xf32>
      %add3A_229 = arith.constant 8 : i32
      %add3A_230 = arith.addi %mul3A_100, %add3A_229 : i32
      %broadcast_in_dim3A_231 = vector.broadcast %add3A_230 : i32 to vector<16xi32>
      %gather3A_232 = tpu.vector_load_idx %arg7[%broadcast_in_dim3A_101, %broadcast_in_dim3A_231] : memref<32x128xf32, #tpu.memory_space<vmem>>[vector<16xi32>, vector<16xi32>], vector<16xf32>,
      %get3A_233 = arith.constant 2 : i32
      %get3A_234 = arith.index_cast %get3A_233 : i32 to index
      %get3A_235 = arith.constant 0 : index
      %get3A_236 = tpu.vector_load %arg8[%get3A_234, %get3A_235] {strides = array<i32>} : memref<8x128xf32, #tpu.memory_space<vmem>>, vector<16xf32>,
      %get3A_237 = arith.constant 2 : i32
      %get3A_238 = arith.index_cast %get3A_237 : i32 to index
      %get3A_239 = arith.constant 16 : index
      %get3A_240 = tpu.vector_load %arg8[%get3A_238, %get3A_239] {strides = array<i32>} : memref<8x128xf32, #tpu.memory_space<vmem>>, vector<16xf32>,
      %mul3A_241 = arith.mulf %gather3A_232, %get3A_236 : vector<16xf32>
      %add3A_242 = arith.addf %add3A_226, %mul3A_241 : vector<16xf32>
      %mul3A_243 = arith.mulf %gather3A_232, %get3A_240 : vector<16xf32>
      %add3A_244 = arith.addf %add3A_228, %mul3A_243 : vector<16xf32>
      %add3A_245 = arith.constant 9 : i32
      %add3A_246 = arith.addi %mul3A_100, %add3A_245 : i32
      %broadcast_in_dim3A_247 = vector.broadcast %add3A_246 : i32 to vector<16xi32>
      %gather3A_248 = tpu.vector_load_idx %arg7[%broadcast_in_dim3A_101, %broadcast_in_dim3A_247] : memref<32x128xf32, #tpu.memory_space<vmem>>[vector<16xi32>, vector<16xi32>], vector<16xf32>,
      %get3A_249 = arith.constant 2 : i32
      %get3A_250 = arith.index_cast %get3A_249 : i32 to index
      %get3A_251 = arith.constant 32 : index
      %get3A_252 = tpu.vector_load %arg8[%get3A_250, %get3A_251] {strides = array<i32>} : memref<8x128xf32, #tpu.memory_space<vmem>>, vector<16xf32>,
      %get3A_253 = arith.constant 2 : i32
      %get3A_254 = arith.index_cast %get3A_253 : i32 to index
      %get3A_255 = arith.constant 48 : index
      %get3A_256 = tpu.vector_load %arg8[%get3A_254, %get3A_255] {strides = array<i32>} : memref<8x128xf32, #tpu.memory_space<vmem>>, vector<16xf32>,
      %mul3A_257 = arith.mulf %gather3A_248, %get3A_252 : vector<16xf32>
      %add3A_258 = arith.addf %add3A_242, %mul3A_257 : vector<16xf32>
      %mul3A_259 = arith.mulf %gather3A_248, %get3A_256 : vector<16xf32>
      %add3A_260 = arith.addf %add3A_244, %mul3A_259 : vector<16xf32>
      %add3A_261 = arith.constant 10 : i32
      %add3A_262 = arith.addi %mul3A_100, %add3A_261 : i32
      %broadcast_in_dim3A_263 = vector.broadcast %add3A_262 : i32 to vector<16xi32>
      %gather3A_264 = tpu.vector_load_idx %arg7[%broadcast_in_dim3A_101, %broadcast_in_dim3A_263] : memref<32x128xf32, #tpu.memory_space<vmem>>[vector<16xi32>, vector<16xi32>], vector<16xf32>,
      %get3A_265 = arith.constant 2 : i32
      %get3A_266 = arith.index_cast %get3A_265 : i32 to index
      %get3A_267 = arith.constant 64 : index
      %get3A_268 = tpu.vector_load %arg8[%get3A_266, %get3A_267] {strides = array<i32>} : memref<8x128xf32, #tpu.memory_space<vmem>>, vector<16xf32>,
      %get3A_269 = arith.constant 2 : i32
      %get3A_270 = arith.index_cast %get3A_269 : i32 to index
      %get3A_271 = arith.constant 80 : index
      %get3A_272 = tpu.vector_load %arg8[%get3A_270, %get3A_271] {strides = array<i32>} : memref<8x128xf32, #tpu.memory_space<vmem>>, vector<16xf32>,
      %mul3A_273 = arith.mulf %gather3A_264, %get3A_268 : vector<16xf32>
      %add3A_274 = arith.addf %add3A_258, %mul3A_273 : vector<16xf32>
      %mul3A_275 = arith.mulf %gather3A_264, %get3A_272 : vector<16xf32>
      %add3A_276 = arith.addf %add3A_260, %mul3A_275 : vector<16xf32>
      %add3A_277 = arith.constant 11 : i32
      %add3A_278 = arith.addi %mul3A_100, %add3A_277 : i32
      %broadcast_in_dim3A_279 = vector.broadcast %add3A_278 : i32 to vector<16xi32>
      %gather3A_280 = tpu.vector_load_idx %arg7[%broadcast_in_dim3A_101, %broadcast_in_dim3A_279] : memref<32x128xf32, #tpu.memory_space<vmem>>[vector<16xi32>, vector<16xi32>], vector<16xf32>,
      %get3A_281 = arith.constant 2 : i32
      %get3A_282 = arith.index_cast %get3A_281 : i32 to index
      %get3A_283 = arith.constant 96 : index
      %get3A_284 = tpu.vector_load %arg8[%get3A_282, %get3A_283] {strides = array<i32>} : memref<8x128xf32, #tpu.memory_space<vmem>>, vector<16xf32>,
      %get3A_285 = arith.constant 2 : i32
      %get3A_286 = arith.index_cast %get3A_285 : i32 to index
      %get3A_287 = arith.constant 112 : index
      %get3A_288 = tpu.vector_load %arg8[%get3A_286, %get3A_287] {strides = array<i32>} : memref<8x128xf32, #tpu.memory_space<vmem>>, vector<16xf32>,
      %mul3A_289 = arith.mulf %gather3A_280, %get3A_284 : vector<16xf32>
      %add3A_290 = arith.addf %add3A_274, %mul3A_289 : vector<16xf32>
      %mul3A_291 = arith.mulf %gather3A_280, %get3A_288 : vector<16xf32>
      %add3A_292 = arith.addf %add3A_276, %mul3A_291 : vector<16xf32>
      %add3A_293 = arith.constant 12 : i32
      %add3A_294 = arith.addi %mul3A_100, %add3A_293 : i32
      %broadcast_in_dim3A_295 = vector.broadcast %add3A_294 : i32 to vector<16xi32>
      %gather3A_296 = tpu.vector_load_idx %arg7[%broadcast_in_dim3A_101, %broadcast_in_dim3A_295] : memref<32x128xf32, #tpu.memory_space<vmem>>[vector<16xi32>, vector<16xi32>], vector<16xf32>,
      %get3A_297 = arith.constant 3 : i32
      %get3A_298 = arith.index_cast %get3A_297 : i32 to index
      %get3A_299 = arith.constant 0 : index
      %get3A_300 = tpu.vector_load %arg8[%get3A_298, %get3A_299] {strides = array<i32>} : memref<8x128xf32, #tpu.memory_space<vmem>>, vector<16xf32>,
      %get3A_301 = arith.constant 3 : i32
      %get3A_302 = arith.index_cast %get3A_301 : i32 to index
      %get3A_303 = arith.constant 16 : index
      %get3A_304 = tpu.vector_load %arg8[%get3A_302, %get3A_303] {strides = array<i32>} : memref<8x128xf32, #tpu.memory_space<vmem>>, vector<16xf32>,
      %mul3A_305 = arith.mulf %gather3A_296, %get3A_300 : vector<16xf32>
      %add3A_306 = arith.addf %add3A_290, %mul3A_305 : vector<16xf32>
      %mul3A_307 = arith.mulf %gather3A_296, %get3A_304 : vector<16xf32>
      %add3A_308 = arith.addf %add3A_292, %mul3A_307 : vector<16xf32>
      %add3A_309 = arith.constant 13 : i32
      %add3A_310 = arith.addi %mul3A_100, %add3A_309 : i32
      %broadcast_in_dim3A_311 = vector.broadcast %add3A_310 : i32 to vector<16xi32>
      %gather3A_312 = tpu.vector_load_idx %arg7[%broadcast_in_dim3A_101, %broadcast_in_dim3A_311] : memref<32x128xf32, #tpu.memory_space<vmem>>[vector<16xi32>, vector<16xi32>], vector<16xf32>,
      %get3A_313 = arith.constant 3 : i32
      %get3A_314 = arith.index_cast %get3A_313 : i32 to index
      %get3A_315 = arith.constant 32 : index
      %get3A_316 = tpu.vector_load %arg8[%get3A_314, %get3A_315] {strides = array<i32>} : memref<8x128xf32, #tpu.memory_space<vmem>>, vector<16xf32>,
      %get3A_317 = arith.constant 3 : i32
      %get3A_318 = arith.index_cast %get3A_317 : i32 to index
      %get3A_319 = arith.constant 48 : index
      %get3A_320 = tpu.vector_load %arg8[%get3A_318, %get3A_319] {strides = array<i32>} : memref<8x128xf32, #tpu.memory_space<vmem>>, vector<16xf32>,
      %mul3A_321 = arith.mulf %gather3A_312, %get3A_316 : vector<16xf32>
      %add3A_322 = arith.addf %add3A_306, %mul3A_321 : vector<16xf32>
      %mul3A_323 = arith.mulf %gather3A_312, %get3A_320 : vector<16xf32>
      %add3A_324 = arith.addf %add3A_308, %mul3A_323 : vector<16xf32>
      %add3A_325 = arith.constant 14 : i32
      %add3A_326 = arith.addi %mul3A_100, %add3A_325 : i32
      %broadcast_in_dim3A_327 = vector.broadcast %add3A_326 : i32 to vector<16xi32>
      %gather3A_328 = tpu.vector_load_idx %arg7[%broadcast_in_dim3A_101, %broadcast_in_dim3A_327] : memref<32x128xf32, #tpu.memory_space<vmem>>[vector<16xi32>, vector<16xi32>], vector<16xf32>,
      %get3A_329 = arith.constant 3 : i32
      %get3A_330 = arith.index_cast %get3A_329 : i32 to index
      %get3A_331 = arith.constant 64 : index
      %get3A_332 = tpu.vector_load %arg8[%get3A_330, %get3A_331] {strides = array<i32>} : memref<8x128xf32, #tpu.memory_space<vmem>>, vector<16xf32>,
      %get3A_333 = arith.constant 3 : i32
      %get3A_334 = arith.index_cast %get3A_333 : i32 to index
      %get3A_335 = arith.constant 80 : index
      %get3A_336 = tpu.vector_load %arg8[%get3A_334, %get3A_335] {strides = array<i32>} : memref<8x128xf32, #tpu.memory_space<vmem>>, vector<16xf32>,
      %mul3A_337 = arith.mulf %gather3A_328, %get3A_332 : vector<16xf32>
      %add3A_338 = arith.addf %add3A_322, %mul3A_337 : vector<16xf32>
      %mul3A_339 = arith.mulf %gather3A_328, %get3A_336 : vector<16xf32>
      %add3A_340 = arith.addf %add3A_324, %mul3A_339 : vector<16xf32>
      %add3A_341 = arith.constant 15 : i32
      %add3A_342 = arith.addi %mul3A_100, %add3A_341 : i32
      %broadcast_in_dim3A_343 = vector.broadcast %add3A_342 : i32 to vector<16xi32>
      %gather3A_344 = tpu.vector_load_idx %arg7[%broadcast_in_dim3A_101, %broadcast_in_dim3A_343] : memref<32x128xf32, #tpu.memory_space<vmem>>[vector<16xi32>, vector<16xi32>], vector<16xf32>,
      %get3A_345 = arith.constant 3 : i32
      %get3A_346 = arith.index_cast %get3A_345 : i32 to index
      %get3A_347 = arith.constant 96 : index
      %get3A_348 = tpu.vector_load %arg8[%get3A_346, %get3A_347] {strides = array<i32>} : memref<8x128xf32, #tpu.memory_space<vmem>>, vector<16xf32>,
      %get3A_349 = arith.constant 3 : i32
      %get3A_350 = arith.index_cast %get3A_349 : i32 to index
      %get3A_351 = arith.constant 112 : index
      %get3A_352 = tpu.vector_load %arg8[%get3A_350, %get3A_351] {strides = array<i32>} : memref<8x128xf32, #tpu.memory_space<vmem>>, vector<16xf32>,
      %mul3A_353 = arith.mulf %gather3A_344, %get3A_348 : vector<16xf32>
      %add3A_354 = arith.addf %add3A_338, %mul3A_353 : vector<16xf32>
      %mul3A_355 = arith.mulf %gather3A_344, %get3A_352 : vector<16xf32>
      %add3A_356 = arith.addf %add3A_340, %mul3A_355 : vector<16xf32>
      %add3A_357 = arith.constant 16 : i32
      %add3A_358 = arith.addi %mul3A_100, %add3A_357 : i32
      %broadcast_in_dim3A_359 = vector.broadcast %add3A_358 : i32 to vector<16xi32>
      %gather3A_360 = tpu.vector_load_idx %arg7[%broadcast_in_dim3A_101, %broadcast_in_dim3A_359] : memref<32x128xf32, #tpu.memory_space<vmem>>[vector<16xi32>, vector<16xi32>], vector<16xf32>,
      %get3A_361 = arith.constant 4 : i32
      %get3A_362 = arith.index_cast %get3A_361 : i32 to index
      %get3A_363 = arith.constant 0 : index
      %get3A_364 = tpu.vector_load %arg8[%get3A_362, %get3A_363] {strides = array<i32>} : memref<8x128xf32, #tpu.memory_space<vmem>>, vector<16xf32>,
      %get3A_365 = arith.constant 4 : i32
      %get3A_366 = arith.index_cast %get3A_365 : i32 to index
      %get3A_367 = arith.constant 16 : index
      %get3A_368 = tpu.vector_load %arg8[%get3A_366, %get3A_367] {strides = array<i32>} : memref<8x128xf32, #tpu.memory_space<vmem>>, vector<16xf32>,
      %mul3A_369 = arith.mulf %gather3A_360, %get3A_364 : vector<16xf32>
      %add3A_370 = arith.addf %add3A_354, %mul3A_369 : vector<16xf32>
      %mul3A_371 = arith.mulf %gather3A_360, %get3A_368 : vector<16xf32>
      %add3A_372 = arith.addf %add3A_356, %mul3A_371 : vector<16xf32>
      %add3A_373 = arith.constant 17 : i32
      %add3A_374 = arith.addi %mul3A_100, %add3A_373 : i32
      %broadcast_in_dim3A_375 = vector.broadcast %add3A_374 : i32 to vector<16xi32>
      %gather3A_376 = tpu.vector_load_idx %arg7[%broadcast_in_dim3A_101, %broadcast_in_dim3A_375] : memref<32x128xf32, #tpu.memory_space<vmem>>[vector<16xi32>, vector<16xi32>], vector<16xf32>,
      %get3A_377 = arith.constant 4 : i32
      %get3A_378 = arith.index_cast %get3A_377 : i32 to index
      %get3A_379 = arith.constant 32 : index
      %get3A_380 = tpu.vector_load %arg8[%get3A_378, %get3A_379] {strides = array<i32>} : memref<8x128xf32, #tpu.memory_space<vmem>>, vector<16xf32>,
      %get3A_381 = arith.constant 4 : i32
      %get3A_382 = arith.index_cast %get3A_381 : i32 to index
      %get3A_383 = arith.constant 48 : index
      %get3A_384 = tpu.vector_load %arg8[%get3A_382, %get3A_383] {strides = array<i32>} : memref<8x128xf32, #tpu.memory_space<vmem>>, vector<16xf32>,
      %mul3A_385 = arith.mulf %gather3A_376, %get3A_380 : vector<16xf32>
      %add3A_386 = arith.addf %add3A_370, %mul3A_385 : vector<16xf32>
      %mul3A_387 = arith.mulf %gather3A_376, %get3A_384 : vector<16xf32>
      %add3A_388 = arith.addf %add3A_372, %mul3A_387 : vector<16xf32>
      %add3A_389 = arith.constant 18 : i32
      %add3A_390 = arith.addi %mul3A_100, %add3A_389 : i32
      %broadcast_in_dim3A_391 = vector.broadcast %add3A_390 : i32 to vector<16xi32>
      %gather3A_392 = tpu.vector_load_idx %arg7[%broadcast_in_dim3A_101, %broadcast_in_dim3A_391] : memref<32x128xf32, #tpu.memory_space<vmem>>[vector<16xi32>, vector<16xi32>], vector<16xf32>,
      %get3A_393 = arith.constant 4 : i32
      %get3A_394 = arith.index_cast %get3A_393 : i32 to index
      %get3A_395 = arith.constant 64 : index
      %get3A_396 = tpu.vector_load %arg8[%get3A_394, %get3A_395] {strides = array<i32>} : memref<8x128xf32, #tpu.memory_space<vmem>>, vector<16xf32>,
      %get3A_397 = arith.constant 4 : i32
      %get3A_398 = arith.index_cast %get3A_397 : i32 to index
      %get3A_399 = arith.constant 80 : index
      %get3A_400 = tpu.vector_load %arg8[%get3A_398, %get3A_399] {strides = array<i32>} : memref<8x128xf32, #tpu.memory_space<vmem>>, vector<16xf32>,
      %mul3A_401 = arith.mulf %gather3A_392, %get3A_396 : vector<16xf32>
      %add3A_402 = arith.addf %add3A_386, %mul3A_401 : vector<16xf32>
      %mul3A_403 = arith.mulf %gather3A_392, %get3A_400 : vector<16xf32>
      %add3A_404 = arith.addf %add3A_388, %mul3A_403 : vector<16xf32>
      %add3A_405 = arith.constant 19 : i32
      %add3A_406 = arith.addi %mul3A_100, %add3A_405 : i32
      %broadcast_in_dim3A_407 = vector.broadcast %add3A_406 : i32 to vector<16xi32>
      %gather3A_408 = tpu.vector_load_idx %arg7[%broadcast_in_dim3A_101, %broadcast_in_dim3A_407] : memref<32x128xf32, #tpu.memory_space<vmem>>[vector<16xi32>, vector<16xi32>], vector<16xf32>,
      %get3A_409 = arith.constant 4 : i32
      %get3A_410 = arith.index_cast %get3A_409 : i32 to index
      %get3A_411 = arith.constant 96 : index
      %get3A_412 = tpu.vector_load %arg8[%get3A_410, %get3A_411] {strides = array<i32>} : memref<8x128xf32, #tpu.memory_space<vmem>>, vector<16xf32>,
      %get3A_413 = arith.constant 4 : i32
      %get3A_414 = arith.index_cast %get3A_413 : i32 to index
      %get3A_415 = arith.constant 112 : index
      %get3A_416 = tpu.vector_load %arg8[%get3A_414, %get3A_415] {strides = array<i32>} : memref<8x128xf32, #tpu.memory_space<vmem>>, vector<16xf32>,
      %mul3A_417 = arith.mulf %gather3A_408, %get3A_412 : vector<16xf32>
      %add3A_418 = arith.addf %add3A_402, %mul3A_417 : vector<16xf32>
      %mul3A_419 = arith.mulf %gather3A_408, %get3A_416 : vector<16xf32>
      %add3A_420 = arith.addf %add3A_404, %mul3A_419 : vector<16xf32>
      %add3A_421 = arith.constant 20 : i32
      %add3A_422 = arith.addi %mul3A_100, %add3A_421 : i32
      %broadcast_in_dim3A_423 = vector.broadcast %add3A_422 : i32 to vector<16xi32>
      %gather3A_424 = tpu.vector_load_idx %arg7[%broadcast_in_dim3A_101, %broadcast_in_dim3A_423] : memref<32x128xf32, #tpu.memory_space<vmem>>[vector<16xi32>, vector<16xi32>], vector<16xf32>,
      %get3A_425 = arith.constant 5 : i32
      %get3A_426 = arith.index_cast %get3A_425 : i32 to index
      %get3A_427 = arith.constant 0 : index
      %get3A_428 = tpu.vector_load %arg8[%get3A_426, %get3A_427] {strides = array<i32>} : memref<8x128xf32, #tpu.memory_space<vmem>>, vector<16xf32>,
      %get3A_429 = arith.constant 5 : i32
      %get3A_430 = arith.index_cast %get3A_429 : i32 to index
      %get3A_431 = arith.constant 16 : index
      %get3A_432 = tpu.vector_load %arg8[%get3A_430, %get3A_431] {strides = array<i32>} : memref<8x128xf32, #tpu.memory_space<vmem>>, vector<16xf32>,
      %mul3A_433 = arith.mulf %gather3A_424, %get3A_428 : vector<16xf32>
      %add3A_434 = arith.addf %add3A_418, %mul3A_433 : vector<16xf32>
      %mul3A_435 = arith.mulf %gather3A_424, %get3A_432 : vector<16xf32>
      %add3A_436 = arith.addf %add3A_420, %mul3A_435 : vector<16xf32>
      %add3A_437 = arith.constant 21 : i32
      %add3A_438 = arith.addi %mul3A_100, %add3A_437 : i32
      %broadcast_in_dim3A_439 = vector.broadcast %add3A_438 : i32 to vector<16xi32>
      %gather3A_440 = tpu.vector_load_idx %arg7[%broadcast_in_dim3A_101, %broadcast_in_dim3A_439] : memref<32x128xf32, #tpu.memory_space<vmem>>[vector<16xi32>, vector<16xi32>], vector<16xf32>,
      %get3A_441 = arith.constant 5 : i32
      %get3A_442 = arith.index_cast %get3A_441 : i32 to index
      %get3A_443 = arith.constant 32 : index
      %get3A_444 = tpu.vector_load %arg8[%get3A_442, %get3A_443] {strides = array<i32>} : memref<8x128xf32, #tpu.memory_space<vmem>>, vector<16xf32>,
      %get3A_445 = arith.constant 5 : i32
      %get3A_446 = arith.index_cast %get3A_445 : i32 to index
      %get3A_447 = arith.constant 48 : index
      %get3A_448 = tpu.vector_load %arg8[%get3A_446, %get3A_447] {strides = array<i32>} : memref<8x128xf32, #tpu.memory_space<vmem>>, vector<16xf32>,
      %mul3A_449 = arith.mulf %gather3A_440, %get3A_444 : vector<16xf32>
      %add3A_450 = arith.addf %add3A_434, %mul3A_449 : vector<16xf32>
      %mul3A_451 = arith.mulf %gather3A_440, %get3A_448 : vector<16xf32>
      %add3A_452 = arith.addf %add3A_436, %mul3A_451 : vector<16xf32>
      %add3A_453 = arith.constant 22 : i32
      %add3A_454 = arith.addi %mul3A_100, %add3A_453 : i32
      %broadcast_in_dim3A_455 = vector.broadcast %add3A_454 : i32 to vector<16xi32>
      %gather3A_456 = tpu.vector_load_idx %arg7[%broadcast_in_dim3A_101, %broadcast_in_dim3A_455] : memref<32x128xf32, #tpu.memory_space<vmem>>[vector<16xi32>, vector<16xi32>], vector<16xf32>,
      %get3A_457 = arith.constant 5 : i32
      %get3A_458 = arith.index_cast %get3A_457 : i32 to index
      %get3A_459 = arith.constant 64 : index
      %get3A_460 = tpu.vector_load %arg8[%get3A_458, %get3A_459] {strides = array<i32>} : memref<8x128xf32, #tpu.memory_space<vmem>>, vector<16xf32>,
      %get3A_461 = arith.constant 5 : i32
      %get3A_462 = arith.index_cast %get3A_461 : i32 to index
      %get3A_463 = arith.constant 80 : index
      %get3A_464 = tpu.vector_load %arg8[%get3A_462, %get3A_463] {strides = array<i32>} : memref<8x128xf32, #tpu.memory_space<vmem>>, vector<16xf32>,
      %mul3A_465 = arith.mulf %gather3A_456, %get3A_460 : vector<16xf32>
      %add3A_466 = arith.addf %add3A_450, %mul3A_465 : vector<16xf32>
      %mul3A_467 = arith.mulf %gather3A_456, %get3A_464 : vector<16xf32>
      %add3A_468 = arith.addf %add3A_452, %mul3A_467 : vector<16xf32>
      %add3A_469 = arith.constant 23 : i32
      %add3A_470 = arith.addi %mul3A_100, %add3A_469 : i32
      %broadcast_in_dim3A_471 = vector.broadcast %add3A_470 : i32 to vector<16xi32>
      %gather3A_472 = tpu.vector_load_idx %arg7[%broadcast_in_dim3A_101, %broadcast_in_dim3A_471] : memref<32x128xf32, #tpu.memory_space<vmem>>[vector<16xi32>, vector<16xi32>], vector<16xf32>,
      %get3A_473 = arith.constant 5 : i32
      %get3A_474 = arith.index_cast %get3A_473 : i32 to index
      %get3A_475 = arith.constant 96 : index
      %get3A_476 = tpu.vector_load %arg8[%get3A_474, %get3A_475] {strides = array<i32>} : memref<8x128xf32, #tpu.memory_space<vmem>>, vector<16xf32>,
      %get3A_477 = arith.constant 5 : i32
      %get3A_478 = arith.index_cast %get3A_477 : i32 to index
      %get3A_479 = arith.constant 112 : index
      %get3A_480 = tpu.vector_load %arg8[%get3A_478, %get3A_479] {strides = array<i32>} : memref<8x128xf32, #tpu.memory_space<vmem>>, vector<16xf32>,
      %mul3A_481 = arith.mulf %gather3A_472, %get3A_476 : vector<16xf32>
      %add3A_482 = arith.addf %add3A_466, %mul3A_481 : vector<16xf32>
      %mul3A_483 = arith.mulf %gather3A_472, %get3A_480 : vector<16xf32>
      %add3A_484 = arith.addf %add3A_468, %mul3A_483 : vector<16xf32>
      %add3A_485 = arith.constant 24 : i32
      %add3A_486 = arith.addi %mul3A_100, %add3A_485 : i32
      %broadcast_in_dim3A_487 = vector.broadcast %add3A_486 : i32 to vector<16xi32>
      %gather3A_488 = tpu.vector_load_idx %arg7[%broadcast_in_dim3A_101, %broadcast_in_dim3A_487] : memref<32x128xf32, #tpu.memory_space<vmem>>[vector<16xi32>, vector<16xi32>], vector<16xf32>,
      %get3A_489 = arith.constant 6 : i32
      %get3A_490 = arith.index_cast %get3A_489 : i32 to index
      %get3A_491 = arith.constant 0 : index
      %get3A_492 = tpu.vector_load %arg8[%get3A_490, %get3A_491] {strides = array<i32>} : memref<8x128xf32, #tpu.memory_space<vmem>>, vector<16xf32>,
      %get3A_493 = arith.constant 6 : i32
      %get3A_494 = arith.index_cast %get3A_493 : i32 to index
      %get3A_495 = arith.constant 16 : index
      %get3A_496 = tpu.vector_load %arg8[%get3A_494, %get3A_495] {strides = array<i32>} : memref<8x128xf32, #tpu.memory_space<vmem>>, vector<16xf32>,
      %mul3A_497 = arith.mulf %gather3A_488, %get3A_492 : vector<16xf32>
      %add3A_498 = arith.addf %add3A_482, %mul3A_497 : vector<16xf32>
      %mul3A_499 = arith.mulf %gather3A_488, %get3A_496 : vector<16xf32>
      %add3A_500 = arith.addf %add3A_484, %mul3A_499 : vector<16xf32>
      %add3A_501 = arith.constant 25 : i32
      %add3A_502 = arith.addi %mul3A_100, %add3A_501 : i32
      %broadcast_in_dim3A_503 = vector.broadcast %add3A_502 : i32 to vector<16xi32>
      %gather3A_504 = tpu.vector_load_idx %arg7[%broadcast_in_dim3A_101, %broadcast_in_dim3A_503] : memref<32x128xf32, #tpu.memory_space<vmem>>[vector<16xi32>, vector<16xi32>], vector<16xf32>,
      %get3A_505 = arith.constant 6 : i32
      %get3A_506 = arith.index_cast %get3A_505 : i32 to index
      %get3A_507 = arith.constant 32 : index
      %get3A_508 = tpu.vector_load %arg8[%get3A_506, %get3A_507] {strides = array<i32>} : memref<8x128xf32, #tpu.memory_space<vmem>>, vector<16xf32>,
      %get3A_509 = arith.constant 6 : i32
      %get3A_510 = arith.index_cast %get3A_509 : i32 to index
      %get3A_511 = arith.constant 48 : index
      %get3A_512 = tpu.vector_load %arg8[%get3A_510, %get3A_511] {strides = array<i32>} : memref<8x128xf32, #tpu.memory_space<vmem>>, vector<16xf32>,
      %mul3A_513 = arith.mulf %gather3A_504, %get3A_508 : vector<16xf32>
      %add3A_514 = arith.addf %add3A_498, %mul3A_513 : vector<16xf32>
      %mul3A_515 = arith.mulf %gather3A_504, %get3A_512 : vector<16xf32>
      %add3A_516 = arith.addf %add3A_500, %mul3A_515 : vector<16xf32>
      %add3A_517 = arith.constant 26 : i32
      %add3A_518 = arith.addi %mul3A_100, %add3A_517 : i32
      %broadcast_in_dim3A_519 = vector.broadcast %add3A_518 : i32 to vector<16xi32>
      %gather3A_520 = tpu.vector_load_idx %arg7[%broadcast_in_dim3A_101, %broadcast_in_dim3A_519] : memref<32x128xf32, #tpu.memory_space<vmem>>[vector<16xi32>, vector<16xi32>], vector<16xf32>,
      %get3A_521 = arith.constant 6 : i32
      %get3A_522 = arith.index_cast %get3A_521 : i32 to index
      %get3A_523 = arith.constant 64 : index
      %get3A_524 = tpu.vector_load %arg8[%get3A_522, %get3A_523] {strides = array<i32>} : memref<8x128xf32, #tpu.memory_space<vmem>>, vector<16xf32>,
      %get3A_525 = arith.constant 6 : i32
      %get3A_526 = arith.index_cast %get3A_525 : i32 to index
      %get3A_527 = arith.constant 80 : index
      %get3A_528 = tpu.vector_load %arg8[%get3A_526, %get3A_527] {strides = array<i32>} : memref<8x128xf32, #tpu.memory_space<vmem>>, vector<16xf32>,
      %mul3A_529 = arith.mulf %gather3A_520, %get3A_524 : vector<16xf32>
      %add3A_530 = arith.addf %add3A_514, %mul3A_529 : vector<16xf32>
      %mul3A_531 = arith.mulf %gather3A_520, %get3A_528 : vector<16xf32>
      %add3A_532 = arith.addf %add3A_516, %mul3A_531 : vector<16xf32>
      %add3A_533 = arith.constant 27 : i32
      %add3A_534 = arith.addi %mul3A_100, %add3A_533 : i32
      %broadcast_in_dim3A_535 = vector.broadcast %add3A_534 : i32 to vector<16xi32>
      %gather3A_536 = tpu.vector_load_idx %arg7[%broadcast_in_dim3A_101, %broadcast_in_dim3A_535] : memref<32x128xf32, #tpu.memory_space<vmem>>[vector<16xi32>, vector<16xi32>], vector<16xf32>,
      %get3A_537 = arith.constant 6 : i32
      %get3A_538 = arith.index_cast %get3A_537 : i32 to index
      %get3A_539 = arith.constant 96 : index
      %get3A_540 = tpu.vector_load %arg8[%get3A_538, %get3A_539] {strides = array<i32>} : memref<8x128xf32, #tpu.memory_space<vmem>>, vector<16xf32>,
      %get3A_541 = arith.constant 6 : i32
      %get3A_542 = arith.index_cast %get3A_541 : i32 to index
      %get3A_543 = arith.constant 112 : index
      %get3A_544 = tpu.vector_load %arg8[%get3A_542, %get3A_543] {strides = array<i32>} : memref<8x128xf32, #tpu.memory_space<vmem>>, vector<16xf32>,
      %mul3A_545 = arith.mulf %gather3A_536, %get3A_540 : vector<16xf32>
      %add3A_546 = arith.addf %add3A_530, %mul3A_545 : vector<16xf32>
      %mul3A_547 = arith.mulf %gather3A_536, %get3A_544 : vector<16xf32>
      %add3A_548 = arith.addf %add3A_532, %mul3A_547 : vector<16xf32>
      %add3A_549 = arith.constant 28 : i32
      %add3A_550 = arith.addi %mul3A_100, %add3A_549 : i32
      %broadcast_in_dim3A_551 = vector.broadcast %add3A_550 : i32 to vector<16xi32>
      %gather3A_552 = tpu.vector_load_idx %arg7[%broadcast_in_dim3A_101, %broadcast_in_dim3A_551] : memref<32x128xf32, #tpu.memory_space<vmem>>[vector<16xi32>, vector<16xi32>], vector<16xf32>,
      %get3A_553 = arith.constant 7 : i32
      %get3A_554 = arith.index_cast %get3A_553 : i32 to index
      %get3A_555 = arith.constant 0 : index
      %get3A_556 = tpu.vector_load %arg8[%get3A_554, %get3A_555] {strides = array<i32>} : memref<8x128xf32, #tpu.memory_space<vmem>>, vector<16xf32>,
      %get3A_557 = arith.constant 7 : i32
      %get3A_558 = arith.index_cast %get3A_557 : i32 to index
      %get3A_559 = arith.constant 16 : index
      %get3A_560 = tpu.vector_load %arg8[%get3A_558, %get3A_559] {strides = array<i32>} : memref<8x128xf32, #tpu.memory_space<vmem>>, vector<16xf32>,
      %mul3A_561 = arith.mulf %gather3A_552, %get3A_556 : vector<16xf32>
      %add3A_562 = arith.addf %add3A_546, %mul3A_561 : vector<16xf32>
      %mul3A_563 = arith.mulf %gather3A_552, %get3A_560 : vector<16xf32>
      %add3A_564 = arith.addf %add3A_548, %mul3A_563 : vector<16xf32>
      %add3A_565 = arith.constant 29 : i32
      %add3A_566 = arith.addi %mul3A_100, %add3A_565 : i32
      %broadcast_in_dim3A_567 = vector.broadcast %add3A_566 : i32 to vector<16xi32>
      %gather3A_568 = tpu.vector_load_idx %arg7[%broadcast_in_dim3A_101, %broadcast_in_dim3A_567] : memref<32x128xf32, #tpu.memory_space<vmem>>[vector<16xi32>, vector<16xi32>], vector<16xf32>,
      %get3A_569 = arith.constant 7 : i32
      %get3A_570 = arith.index_cast %get3A_569 : i32 to index
      %get3A_571 = arith.constant 32 : index
      %get3A_572 = tpu.vector_load %arg8[%get3A_570, %get3A_571] {strides = array<i32>} : memref<8x128xf32, #tpu.memory_space<vmem>>, vector<16xf32>,
      %get3A_573 = arith.constant 7 : i32
      %get3A_574 = arith.index_cast %get3A_573 : i32 to index
      %get3A_575 = arith.constant 48 : index
      %get3A_576 = tpu.vector_load %arg8[%get3A_574, %get3A_575] {strides = array<i32>} : memref<8x128xf32, #tpu.memory_space<vmem>>, vector<16xf32>,
      %mul3A_577 = arith.mulf %gather3A_568, %get3A_572 : vector<16xf32>
      %add3A_578 = arith.addf %add3A_562, %mul3A_577 : vector<16xf32>
      %mul3A_579 = arith.mulf %gather3A_568, %get3A_576 : vector<16xf32>
      %add3A_580 = arith.addf %add3A_564, %mul3A_579 : vector<16xf32>
      %add3A_581 = arith.constant 30 : i32
      %add3A_582 = arith.addi %mul3A_100, %add3A_581 : i32
      %broadcast_in_dim3A_583 = vector.broadcast %add3A_582 : i32 to vector<16xi32>
      %gather3A_584 = tpu.vector_load_idx %arg7[%broadcast_in_dim3A_101, %broadcast_in_dim3A_583] : memref<32x128xf32, #tpu.memory_space<vmem>>[vector<16xi32>, vector<16xi32>], vector<16xf32>,
      %get3A_585 = arith.constant 7 : i32
      %get3A_586 = arith.index_cast %get3A_585 : i32 to index
      %get3A_587 = arith.constant 64 : index
      %get3A_588 = tpu.vector_load %arg8[%get3A_586, %get3A_587] {strides = array<i32>} : memref<8x128xf32, #tpu.memory_space<vmem>>, vector<16xf32>,
      %get3A_589 = arith.constant 7 : i32
      %get3A_590 = arith.index_cast %get3A_589 : i32 to index
      %get3A_591 = arith.constant 80 : index
      %get3A_592 = tpu.vector_load %arg8[%get3A_590, %get3A_591] {strides = array<i32>} : memref<8x128xf32, #tpu.memory_space<vmem>>, vector<16xf32>,
      %mul3A_593 = arith.mulf %gather3A_584, %get3A_588 : vector<16xf32>
      %add3A_594 = arith.addf %add3A_578, %mul3A_593 : vector<16xf32>
      %mul3A_595 = arith.mulf %gather3A_584, %get3A_592 : vector<16xf32>
      %add3A_596 = arith.addf %add3A_580, %mul3A_595 : vector<16xf32>
      %add3A_597 = arith.constant 31 : i32
      %add3A_598 = arith.addi %mul3A_100, %add3A_597 : i32
      %broadcast_in_dim3A_599 = vector.broadcast %add3A_598 : i32 to vector<16xi32>
      %gather3A_600 = tpu.vector_load_idx %arg7[%broadcast_in_dim3A_101, %broadcast_in_dim3A_599] : memref<32x128xf32, #tpu.memory_space<vmem>>[vector<16xi32>, vector<16xi32>], vector<16xf32>,
      %get3A_601 = arith.constant 7 : i32
      %get3A_602 = arith.index_cast %get3A_601 : i32 to index
      %get3A_603 = arith.constant 96 : index
      %get3A_604 = tpu.vector_load %arg8[%get3A_602, %get3A_603] {strides = array<i32>} : memref<8x128xf32, #tpu.memory_space<vmem>>, vector<16xf32>,
      %get3A_605 = arith.constant 7 : i32
      %get3A_606 = arith.index_cast %get3A_605 : i32 to index
      %get3A_607 = arith.constant 112 : index
      %get3A_608 = tpu.vector_load %arg8[%get3A_606, %get3A_607] {strides = array<i32>} : memref<8x128xf32, #tpu.memory_space<vmem>>, vector<16xf32>,
      %mul3A_609 = arith.mulf %gather3A_600, %get3A_604 : vector<16xf32>
      %add3A_610 = arith.addf %add3A_594, %mul3A_609 : vector<16xf32>
      %mul3A_611 = arith.mulf %gather3A_600, %get3A_608 : vector<16xf32>
      %add3A_612 = arith.addf %add3A_596, %mul3A_611 : vector<16xf32>
      %swap3A = arith.index_cast %shift_right_arithmetic3A_97 : i32 to index
      %swap3A_613 = arith.index_cast %mul3A_100 : i32 to index
      %swap3A_614 = tpu.vector_load %arg10[%swap3A, %swap3A_613] {strides = array<i32>} : memref<32x128xf32, #tpu.memory_space<vmem>>, vector<16xf32>,
      tpu.vector_store %arg10[%swap3A, %swap3A_613], %add3A_610 {strides = array<i32>} : memref<32x128xf32, #tpu.memory_space<vmem>>, vector<16xf32>,
      %add3A_615 = arith.constant 16 : i32
      %add3A_616 = arith.addi %mul3A_100, %add3A_615 : i32
      %swap3A_617 = arith.index_cast %shift_right_arithmetic3A_97 : i32 to index
      %swap3A_618 = arith.index_cast %add3A_616 : i32 to index
      %swap3A_619 = tpu.vector_load %arg10[%swap3A_617, %swap3A_618] {strides = array<i32>} : memref<32x128xf32, #tpu.memory_space<vmem>>, vector<16xf32>,
      tpu.vector_store %arg10[%swap3A_617, %swap3A_618], %add3A_612 {strides = array<i32>} : memref<32x128xf32, #tpu.memory_space<vmem>>, vector<16xf32>,
    }
    %scan3A_7 = arith.constant 128 : i32
    %iota3A = tpu.iota {dimensions = array<i32: 0>} : vector<16xi32>
    %broadcast_in_dim3A = arith.constant 0 : i32
    %broadcast_in_dim3A_8 = vector.broadcast %broadcast_in_dim3A : i32 to vector<16xi32>
    %broadcast_in_dim3A_9 = arith.constant 1 : i32
    %broadcast_in_dim3A_10 = vector.broadcast %broadcast_in_dim3A_9 : i32 to vector<16xi32>
    %broadcast_in_dim3A_11 = arith.constant 2 : i32
    %broadcast_in_dim3A_12 = vector.broadcast %broadcast_in_dim3A_11 : i32 to vector<16xi32>
    %broadcast_in_dim3A_13 = arith.constant 3 : i32
    %broadcast_in_dim3A_14 = vector.broadcast %broadcast_in_dim3A_13 : i32 to vector<16xi32>
    %broadcast_in_dim3A_15 = arith.constant 4 : i32
    %broadcast_in_dim3A_16 = vector.broadcast %broadcast_in_dim3A_15 : i32 to vector<16xi32>
    %broadcast_in_dim3A_17 = arith.constant 5 : i32
    %broadcast_in_dim3A_18 = vector.broadcast %broadcast_in_dim3A_17 : i32 to vector<16xi32>
    %broadcast_in_dim3A_19 = arith.constant 6 : i32
    %broadcast_in_dim3A_20 = vector.broadcast %broadcast_in_dim3A_19 : i32 to vector<16xi32>
    %broadcast_in_dim3A_21 = arith.constant 7 : i32
    %broadcast_in_dim3A_22 = vector.broadcast %broadcast_in_dim3A_21 : i32 to vector<16xi32>
    %broadcast_in_dim3A_23 = arith.constant 8 : i32
    %broadcast_in_dim3A_24 = vector.broadcast %broadcast_in_dim3A_23 : i32 to vector<16xi32>
    %broadcast_in_dim3A_25 = arith.constant 9 : i32
    %broadcast_in_dim3A_26 = vector.broadcast %broadcast_in_dim3A_25 : i32 to vector<16xi32>
    %broadcast_in_dim3A_27 = arith.constant 10 : i32
    %broadcast_in_dim3A_28 = vector.broadcast %broadcast_in_dim3A_27 : i32 to vector<16xi32>
    %broadcast_in_dim3A_29 = arith.constant 11 : i32
    %broadcast_in_dim3A_30 = vector.broadcast %broadcast_in_dim3A_29 : i32 to vector<16xi32>
    %broadcast_in_dim3A_31 = arith.constant 12 : i32
    %broadcast_in_dim3A_32 = vector.broadcast %broadcast_in_dim3A_31 : i32 to vector<16xi32>
    %broadcast_in_dim3A_33 = arith.constant 13 : i32
    %broadcast_in_dim3A_34 = vector.broadcast %broadcast_in_dim3A_33 : i32 to vector<16xi32>
    %broadcast_in_dim3A_35 = arith.constant 14 : i32
    %broadcast_in_dim3A_36 = vector.broadcast %broadcast_in_dim3A_35 : i32 to vector<16xi32>
    %broadcast_in_dim3A_37 = arith.constant 15 : i32
    %broadcast_in_dim3A_38 = vector.broadcast %broadcast_in_dim3A_37 : i32 to vector<16xi32>
    %scan3A_39 = arith.constant 0 : i32
    %scan3A_40 = arith.constant 0 : i32
    %scan3A_41 = arith.constant 128 : i32
    %scan3A_42 = arith.addi %scan3A_40, %scan3A_41 : i32
    %scan3A_43 = arith.constant 1 : i32
    scf.for %scan3A_96 = %scan3A_40 to %scan3A_42 step %scan3A_43  : i32 {
      %shift_right_arithmetic3A = arith.constant 2 : i32
      %shift_right_arithmetic3A_97 = arith.shrsi %scan3A_96, %shift_right_arithmetic3A : i32
      %and3A = arith.constant 3 : i32
      %and3A_98 = arith.andi %scan3A_96, %and3A : i32
      %mul3A_99 = arith.constant 32 : i32
      %mul3A_100 = arith.muli %and3A_98, %mul3A_99 : i32
      %get3A_101 = arith.index_cast %shift_right_arithmetic3A_97 : i32 to index
      %get3A_102 = arith.index_cast %mul3A_100 : i32 to index
      %get3A_103 = tpu.vector_load %arg10[%get3A_101, %get3A_102] {strides = array<i32>} : memref<32x128xf32, #tpu.memory_space<vmem>>, vector<16xf32>,
      %add3A_104 = arith.constant 16 : i32
      %add3A_105 = arith.addi %mul3A_100, %add3A_104 : i32
      %get3A_106 = arith.index_cast %shift_right_arithmetic3A_97 : i32 to index
      %get3A_107 = arith.index_cast %add3A_105 : i32 to index
      %get3A_108 = tpu.vector_load %arg10[%get3A_106, %get3A_107] {strides = array<i32>} : memref<32x128xf32, #tpu.memory_space<vmem>>, vector<16xf32>,
      %broadcast_in_dim3A_109 = vector.shape_cast %broadcast_in_dim3A_8 : vector<16xi32> to vector<16x1xi32>
      %gather3A = vector.shape_cast %broadcast_in_dim3A_109 : vector<16x1xi32> to vector<16xi32>
      %gather3A_110 = tpu.dynamic_gather %get3A_103[%gather3A] in [0] : vector<16xf32>, vector<16xi32> -> vector<16xf32>
      %mul3A_111 = arith.constant 16 : i32
      %mul3A_112 = arith.muli %scan3A_96, %mul3A_111 : i32
      %add3A_113 = arith.constant 0 : i32
      %add3A_114 = arith.addi %mul3A_112, %add3A_113 : i32
      %swap3A = arith.index_cast %add3A_114 : i32 to index
      %swap3A_115 = tpu.vector_load %arg11[%swap3A] {strides = array<i32>} : memref<65536xf32, #tpu.memory_space<vmem>>, vector<16xf32>,
      tpu.vector_store %arg11[%swap3A], %gather3A_110 {strides = array<i32>} : memref<65536xf32, #tpu.memory_space<vmem>>, vector<16xf32>,
      %broadcast_in_dim3A_116 = vector.shape_cast %broadcast_in_dim3A_10 : vector<16xi32> to vector<16x1xi32>
      %gather3A_117 = vector.shape_cast %broadcast_in_dim3A_116 : vector<16x1xi32> to vector<16xi32>
      %gather3A_118 = tpu.dynamic_gather %get3A_103[%gather3A_117] in [0] : vector<16xf32>, vector<16xi32> -> vector<16xf32>
      %mul3A_119 = arith.constant 16 : i32
      %mul3A_120 = arith.muli %scan3A_96, %mul3A_119 : i32
      %add3A_121 = arith.constant 2048 : i32
      %add3A_122 = arith.addi %mul3A_120, %add3A_121 : i32
      %swap3A_123 = arith.index_cast %add3A_122 : i32 to index
      %swap3A_124 = tpu.vector_load %arg11[%swap3A_123] {strides = array<i32>} : memref<65536xf32, #tpu.memory_space<vmem>>, vector<16xf32>,
      tpu.vector_store %arg11[%swap3A_123], %gather3A_118 {strides = array<i32>} : memref<65536xf32, #tpu.memory_space<vmem>>, vector<16xf32>,
      %broadcast_in_dim3A_125 = vector.shape_cast %broadcast_in_dim3A_12 : vector<16xi32> to vector<16x1xi32>
      %gather3A_126 = vector.shape_cast %broadcast_in_dim3A_125 : vector<16x1xi32> to vector<16xi32>
      %gather3A_127 = tpu.dynamic_gather %get3A_103[%gather3A_126] in [0] : vector<16xf32>, vector<16xi32> -> vector<16xf32>
      %mul3A_128 = arith.constant 16 : i32
      %mul3A_129 = arith.muli %scan3A_96, %mul3A_128 : i32
      %add3A_130 = arith.constant 4096 : i32
      %add3A_131 = arith.addi %mul3A_129, %add3A_130 : i32
      %swap3A_132 = arith.index_cast %add3A_131 : i32 to index
      %swap3A_133 = tpu.vector_load %arg11[%swap3A_132] {strides = array<i32>} : memref<65536xf32, #tpu.memory_space<vmem>>, vector<16xf32>,
      tpu.vector_store %arg11[%swap3A_132], %gather3A_127 {strides = array<i32>} : memref<65536xf32, #tpu.memory_space<vmem>>, vector<16xf32>,
      %broadcast_in_dim3A_134 = vector.shape_cast %broadcast_in_dim3A_14 : vector<16xi32> to vector<16x1xi32>
      %gather3A_135 = vector.shape_cast %broadcast_in_dim3A_134 : vector<16x1xi32> to vector<16xi32>
      %gather3A_136 = tpu.dynamic_gather %get3A_103[%gather3A_135] in [0] : vector<16xf32>, vector<16xi32> -> vector<16xf32>
      %mul3A_137 = arith.constant 16 : i32
      %mul3A_138 = arith.muli %scan3A_96, %mul3A_137 : i32
      %add3A_139 = arith.constant 6144 : i32
      %add3A_140 = arith.addi %mul3A_138, %add3A_139 : i32
      %swap3A_141 = arith.index_cast %add3A_140 : i32 to index
      %swap3A_142 = tpu.vector_load %arg11[%swap3A_141] {strides = array<i32>} : memref<65536xf32, #tpu.memory_space<vmem>>, vector<16xf32>,
      tpu.vector_store %arg11[%swap3A_141], %gather3A_136 {strides = array<i32>} : memref<65536xf32, #tpu.memory_space<vmem>>, vector<16xf32>,
      %broadcast_in_dim3A_143 = vector.shape_cast %broadcast_in_dim3A_16 : vector<16xi32> to vector<16x1xi32>
      %gather3A_144 = vector.shape_cast %broadcast_in_dim3A_143 : vector<16x1xi32> to vector<16xi32>
      %gather3A_145 = tpu.dynamic_gather %get3A_103[%gather3A_144] in [0] : vector<16xf32>, vector<16xi32> -> vector<16xf32>
      %mul3A_146 = arith.constant 16 : i32
      %mul3A_147 = arith.muli %scan3A_96, %mul3A_146 : i32
      %add3A_148 = arith.constant 8192 : i32
      %add3A_149 = arith.addi %mul3A_147, %add3A_148 : i32
      %swap3A_150 = arith.index_cast %add3A_149 : i32 to index
      %swap3A_151 = tpu.vector_load %arg11[%swap3A_150] {strides = array<i32>} : memref<65536xf32, #tpu.memory_space<vmem>>, vector<16xf32>,
      tpu.vector_store %arg11[%swap3A_150], %gather3A_145 {strides = array<i32>} : memref<65536xf32, #tpu.memory_space<vmem>>, vector<16xf32>,
      %broadcast_in_dim3A_152 = vector.shape_cast %broadcast_in_dim3A_18 : vector<16xi32> to vector<16x1xi32>
      %gather3A_153 = vector.shape_cast %broadcast_in_dim3A_152 : vector<16x1xi32> to vector<16xi32>
      %gather3A_154 = tpu.dynamic_gather %get3A_103[%gather3A_153] in [0] : vector<16xf32>, vector<16xi32> -> vector<16xf32>
      %mul3A_155 = arith.constant 16 : i32
      %mul3A_156 = arith.muli %scan3A_96, %mul3A_155 : i32
      %add3A_157 = arith.constant 10240 : i32
      %add3A_158 = arith.addi %mul3A_156, %add3A_157 : i32
      %swap3A_159 = arith.index_cast %add3A_158 : i32 to index
      %swap3A_160 = tpu.vector_load %arg11[%swap3A_159] {strides = array<i32>} : memref<65536xf32, #tpu.memory_space<vmem>>, vector<16xf32>,
      tpu.vector_store %arg11[%swap3A_159], %gather3A_154 {strides = array<i32>} : memref<65536xf32, #tpu.memory_space<vmem>>, vector<16xf32>,
      %broadcast_in_dim3A_161 = vector.shape_cast %broadcast_in_dim3A_20 : vector<16xi32> to vector<16x1xi32>
      %gather3A_162 = vector.shape_cast %broadcast_in_dim3A_161 : vector<16x1xi32> to vector<16xi32>
      %gather3A_163 = tpu.dynamic_gather %get3A_103[%gather3A_162] in [0] : vector<16xf32>, vector<16xi32> -> vector<16xf32>
      %mul3A_164 = arith.constant 16 : i32
      %mul3A_165 = arith.muli %scan3A_96, %mul3A_164 : i32
      %add3A_166 = arith.constant 12288 : i32
      %add3A_167 = arith.addi %mul3A_165, %add3A_166 : i32
      %swap3A_168 = arith.index_cast %add3A_167 : i32 to index
      %swap3A_169 = tpu.vector_load %arg11[%swap3A_168] {strides = array<i32>} : memref<65536xf32, #tpu.memory_space<vmem>>, vector<16xf32>,
      tpu.vector_store %arg11[%swap3A_168], %gather3A_163 {strides = array<i32>} : memref<65536xf32, #tpu.memory_space<vmem>>, vector<16xf32>,
      %broadcast_in_dim3A_170 = vector.shape_cast %broadcast_in_dim3A_22 : vector<16xi32> to vector<16x1xi32>
      %gather3A_171 = vector.shape_cast %broadcast_in_dim3A_170 : vector<16x1xi32> to vector<16xi32>
      %gather3A_172 = tpu.dynamic_gather %get3A_103[%gather3A_171] in [0] : vector<16xf32>, vector<16xi32> -> vector<16xf32>
      %mul3A_173 = arith.constant 16 : i32
      %mul3A_174 = arith.muli %scan3A_96, %mul3A_173 : i32
      %add3A_175 = arith.constant 14336 : i32
      %add3A_176 = arith.addi %mul3A_174, %add3A_175 : i32
      %swap3A_177 = arith.index_cast %add3A_176 : i32 to index
      %swap3A_178 = tpu.vector_load %arg11[%swap3A_177] {strides = array<i32>} : memref<65536xf32, #tpu.memory_space<vmem>>, vector<16xf32>,
      tpu.vector_store %arg11[%swap3A_177], %gather3A_172 {strides = array<i32>} : memref<65536xf32, #tpu.memory_space<vmem>>, vector<16xf32>,
      %broadcast_in_dim3A_179 = vector.shape_cast %broadcast_in_dim3A_24 : vector<16xi32> to vector<16x1xi32>
      %gather3A_180 = vector.shape_cast %broadcast_in_dim3A_179 : vector<16x1xi32> to vector<16xi32>
      %gather3A_181 = tpu.dynamic_gather %get3A_103[%gather3A_180] in [0] : vector<16xf32>, vector<16xi32> -> vector<16xf32>
      %mul3A_182 = arith.constant 16 : i32
      %mul3A_183 = arith.muli %scan3A_96, %mul3A_182 : i32
      %add3A_184 = arith.constant 16384 : i32
      %add3A_185 = arith.addi %mul3A_183, %add3A_184 : i32
      %swap3A_186 = arith.index_cast %add3A_185 : i32 to index
      %swap3A_187 = tpu.vector_load %arg11[%swap3A_186] {strides = array<i32>} : memref<65536xf32, #tpu.memory_space<vmem>>, vector<16xf32>,
      tpu.vector_store %arg11[%swap3A_186], %gather3A_181 {strides = array<i32>} : memref<65536xf32, #tpu.memory_space<vmem>>, vector<16xf32>,
      %broadcast_in_dim3A_188 = vector.shape_cast %broadcast_in_dim3A_26 : vector<16xi32> to vector<16x1xi32>
      %gather3A_189 = vector.shape_cast %broadcast_in_dim3A_188 : vector<16x1xi32> to vector<16xi32>
      %gather3A_190 = tpu.dynamic_gather %get3A_103[%gather3A_189] in [0] : vector<16xf32>, vector<16xi32> -> vector<16xf32>
      %mul3A_191 = arith.constant 16 : i32
      %mul3A_192 = arith.muli %scan3A_96, %mul3A_191 : i32
      %add3A_193 = arith.constant 18432 : i32
      %add3A_194 = arith.addi %mul3A_192, %add3A_193 : i32
      %swap3A_195 = arith.index_cast %add3A_194 : i32 to index
      %swap3A_196 = tpu.vector_load %arg11[%swap3A_195] {strides = array<i32>} : memref<65536xf32, #tpu.memory_space<vmem>>, vector<16xf32>,
      tpu.vector_store %arg11[%swap3A_195], %gather3A_190 {strides = array<i32>} : memref<65536xf32, #tpu.memory_space<vmem>>, vector<16xf32>,
      %broadcast_in_dim3A_197 = vector.shape_cast %broadcast_in_dim3A_28 : vector<16xi32> to vector<16x1xi32>
      %gather3A_198 = vector.shape_cast %broadcast_in_dim3A_197 : vector<16x1xi32> to vector<16xi32>
      %gather3A_199 = tpu.dynamic_gather %get3A_103[%gather3A_198] in [0] : vector<16xf32>, vector<16xi32> -> vector<16xf32>
      %mul3A_200 = arith.constant 16 : i32
      %mul3A_201 = arith.muli %scan3A_96, %mul3A_200 : i32
      %add3A_202 = arith.constant 20480 : i32
      %add3A_203 = arith.addi %mul3A_201, %add3A_202 : i32
      %swap3A_204 = arith.index_cast %add3A_203 : i32 to index
      %swap3A_205 = tpu.vector_load %arg11[%swap3A_204] {strides = array<i32>} : memref<65536xf32, #tpu.memory_space<vmem>>, vector<16xf32>,
      tpu.vector_store %arg11[%swap3A_204], %gather3A_199 {strides = array<i32>} : memref<65536xf32, #tpu.memory_space<vmem>>, vector<16xf32>,
      %broadcast_in_dim3A_206 = vector.shape_cast %broadcast_in_dim3A_30 : vector<16xi32> to vector<16x1xi32>
      %gather3A_207 = vector.shape_cast %broadcast_in_dim3A_206 : vector<16x1xi32> to vector<16xi32>
      %gather3A_208 = tpu.dynamic_gather %get3A_103[%gather3A_207] in [0] : vector<16xf32>, vector<16xi32> -> vector<16xf32>
      %mul3A_209 = arith.constant 16 : i32
      %mul3A_210 = arith.muli %scan3A_96, %mul3A_209 : i32
      %add3A_211 = arith.constant 22528 : i32
      %add3A_212 = arith.addi %mul3A_210, %add3A_211 : i32
      %swap3A_213 = arith.index_cast %add3A_212 : i32 to index
      %swap3A_214 = tpu.vector_load %arg11[%swap3A_213] {strides = array<i32>} : memref<65536xf32, #tpu.memory_space<vmem>>, vector<16xf32>,
      tpu.vector_store %arg11[%swap3A_213], %gather3A_208 {strides = array<i32>} : memref<65536xf32, #tpu.memory_space<vmem>>, vector<16xf32>,
      %broadcast_in_dim3A_215 = vector.shape_cast %broadcast_in_dim3A_32 : vector<16xi32> to vector<16x1xi32>
      %gather3A_216 = vector.shape_cast %broadcast_in_dim3A_215 : vector<16x1xi32> to vector<16xi32>
      %gather3A_217 = tpu.dynamic_gather %get3A_103[%gather3A_216] in [0] : vector<16xf32>, vector<16xi32> -> vector<16xf32>
      %mul3A_218 = arith.constant 16 : i32
      %mul3A_219 = arith.muli %scan3A_96, %mul3A_218 : i32
      %add3A_220 = arith.constant 24576 : i32
      %add3A_221 = arith.addi %mul3A_219, %add3A_220 : i32
      %swap3A_222 = arith.index_cast %add3A_221 : i32 to index
      %swap3A_223 = tpu.vector_load %arg11[%swap3A_222] {strides = array<i32>} : memref<65536xf32, #tpu.memory_space<vmem>>, vector<16xf32>,
      tpu.vector_store %arg11[%swap3A_222], %gather3A_217 {strides = array<i32>} : memref<65536xf32, #tpu.memory_space<vmem>>, vector<16xf32>,
      %broadcast_in_dim3A_224 = vector.shape_cast %broadcast_in_dim3A_34 : vector<16xi32> to vector<16x1xi32>
      %gather3A_225 = vector.shape_cast %broadcast_in_dim3A_224 : vector<16x1xi32> to vector<16xi32>
      %gather3A_226 = tpu.dynamic_gather %get3A_103[%gather3A_225] in [0] : vector<16xf32>, vector<16xi32> -> vector<16xf32>
      %mul3A_227 = arith.constant 16 : i32
      %mul3A_228 = arith.muli %scan3A_96, %mul3A_227 : i32
      %add3A_229 = arith.constant 26624 : i32
      %add3A_230 = arith.addi %mul3A_228, %add3A_229 : i32
      %swap3A_231 = arith.index_cast %add3A_230 : i32 to index
      %swap3A_232 = tpu.vector_load %arg11[%swap3A_231] {strides = array<i32>} : memref<65536xf32, #tpu.memory_space<vmem>>, vector<16xf32>,
      tpu.vector_store %arg11[%swap3A_231], %gather3A_226 {strides = array<i32>} : memref<65536xf32, #tpu.memory_space<vmem>>, vector<16xf32>,
      %broadcast_in_dim3A_233 = vector.shape_cast %broadcast_in_dim3A_36 : vector<16xi32> to vector<16x1xi32>
      %gather3A_234 = vector.shape_cast %broadcast_in_dim3A_233 : vector<16x1xi32> to vector<16xi32>
      %gather3A_235 = tpu.dynamic_gather %get3A_103[%gather3A_234] in [0] : vector<16xf32>, vector<16xi32> -> vector<16xf32>
      %mul3A_236 = arith.constant 16 : i32
      %mul3A_237 = arith.muli %scan3A_96, %mul3A_236 : i32
      %add3A_238 = arith.constant 28672 : i32
      %add3A_239 = arith.addi %mul3A_237, %add3A_238 : i32
      %swap3A_240 = arith.index_cast %add3A_239 : i32 to index
      %swap3A_241 = tpu.vector_load %arg11[%swap3A_240] {strides = array<i32>} : memref<65536xf32, #tpu.memory_space<vmem>>, vector<16xf32>,
      tpu.vector_store %arg11[%swap3A_240], %gather3A_235 {strides = array<i32>} : memref<65536xf32, #tpu.memory_space<vmem>>, vector<16xf32>,
      %broadcast_in_dim3A_242 = vector.shape_cast %broadcast_in_dim3A_38 : vector<16xi32> to vector<16x1xi32>
      %gather3A_243 = vector.shape_cast %broadcast_in_dim3A_242 : vector<16x1xi32> to vector<16xi32>
      %gather3A_244 = tpu.dynamic_gather %get3A_103[%gather3A_243] in [0] : vector<16xf32>, vector<16xi32> -> vector<16xf32>
      %mul3A_245 = arith.constant 16 : i32
      %mul3A_246 = arith.muli %scan3A_96, %mul3A_245 : i32
      %add3A_247 = arith.constant 30720 : i32
      %add3A_248 = arith.addi %mul3A_246, %add3A_247 : i32
      %swap3A_249 = arith.index_cast %add3A_248 : i32 to index
      %swap3A_250 = tpu.vector_load %arg11[%swap3A_249] {strides = array<i32>} : memref<65536xf32, #tpu.memory_space<vmem>>, vector<16xf32>,
      tpu.vector_store %arg11[%swap3A_249], %gather3A_244 {strides = array<i32>} : memref<65536xf32, #tpu.memory_space<vmem>>, vector<16xf32>,
      %broadcast_in_dim3A_251 = vector.shape_cast %broadcast_in_dim3A_8 : vector<16xi32> to vector<16x1xi32>
      %gather3A_252 = vector.shape_cast %broadcast_in_dim3A_251 : vector<16x1xi32> to vector<16xi32>
      %gather3A_253 = tpu.dynamic_gather %get3A_108[%gather3A_252] in [0] : vector<16xf32>, vector<16xi32> -> vector<16xf32>
      %mul3A_254 = arith.constant 16 : i32
      %mul3A_255 = arith.muli %scan3A_96, %mul3A_254 : i32
      %add3A_256 = arith.constant 32768 : i32
      %add3A_257 = arith.addi %mul3A_255, %add3A_256 : i32
      %swap3A_258 = arith.index_cast %add3A_257 : i32 to index
      %swap3A_259 = tpu.vector_load %arg11[%swap3A_258] {strides = array<i32>} : memref<65536xf32, #tpu.memory_space<vmem>>, vector<16xf32>,
      tpu.vector_store %arg11[%swap3A_258], %gather3A_253 {strides = array<i32>} : memref<65536xf32, #tpu.memory_space<vmem>>, vector<16xf32>,
      %broadcast_in_dim3A_260 = vector.shape_cast %broadcast_in_dim3A_10 : vector<16xi32> to vector<16x1xi32>
      %gather3A_261 = vector.shape_cast %broadcast_in_dim3A_260 : vector<16x1xi32> to vector<16xi32>
      %gather3A_262 = tpu.dynamic_gather %get3A_108[%gather3A_261] in [0] : vector<16xf32>, vector<16xi32> -> vector<16xf32>
      %mul3A_263 = arith.constant 16 : i32
      %mul3A_264 = arith.muli %scan3A_96, %mul3A_263 : i32
      %add3A_265 = arith.constant 34816 : i32
      %add3A_266 = arith.addi %mul3A_264, %add3A_265 : i32
      %swap3A_267 = arith.index_cast %add3A_266 : i32 to index
      %swap3A_268 = tpu.vector_load %arg11[%swap3A_267] {strides = array<i32>} : memref<65536xf32, #tpu.memory_space<vmem>>, vector<16xf32>,
      tpu.vector_store %arg11[%swap3A_267], %gather3A_262 {strides = array<i32>} : memref<65536xf32, #tpu.memory_space<vmem>>, vector<16xf32>,
      %broadcast_in_dim3A_269 = vector.shape_cast %broadcast_in_dim3A_12 : vector<16xi32> to vector<16x1xi32>
      %gather3A_270 = vector.shape_cast %broadcast_in_dim3A_269 : vector<16x1xi32> to vector<16xi32>
      %gather3A_271 = tpu.dynamic_gather %get3A_108[%gather3A_270] in [0] : vector<16xf32>, vector<16xi32> -> vector<16xf32>
      %mul3A_272 = arith.constant 16 : i32
      %mul3A_273 = arith.muli %scan3A_96, %mul3A_272 : i32
      %add3A_274 = arith.constant 36864 : i32
      %add3A_275 = arith.addi %mul3A_273, %add3A_274 : i32
      %swap3A_276 = arith.index_cast %add3A_275 : i32 to index
      %swap3A_277 = tpu.vector_load %arg11[%swap3A_276] {strides = array<i32>} : memref<65536xf32, #tpu.memory_space<vmem>>, vector<16xf32>,
      tpu.vector_store %arg11[%swap3A_276], %gather3A_271 {strides = array<i32>} : memref<65536xf32, #tpu.memory_space<vmem>>, vector<16xf32>,
      %broadcast_in_dim3A_278 = vector.shape_cast %broadcast_in_dim3A_14 : vector<16xi32> to vector<16x1xi32>
      %gather3A_279 = vector.shape_cast %broadcast_in_dim3A_278 : vector<16x1xi32> to vector<16xi32>
      %gather3A_280 = tpu.dynamic_gather %get3A_108[%gather3A_279] in [0] : vector<16xf32>, vector<16xi32> -> vector<16xf32>
      %mul3A_281 = arith.constant 16 : i32
      %mul3A_282 = arith.muli %scan3A_96, %mul3A_281 : i32
      %add3A_283 = arith.constant 38912 : i32
      %add3A_284 = arith.addi %mul3A_282, %add3A_283 : i32
      %swap3A_285 = arith.index_cast %add3A_284 : i32 to index
      %swap3A_286 = tpu.vector_load %arg11[%swap3A_285] {strides = array<i32>} : memref<65536xf32, #tpu.memory_space<vmem>>, vector<16xf32>,
      tpu.vector_store %arg11[%swap3A_285], %gather3A_280 {strides = array<i32>} : memref<65536xf32, #tpu.memory_space<vmem>>, vector<16xf32>,
      %broadcast_in_dim3A_287 = vector.shape_cast %broadcast_in_dim3A_16 : vector<16xi32> to vector<16x1xi32>
      %gather3A_288 = vector.shape_cast %broadcast_in_dim3A_287 : vector<16x1xi32> to vector<16xi32>
      %gather3A_289 = tpu.dynamic_gather %get3A_108[%gather3A_288] in [0] : vector<16xf32>, vector<16xi32> -> vector<16xf32>
      %mul3A_290 = arith.constant 16 : i32
      %mul3A_291 = arith.muli %scan3A_96, %mul3A_290 : i32
      %add3A_292 = arith.constant 40960 : i32
      %add3A_293 = arith.addi %mul3A_291, %add3A_292 : i32
      %swap3A_294 = arith.index_cast %add3A_293 : i32 to index
      %swap3A_295 = tpu.vector_load %arg11[%swap3A_294] {strides = array<i32>} : memref<65536xf32, #tpu.memory_space<vmem>>, vector<16xf32>,
      tpu.vector_store %arg11[%swap3A_294], %gather3A_289 {strides = array<i32>} : memref<65536xf32, #tpu.memory_space<vmem>>, vector<16xf32>,
      %broadcast_in_dim3A_296 = vector.shape_cast %broadcast_in_dim3A_18 : vector<16xi32> to vector<16x1xi32>
      %gather3A_297 = vector.shape_cast %broadcast_in_dim3A_296 : vector<16x1xi32> to vector<16xi32>
      %gather3A_298 = tpu.dynamic_gather %get3A_108[%gather3A_297] in [0] : vector<16xf32>, vector<16xi32> -> vector<16xf32>
      %mul3A_299 = arith.constant 16 : i32
      %mul3A_300 = arith.muli %scan3A_96, %mul3A_299 : i32
      %add3A_301 = arith.constant 43008 : i32
      %add3A_302 = arith.addi %mul3A_300, %add3A_301 : i32
      %swap3A_303 = arith.index_cast %add3A_302 : i32 to index
      %swap3A_304 = tpu.vector_load %arg11[%swap3A_303] {strides = array<i32>} : memref<65536xf32, #tpu.memory_space<vmem>>, vector<16xf32>,
      tpu.vector_store %arg11[%swap3A_303], %gather3A_298 {strides = array<i32>} : memref<65536xf32, #tpu.memory_space<vmem>>, vector<16xf32>,
      %broadcast_in_dim3A_305 = vector.shape_cast %broadcast_in_dim3A_20 : vector<16xi32> to vector<16x1xi32>
      %gather3A_306 = vector.shape_cast %broadcast_in_dim3A_305 : vector<16x1xi32> to vector<16xi32>
      %gather3A_307 = tpu.dynamic_gather %get3A_108[%gather3A_306] in [0] : vector<16xf32>, vector<16xi32> -> vector<16xf32>
      %mul3A_308 = arith.constant 16 : i32
      %mul3A_309 = arith.muli %scan3A_96, %mul3A_308 : i32
      %add3A_310 = arith.constant 45056 : i32
      %add3A_311 = arith.addi %mul3A_309, %add3A_310 : i32
      %swap3A_312 = arith.index_cast %add3A_311 : i32 to index
      %swap3A_313 = tpu.vector_load %arg11[%swap3A_312] {strides = array<i32>} : memref<65536xf32, #tpu.memory_space<vmem>>, vector<16xf32>,
      tpu.vector_store %arg11[%swap3A_312], %gather3A_307 {strides = array<i32>} : memref<65536xf32, #tpu.memory_space<vmem>>, vector<16xf32>,
      %broadcast_in_dim3A_314 = vector.shape_cast %broadcast_in_dim3A_22 : vector<16xi32> to vector<16x1xi32>
      %gather3A_315 = vector.shape_cast %broadcast_in_dim3A_314 : vector<16x1xi32> to vector<16xi32>
      %gather3A_316 = tpu.dynamic_gather %get3A_108[%gather3A_315] in [0] : vector<16xf32>, vector<16xi32> -> vector<16xf32>
      %mul3A_317 = arith.constant 16 : i32
      %mul3A_318 = arith.muli %scan3A_96, %mul3A_317 : i32
      %add3A_319 = arith.constant 47104 : i32
      %add3A_320 = arith.addi %mul3A_318, %add3A_319 : i32
      %swap3A_321 = arith.index_cast %add3A_320 : i32 to index
      %swap3A_322 = tpu.vector_load %arg11[%swap3A_321] {strides = array<i32>} : memref<65536xf32, #tpu.memory_space<vmem>>, vector<16xf32>,
      tpu.vector_store %arg11[%swap3A_321], %gather3A_316 {strides = array<i32>} : memref<65536xf32, #tpu.memory_space<vmem>>, vector<16xf32>,
      %broadcast_in_dim3A_323 = vector.shape_cast %broadcast_in_dim3A_24 : vector<16xi32> to vector<16x1xi32>
      %gather3A_324 = vector.shape_cast %broadcast_in_dim3A_323 : vector<16x1xi32> to vector<16xi32>
      %gather3A_325 = tpu.dynamic_gather %get3A_108[%gather3A_324] in [0] : vector<16xf32>, vector<16xi32> -> vector<16xf32>
      %mul3A_326 = arith.constant 16 : i32
      %mul3A_327 = arith.muli %scan3A_96, %mul3A_326 : i32
      %add3A_328 = arith.constant 49152 : i32
      %add3A_329 = arith.addi %mul3A_327, %add3A_328 : i32
      %swap3A_330 = arith.index_cast %add3A_329 : i32 to index
      %swap3A_331 = tpu.vector_load %arg11[%swap3A_330] {strides = array<i32>} : memref<65536xf32, #tpu.memory_space<vmem>>, vector<16xf32>,
      tpu.vector_store %arg11[%swap3A_330], %gather3A_325 {strides = array<i32>} : memref<65536xf32, #tpu.memory_space<vmem>>, vector<16xf32>,
      %broadcast_in_dim3A_332 = vector.shape_cast %broadcast_in_dim3A_26 : vector<16xi32> to vector<16x1xi32>
      %gather3A_333 = vector.shape_cast %broadcast_in_dim3A_332 : vector<16x1xi32> to vector<16xi32>
      %gather3A_334 = tpu.dynamic_gather %get3A_108[%gather3A_333] in [0] : vector<16xf32>, vector<16xi32> -> vector<16xf32>
      %mul3A_335 = arith.constant 16 : i32
      %mul3A_336 = arith.muli %scan3A_96, %mul3A_335 : i32
      %add3A_337 = arith.constant 51200 : i32
      %add3A_338 = arith.addi %mul3A_336, %add3A_337 : i32
      %swap3A_339 = arith.index_cast %add3A_338 : i32 to index
      %swap3A_340 = tpu.vector_load %arg11[%swap3A_339] {strides = array<i32>} : memref<65536xf32, #tpu.memory_space<vmem>>, vector<16xf32>,
      tpu.vector_store %arg11[%swap3A_339], %gather3A_334 {strides = array<i32>} : memref<65536xf32, #tpu.memory_space<vmem>>, vector<16xf32>,
      %broadcast_in_dim3A_341 = vector.shape_cast %broadcast_in_dim3A_28 : vector<16xi32> to vector<16x1xi32>
      %gather3A_342 = vector.shape_cast %broadcast_in_dim3A_341 : vector<16x1xi32> to vector<16xi32>
      %gather3A_343 = tpu.dynamic_gather %get3A_108[%gather3A_342] in [0] : vector<16xf32>, vector<16xi32> -> vector<16xf32>
      %mul3A_344 = arith.constant 16 : i32
      %mul3A_345 = arith.muli %scan3A_96, %mul3A_344 : i32
      %add3A_346 = arith.constant 53248 : i32
      %add3A_347 = arith.addi %mul3A_345, %add3A_346 : i32
      %swap3A_348 = arith.index_cast %add3A_347 : i32 to index
      %swap3A_349 = tpu.vector_load %arg11[%swap3A_348] {strides = array<i32>} : memref<65536xf32, #tpu.memory_space<vmem>>, vector<16xf32>,
      tpu.vector_store %arg11[%swap3A_348], %gather3A_343 {strides = array<i32>} : memref<65536xf32, #tpu.memory_space<vmem>>, vector<16xf32>,
      %broadcast_in_dim3A_350 = vector.shape_cast %broadcast_in_dim3A_30 : vector<16xi32> to vector<16x1xi32>
      %gather3A_351 = vector.shape_cast %broadcast_in_dim3A_350 : vector<16x1xi32> to vector<16xi32>
      %gather3A_352 = tpu.dynamic_gather %get3A_108[%gather3A_351] in [0] : vector<16xf32>, vector<16xi32> -> vector<16xf32>
      %mul3A_353 = arith.constant 16 : i32
      %mul3A_354 = arith.muli %scan3A_96, %mul3A_353 : i32
      %add3A_355 = arith.constant 55296 : i32
      %add3A_356 = arith.addi %mul3A_354, %add3A_355 : i32
      %swap3A_357 = arith.index_cast %add3A_356 : i32 to index
      %swap3A_358 = tpu.vector_load %arg11[%swap3A_357] {strides = array<i32>} : memref<65536xf32, #tpu.memory_space<vmem>>, vector<16xf32>,
      tpu.vector_store %arg11[%swap3A_357], %gather3A_352 {strides = array<i32>} : memref<65536xf32, #tpu.memory_space<vmem>>, vector<16xf32>,
      %broadcast_in_dim3A_359 = vector.shape_cast %broadcast_in_dim3A_32 : vector<16xi32> to vector<16x1xi32>
      %gather3A_360 = vector.shape_cast %broadcast_in_dim3A_359 : vector<16x1xi32> to vector<16xi32>
      %gather3A_361 = tpu.dynamic_gather %get3A_108[%gather3A_360] in [0] : vector<16xf32>, vector<16xi32> -> vector<16xf32>
      %mul3A_362 = arith.constant 16 : i32
      %mul3A_363 = arith.muli %scan3A_96, %mul3A_362 : i32
      %add3A_364 = arith.constant 57344 : i32
      %add3A_365 = arith.addi %mul3A_363, %add3A_364 : i32
      %swap3A_366 = arith.index_cast %add3A_365 : i32 to index
      %swap3A_367 = tpu.vector_load %arg11[%swap3A_366] {strides = array<i32>} : memref<65536xf32, #tpu.memory_space<vmem>>, vector<16xf32>,
      tpu.vector_store %arg11[%swap3A_366], %gather3A_361 {strides = array<i32>} : memref<65536xf32, #tpu.memory_space<vmem>>, vector<16xf32>,
      %broadcast_in_dim3A_368 = vector.shape_cast %broadcast_in_dim3A_34 : vector<16xi32> to vector<16x1xi32>
      %gather3A_369 = vector.shape_cast %broadcast_in_dim3A_368 : vector<16x1xi32> to vector<16xi32>
      %gather3A_370 = tpu.dynamic_gather %get3A_108[%gather3A_369] in [0] : vector<16xf32>, vector<16xi32> -> vector<16xf32>
      %mul3A_371 = arith.constant 16 : i32
      %mul3A_372 = arith.muli %scan3A_96, %mul3A_371 : i32
      %add3A_373 = arith.constant 59392 : i32
      %add3A_374 = arith.addi %mul3A_372, %add3A_373 : i32
      %swap3A_375 = arith.index_cast %add3A_374 : i32 to index
      %swap3A_376 = tpu.vector_load %arg11[%swap3A_375] {strides = array<i32>} : memref<65536xf32, #tpu.memory_space<vmem>>, vector<16xf32>,
      tpu.vector_store %arg11[%swap3A_375], %gather3A_370 {strides = array<i32>} : memref<65536xf32, #tpu.memory_space<vmem>>, vector<16xf32>,
      %broadcast_in_dim3A_377 = vector.shape_cast %broadcast_in_dim3A_36 : vector<16xi32> to vector<16x1xi32>
      %gather3A_378 = vector.shape_cast %broadcast_in_dim3A_377 : vector<16x1xi32> to vector<16xi32>
      %gather3A_379 = tpu.dynamic_gather %get3A_108[%gather3A_378] in [0] : vector<16xf32>, vector<16xi32> -> vector<16xf32>
      %mul3A_380 = arith.constant 16 : i32
      %mul3A_381 = arith.muli %scan3A_96, %mul3A_380 : i32
      %add3A_382 = arith.constant 61440 : i32
      %add3A_383 = arith.addi %mul3A_381, %add3A_382 : i32
      %swap3A_384 = arith.index_cast %add3A_383 : i32 to index
      %swap3A_385 = tpu.vector_load %arg11[%swap3A_384] {strides = array<i32>} : memref<65536xf32, #tpu.memory_space<vmem>>, vector<16xf32>,
      tpu.vector_store %arg11[%swap3A_384], %gather3A_379 {strides = array<i32>} : memref<65536xf32, #tpu.memory_space<vmem>>, vector<16xf32>,
      %broadcast_in_dim3A_386 = vector.shape_cast %broadcast_in_dim3A_38 : vector<16xi32> to vector<16x1xi32>
      %gather3A_387 = vector.shape_cast %broadcast_in_dim3A_386 : vector<16x1xi32> to vector<16xi32>
      %gather3A_388 = tpu.dynamic_gather %get3A_108[%gather3A_387] in [0] : vector<16xf32>, vector<16xi32> -> vector<16xf32>
      %mul3A_389 = arith.constant 16 : i32
      %mul3A_390 = arith.muli %scan3A_96, %mul3A_389 : i32
      %add3A_391 = arith.constant 63488 : i32
      %add3A_392 = arith.addi %mul3A_390, %add3A_391 : i32
      %swap3A_393 = arith.index_cast %add3A_392 : i32 to index
      %swap3A_394 = tpu.vector_load %arg11[%swap3A_393] {strides = array<i32>} : memref<65536xf32, #tpu.memory_space<vmem>>, vector<16xf32>,
      tpu.vector_store %arg11[%swap3A_393], %gather3A_388 {strides = array<i32>} : memref<65536xf32, #tpu.memory_space<vmem>>, vector<16xf32>,
    }
    %scan3A_44 = arith.constant 128 : i32
    %mul3A = arith.constant 2 : i32
    %mul3A_45 = arith.muli %arg1, %mul3A : i32
    %add3A = arith.addi %mul3A_45, %arg0 : i32
    %mul3A_46 = arith.constant 512 : i32
    %mul3A_47 = arith.muli %add3A, %mul3A_46 : i32
    %dma_start3A = arith.constant 0 : i32
    %dma_start3A_48 = arith.constant 0 : i32
    %dma_start3A_49 = arith.constant 0 : i32
    %dma_start3A_50 = tpu.memref_slice %arg12[%dma_start3A_48, %dma_start3A_49] : memref<2x512xi32, #tpu.memory_space<vmem>> -> memref<1x512xi32, #tpu.memory_space<vmem>>
    %dma_start3A_51 = tpu.memref_squeeze %dma_start3A_50 : memref<1x512xi32, #tpu.memory_space<vmem>> -> memref<512xi32, #tpu.memory_space<vmem>>
    %dma_start3A_52 = tpu.memref_slice %arg2[%dma_start3A, %mul3A_47] : memref<200x16384xi32, #tpu.memory_space<hbm>> -> memref<1x512xi32, #tpu.memory_space<hbm>>
    %dma_start3A_53 = tpu.memref_squeeze %dma_start3A_52 : memref<1x512xi32, #tpu.memory_space<hbm>> -> memref<512xi32, #tpu.memory_space<hbm>>
    %dma_start3A_54 = arith.constant 0 : i32
    %dma_start3A_55 = tpu.memref_slice %arg12[%dma_start3A_48, %dma_start3A_54] : memref<2x512xi32, #tpu.memory_space<vmem>> -> memref<1x512xi32, #tpu.memory_space<vmem>>
    %dma_start3A_56 = tpu.memref_squeeze %dma_start3A_55 : memref<1x512xi32, #tpu.memory_space<vmem>> -> memref<512xi32, #tpu.memory_space<vmem>>
    %dma_start3A_57 = tpu.memref_slice %arg2[%dma_start3A, %mul3A_47] : memref<200x16384xi32, #tpu.memory_space<hbm>> -> memref<1x512xi32, #tpu.memory_space<hbm>>
    %dma_start3A_58 = tpu.memref_squeeze %dma_start3A_57 : memref<1x512xi32, #tpu.memory_space<hbm>> -> memref<512xi32, #tpu.memory_space<hbm>>
    tpu.enqueue_dma source(%dma_start3A_58 : memref<512xi32, #tpu.memory_space<hbm>>) target(%dma_start3A_56 : memref<512xi32, #tpu.memory_space<vmem>>) target_semaphore(%arg14 : memref<!tpu.dma_semaphore, #tpu.memory_space<semaphore_mem>>)
    %scan3A_59 = arith.constant 0 : i32
    %scan3A_60 = arith.constant 0 : i32
    %scan3A_61 = arith.constant 100 : i32
    %scan3A_62 = arith.addi %scan3A_60, %scan3A_61 : i32
    %scan3A_63 = arith.constant 1 : i32
    scf.for %scan3A_96 = %scan3A_60 to %scan3A_62 step %scan3A_63  : i32 {
      %mul3A_97 = arith.constant 2 : i32
      %mul3A_98 = arith.muli %scan3A_96, %mul3A_97 : i32
      %add3A_99 = arith.constant 0 : i32
      %add3A_100 = arith.addi %mul3A_98, %add3A_99 : i32
      %dma_wait3A_101 = arith.constant 0 : i32
      %dma_wait3A_102 = arith.constant 0 : i32
      %dma_wait3A_103 = arith.constant 0 : i32
      %dma_wait3A_104 = tpu.memref_slice %arg12[%dma_wait3A_102, %dma_wait3A_103] : memref<2x512xi32, #tpu.memory_space<vmem>> -> memref<1x512xi32, #tpu.memory_space<vmem>>
      %dma_wait3A_105 = tpu.memref_squeeze %dma_wait3A_104 : memref<1x512xi32, #tpu.memory_space<vmem>> -> memref<512xi32, #tpu.memory_space<vmem>>
      %dma_wait3A_106 = tpu.memref_slice %arg2[%dma_wait3A_101, %mul3A_47] : memref<200x16384xi32, #tpu.memory_space<hbm>> -> memref<1x512xi32, #tpu.memory_space<hbm>>
      %dma_wait3A_107 = tpu.memref_squeeze %dma_wait3A_106 : memref<1x512xi32, #tpu.memory_space<hbm>> -> memref<512xi32, #tpu.memory_space<hbm>>
      %dma_wait3A_108 = arith.constant 0 : i32
      %dma_wait3A_109 = tpu.memref_slice %arg12[%dma_wait3A_102, %dma_wait3A_108] : memref<2x512xi32, #tpu.memory_space<vmem>> -> memref<1x512xi32, #tpu.memory_space<vmem>>
      %dma_wait3A_110 = tpu.memref_squeeze %dma_wait3A_109 : memref<1x512xi32, #tpu.memory_space<vmem>> -> memref<512xi32, #tpu.memory_space<vmem>>
      %dma_wait3A_111 = tpu.memref_slice %arg2[%dma_wait3A_101, %mul3A_47] : memref<200x16384xi32, #tpu.memory_space<hbm>> -> memref<1x512xi32, #tpu.memory_space<hbm>>
      %dma_wait3A_112 = tpu.memref_squeeze %dma_wait3A_111 : memref<1x512xi32, #tpu.memory_space<hbm>> -> memref<512xi32, #tpu.memory_space<hbm>>
      tpu.wait_dma2 semaphore(%arg14 : memref<!tpu.dma_semaphore, #tpu.memory_space<semaphore_mem>>) src(%dma_wait3A_112 : memref<512xi32, #tpu.memory_space<hbm>>) dst(%dma_wait3A_110 : memref<512xi32, #tpu.memory_space<vmem>>)
      %add3A_113 = arith.constant 1 : i32
      %add3A_114 = arith.addi %add3A_100, %add3A_113 : i32
      %lt3A = arith.constant 200 : i32
      %lt3A_115 = arith.cmpi slt, %add3A_114, %lt3A : i32
      %convert_element_type3A = arith.extui %lt3A_115 : i1 to i32
      %cond3A = arith.constant 0 : i32
      %cond3A_116 = arith.cmpi ne, %convert_element_type3A, %cond3A : i32
      scf.if %cond3A_116 {
        %add3A_186 = arith.constant 1 : i32
        %add3A_187 = arith.addi %add3A_100, %add3A_186 : i32
        %dma_start3A_188 = arith.constant 1 : i32
        %dma_start3A_189 = arith.constant 0 : i32
        %dma_start3A_190 = tpu.memref_slice %arg12[%dma_start3A_188, %dma_start3A_189] : memref<2x512xi32, #tpu.memory_space<vmem>> -> memref<1x512xi32, #tpu.memory_space<vmem>>
        %dma_start3A_191 = tpu.memref_squeeze %dma_start3A_190 : memref<1x512xi32, #tpu.memory_space<vmem>> -> memref<512xi32, #tpu.memory_space<vmem>>
        %dma_start3A_192 = tpu.memref_slice %arg2[%add3A_187, %mul3A_47] : memref<200x16384xi32, #tpu.memory_space<hbm>> -> memref<1x512xi32, #tpu.memory_space<hbm>>
        %dma_start3A_193 = tpu.memref_squeeze %dma_start3A_192 : memref<1x512xi32, #tpu.memory_space<hbm>> -> memref<512xi32, #tpu.memory_space<hbm>>
        %dma_start3A_194 = arith.constant 0 : i32
        %dma_start3A_195 = tpu.memref_slice %arg12[%dma_start3A_188, %dma_start3A_194] : memref<2x512xi32, #tpu.memory_space<vmem>> -> memref<1x512xi32, #tpu.memory_space<vmem>>
        %dma_start3A_196 = tpu.memref_squeeze %dma_start3A_195 : memref<1x512xi32, #tpu.memory_space<vmem>> -> memref<512xi32, #tpu.memory_space<vmem>>
        %dma_start3A_197 = tpu.memref_slice %arg2[%add3A_187, %mul3A_47] : memref<200x16384xi32, #tpu.memory_space<hbm>> -> memref<1x512xi32, #tpu.memory_space<hbm>>
        %dma_start3A_198 = tpu.memref_squeeze %dma_start3A_197 : memref<1x512xi32, #tpu.memory_space<hbm>> -> memref<512xi32, #tpu.memory_space<hbm>>
        tpu.enqueue_dma source(%dma_start3A_198 : memref<512xi32, #tpu.memory_space<hbm>>) target(%dma_start3A_196 : memref<512xi32, #tpu.memory_space<vmem>>) target_semaphore(%arg14 : memref<!tpu.dma_semaphore, #tpu.memory_space<semaphore_mem>>)
      } else {
      }
      %ge3A = arith.constant 2 : i32
      %ge3A_117 = arith.cmpi sge, %add3A_100, %ge3A : i32
      %convert_element_type3A_118 = arith.extui %ge3A_117 : i1 to i32
      %cond3A_119 = arith.constant 0 : i32
      %cond3A_120 = arith.cmpi ne, %convert_element_type3A_118, %cond3A_119 : i32
      scf.if %cond3A_120 {
        %dma_wait3A_186 = arith.constant 0 : i32
        %dma_wait3A_187 = arith.constant 0 : i32
        %dma_wait3A_188 = arith.constant 0 : i32
        %dma_wait3A_189 = arith.constant 0 : i32
        %dma_wait3A_190 = tpu.memref_slice %arg13[%dma_wait3A_186, %dma_wait3A_188, %dma_wait3A_189] : memref<2x32x512xf32, #tpu.memory_space<vmem>> -> memref<1x32x512xf32, #tpu.memory_space<vmem>>
        %dma_wait3A_191 = tpu.memref_squeeze %dma_wait3A_190 : memref<1x32x512xf32, #tpu.memory_space<vmem>> -> memref<32x512xf32, #tpu.memory_space<vmem>>
        %dma_wait3A_192 = arith.constant 0 : i32
        %dma_wait3A_193 = tpu.memref_slice %arg6[%dma_wait3A_187, %dma_wait3A_192, %mul3A_47] : memref<200x32x16384xf32, #tpu.memory_space<hbm>> -> memref<1x32x512xf32, #tpu.memory_space<hbm>>
        %dma_wait3A_194 = tpu.memref_squeeze %dma_wait3A_193 : memref<1x32x512xf32, #tpu.memory_space<hbm>> -> memref<32x512xf32, #tpu.memory_space<hbm>>
        %dma_wait3A_195 = arith.constant 0 : i32
        %dma_wait3A_196 = tpu.memref_slice %arg6[%dma_wait3A_187, %dma_wait3A_195, %mul3A_47] : memref<200x32x16384xf32, #tpu.memory_space<hbm>> -> memref<1x32x512xf32, #tpu.memory_space<hbm>>
        %dma_wait3A_197 = tpu.memref_squeeze %dma_wait3A_196 : memref<1x32x512xf32, #tpu.memory_space<hbm>> -> memref<32x512xf32, #tpu.memory_space<hbm>>
        %dma_wait3A_198 = arith.constant 0 : i32
        %dma_wait3A_199 = arith.constant 0 : i32
        %dma_wait3A_200 = tpu.memref_slice %arg13[%dma_wait3A_186, %dma_wait3A_198, %dma_wait3A_199] : memref<2x32x512xf32, #tpu.memory_space<vmem>> -> memref<1x32x512xf32, #tpu.memory_space<vmem>>
        %dma_wait3A_201 = tpu.memref_squeeze %dma_wait3A_200 : memref<1x32x512xf32, #tpu.memory_space<vmem>> -> memref<32x512xf32, #tpu.memory_space<vmem>>
        tpu.wait_dma2 semaphore(%arg15 : memref<!tpu.dma_semaphore, #tpu.memory_space<semaphore_mem>>) src(%dma_wait3A_201 : memref<32x512xf32, #tpu.memory_space<vmem>>) dst(%dma_wait3A_197 : memref<32x512xf32, #tpu.memory_space<hbm>>)
      } else {
      }
      %parallel_loop3A = arith.constant 0 : i32
      %parallel_loop3A_121 = arith.constant 32 : i32
      %parallel_loop3A_122 = arith.constant 1 : i32
      %parallel_loop3A_123 = arith.constant 0 : i32
      scf.for %parallel_loop3A_186 = %parallel_loop3A to %parallel_loop3A_121 step %parallel_loop3A_122  : i32 {
        %parallel_loop3A_187 = arith.constant 16 : i32
        %parallel_loop3A_188 = arith.muli %parallel_loop3A_186, %parallel_loop3A_187 : i32
        %parallel_loop3A_189 = arith.constant 0 : i32
        %parallel_loop3A_190 = arith.index_cast %parallel_loop3A_189 : i32 to index
        %parallel_loop3A_191 = arith.index_cast %parallel_loop3A_188 : i32 to index
        %parallel_loop3A_192 = tpu.vector_load %arg12[%parallel_loop3A_190, %parallel_loop3A_191] {strides = array<i32>} : memref<2x512xi32, #tpu.memory_space<vmem>>, vector<16xi32>,
        %parallel_loop3A_193 = arith.constant 4 : i32
        %parallel_loop3A_194 = vector.broadcast %parallel_loop3A_193 : i32 to vector<16xi32>
        %parallel_loop3A_195 = arith.shli %parallel_loop3A_192, %parallel_loop3A_194 : vector<16xi32>
        %parallel_loop3A_196 = arith.addi %parallel_loop3A_195, %iota3A : vector<16xi32>
        %parallel_loop3A_197 = arith.constant 0 : i32
        %parallel_loop3A_198 = vector.broadcast %parallel_loop3A_197 : i32 to vector<16xi32>
        %parallel_loop3A_199 = arith.addi %parallel_loop3A_196, %parallel_loop3A_198 : vector<16xi32>
        %parallel_loop3A_200 = tpu.vector_load_idx %arg11[%parallel_loop3A_199] : memref<65536xf32, #tpu.memory_space<vmem>>[vector<16xi32>], vector<16xf32>,
        %parallel_loop3A_201 = arith.constant 0 : i32
        %parallel_loop3A_202 = arith.constant 0 : i32
        %parallel_loop3A_203 = arith.constant 0 : i32
        %parallel_loop3A_204 = tpu.memref_slice %arg13[%parallel_loop3A_123, %parallel_loop3A_202, %parallel_loop3A_203] : memref<2x32x512xf32, #tpu.memory_space<vmem>> -> memref<1x32x512xf32, #tpu.memory_space<vmem>>
        %parallel_loop3A_205 = tpu.memref_squeeze %parallel_loop3A_204 : memref<1x32x512xf32, #tpu.memory_space<vmem>> -> memref<32x512xf32, #tpu.memory_space<vmem>>
        %parallel_loop3A_206 = arith.index_cast %parallel_loop3A_201 : i32 to index
        %parallel_loop3A_207 = arith.index_cast %parallel_loop3A_188 : i32 to index
        %parallel_loop3A_208 = tpu.vector_load %parallel_loop3A_205[%parallel_loop3A_206, %parallel_loop3A_207] {strides = array<i32>} : memref<32x512xf32, #tpu.memory_space<vmem>>, vector<16xf32>,
        tpu.vector_store %parallel_loop3A_205[%parallel_loop3A_206, %parallel_loop3A_207], %parallel_loop3A_200 {strides = array<i32>} : memref<32x512xf32, #tpu.memory_space<vmem>>, vector<16xf32>,
        %parallel_loop3A_209 = arith.constant 2048 : i32
        %parallel_loop3A_210 = vector.broadcast %parallel_loop3A_209 : i32 to vector<16xi32>
        %parallel_loop3A_211 = arith.addi %parallel_loop3A_196, %parallel_loop3A_210 : vector<16xi32>
        %parallel_loop3A_212 = tpu.vector_load_idx %arg11[%parallel_loop3A_211] : memref<65536xf32, #tpu.memory_space<vmem>>[vector<16xi32>], vector<16xf32>,
        %parallel_loop3A_213 = arith.constant 1 : i32
        %parallel_loop3A_214 = arith.constant 0 : i32
        %parallel_loop3A_215 = arith.constant 0 : i32
        %parallel_loop3A_216 = tpu.memref_slice %arg13[%parallel_loop3A_123, %parallel_loop3A_214, %parallel_loop3A_215] : memref<2x32x512xf32, #tpu.memory_space<vmem>> -> memref<1x32x512xf32, #tpu.memory_space<vmem>>
        %parallel_loop3A_217 = tpu.memref_squeeze %parallel_loop3A_216 : memref<1x32x512xf32, #tpu.memory_space<vmem>> -> memref<32x512xf32, #tpu.memory_space<vmem>>
        %parallel_loop3A_218 = arith.index_cast %parallel_loop3A_213 : i32 to index
        %parallel_loop3A_219 = arith.index_cast %parallel_loop3A_188 : i32 to index
        %parallel_loop3A_220 = tpu.vector_load %parallel_loop3A_217[%parallel_loop3A_218, %parallel_loop3A_219] {strides = array<i32>} : memref<32x512xf32, #tpu.memory_space<vmem>>, vector<16xf32>,
        tpu.vector_store %parallel_loop3A_217[%parallel_loop3A_218, %parallel_loop3A_219], %parallel_loop3A_212 {strides = array<i32>} : memref<32x512xf32, #tpu.memory_space<vmem>>, vector<16xf32>,
        %parallel_loop3A_221 = arith.constant 4096 : i32
        %parallel_loop3A_222 = vector.broadcast %parallel_loop3A_221 : i32 to vector<16xi32>
        %parallel_loop3A_223 = arith.addi %parallel_loop3A_196, %parallel_loop3A_222 : vector<16xi32>
        %parallel_loop3A_224 = tpu.vector_load_idx %arg11[%parallel_loop3A_223] : memref<65536xf32, #tpu.memory_space<vmem>>[vector<16xi32>], vector<16xf32>,
        %parallel_loop3A_225 = arith.constant 2 : i32
        %parallel_loop3A_226 = arith.constant 0 : i32
        %parallel_loop3A_227 = arith.constant 0 : i32
        %parallel_loop3A_228 = tpu.memref_slice %arg13[%parallel_loop3A_123, %parallel_loop3A_226, %parallel_loop3A_227] : memref<2x32x512xf32, #tpu.memory_space<vmem>> -> memref<1x32x512xf32, #tpu.memory_space<vmem>>
        %parallel_loop3A_229 = tpu.memref_squeeze %parallel_loop3A_228 : memref<1x32x512xf32, #tpu.memory_space<vmem>> -> memref<32x512xf32, #tpu.memory_space<vmem>>
        %parallel_loop3A_230 = arith.index_cast %parallel_loop3A_225 : i32 to index
        %parallel_loop3A_231 = arith.index_cast %parallel_loop3A_188 : i32 to index
        %parallel_loop3A_232 = tpu.vector_load %parallel_loop3A_229[%parallel_loop3A_230, %parallel_loop3A_231] {strides = array<i32>} : memref<32x512xf32, #tpu.memory_space<vmem>>, vector<16xf32>,
        tpu.vector_store %parallel_loop3A_229[%parallel_loop3A_230, %parallel_loop3A_231], %parallel_loop3A_224 {strides = array<i32>} : memref<32x512xf32, #tpu.memory_space<vmem>>, vector<16xf32>,
        %parallel_loop3A_233 = arith.constant 6144 : i32
        %parallel_loop3A_234 = vector.broadcast %parallel_loop3A_233 : i32 to vector<16xi32>
        %parallel_loop3A_235 = arith.addi %parallel_loop3A_196, %parallel_loop3A_234 : vector<16xi32>
        %parallel_loop3A_236 = tpu.vector_load_idx %arg11[%parallel_loop3A_235] : memref<65536xf32, #tpu.memory_space<vmem>>[vector<16xi32>], vector<16xf32>,
        %parallel_loop3A_237 = arith.constant 3 : i32
        %parallel_loop3A_238 = arith.constant 0 : i32
        %parallel_loop3A_239 = arith.constant 0 : i32
        %parallel_loop3A_240 = tpu.memref_slice %arg13[%parallel_loop3A_123, %parallel_loop3A_238, %parallel_loop3A_239] : memref<2x32x512xf32, #tpu.memory_space<vmem>> -> memref<1x32x512xf32, #tpu.memory_space<vmem>>
        %parallel_loop3A_241 = tpu.memref_squeeze %parallel_loop3A_240 : memref<1x32x512xf32, #tpu.memory_space<vmem>> -> memref<32x512xf32, #tpu.memory_space<vmem>>
        %parallel_loop3A_242 = arith.index_cast %parallel_loop3A_237 : i32 to index
        %parallel_loop3A_243 = arith.index_cast %parallel_loop3A_188 : i32 to index
        %parallel_loop3A_244 = tpu.vector_load %parallel_loop3A_241[%parallel_loop3A_242, %parallel_loop3A_243] {strides = array<i32>} : memref<32x512xf32, #tpu.memory_space<vmem>>, vector<16xf32>,
        tpu.vector_store %parallel_loop3A_241[%parallel_loop3A_242, %parallel_loop3A_243], %parallel_loop3A_236 {strides = array<i32>} : memref<32x512xf32, #tpu.memory_space<vmem>>, vector<16xf32>,
        %parallel_loop3A_245 = arith.constant 8192 : i32
        %parallel_loop3A_246 = vector.broadcast %parallel_loop3A_245 : i32 to vector<16xi32>
        %parallel_loop3A_247 = arith.addi %parallel_loop3A_196, %parallel_loop3A_246 : vector<16xi32>
        %parallel_loop3A_248 = tpu.vector_load_idx %arg11[%parallel_loop3A_247] : memref<65536xf32, #tpu.memory_space<vmem>>[vector<16xi32>], vector<16xf32>,
        %parallel_loop3A_249 = arith.constant 4 : i32
        %parallel_loop3A_250 = arith.constant 0 : i32
        %parallel_loop3A_251 = arith.constant 0 : i32
        %parallel_loop3A_252 = tpu.memref_slice %arg13[%parallel_loop3A_123, %parallel_loop3A_250, %parallel_loop3A_251] : memref<2x32x512xf32, #tpu.memory_space<vmem>> -> memref<1x32x512xf32, #tpu.memory_space<vmem>>
        %parallel_loop3A_253 = tpu.memref_squeeze %parallel_loop3A_252 : memref<1x32x512xf32, #tpu.memory_space<vmem>> -> memref<32x512xf32, #tpu.memory_space<vmem>>
        %parallel_loop3A_254 = arith.index_cast %parallel_loop3A_249 : i32 to index
        %parallel_loop3A_255 = arith.index_cast %parallel_loop3A_188 : i32 to index
        %parallel_loop3A_256 = tpu.vector_load %parallel_loop3A_253[%parallel_loop3A_254, %parallel_loop3A_255] {strides = array<i32>} : memref<32x512xf32, #tpu.memory_space<vmem>>, vector<16xf32>,
        tpu.vector_store %parallel_loop3A_253[%parallel_loop3A_254, %parallel_loop3A_255], %parallel_loop3A_248 {strides = array<i32>} : memref<32x512xf32, #tpu.memory_space<vmem>>, vector<16xf32>,
        %parallel_loop3A_257 = arith.constant 10240 : i32
        %parallel_loop3A_258 = vector.broadcast %parallel_loop3A_257 : i32 to vector<16xi32>
        %parallel_loop3A_259 = arith.addi %parallel_loop3A_196, %parallel_loop3A_258 : vector<16xi32>
        %parallel_loop3A_260 = tpu.vector_load_idx %arg11[%parallel_loop3A_259] : memref<65536xf32, #tpu.memory_space<vmem>>[vector<16xi32>], vector<16xf32>,
        %parallel_loop3A_261 = arith.constant 5 : i32
        %parallel_loop3A_262 = arith.constant 0 : i32
        %parallel_loop3A_263 = arith.constant 0 : i32
        %parallel_loop3A_264 = tpu.memref_slice %arg13[%parallel_loop3A_123, %parallel_loop3A_262, %parallel_loop3A_263] : memref<2x32x512xf32, #tpu.memory_space<vmem>> -> memref<1x32x512xf32, #tpu.memory_space<vmem>>
        %parallel_loop3A_265 = tpu.memref_squeeze %parallel_loop3A_264 : memref<1x32x512xf32, #tpu.memory_space<vmem>> -> memref<32x512xf32, #tpu.memory_space<vmem>>
        %parallel_loop3A_266 = arith.index_cast %parallel_loop3A_261 : i32 to index
        %parallel_loop3A_267 = arith.index_cast %parallel_loop3A_188 : i32 to index
        %parallel_loop3A_268 = tpu.vector_load %parallel_loop3A_265[%parallel_loop3A_266, %parallel_loop3A_267] {strides = array<i32>} : memref<32x512xf32, #tpu.memory_space<vmem>>, vector<16xf32>,
        tpu.vector_store %parallel_loop3A_265[%parallel_loop3A_266, %parallel_loop3A_267], %parallel_loop3A_260 {strides = array<i32>} : memref<32x512xf32, #tpu.memory_space<vmem>>, vector<16xf32>,
        %parallel_loop3A_269 = arith.constant 12288 : i32
        %parallel_loop3A_270 = vector.broadcast %parallel_loop3A_269 : i32 to vector<16xi32>
        %parallel_loop3A_271 = arith.addi %parallel_loop3A_196, %parallel_loop3A_270 : vector<16xi32>
        %parallel_loop3A_272 = tpu.vector_load_idx %arg11[%parallel_loop3A_271] : memref<65536xf32, #tpu.memory_space<vmem>>[vector<16xi32>], vector<16xf32>,
        %parallel_loop3A_273 = arith.constant 6 : i32
        %parallel_loop3A_274 = arith.constant 0 : i32
        %parallel_loop3A_275 = arith.constant 0 : i32
        %parallel_loop3A_276 = tpu.memref_slice %arg13[%parallel_loop3A_123, %parallel_loop3A_274, %parallel_loop3A_275] : memref<2x32x512xf32, #tpu.memory_space<vmem>> -> memref<1x32x512xf32, #tpu.memory_space<vmem>>
        %parallel_loop3A_277 = tpu.memref_squeeze %parallel_loop3A_276 : memref<1x32x512xf32, #tpu.memory_space<vmem>> -> memref<32x512xf32, #tpu.memory_space<vmem>>
        %parallel_loop3A_278 = arith.index_cast %parallel_loop3A_273 : i32 to index
        %parallel_loop3A_279 = arith.index_cast %parallel_loop3A_188 : i32 to index
        %parallel_loop3A_280 = tpu.vector_load %parallel_loop3A_277[%parallel_loop3A_278, %parallel_loop3A_279] {strides = array<i32>} : memref<32x512xf32, #tpu.memory_space<vmem>>, vector<16xf32>,
        tpu.vector_store %parallel_loop3A_277[%parallel_loop3A_278, %parallel_loop3A_279], %parallel_loop3A_272 {strides = array<i32>} : memref<32x512xf32, #tpu.memory_space<vmem>>, vector<16xf32>,
        %parallel_loop3A_281 = arith.constant 14336 : i32
        %parallel_loop3A_282 = vector.broadcast %parallel_loop3A_281 : i32 to vector<16xi32>
        %parallel_loop3A_283 = arith.addi %parallel_loop3A_196, %parallel_loop3A_282 : vector<16xi32>
        %parallel_loop3A_284 = tpu.vector_load_idx %arg11[%parallel_loop3A_283] : memref<65536xf32, #tpu.memory_space<vmem>>[vector<16xi32>], vector<16xf32>,
        %parallel_loop3A_285 = arith.constant 7 : i32
        %parallel_loop3A_286 = arith.constant 0 : i32
        %parallel_loop3A_287 = arith.constant 0 : i32
        %parallel_loop3A_288 = tpu.memref_slice %arg13[%parallel_loop3A_123, %parallel_loop3A_286, %parallel_loop3A_287] : memref<2x32x512xf32, #tpu.memory_space<vmem>> -> memref<1x32x512xf32, #tpu.memory_space<vmem>>
        %parallel_loop3A_289 = tpu.memref_squeeze %parallel_loop3A_288 : memref<1x32x512xf32, #tpu.memory_space<vmem>> -> memref<32x512xf32, #tpu.memory_space<vmem>>
        %parallel_loop3A_290 = arith.index_cast %parallel_loop3A_285 : i32 to index
        %parallel_loop3A_291 = arith.index_cast %parallel_loop3A_188 : i32 to index
        %parallel_loop3A_292 = tpu.vector_load %parallel_loop3A_289[%parallel_loop3A_290, %parallel_loop3A_291] {strides = array<i32>} : memref<32x512xf32, #tpu.memory_space<vmem>>, vector<16xf32>,
        tpu.vector_store %parallel_loop3A_289[%parallel_loop3A_290, %parallel_loop3A_291], %parallel_loop3A_284 {strides = array<i32>} : memref<32x512xf32, #tpu.memory_space<vmem>>, vector<16xf32>,
        %parallel_loop3A_293 = arith.constant 16384 : i32
        %parallel_loop3A_294 = vector.broadcast %parallel_loop3A_293 : i32 to vector<16xi32>
        %parallel_loop3A_295 = arith.addi %parallel_loop3A_196, %parallel_loop3A_294 : vector<16xi32>
        %parallel_loop3A_296 = tpu.vector_load_idx %arg11[%parallel_loop3A_295] : memref<65536xf32, #tpu.memory_space<vmem>>[vector<16xi32>], vector<16xf32>,
        %parallel_loop3A_297 = arith.constant 8 : i32
        %parallel_loop3A_298 = arith.constant 0 : i32
        %parallel_loop3A_299 = arith.constant 0 : i32
        %parallel_loop3A_300 = tpu.memref_slice %arg13[%parallel_loop3A_123, %parallel_loop3A_298, %parallel_loop3A_299] : memref<2x32x512xf32, #tpu.memory_space<vmem>> -> memref<1x32x512xf32, #tpu.memory_space<vmem>>
        %parallel_loop3A_301 = tpu.memref_squeeze %parallel_loop3A_300 : memref<1x32x512xf32, #tpu.memory_space<vmem>> -> memref<32x512xf32, #tpu.memory_space<vmem>>
        %parallel_loop3A_302 = arith.index_cast %parallel_loop3A_297 : i32 to index
        %parallel_loop3A_303 = arith.index_cast %parallel_loop3A_188 : i32 to index
        %parallel_loop3A_304 = tpu.vector_load %parallel_loop3A_301[%parallel_loop3A_302, %parallel_loop3A_303] {strides = array<i32>} : memref<32x512xf32, #tpu.memory_space<vmem>>, vector<16xf32>,
        tpu.vector_store %parallel_loop3A_301[%parallel_loop3A_302, %parallel_loop3A_303], %parallel_loop3A_296 {strides = array<i32>} : memref<32x512xf32, #tpu.memory_space<vmem>>, vector<16xf32>,
        %parallel_loop3A_305 = arith.constant 18432 : i32
        %parallel_loop3A_306 = vector.broadcast %parallel_loop3A_305 : i32 to vector<16xi32>
        %parallel_loop3A_307 = arith.addi %parallel_loop3A_196, %parallel_loop3A_306 : vector<16xi32>
        %parallel_loop3A_308 = tpu.vector_load_idx %arg11[%parallel_loop3A_307] : memref<65536xf32, #tpu.memory_space<vmem>>[vector<16xi32>], vector<16xf32>,
        %parallel_loop3A_309 = arith.constant 9 : i32
        %parallel_loop3A_310 = arith.constant 0 : i32
        %parallel_loop3A_311 = arith.constant 0 : i32
        %parallel_loop3A_312 = tpu.memref_slice %arg13[%parallel_loop3A_123, %parallel_loop3A_310, %parallel_loop3A_311] : memref<2x32x512xf32, #tpu.memory_space<vmem>> -> memref<1x32x512xf32, #tpu.memory_space<vmem>>
        %parallel_loop3A_313 = tpu.memref_squeeze %parallel_loop3A_312 : memref<1x32x512xf32, #tpu.memory_space<vmem>> -> memref<32x512xf32, #tpu.memory_space<vmem>>
        %parallel_loop3A_314 = arith.index_cast %parallel_loop3A_309 : i32 to index
        %parallel_loop3A_315 = arith.index_cast %parallel_loop3A_188 : i32 to index
        %parallel_loop3A_316 = tpu.vector_load %parallel_loop3A_313[%parallel_loop3A_314, %parallel_loop3A_315] {strides = array<i32>} : memref<32x512xf32, #tpu.memory_space<vmem>>, vector<16xf32>,
        tpu.vector_store %parallel_loop3A_313[%parallel_loop3A_314, %parallel_loop3A_315], %parallel_loop3A_308 {strides = array<i32>} : memref<32x512xf32, #tpu.memory_space<vmem>>, vector<16xf32>,
        %parallel_loop3A_317 = arith.constant 20480 : i32
        %parallel_loop3A_318 = vector.broadcast %parallel_loop3A_317 : i32 to vector<16xi32>
        %parallel_loop3A_319 = arith.addi %parallel_loop3A_196, %parallel_loop3A_318 : vector<16xi32>
        %parallel_loop3A_320 = tpu.vector_load_idx %arg11[%parallel_loop3A_319] : memref<65536xf32, #tpu.memory_space<vmem>>[vector<16xi32>], vector<16xf32>,
        %parallel_loop3A_321 = arith.constant 10 : i32
        %parallel_loop3A_322 = arith.constant 0 : i32
        %parallel_loop3A_323 = arith.constant 0 : i32
        %parallel_loop3A_324 = tpu.memref_slice %arg13[%parallel_loop3A_123, %parallel_loop3A_322, %parallel_loop3A_323] : memref<2x32x512xf32, #tpu.memory_space<vmem>> -> memref<1x32x512xf32, #tpu.memory_space<vmem>>
        %parallel_loop3A_325 = tpu.memref_squeeze %parallel_loop3A_324 : memref<1x32x512xf32, #tpu.memory_space<vmem>> -> memref<32x512xf32, #tpu.memory_space<vmem>>
        %parallel_loop3A_326 = arith.index_cast %parallel_loop3A_321 : i32 to index
        %parallel_loop3A_327 = arith.index_cast %parallel_loop3A_188 : i32 to index
        %parallel_loop3A_328 = tpu.vector_load %parallel_loop3A_325[%parallel_loop3A_326, %parallel_loop3A_327] {strides = array<i32>} : memref<32x512xf32, #tpu.memory_space<vmem>>, vector<16xf32>,
        tpu.vector_store %parallel_loop3A_325[%parallel_loop3A_326, %parallel_loop3A_327], %parallel_loop3A_320 {strides = array<i32>} : memref<32x512xf32, #tpu.memory_space<vmem>>, vector<16xf32>,
        %parallel_loop3A_329 = arith.constant 22528 : i32
        %parallel_loop3A_330 = vector.broadcast %parallel_loop3A_329 : i32 to vector<16xi32>
        %parallel_loop3A_331 = arith.addi %parallel_loop3A_196, %parallel_loop3A_330 : vector<16xi32>
        %parallel_loop3A_332 = tpu.vector_load_idx %arg11[%parallel_loop3A_331] : memref<65536xf32, #tpu.memory_space<vmem>>[vector<16xi32>], vector<16xf32>,
        %parallel_loop3A_333 = arith.constant 11 : i32
        %parallel_loop3A_334 = arith.constant 0 : i32
        %parallel_loop3A_335 = arith.constant 0 : i32
        %parallel_loop3A_336 = tpu.memref_slice %arg13[%parallel_loop3A_123, %parallel_loop3A_334, %parallel_loop3A_335] : memref<2x32x512xf32, #tpu.memory_space<vmem>> -> memref<1x32x512xf32, #tpu.memory_space<vmem>>
        %parallel_loop3A_337 = tpu.memref_squeeze %parallel_loop3A_336 : memref<1x32x512xf32, #tpu.memory_space<vmem>> -> memref<32x512xf32, #tpu.memory_space<vmem>>
        %parallel_loop3A_338 = arith.index_cast %parallel_loop3A_333 : i32 to index
        %parallel_loop3A_339 = arith.index_cast %parallel_loop3A_188 : i32 to index
        %parallel_loop3A_340 = tpu.vector_load %parallel_loop3A_337[%parallel_loop3A_338, %parallel_loop3A_339] {strides = array<i32>} : memref<32x512xf32, #tpu.memory_space<vmem>>, vector<16xf32>,
        tpu.vector_store %parallel_loop3A_337[%parallel_loop3A_338, %parallel_loop3A_339], %parallel_loop3A_332 {strides = array<i32>} : memref<32x512xf32, #tpu.memory_space<vmem>>, vector<16xf32>,
        %parallel_loop3A_341 = arith.constant 24576 : i32
        %parallel_loop3A_342 = vector.broadcast %parallel_loop3A_341 : i32 to vector<16xi32>
        %parallel_loop3A_343 = arith.addi %parallel_loop3A_196, %parallel_loop3A_342 : vector<16xi32>
        %parallel_loop3A_344 = tpu.vector_load_idx %arg11[%parallel_loop3A_343] : memref<65536xf32, #tpu.memory_space<vmem>>[vector<16xi32>], vector<16xf32>,
        %parallel_loop3A_345 = arith.constant 12 : i32
        %parallel_loop3A_346 = arith.constant 0 : i32
        %parallel_loop3A_347 = arith.constant 0 : i32
        %parallel_loop3A_348 = tpu.memref_slice %arg13[%parallel_loop3A_123, %parallel_loop3A_346, %parallel_loop3A_347] : memref<2x32x512xf32, #tpu.memory_space<vmem>> -> memref<1x32x512xf32, #tpu.memory_space<vmem>>
        %parallel_loop3A_349 = tpu.memref_squeeze %parallel_loop3A_348 : memref<1x32x512xf32, #tpu.memory_space<vmem>> -> memref<32x512xf32, #tpu.memory_space<vmem>>
        %parallel_loop3A_350 = arith.index_cast %parallel_loop3A_345 : i32 to index
        %parallel_loop3A_351 = arith.index_cast %parallel_loop3A_188 : i32 to index
        %parallel_loop3A_352 = tpu.vector_load %parallel_loop3A_349[%parallel_loop3A_350, %parallel_loop3A_351] {strides = array<i32>} : memref<32x512xf32, #tpu.memory_space<vmem>>, vector<16xf32>,
        tpu.vector_store %parallel_loop3A_349[%parallel_loop3A_350, %parallel_loop3A_351], %parallel_loop3A_344 {strides = array<i32>} : memref<32x512xf32, #tpu.memory_space<vmem>>, vector<16xf32>,
        %parallel_loop3A_353 = arith.constant 26624 : i32
        %parallel_loop3A_354 = vector.broadcast %parallel_loop3A_353 : i32 to vector<16xi32>
        %parallel_loop3A_355 = arith.addi %parallel_loop3A_196, %parallel_loop3A_354 : vector<16xi32>
        %parallel_loop3A_356 = tpu.vector_load_idx %arg11[%parallel_loop3A_355] : memref<65536xf32, #tpu.memory_space<vmem>>[vector<16xi32>], vector<16xf32>,
        %parallel_loop3A_357 = arith.constant 13 : i32
        %parallel_loop3A_358 = arith.constant 0 : i32
        %parallel_loop3A_359 = arith.constant 0 : i32
        %parallel_loop3A_360 = tpu.memref_slice %arg13[%parallel_loop3A_123, %parallel_loop3A_358, %parallel_loop3A_359] : memref<2x32x512xf32, #tpu.memory_space<vmem>> -> memref<1x32x512xf32, #tpu.memory_space<vmem>>
        %parallel_loop3A_361 = tpu.memref_squeeze %parallel_loop3A_360 : memref<1x32x512xf32, #tpu.memory_space<vmem>> -> memref<32x512xf32, #tpu.memory_space<vmem>>
        %parallel_loop3A_362 = arith.index_cast %parallel_loop3A_357 : i32 to index
        %parallel_loop3A_363 = arith.index_cast %parallel_loop3A_188 : i32 to index
        %parallel_loop3A_364 = tpu.vector_load %parallel_loop3A_361[%parallel_loop3A_362, %parallel_loop3A_363] {strides = array<i32>} : memref<32x512xf32, #tpu.memory_space<vmem>>, vector<16xf32>,
        tpu.vector_store %parallel_loop3A_361[%parallel_loop3A_362, %parallel_loop3A_363], %parallel_loop3A_356 {strides = array<i32>} : memref<32x512xf32, #tpu.memory_space<vmem>>, vector<16xf32>,
        %parallel_loop3A_365 = arith.constant 28672 : i32
        %parallel_loop3A_366 = vector.broadcast %parallel_loop3A_365 : i32 to vector<16xi32>
        %parallel_loop3A_367 = arith.addi %parallel_loop3A_196, %parallel_loop3A_366 : vector<16xi32>
        %parallel_loop3A_368 = tpu.vector_load_idx %arg11[%parallel_loop3A_367] : memref<65536xf32, #tpu.memory_space<vmem>>[vector<16xi32>], vector<16xf32>,
        %parallel_loop3A_369 = arith.constant 14 : i32
        %parallel_loop3A_370 = arith.constant 0 : i32
        %parallel_loop3A_371 = arith.constant 0 : i32
        %parallel_loop3A_372 = tpu.memref_slice %arg13[%parallel_loop3A_123, %parallel_loop3A_370, %parallel_loop3A_371] : memref<2x32x512xf32, #tpu.memory_space<vmem>> -> memref<1x32x512xf32, #tpu.memory_space<vmem>>
        %parallel_loop3A_373 = tpu.memref_squeeze %parallel_loop3A_372 : memref<1x32x512xf32, #tpu.memory_space<vmem>> -> memref<32x512xf32, #tpu.memory_space<vmem>>
        %parallel_loop3A_374 = arith.index_cast %parallel_loop3A_369 : i32 to index
        %parallel_loop3A_375 = arith.index_cast %parallel_loop3A_188 : i32 to index
        %parallel_loop3A_376 = tpu.vector_load %parallel_loop3A_373[%parallel_loop3A_374, %parallel_loop3A_375] {strides = array<i32>} : memref<32x512xf32, #tpu.memory_space<vmem>>, vector<16xf32>,
        tpu.vector_store %parallel_loop3A_373[%parallel_loop3A_374, %parallel_loop3A_375], %parallel_loop3A_368 {strides = array<i32>} : memref<32x512xf32, #tpu.memory_space<vmem>>, vector<16xf32>,
        %parallel_loop3A_377 = arith.constant 30720 : i32
        %parallel_loop3A_378 = vector.broadcast %parallel_loop3A_377 : i32 to vector<16xi32>
        %parallel_loop3A_379 = arith.addi %parallel_loop3A_196, %parallel_loop3A_378 : vector<16xi32>
        %parallel_loop3A_380 = tpu.vector_load_idx %arg11[%parallel_loop3A_379] : memref<65536xf32, #tpu.memory_space<vmem>>[vector<16xi32>], vector<16xf32>,
        %parallel_loop3A_381 = arith.constant 15 : i32
        %parallel_loop3A_382 = arith.constant 0 : i32
        %parallel_loop3A_383 = arith.constant 0 : i32
        %parallel_loop3A_384 = tpu.memref_slice %arg13[%parallel_loop3A_123, %parallel_loop3A_382, %parallel_loop3A_383] : memref<2x32x512xf32, #tpu.memory_space<vmem>> -> memref<1x32x512xf32, #tpu.memory_space<vmem>>
        %parallel_loop3A_385 = tpu.memref_squeeze %parallel_loop3A_384 : memref<1x32x512xf32, #tpu.memory_space<vmem>> -> memref<32x512xf32, #tpu.memory_space<vmem>>
        %parallel_loop3A_386 = arith.index_cast %parallel_loop3A_381 : i32 to index
        %parallel_loop3A_387 = arith.index_cast %parallel_loop3A_188 : i32 to index
        %parallel_loop3A_388 = tpu.vector_load %parallel_loop3A_385[%parallel_loop3A_386, %parallel_loop3A_387] {strides = array<i32>} : memref<32x512xf32, #tpu.memory_space<vmem>>, vector<16xf32>,
        tpu.vector_store %parallel_loop3A_385[%parallel_loop3A_386, %parallel_loop3A_387], %parallel_loop3A_380 {strides = array<i32>} : memref<32x512xf32, #tpu.memory_space<vmem>>, vector<16xf32>,
        %parallel_loop3A_389 = arith.constant 32768 : i32
        %parallel_loop3A_390 = vector.broadcast %parallel_loop3A_389 : i32 to vector<16xi32>
        %parallel_loop3A_391 = arith.addi %parallel_loop3A_196, %parallel_loop3A_390 : vector<16xi32>
        %parallel_loop3A_392 = tpu.vector_load_idx %arg11[%parallel_loop3A_391] : memref<65536xf32, #tpu.memory_space<vmem>>[vector<16xi32>], vector<16xf32>,
        %parallel_loop3A_393 = arith.constant 16 : i32
        %parallel_loop3A_394 = arith.constant 0 : i32
        %parallel_loop3A_395 = arith.constant 0 : i32
        %parallel_loop3A_396 = tpu.memref_slice %arg13[%parallel_loop3A_123, %parallel_loop3A_394, %parallel_loop3A_395] : memref<2x32x512xf32, #tpu.memory_space<vmem>> -> memref<1x32x512xf32, #tpu.memory_space<vmem>>
        %parallel_loop3A_397 = tpu.memref_squeeze %parallel_loop3A_396 : memref<1x32x512xf32, #tpu.memory_space<vmem>> -> memref<32x512xf32, #tpu.memory_space<vmem>>
        %parallel_loop3A_398 = arith.index_cast %parallel_loop3A_393 : i32 to index
        %parallel_loop3A_399 = arith.index_cast %parallel_loop3A_188 : i32 to index
        %parallel_loop3A_400 = tpu.vector_load %parallel_loop3A_397[%parallel_loop3A_398, %parallel_loop3A_399] {strides = array<i32>} : memref<32x512xf32, #tpu.memory_space<vmem>>, vector<16xf32>,
        tpu.vector_store %parallel_loop3A_397[%parallel_loop3A_398, %parallel_loop3A_399], %parallel_loop3A_392 {strides = array<i32>} : memref<32x512xf32, #tpu.memory_space<vmem>>, vector<16xf32>,
        %parallel_loop3A_401 = arith.constant 34816 : i32
        %parallel_loop3A_402 = vector.broadcast %parallel_loop3A_401 : i32 to vector<16xi32>
        %parallel_loop3A_403 = arith.addi %parallel_loop3A_196, %parallel_loop3A_402 : vector<16xi32>
        %parallel_loop3A_404 = tpu.vector_load_idx %arg11[%parallel_loop3A_403] : memref<65536xf32, #tpu.memory_space<vmem>>[vector<16xi32>], vector<16xf32>,
        %parallel_loop3A_405 = arith.constant 17 : i32
        %parallel_loop3A_406 = arith.constant 0 : i32
        %parallel_loop3A_407 = arith.constant 0 : i32
        %parallel_loop3A_408 = tpu.memref_slice %arg13[%parallel_loop3A_123, %parallel_loop3A_406, %parallel_loop3A_407] : memref<2x32x512xf32, #tpu.memory_space<vmem>> -> memref<1x32x512xf32, #tpu.memory_space<vmem>>
        %parallel_loop3A_409 = tpu.memref_squeeze %parallel_loop3A_408 : memref<1x32x512xf32, #tpu.memory_space<vmem>> -> memref<32x512xf32, #tpu.memory_space<vmem>>
        %parallel_loop3A_410 = arith.index_cast %parallel_loop3A_405 : i32 to index
        %parallel_loop3A_411 = arith.index_cast %parallel_loop3A_188 : i32 to index
        %parallel_loop3A_412 = tpu.vector_load %parallel_loop3A_409[%parallel_loop3A_410, %parallel_loop3A_411] {strides = array<i32>} : memref<32x512xf32, #tpu.memory_space<vmem>>, vector<16xf32>,
        tpu.vector_store %parallel_loop3A_409[%parallel_loop3A_410, %parallel_loop3A_411], %parallel_loop3A_404 {strides = array<i32>} : memref<32x512xf32, #tpu.memory_space<vmem>>, vector<16xf32>,
        %parallel_loop3A_413 = arith.constant 36864 : i32
        %parallel_loop3A_414 = vector.broadcast %parallel_loop3A_413 : i32 to vector<16xi32>
        %parallel_loop3A_415 = arith.addi %parallel_loop3A_196, %parallel_loop3A_414 : vector<16xi32>
        %parallel_loop3A_416 = tpu.vector_load_idx %arg11[%parallel_loop3A_415] : memref<65536xf32, #tpu.memory_space<vmem>>[vector<16xi32>], vector<16xf32>,
        %parallel_loop3A_417 = arith.constant 18 : i32
        %parallel_loop3A_418 = arith.constant 0 : i32
        %parallel_loop3A_419 = arith.constant 0 : i32
        %parallel_loop3A_420 = tpu.memref_slice %arg13[%parallel_loop3A_123, %parallel_loop3A_418, %parallel_loop3A_419] : memref<2x32x512xf32, #tpu.memory_space<vmem>> -> memref<1x32x512xf32, #tpu.memory_space<vmem>>
        %parallel_loop3A_421 = tpu.memref_squeeze %parallel_loop3A_420 : memref<1x32x512xf32, #tpu.memory_space<vmem>> -> memref<32x512xf32, #tpu.memory_space<vmem>>
        %parallel_loop3A_422 = arith.index_cast %parallel_loop3A_417 : i32 to index
        %parallel_loop3A_423 = arith.index_cast %parallel_loop3A_188 : i32 to index
        %parallel_loop3A_424 = tpu.vector_load %parallel_loop3A_421[%parallel_loop3A_422, %parallel_loop3A_423] {strides = array<i32>} : memref<32x512xf32, #tpu.memory_space<vmem>>, vector<16xf32>,
        tpu.vector_store %parallel_loop3A_421[%parallel_loop3A_422, %parallel_loop3A_423], %parallel_loop3A_416 {strides = array<i32>} : memref<32x512xf32, #tpu.memory_space<vmem>>, vector<16xf32>,
        %parallel_loop3A_425 = arith.constant 38912 : i32
        %parallel_loop3A_426 = vector.broadcast %parallel_loop3A_425 : i32 to vector<16xi32>
        %parallel_loop3A_427 = arith.addi %parallel_loop3A_196, %parallel_loop3A_426 : vector<16xi32>
        %parallel_loop3A_428 = tpu.vector_load_idx %arg11[%parallel_loop3A_427] : memref<65536xf32, #tpu.memory_space<vmem>>[vector<16xi32>], vector<16xf32>,
        %parallel_loop3A_429 = arith.constant 19 : i32
        %parallel_loop3A_430 = arith.constant 0 : i32
        %parallel_loop3A_431 = arith.constant 0 : i32
        %parallel_loop3A_432 = tpu.memref_slice %arg13[%parallel_loop3A_123, %parallel_loop3A_430, %parallel_loop3A_431] : memref<2x32x512xf32, #tpu.memory_space<vmem>> -> memref<1x32x512xf32, #tpu.memory_space<vmem>>
        %parallel_loop3A_433 = tpu.memref_squeeze %parallel_loop3A_432 : memref<1x32x512xf32, #tpu.memory_space<vmem>> -> memref<32x512xf32, #tpu.memory_space<vmem>>
        %parallel_loop3A_434 = arith.index_cast %parallel_loop3A_429 : i32 to index
        %parallel_loop3A_435 = arith.index_cast %parallel_loop3A_188 : i32 to index
        %parallel_loop3A_436 = tpu.vector_load %parallel_loop3A_433[%parallel_loop3A_434, %parallel_loop3A_435] {strides = array<i32>} : memref<32x512xf32, #tpu.memory_space<vmem>>, vector<16xf32>,
        tpu.vector_store %parallel_loop3A_433[%parallel_loop3A_434, %parallel_loop3A_435], %parallel_loop3A_428 {strides = array<i32>} : memref<32x512xf32, #tpu.memory_space<vmem>>, vector<16xf32>,
        %parallel_loop3A_437 = arith.constant 40960 : i32
        %parallel_loop3A_438 = vector.broadcast %parallel_loop3A_437 : i32 to vector<16xi32>
        %parallel_loop3A_439 = arith.addi %parallel_loop3A_196, %parallel_loop3A_438 : vector<16xi32>
        %parallel_loop3A_440 = tpu.vector_load_idx %arg11[%parallel_loop3A_439] : memref<65536xf32, #tpu.memory_space<vmem>>[vector<16xi32>], vector<16xf32>,
        %parallel_loop3A_441 = arith.constant 20 : i32
        %parallel_loop3A_442 = arith.constant 0 : i32
        %parallel_loop3A_443 = arith.constant 0 : i32
        %parallel_loop3A_444 = tpu.memref_slice %arg13[%parallel_loop3A_123, %parallel_loop3A_442, %parallel_loop3A_443] : memref<2x32x512xf32, #tpu.memory_space<vmem>> -> memref<1x32x512xf32, #tpu.memory_space<vmem>>
        %parallel_loop3A_445 = tpu.memref_squeeze %parallel_loop3A_444 : memref<1x32x512xf32, #tpu.memory_space<vmem>> -> memref<32x512xf32, #tpu.memory_space<vmem>>
        %parallel_loop3A_446 = arith.index_cast %parallel_loop3A_441 : i32 to index
        %parallel_loop3A_447 = arith.index_cast %parallel_loop3A_188 : i32 to index
        %parallel_loop3A_448 = tpu.vector_load %parallel_loop3A_445[%parallel_loop3A_446, %parallel_loop3A_447] {strides = array<i32>} : memref<32x512xf32, #tpu.memory_space<vmem>>, vector<16xf32>,
        tpu.vector_store %parallel_loop3A_445[%parallel_loop3A_446, %parallel_loop3A_447], %parallel_loop3A_440 {strides = array<i32>} : memref<32x512xf32, #tpu.memory_space<vmem>>, vector<16xf32>,
        %parallel_loop3A_449 = arith.constant 43008 : i32
        %parallel_loop3A_450 = vector.broadcast %parallel_loop3A_449 : i32 to vector<16xi32>
        %parallel_loop3A_451 = arith.addi %parallel_loop3A_196, %parallel_loop3A_450 : vector<16xi32>
        %parallel_loop3A_452 = tpu.vector_load_idx %arg11[%parallel_loop3A_451] : memref<65536xf32, #tpu.memory_space<vmem>>[vector<16xi32>], vector<16xf32>,
        %parallel_loop3A_453 = arith.constant 21 : i32
        %parallel_loop3A_454 = arith.constant 0 : i32
        %parallel_loop3A_455 = arith.constant 0 : i32
        %parallel_loop3A_456 = tpu.memref_slice %arg13[%parallel_loop3A_123, %parallel_loop3A_454, %parallel_loop3A_455] : memref<2x32x512xf32, #tpu.memory_space<vmem>> -> memref<1x32x512xf32, #tpu.memory_space<vmem>>
        %parallel_loop3A_457 = tpu.memref_squeeze %parallel_loop3A_456 : memref<1x32x512xf32, #tpu.memory_space<vmem>> -> memref<32x512xf32, #tpu.memory_space<vmem>>
        %parallel_loop3A_458 = arith.index_cast %parallel_loop3A_453 : i32 to index
        %parallel_loop3A_459 = arith.index_cast %parallel_loop3A_188 : i32 to index
        %parallel_loop3A_460 = tpu.vector_load %parallel_loop3A_457[%parallel_loop3A_458, %parallel_loop3A_459] {strides = array<i32>} : memref<32x512xf32, #tpu.memory_space<vmem>>, vector<16xf32>,
        tpu.vector_store %parallel_loop3A_457[%parallel_loop3A_458, %parallel_loop3A_459], %parallel_loop3A_452 {strides = array<i32>} : memref<32x512xf32, #tpu.memory_space<vmem>>, vector<16xf32>,
        %parallel_loop3A_461 = arith.constant 45056 : i32
        %parallel_loop3A_462 = vector.broadcast %parallel_loop3A_461 : i32 to vector<16xi32>
        %parallel_loop3A_463 = arith.addi %parallel_loop3A_196, %parallel_loop3A_462 : vector<16xi32>
        %parallel_loop3A_464 = tpu.vector_load_idx %arg11[%parallel_loop3A_463] : memref<65536xf32, #tpu.memory_space<vmem>>[vector<16xi32>], vector<16xf32>,
        %parallel_loop3A_465 = arith.constant 22 : i32
        %parallel_loop3A_466 = arith.constant 0 : i32
        %parallel_loop3A_467 = arith.constant 0 : i32
        %parallel_loop3A_468 = tpu.memref_slice %arg13[%parallel_loop3A_123, %parallel_loop3A_466, %parallel_loop3A_467] : memref<2x32x512xf32, #tpu.memory_space<vmem>> -> memref<1x32x512xf32, #tpu.memory_space<vmem>>
        %parallel_loop3A_469 = tpu.memref_squeeze %parallel_loop3A_468 : memref<1x32x512xf32, #tpu.memory_space<vmem>> -> memref<32x512xf32, #tpu.memory_space<vmem>>
        %parallel_loop3A_470 = arith.index_cast %parallel_loop3A_465 : i32 to index
        %parallel_loop3A_471 = arith.index_cast %parallel_loop3A_188 : i32 to index
        %parallel_loop3A_472 = tpu.vector_load %parallel_loop3A_469[%parallel_loop3A_470, %parallel_loop3A_471] {strides = array<i32>} : memref<32x512xf32, #tpu.memory_space<vmem>>, vector<16xf32>,
        tpu.vector_store %parallel_loop3A_469[%parallel_loop3A_470, %parallel_loop3A_471], %parallel_loop3A_464 {strides = array<i32>} : memref<32x512xf32, #tpu.memory_space<vmem>>, vector<16xf32>,
        %parallel_loop3A_473 = arith.constant 47104 : i32
        %parallel_loop3A_474 = vector.broadcast %parallel_loop3A_473 : i32 to vector<16xi32>
        %parallel_loop3A_475 = arith.addi %parallel_loop3A_196, %parallel_loop3A_474 : vector<16xi32>
        %parallel_loop3A_476 = tpu.vector_load_idx %arg11[%parallel_loop3A_475] : memref<65536xf32, #tpu.memory_space<vmem>>[vector<16xi32>], vector<16xf32>,
        %parallel_loop3A_477 = arith.constant 23 : i32
        %parallel_loop3A_478 = arith.constant 0 : i32
        %parallel_loop3A_479 = arith.constant 0 : i32
        %parallel_loop3A_480 = tpu.memref_slice %arg13[%parallel_loop3A_123, %parallel_loop3A_478, %parallel_loop3A_479] : memref<2x32x512xf32, #tpu.memory_space<vmem>> -> memref<1x32x512xf32, #tpu.memory_space<vmem>>
        %parallel_loop3A_481 = tpu.memref_squeeze %parallel_loop3A_480 : memref<1x32x512xf32, #tpu.memory_space<vmem>> -> memref<32x512xf32, #tpu.memory_space<vmem>>
        %parallel_loop3A_482 = arith.index_cast %parallel_loop3A_477 : i32 to index
        %parallel_loop3A_483 = arith.index_cast %parallel_loop3A_188 : i32 to index
        %parallel_loop3A_484 = tpu.vector_load %parallel_loop3A_481[%parallel_loop3A_482, %parallel_loop3A_483] {strides = array<i32>} : memref<32x512xf32, #tpu.memory_space<vmem>>, vector<16xf32>,
        tpu.vector_store %parallel_loop3A_481[%parallel_loop3A_482, %parallel_loop3A_483], %parallel_loop3A_476 {strides = array<i32>} : memref<32x512xf32, #tpu.memory_space<vmem>>, vector<16xf32>,
        %parallel_loop3A_485 = arith.constant 49152 : i32
        %parallel_loop3A_486 = vector.broadcast %parallel_loop3A_485 : i32 to vector<16xi32>
        %parallel_loop3A_487 = arith.addi %parallel_loop3A_196, %parallel_loop3A_486 : vector<16xi32>
        %parallel_loop3A_488 = tpu.vector_load_idx %arg11[%parallel_loop3A_487] : memref<65536xf32, #tpu.memory_space<vmem>>[vector<16xi32>], vector<16xf32>,
        %parallel_loop3A_489 = arith.constant 24 : i32
        %parallel_loop3A_490 = arith.constant 0 : i32
        %parallel_loop3A_491 = arith.constant 0 : i32
        %parallel_loop3A_492 = tpu.memref_slice %arg13[%parallel_loop3A_123, %parallel_loop3A_490, %parallel_loop3A_491] : memref<2x32x512xf32, #tpu.memory_space<vmem>> -> memref<1x32x512xf32, #tpu.memory_space<vmem>>
        %parallel_loop3A_493 = tpu.memref_squeeze %parallel_loop3A_492 : memref<1x32x512xf32, #tpu.memory_space<vmem>> -> memref<32x512xf32, #tpu.memory_space<vmem>>
        %parallel_loop3A_494 = arith.index_cast %parallel_loop3A_489 : i32 to index
        %parallel_loop3A_495 = arith.index_cast %parallel_loop3A_188 : i32 to index
        %parallel_loop3A_496 = tpu.vector_load %parallel_loop3A_493[%parallel_loop3A_494, %parallel_loop3A_495] {strides = array<i32>} : memref<32x512xf32, #tpu.memory_space<vmem>>, vector<16xf32>,
        tpu.vector_store %parallel_loop3A_493[%parallel_loop3A_494, %parallel_loop3A_495], %parallel_loop3A_488 {strides = array<i32>} : memref<32x512xf32, #tpu.memory_space<vmem>>, vector<16xf32>,
        %parallel_loop3A_497 = arith.constant 51200 : i32
        %parallel_loop3A_498 = vector.broadcast %parallel_loop3A_497 : i32 to vector<16xi32>
        %parallel_loop3A_499 = arith.addi %parallel_loop3A_196, %parallel_loop3A_498 : vector<16xi32>
        %parallel_loop3A_500 = tpu.vector_load_idx %arg11[%parallel_loop3A_499] : memref<65536xf32, #tpu.memory_space<vmem>>[vector<16xi32>], vector<16xf32>,
        %parallel_loop3A_501 = arith.constant 25 : i32
        %parallel_loop3A_502 = arith.constant 0 : i32
        %parallel_loop3A_503 = arith.constant 0 : i32
        %parallel_loop3A_504 = tpu.memref_slice %arg13[%parallel_loop3A_123, %parallel_loop3A_502, %parallel_loop3A_503] : memref<2x32x512xf32, #tpu.memory_space<vmem>> -> memref<1x32x512xf32, #tpu.memory_space<vmem>>
        %parallel_loop3A_505 = tpu.memref_squeeze %parallel_loop3A_504 : memref<1x32x512xf32, #tpu.memory_space<vmem>> -> memref<32x512xf32, #tpu.memory_space<vmem>>
        %parallel_loop3A_506 = arith.index_cast %parallel_loop3A_501 : i32 to index
        %parallel_loop3A_507 = arith.index_cast %parallel_loop3A_188 : i32 to index
        %parallel_loop3A_508 = tpu.vector_load %parallel_loop3A_505[%parallel_loop3A_506, %parallel_loop3A_507] {strides = array<i32>} : memref<32x512xf32, #tpu.memory_space<vmem>>, vector<16xf32>,
        tpu.vector_store %parallel_loop3A_505[%parallel_loop3A_506, %parallel_loop3A_507], %parallel_loop3A_500 {strides = array<i32>} : memref<32x512xf32, #tpu.memory_space<vmem>>, vector<16xf32>,
        %parallel_loop3A_509 = arith.constant 53248 : i32
        %parallel_loop3A_510 = vector.broadcast %parallel_loop3A_509 : i32 to vector<16xi32>
        %parallel_loop3A_511 = arith.addi %parallel_loop3A_196, %parallel_loop3A_510 : vector<16xi32>
        %parallel_loop3A_512 = tpu.vector_load_idx %arg11[%parallel_loop3A_511] : memref<65536xf32, #tpu.memory_space<vmem>>[vector<16xi32>], vector<16xf32>,
        %parallel_loop3A_513 = arith.constant 26 : i32
        %parallel_loop3A_514 = arith.constant 0 : i32
        %parallel_loop3A_515 = arith.constant 0 : i32
        %parallel_loop3A_516 = tpu.memref_slice %arg13[%parallel_loop3A_123, %parallel_loop3A_514, %parallel_loop3A_515] : memref<2x32x512xf32, #tpu.memory_space<vmem>> -> memref<1x32x512xf32, #tpu.memory_space<vmem>>
        %parallel_loop3A_517 = tpu.memref_squeeze %parallel_loop3A_516 : memref<1x32x512xf32, #tpu.memory_space<vmem>> -> memref<32x512xf32, #tpu.memory_space<vmem>>
        %parallel_loop3A_518 = arith.index_cast %parallel_loop3A_513 : i32 to index
        %parallel_loop3A_519 = arith.index_cast %parallel_loop3A_188 : i32 to index
        %parallel_loop3A_520 = tpu.vector_load %parallel_loop3A_517[%parallel_loop3A_518, %parallel_loop3A_519] {strides = array<i32>} : memref<32x512xf32, #tpu.memory_space<vmem>>, vector<16xf32>,
        tpu.vector_store %parallel_loop3A_517[%parallel_loop3A_518, %parallel_loop3A_519], %parallel_loop3A_512 {strides = array<i32>} : memref<32x512xf32, #tpu.memory_space<vmem>>, vector<16xf32>,
        %parallel_loop3A_521 = arith.constant 55296 : i32
        %parallel_loop3A_522 = vector.broadcast %parallel_loop3A_521 : i32 to vector<16xi32>
        %parallel_loop3A_523 = arith.addi %parallel_loop3A_196, %parallel_loop3A_522 : vector<16xi32>
        %parallel_loop3A_524 = tpu.vector_load_idx %arg11[%parallel_loop3A_523] : memref<65536xf32, #tpu.memory_space<vmem>>[vector<16xi32>], vector<16xf32>,
        %parallel_loop3A_525 = arith.constant 27 : i32
        %parallel_loop3A_526 = arith.constant 0 : i32
        %parallel_loop3A_527 = arith.constant 0 : i32
        %parallel_loop3A_528 = tpu.memref_slice %arg13[%parallel_loop3A_123, %parallel_loop3A_526, %parallel_loop3A_527] : memref<2x32x512xf32, #tpu.memory_space<vmem>> -> memref<1x32x512xf32, #tpu.memory_space<vmem>>
        %parallel_loop3A_529 = tpu.memref_squeeze %parallel_loop3A_528 : memref<1x32x512xf32, #tpu.memory_space<vmem>> -> memref<32x512xf32, #tpu.memory_space<vmem>>
        %parallel_loop3A_530 = arith.index_cast %parallel_loop3A_525 : i32 to index
        %parallel_loop3A_531 = arith.index_cast %parallel_loop3A_188 : i32 to index
        %parallel_loop3A_532 = tpu.vector_load %parallel_loop3A_529[%parallel_loop3A_530, %parallel_loop3A_531] {strides = array<i32>} : memref<32x512xf32, #tpu.memory_space<vmem>>, vector<16xf32>,
        tpu.vector_store %parallel_loop3A_529[%parallel_loop3A_530, %parallel_loop3A_531], %parallel_loop3A_524 {strides = array<i32>} : memref<32x512xf32, #tpu.memory_space<vmem>>, vector<16xf32>,
        %parallel_loop3A_533 = arith.constant 57344 : i32
        %parallel_loop3A_534 = vector.broadcast %parallel_loop3A_533 : i32 to vector<16xi32>
        %parallel_loop3A_535 = arith.addi %parallel_loop3A_196, %parallel_loop3A_534 : vector<16xi32>
        %parallel_loop3A_536 = tpu.vector_load_idx %arg11[%parallel_loop3A_535] : memref<65536xf32, #tpu.memory_space<vmem>>[vector<16xi32>], vector<16xf32>,
        %parallel_loop3A_537 = arith.constant 28 : i32
        %parallel_loop3A_538 = arith.constant 0 : i32
        %parallel_loop3A_539 = arith.constant 0 : i32
        %parallel_loop3A_540 = tpu.memref_slice %arg13[%parallel_loop3A_123, %parallel_loop3A_538, %parallel_loop3A_539] : memref<2x32x512xf32, #tpu.memory_space<vmem>> -> memref<1x32x512xf32, #tpu.memory_space<vmem>>
        %parallel_loop3A_541 = tpu.memref_squeeze %parallel_loop3A_540 : memref<1x32x512xf32, #tpu.memory_space<vmem>> -> memref<32x512xf32, #tpu.memory_space<vmem>>
        %parallel_loop3A_542 = arith.index_cast %parallel_loop3A_537 : i32 to index
        %parallel_loop3A_543 = arith.index_cast %parallel_loop3A_188 : i32 to index
        %parallel_loop3A_544 = tpu.vector_load %parallel_loop3A_541[%parallel_loop3A_542, %parallel_loop3A_543] {strides = array<i32>} : memref<32x512xf32, #tpu.memory_space<vmem>>, vector<16xf32>,
        tpu.vector_store %parallel_loop3A_541[%parallel_loop3A_542, %parallel_loop3A_543], %parallel_loop3A_536 {strides = array<i32>} : memref<32x512xf32, #tpu.memory_space<vmem>>, vector<16xf32>,
        %parallel_loop3A_545 = arith.constant 59392 : i32
        %parallel_loop3A_546 = vector.broadcast %parallel_loop3A_545 : i32 to vector<16xi32>
        %parallel_loop3A_547 = arith.addi %parallel_loop3A_196, %parallel_loop3A_546 : vector<16xi32>
        %parallel_loop3A_548 = tpu.vector_load_idx %arg11[%parallel_loop3A_547] : memref<65536xf32, #tpu.memory_space<vmem>>[vector<16xi32>], vector<16xf32>,
        %parallel_loop3A_549 = arith.constant 29 : i32
        %parallel_loop3A_550 = arith.constant 0 : i32
        %parallel_loop3A_551 = arith.constant 0 : i32
        %parallel_loop3A_552 = tpu.memref_slice %arg13[%parallel_loop3A_123, %parallel_loop3A_550, %parallel_loop3A_551] : memref<2x32x512xf32, #tpu.memory_space<vmem>> -> memref<1x32x512xf32, #tpu.memory_space<vmem>>
        %parallel_loop3A_553 = tpu.memref_squeeze %parallel_loop3A_552 : memref<1x32x512xf32, #tpu.memory_space<vmem>> -> memref<32x512xf32, #tpu.memory_space<vmem>>
        %parallel_loop3A_554 = arith.index_cast %parallel_loop3A_549 : i32 to index
        %parallel_loop3A_555 = arith.index_cast %parallel_loop3A_188 : i32 to index
        %parallel_loop3A_556 = tpu.vector_load %parallel_loop3A_553[%parallel_loop3A_554, %parallel_loop3A_555] {strides = array<i32>} : memref<32x512xf32, #tpu.memory_space<vmem>>, vector<16xf32>,
        tpu.vector_store %parallel_loop3A_553[%parallel_loop3A_554, %parallel_loop3A_555], %parallel_loop3A_548 {strides = array<i32>} : memref<32x512xf32, #tpu.memory_space<vmem>>, vector<16xf32>,
        %parallel_loop3A_557 = arith.constant 61440 : i32
        %parallel_loop3A_558 = vector.broadcast %parallel_loop3A_557 : i32 to vector<16xi32>
        %parallel_loop3A_559 = arith.addi %parallel_loop3A_196, %parallel_loop3A_558 : vector<16xi32>
        %parallel_loop3A_560 = tpu.vector_load_idx %arg11[%parallel_loop3A_559] : memref<65536xf32, #tpu.memory_space<vmem>>[vector<16xi32>], vector<16xf32>,
        %parallel_loop3A_561 = arith.constant 30 : i32
        %parallel_loop3A_562 = arith.constant 0 : i32
        %parallel_loop3A_563 = arith.constant 0 : i32
        %parallel_loop3A_564 = tpu.memref_slice %arg13[%parallel_loop3A_123, %parallel_loop3A_562, %parallel_loop3A_563] : memref<2x32x512xf32, #tpu.memory_space<vmem>> -> memref<1x32x512xf32, #tpu.memory_space<vmem>>
        %parallel_loop3A_565 = tpu.memref_squeeze %parallel_loop3A_564 : memref<1x32x512xf32, #tpu.memory_space<vmem>> -> memref<32x512xf32, #tpu.memory_space<vmem>>
        %parallel_loop3A_566 = arith.index_cast %parallel_loop3A_561 : i32 to index
        %parallel_loop3A_567 = arith.index_cast %parallel_loop3A_188 : i32 to index
        %parallel_loop3A_568 = tpu.vector_load %parallel_loop3A_565[%parallel_loop3A_566, %parallel_loop3A_567] {strides = array<i32>} : memref<32x512xf32, #tpu.memory_space<vmem>>, vector<16xf32>,
        tpu.vector_store %parallel_loop3A_565[%parallel_loop3A_566, %parallel_loop3A_567], %parallel_loop3A_560 {strides = array<i32>} : memref<32x512xf32, #tpu.memory_space<vmem>>, vector<16xf32>,
        %parallel_loop3A_569 = arith.constant 63488 : i32
        %parallel_loop3A_570 = vector.broadcast %parallel_loop3A_569 : i32 to vector<16xi32>
        %parallel_loop3A_571 = arith.addi %parallel_loop3A_196, %parallel_loop3A_570 : vector<16xi32>
        %parallel_loop3A_572 = tpu.vector_load_idx %arg11[%parallel_loop3A_571] : memref<65536xf32, #tpu.memory_space<vmem>>[vector<16xi32>], vector<16xf32>,
        %parallel_loop3A_573 = arith.constant 31 : i32
        %parallel_loop3A_574 = arith.constant 0 : i32
        %parallel_loop3A_575 = arith.constant 0 : i32
        %parallel_loop3A_576 = tpu.memref_slice %arg13[%parallel_loop3A_123, %parallel_loop3A_574, %parallel_loop3A_575] : memref<2x32x512xf32, #tpu.memory_space<vmem>> -> memref<1x32x512xf32, #tpu.memory_space<vmem>>
        %parallel_loop3A_577 = tpu.memref_squeeze %parallel_loop3A_576 : memref<1x32x512xf32, #tpu.memory_space<vmem>> -> memref<32x512xf32, #tpu.memory_space<vmem>>
        %parallel_loop3A_578 = arith.index_cast %parallel_loop3A_573 : i32 to index
        %parallel_loop3A_579 = arith.index_cast %parallel_loop3A_188 : i32 to index
        %parallel_loop3A_580 = tpu.vector_load %parallel_loop3A_577[%parallel_loop3A_578, %parallel_loop3A_579] {strides = array<i32>} : memref<32x512xf32, #tpu.memory_space<vmem>>, vector<16xf32>,
        tpu.vector_store %parallel_loop3A_577[%parallel_loop3A_578, %parallel_loop3A_579], %parallel_loop3A_572 {strides = array<i32>} : memref<32x512xf32, #tpu.memory_space<vmem>>, vector<16xf32>,
      } {sc.loop_unroll_factor = 2 : i64, sc.parallel_access}
      %dma_start3A_124 = arith.constant 0 : i32
      %dma_start3A_125 = arith.constant 0 : i32
      %dma_start3A_126 = arith.constant 0 : i32
      %dma_start3A_127 = tpu.memref_slice %arg13[%dma_start3A_124, %dma_start3A_125, %dma_start3A_126] : memref<2x32x512xf32, #tpu.memory_space<vmem>> -> memref<1x32x512xf32, #tpu.memory_space<vmem>>
      %dma_start3A_128 = tpu.memref_squeeze %dma_start3A_127 : memref<1x32x512xf32, #tpu.memory_space<vmem>> -> memref<32x512xf32, #tpu.memory_space<vmem>>
      %dma_start3A_129 = arith.constant 0 : i32
      %dma_start3A_130 = tpu.memref_slice %arg6[%add3A_100, %dma_start3A_129, %mul3A_47] : memref<200x32x16384xf32, #tpu.memory_space<hbm>> -> memref<1x32x512xf32, #tpu.memory_space<hbm>>
      %dma_start3A_131 = tpu.memref_squeeze %dma_start3A_130 : memref<1x32x512xf32, #tpu.memory_space<hbm>> -> memref<32x512xf32, #tpu.memory_space<hbm>>
      %dma_start3A_132 = arith.constant 0 : i32
      %dma_start3A_133 = tpu.memref_slice %arg6[%add3A_100, %dma_start3A_132, %mul3A_47] : memref<200x32x16384xf32, #tpu.memory_space<hbm>> -> memref<1x32x512xf32, #tpu.memory_space<hbm>>
      %dma_start3A_134 = tpu.memref_squeeze %dma_start3A_133 : memref<1x32x512xf32, #tpu.memory_space<hbm>> -> memref<32x512xf32, #tpu.memory_space<hbm>>
      %dma_start3A_135 = arith.constant 0 : i32
      %dma_start3A_136 = arith.constant 0 : i32
      %dma_start3A_137 = tpu.memref_slice %arg13[%dma_start3A_124, %dma_start3A_135, %dma_start3A_136] : memref<2x32x512xf32, #tpu.memory_space<vmem>> -> memref<1x32x512xf32, #tpu.memory_space<vmem>>
      %dma_start3A_138 = tpu.memref_squeeze %dma_start3A_137 : memref<1x32x512xf32, #tpu.memory_space<vmem>> -> memref<32x512xf32, #tpu.memory_space<vmem>>
      tpu.enqueue_dma source(%dma_start3A_138 : memref<32x512xf32, #tpu.memory_space<vmem>>) target(%dma_start3A_134 : memref<32x512xf32, #tpu.memory_space<hbm>>) target_semaphore(%arg15 : memref<!tpu.dma_semaphore, #tpu.memory_space<semaphore_mem>>)
      %mul3A_139 = arith.constant 2 : i32
      %mul3A_140 = arith.muli %scan3A_96, %mul3A_139 : i32
      %add3A_141 = arith.constant 1 : i32
      %add3A_142 = arith.addi %mul3A_140, %add3A_141 : i32
      %dma_wait3A_143 = arith.constant 0 : i32
      %dma_wait3A_144 = arith.constant 1 : i32
      %dma_wait3A_145 = arith.constant 0 : i32
      %dma_wait3A_146 = tpu.memref_slice %arg12[%dma_wait3A_144, %dma_wait3A_145] : memref<2x512xi32, #tpu.memory_space<vmem>> -> memref<1x512xi32, #tpu.memory_space<vmem>>
      %dma_wait3A_147 = tpu.memref_squeeze %dma_wait3A_146 : memref<1x512xi32, #tpu.memory_space<vmem>> -> memref<512xi32, #tpu.memory_space<vmem>>
      %dma_wait3A_148 = tpu.memref_slice %arg2[%dma_wait3A_143, %mul3A_47] : memref<200x16384xi32, #tpu.memory_space<hbm>> -> memref<1x512xi32, #tpu.memory_space<hbm>>
      %dma_wait3A_149 = tpu.memref_squeeze %dma_wait3A_148 : memref<1x512xi32, #tpu.memory_space<hbm>> -> memref<512xi32, #tpu.memory_space<hbm>>
      %dma_wait3A_150 = arith.constant 0 : i32
      %dma_wait3A_151 = tpu.memref_slice %arg12[%dma_wait3A_144, %dma_wait3A_150] : memref<2x512xi32, #tpu.memory_space<vmem>> -> memref<1x512xi32, #tpu.memory_space<vmem>>
      %dma_wait3A_152 = tpu.memref_squeeze %dma_wait3A_151 : memref<1x512xi32, #tpu.memory_space<vmem>> -> memref<512xi32, #tpu.memory_space<vmem>>
      %dma_wait3A_153 = tpu.memref_slice %arg2[%dma_wait3A_143, %mul3A_47] : memref<200x16384xi32, #tpu.memory_space<hbm>> -> memref<1x512xi32, #tpu.memory_space<hbm>>
      %dma_wait3A_154 = tpu.memref_squeeze %dma_wait3A_153 : memref<1x512xi32, #tpu.memory_space<hbm>> -> memref<512xi32, #tpu.memory_space<hbm>>
      tpu.wait_dma2 semaphore(%arg14 : memref<!tpu.dma_semaphore, #tpu.memory_space<semaphore_mem>>) src(%dma_wait3A_154 : memref<512xi32, #tpu.memory_space<hbm>>) dst(%dma_wait3A_152 : memref<512xi32, #tpu.memory_space<vmem>>)
      %add3A_155 = arith.constant 1 : i32
      %add3A_156 = arith.addi %add3A_142, %add3A_155 : i32
      %lt3A_157 = arith.constant 200 : i32
      %lt3A_158 = arith.cmpi slt, %add3A_156, %lt3A_157 : i32
      %convert_element_type3A_159 = arith.extui %lt3A_158 : i1 to i32
      %cond3A_160 = arith.constant 0 : i32
      %cond3A_161 = arith.cmpi ne, %convert_element_type3A_159, %cond3A_160 : i32
      scf.if %cond3A_161 {
        %add3A_186 = arith.constant 1 : i32
        %add3A_187 = arith.addi %add3A_142, %add3A_186 : i32
        %dma_start3A_188 = arith.constant 0 : i32
        %dma_start3A_189 = arith.constant 0 : i32
        %dma_start3A_190 = tpu.memref_slice %arg12[%dma_start3A_188, %dma_start3A_189] : memref<2x512xi32, #tpu.memory_space<vmem>> -> memref<1x512xi32, #tpu.memory_space<vmem>>
        %dma_start3A_191 = tpu.memref_squeeze %dma_start3A_190 : memref<1x512xi32, #tpu.memory_space<vmem>> -> memref<512xi32, #tpu.memory_space<vmem>>
        %dma_start3A_192 = tpu.memref_slice %arg2[%add3A_187, %mul3A_47] : memref<200x16384xi32, #tpu.memory_space<hbm>> -> memref<1x512xi32, #tpu.memory_space<hbm>>
        %dma_start3A_193 = tpu.memref_squeeze %dma_start3A_192 : memref<1x512xi32, #tpu.memory_space<hbm>> -> memref<512xi32, #tpu.memory_space<hbm>>
        %dma_start3A_194 = arith.constant 0 : i32
        %dma_start3A_195 = tpu.memref_slice %arg12[%dma_start3A_188, %dma_start3A_194] : memref<2x512xi32, #tpu.memory_space<vmem>> -> memref<1x512xi32, #tpu.memory_space<vmem>>
        %dma_start3A_196 = tpu.memref_squeeze %dma_start3A_195 : memref<1x512xi32, #tpu.memory_space<vmem>> -> memref<512xi32, #tpu.memory_space<vmem>>
        %dma_start3A_197 = tpu.memref_slice %arg2[%add3A_187, %mul3A_47] : memref<200x16384xi32, #tpu.memory_space<hbm>> -> memref<1x512xi32, #tpu.memory_space<hbm>>
        %dma_start3A_198 = tpu.memref_squeeze %dma_start3A_197 : memref<1x512xi32, #tpu.memory_space<hbm>> -> memref<512xi32, #tpu.memory_space<hbm>>
        tpu.enqueue_dma source(%dma_start3A_198 : memref<512xi32, #tpu.memory_space<hbm>>) target(%dma_start3A_196 : memref<512xi32, #tpu.memory_space<vmem>>) target_semaphore(%arg14 : memref<!tpu.dma_semaphore, #tpu.memory_space<semaphore_mem>>)
      } else {
      }
      %ge3A_162 = arith.constant 2 : i32
      %ge3A_163 = arith.cmpi sge, %add3A_142, %ge3A_162 : i32
      %convert_element_type3A_164 = arith.extui %ge3A_163 : i1 to i32
      %cond3A_165 = arith.constant 0 : i32
      %cond3A_166 = arith.cmpi ne, %convert_element_type3A_164, %cond3A_165 : i32
      scf.if %cond3A_166 {
        %dma_wait3A_186 = arith.constant 0 : i32
        %dma_wait3A_187 = arith.constant 0 : i32
        %dma_wait3A_188 = arith.constant 0 : i32
        %dma_wait3A_189 = arith.constant 0 : i32
        %dma_wait3A_190 = tpu.memref_slice %arg13[%dma_wait3A_186, %dma_wait3A_188, %dma_wait3A_189] : memref<2x32x512xf32, #tpu.memory_space<vmem>> -> memref<1x32x512xf32, #tpu.memory_space<vmem>>
        %dma_wait3A_191 = tpu.memref_squeeze %dma_wait3A_190 : memref<1x32x512xf32, #tpu.memory_space<vmem>> -> memref<32x512xf32, #tpu.memory_space<vmem>>
        %dma_wait3A_192 = arith.constant 0 : i32
        %dma_wait3A_193 = tpu.memref_slice %arg6[%dma_wait3A_187, %dma_wait3A_192, %mul3A_47] : memref<200x32x16384xf32, #tpu.memory_space<hbm>> -> memref<1x32x512xf32, #tpu.memory_space<hbm>>
        %dma_wait3A_194 = tpu.memref_squeeze %dma_wait3A_193 : memref<1x32x512xf32, #tpu.memory_space<hbm>> -> memref<32x512xf32, #tpu.memory_space<hbm>>
        %dma_wait3A_195 = arith.constant 0 : i32
        %dma_wait3A_196 = tpu.memref_slice %arg6[%dma_wait3A_187, %dma_wait3A_195, %mul3A_47] : memref<200x32x16384xf32, #tpu.memory_space<hbm>> -> memref<1x32x512xf32, #tpu.memory_space<hbm>>
        %dma_wait3A_197 = tpu.memref_squeeze %dma_wait3A_196 : memref<1x32x512xf32, #tpu.memory_space<hbm>> -> memref<32x512xf32, #tpu.memory_space<hbm>>
        %dma_wait3A_198 = arith.constant 0 : i32
        %dma_wait3A_199 = arith.constant 0 : i32
        %dma_wait3A_200 = tpu.memref_slice %arg13[%dma_wait3A_186, %dma_wait3A_198, %dma_wait3A_199] : memref<2x32x512xf32, #tpu.memory_space<vmem>> -> memref<1x32x512xf32, #tpu.memory_space<vmem>>
        %dma_wait3A_201 = tpu.memref_squeeze %dma_wait3A_200 : memref<1x32x512xf32, #tpu.memory_space<vmem>> -> memref<32x512xf32, #tpu.memory_space<vmem>>
        tpu.wait_dma2 semaphore(%arg15 : memref<!tpu.dma_semaphore, #tpu.memory_space<semaphore_mem>>) src(%dma_wait3A_201 : memref<32x512xf32, #tpu.memory_space<vmem>>) dst(%dma_wait3A_197 : memref<32x512xf32, #tpu.memory_space<hbm>>)
      } else {
      }
      %parallel_loop3A_167 = arith.constant 0 : i32
      %parallel_loop3A_168 = arith.constant 32 : i32
      %parallel_loop3A_169 = arith.constant 1 : i32
      %parallel_loop3A_170 = arith.constant 1 : i32
      scf.for %parallel_loop3A_186 = %parallel_loop3A_167 to %parallel_loop3A_168 step %parallel_loop3A_169  : i32 {
        %parallel_loop3A_187 = arith.constant 16 : i32
        %parallel_loop3A_188 = arith.muli %parallel_loop3A_186, %parallel_loop3A_187 : i32
        %parallel_loop3A_189 = arith.constant 1 : i32
        %parallel_loop3A_190 = arith.index_cast %parallel_loop3A_189 : i32 to index
        %parallel_loop3A_191 = arith.index_cast %parallel_loop3A_188 : i32 to index
        %parallel_loop3A_192 = tpu.vector_load %arg12[%parallel_loop3A_190, %parallel_loop3A_191] {strides = array<i32>} : memref<2x512xi32, #tpu.memory_space<vmem>>, vector<16xi32>,
        %parallel_loop3A_193 = arith.constant 4 : i32
        %parallel_loop3A_194 = vector.broadcast %parallel_loop3A_193 : i32 to vector<16xi32>
        %parallel_loop3A_195 = arith.shli %parallel_loop3A_192, %parallel_loop3A_194 : vector<16xi32>
        %parallel_loop3A_196 = arith.addi %parallel_loop3A_195, %iota3A : vector<16xi32>
        %parallel_loop3A_197 = arith.constant 0 : i32
        %parallel_loop3A_198 = vector.broadcast %parallel_loop3A_197 : i32 to vector<16xi32>
        %parallel_loop3A_199 = arith.addi %parallel_loop3A_196, %parallel_loop3A_198 : vector<16xi32>
        %parallel_loop3A_200 = tpu.vector_load_idx %arg11[%parallel_loop3A_199] : memref<65536xf32, #tpu.memory_space<vmem>>[vector<16xi32>], vector<16xf32>,
        %parallel_loop3A_201 = arith.constant 0 : i32
        %parallel_loop3A_202 = arith.constant 0 : i32
        %parallel_loop3A_203 = arith.constant 0 : i32
        %parallel_loop3A_204 = tpu.memref_slice %arg13[%parallel_loop3A_170, %parallel_loop3A_202, %parallel_loop3A_203] : memref<2x32x512xf32, #tpu.memory_space<vmem>> -> memref<1x32x512xf32, #tpu.memory_space<vmem>>
        %parallel_loop3A_205 = tpu.memref_squeeze %parallel_loop3A_204 : memref<1x32x512xf32, #tpu.memory_space<vmem>> -> memref<32x512xf32, #tpu.memory_space<vmem>>
        %parallel_loop3A_206 = arith.index_cast %parallel_loop3A_201 : i32 to index
        %parallel_loop3A_207 = arith.index_cast %parallel_loop3A_188 : i32 to index
        %parallel_loop3A_208 = tpu.vector_load %parallel_loop3A_205[%parallel_loop3A_206, %parallel_loop3A_207] {strides = array<i32>} : memref<32x512xf32, #tpu.memory_space<vmem>>, vector<16xf32>,
        tpu.vector_store %parallel_loop3A_205[%parallel_loop3A_206, %parallel_loop3A_207], %parallel_loop3A_200 {strides = array<i32>} : memref<32x512xf32, #tpu.memory_space<vmem>>, vector<16xf32>,
        %parallel_loop3A_209 = arith.constant 2048 : i32
        %parallel_loop3A_210 = vector.broadcast %parallel_loop3A_209 : i32 to vector<16xi32>
        %parallel_loop3A_211 = arith.addi %parallel_loop3A_196, %parallel_loop3A_210 : vector<16xi32>
        %parallel_loop3A_212 = tpu.vector_load_idx %arg11[%parallel_loop3A_211] : memref<65536xf32, #tpu.memory_space<vmem>>[vector<16xi32>], vector<16xf32>,
        %parallel_loop3A_213 = arith.constant 1 : i32
        %parallel_loop3A_214 = arith.constant 0 : i32
        %parallel_loop3A_215 = arith.constant 0 : i32
        %parallel_loop3A_216 = tpu.memref_slice %arg13[%parallel_loop3A_170, %parallel_loop3A_214, %parallel_loop3A_215] : memref<2x32x512xf32, #tpu.memory_space<vmem>> -> memref<1x32x512xf32, #tpu.memory_space<vmem>>
        %parallel_loop3A_217 = tpu.memref_squeeze %parallel_loop3A_216 : memref<1x32x512xf32, #tpu.memory_space<vmem>> -> memref<32x512xf32, #tpu.memory_space<vmem>>
        %parallel_loop3A_218 = arith.index_cast %parallel_loop3A_213 : i32 to index
        %parallel_loop3A_219 = arith.index_cast %parallel_loop3A_188 : i32 to index
        %parallel_loop3A_220 = tpu.vector_load %parallel_loop3A_217[%parallel_loop3A_218, %parallel_loop3A_219] {strides = array<i32>} : memref<32x512xf32, #tpu.memory_space<vmem>>, vector<16xf32>,
        tpu.vector_store %parallel_loop3A_217[%parallel_loop3A_218, %parallel_loop3A_219], %parallel_loop3A_212 {strides = array<i32>} : memref<32x512xf32, #tpu.memory_space<vmem>>, vector<16xf32>,
        %parallel_loop3A_221 = arith.constant 4096 : i32
        %parallel_loop3A_222 = vector.broadcast %parallel_loop3A_221 : i32 to vector<16xi32>
        %parallel_loop3A_223 = arith.addi %parallel_loop3A_196, %parallel_loop3A_222 : vector<16xi32>
        %parallel_loop3A_224 = tpu.vector_load_idx %arg11[%parallel_loop3A_223] : memref<65536xf32, #tpu.memory_space<vmem>>[vector<16xi32>], vector<16xf32>,
        %parallel_loop3A_225 = arith.constant 2 : i32
        %parallel_loop3A_226 = arith.constant 0 : i32
        %parallel_loop3A_227 = arith.constant 0 : i32
        %parallel_loop3A_228 = tpu.memref_slice %arg13[%parallel_loop3A_170, %parallel_loop3A_226, %parallel_loop3A_227] : memref<2x32x512xf32, #tpu.memory_space<vmem>> -> memref<1x32x512xf32, #tpu.memory_space<vmem>>
        %parallel_loop3A_229 = tpu.memref_squeeze %parallel_loop3A_228 : memref<1x32x512xf32, #tpu.memory_space<vmem>> -> memref<32x512xf32, #tpu.memory_space<vmem>>
        %parallel_loop3A_230 = arith.index_cast %parallel_loop3A_225 : i32 to index
        %parallel_loop3A_231 = arith.index_cast %parallel_loop3A_188 : i32 to index
        %parallel_loop3A_232 = tpu.vector_load %parallel_loop3A_229[%parallel_loop3A_230, %parallel_loop3A_231] {strides = array<i32>} : memref<32x512xf32, #tpu.memory_space<vmem>>, vector<16xf32>,
        tpu.vector_store %parallel_loop3A_229[%parallel_loop3A_230, %parallel_loop3A_231], %parallel_loop3A_224 {strides = array<i32>} : memref<32x512xf32, #tpu.memory_space<vmem>>, vector<16xf32>,
        %parallel_loop3A_233 = arith.constant 6144 : i32
        %parallel_loop3A_234 = vector.broadcast %parallel_loop3A_233 : i32 to vector<16xi32>
        %parallel_loop3A_235 = arith.addi %parallel_loop3A_196, %parallel_loop3A_234 : vector<16xi32>
        %parallel_loop3A_236 = tpu.vector_load_idx %arg11[%parallel_loop3A_235] : memref<65536xf32, #tpu.memory_space<vmem>>[vector<16xi32>], vector<16xf32>,
        %parallel_loop3A_237 = arith.constant 3 : i32
        %parallel_loop3A_238 = arith.constant 0 : i32
        %parallel_loop3A_239 = arith.constant 0 : i32
        %parallel_loop3A_240 = tpu.memref_slice %arg13[%parallel_loop3A_170, %parallel_loop3A_238, %parallel_loop3A_239] : memref<2x32x512xf32, #tpu.memory_space<vmem>> -> memref<1x32x512xf32, #tpu.memory_space<vmem>>
        %parallel_loop3A_241 = tpu.memref_squeeze %parallel_loop3A_240 : memref<1x32x512xf32, #tpu.memory_space<vmem>> -> memref<32x512xf32, #tpu.memory_space<vmem>>
        %parallel_loop3A_242 = arith.index_cast %parallel_loop3A_237 : i32 to index
        %parallel_loop3A_243 = arith.index_cast %parallel_loop3A_188 : i32 to index
        %parallel_loop3A_244 = tpu.vector_load %parallel_loop3A_241[%parallel_loop3A_242, %parallel_loop3A_243] {strides = array<i32>} : memref<32x512xf32, #tpu.memory_space<vmem>>, vector<16xf32>,
        tpu.vector_store %parallel_loop3A_241[%parallel_loop3A_242, %parallel_loop3A_243], %parallel_loop3A_236 {strides = array<i32>} : memref<32x512xf32, #tpu.memory_space<vmem>>, vector<16xf32>,
        %parallel_loop3A_245 = arith.constant 8192 : i32
        %parallel_loop3A_246 = vector.broadcast %parallel_loop3A_245 : i32 to vector<16xi32>
        %parallel_loop3A_247 = arith.addi %parallel_loop3A_196, %parallel_loop3A_246 : vector<16xi32>
        %parallel_loop3A_248 = tpu.vector_load_idx %arg11[%parallel_loop3A_247] : memref<65536xf32, #tpu.memory_space<vmem>>[vector<16xi32>], vector<16xf32>,
        %parallel_loop3A_249 = arith.constant 4 : i32
        %parallel_loop3A_250 = arith.constant 0 : i32
        %parallel_loop3A_251 = arith.constant 0 : i32
        %parallel_loop3A_252 = tpu.memref_slice %arg13[%parallel_loop3A_170, %parallel_loop3A_250, %parallel_loop3A_251] : memref<2x32x512xf32, #tpu.memory_space<vmem>> -> memref<1x32x512xf32, #tpu.memory_space<vmem>>
        %parallel_loop3A_253 = tpu.memref_squeeze %parallel_loop3A_252 : memref<1x32x512xf32, #tpu.memory_space<vmem>> -> memref<32x512xf32, #tpu.memory_space<vmem>>
        %parallel_loop3A_254 = arith.index_cast %parallel_loop3A_249 : i32 to index
        %parallel_loop3A_255 = arith.index_cast %parallel_loop3A_188 : i32 to index
        %parallel_loop3A_256 = tpu.vector_load %parallel_loop3A_253[%parallel_loop3A_254, %parallel_loop3A_255] {strides = array<i32>} : memref<32x512xf32, #tpu.memory_space<vmem>>, vector<16xf32>,
        tpu.vector_store %parallel_loop3A_253[%parallel_loop3A_254, %parallel_loop3A_255], %parallel_loop3A_248 {strides = array<i32>} : memref<32x512xf32, #tpu.memory_space<vmem>>, vector<16xf32>,
        %parallel_loop3A_257 = arith.constant 10240 : i32
        %parallel_loop3A_258 = vector.broadcast %parallel_loop3A_257 : i32 to vector<16xi32>
        %parallel_loop3A_259 = arith.addi %parallel_loop3A_196, %parallel_loop3A_258 : vector<16xi32>
        %parallel_loop3A_260 = tpu.vector_load_idx %arg11[%parallel_loop3A_259] : memref<65536xf32, #tpu.memory_space<vmem>>[vector<16xi32>], vector<16xf32>,
        %parallel_loop3A_261 = arith.constant 5 : i32
        %parallel_loop3A_262 = arith.constant 0 : i32
        %parallel_loop3A_263 = arith.constant 0 : i32
        %parallel_loop3A_264 = tpu.memref_slice %arg13[%parallel_loop3A_170, %parallel_loop3A_262, %parallel_loop3A_263] : memref<2x32x512xf32, #tpu.memory_space<vmem>> -> memref<1x32x512xf32, #tpu.memory_space<vmem>>
        %parallel_loop3A_265 = tpu.memref_squeeze %parallel_loop3A_264 : memref<1x32x512xf32, #tpu.memory_space<vmem>> -> memref<32x512xf32, #tpu.memory_space<vmem>>
        %parallel_loop3A_266 = arith.index_cast %parallel_loop3A_261 : i32 to index
        %parallel_loop3A_267 = arith.index_cast %parallel_loop3A_188 : i32 to index
        %parallel_loop3A_268 = tpu.vector_load %parallel_loop3A_265[%parallel_loop3A_266, %parallel_loop3A_267] {strides = array<i32>} : memref<32x512xf32, #tpu.memory_space<vmem>>, vector<16xf32>,
        tpu.vector_store %parallel_loop3A_265[%parallel_loop3A_266, %parallel_loop3A_267], %parallel_loop3A_260 {strides = array<i32>} : memref<32x512xf32, #tpu.memory_space<vmem>>, vector<16xf32>,
        %parallel_loop3A_269 = arith.constant 12288 : i32
        %parallel_loop3A_270 = vector.broadcast %parallel_loop3A_269 : i32 to vector<16xi32>
        %parallel_loop3A_271 = arith.addi %parallel_loop3A_196, %parallel_loop3A_270 : vector<16xi32>
        %parallel_loop3A_272 = tpu.vector_load_idx %arg11[%parallel_loop3A_271] : memref<65536xf32, #tpu.memory_space<vmem>>[vector<16xi32>], vector<16xf32>,
        %parallel_loop3A_273 = arith.constant 6 : i32
        %parallel_loop3A_274 = arith.constant 0 : i32
        %parallel_loop3A_275 = arith.constant 0 : i32
        %parallel_loop3A_276 = tpu.memref_slice %arg13[%parallel_loop3A_170, %parallel_loop3A_274, %parallel_loop3A_275] : memref<2x32x512xf32, #tpu.memory_space<vmem>> -> memref<1x32x512xf32, #tpu.memory_space<vmem>>
        %parallel_loop3A_277 = tpu.memref_squeeze %parallel_loop3A_276 : memref<1x32x512xf32, #tpu.memory_space<vmem>> -> memref<32x512xf32, #tpu.memory_space<vmem>>
        %parallel_loop3A_278 = arith.index_cast %parallel_loop3A_273 : i32 to index
        %parallel_loop3A_279 = arith.index_cast %parallel_loop3A_188 : i32 to index
        %parallel_loop3A_280 = tpu.vector_load %parallel_loop3A_277[%parallel_loop3A_278, %parallel_loop3A_279] {strides = array<i32>} : memref<32x512xf32, #tpu.memory_space<vmem>>, vector<16xf32>,
        tpu.vector_store %parallel_loop3A_277[%parallel_loop3A_278, %parallel_loop3A_279], %parallel_loop3A_272 {strides = array<i32>} : memref<32x512xf32, #tpu.memory_space<vmem>>, vector<16xf32>,
        %parallel_loop3A_281 = arith.constant 14336 : i32
        %parallel_loop3A_282 = vector.broadcast %parallel_loop3A_281 : i32 to vector<16xi32>
        %parallel_loop3A_283 = arith.addi %parallel_loop3A_196, %parallel_loop3A_282 : vector<16xi32>
        %parallel_loop3A_284 = tpu.vector_load_idx %arg11[%parallel_loop3A_283] : memref<65536xf32, #tpu.memory_space<vmem>>[vector<16xi32>], vector<16xf32>,
        %parallel_loop3A_285 = arith.constant 7 : i32
        %parallel_loop3A_286 = arith.constant 0 : i32
        %parallel_loop3A_287 = arith.constant 0 : i32
        %parallel_loop3A_288 = tpu.memref_slice %arg13[%parallel_loop3A_170, %parallel_loop3A_286, %parallel_loop3A_287] : memref<2x32x512xf32, #tpu.memory_space<vmem>> -> memref<1x32x512xf32, #tpu.memory_space<vmem>>
        %parallel_loop3A_289 = tpu.memref_squeeze %parallel_loop3A_288 : memref<1x32x512xf32, #tpu.memory_space<vmem>> -> memref<32x512xf32, #tpu.memory_space<vmem>>
        %parallel_loop3A_290 = arith.index_cast %parallel_loop3A_285 : i32 to index
        %parallel_loop3A_291 = arith.index_cast %parallel_loop3A_188 : i32 to index
        %parallel_loop3A_292 = tpu.vector_load %parallel_loop3A_289[%parallel_loop3A_290, %parallel_loop3A_291] {strides = array<i32>} : memref<32x512xf32, #tpu.memory_space<vmem>>, vector<16xf32>,
        tpu.vector_store %parallel_loop3A_289[%parallel_loop3A_290, %parallel_loop3A_291], %parallel_loop3A_284 {strides = array<i32>} : memref<32x512xf32, #tpu.memory_space<vmem>>, vector<16xf32>,
        %parallel_loop3A_293 = arith.constant 16384 : i32
        %parallel_loop3A_294 = vector.broadcast %parallel_loop3A_293 : i32 to vector<16xi32>
        %parallel_loop3A_295 = arith.addi %parallel_loop3A_196, %parallel_loop3A_294 : vector<16xi32>
        %parallel_loop3A_296 = tpu.vector_load_idx %arg11[%parallel_loop3A_295] : memref<65536xf32, #tpu.memory_space<vmem>>[vector<16xi32>], vector<16xf32>,
        %parallel_loop3A_297 = arith.constant 8 : i32
        %parallel_loop3A_298 = arith.constant 0 : i32
        %parallel_loop3A_299 = arith.constant 0 : i32
        %parallel_loop3A_300 = tpu.memref_slice %arg13[%parallel_loop3A_170, %parallel_loop3A_298, %parallel_loop3A_299] : memref<2x32x512xf32, #tpu.memory_space<vmem>> -> memref<1x32x512xf32, #tpu.memory_space<vmem>>
        %parallel_loop3A_301 = tpu.memref_squeeze %parallel_loop3A_300 : memref<1x32x512xf32, #tpu.memory_space<vmem>> -> memref<32x512xf32, #tpu.memory_space<vmem>>
        %parallel_loop3A_302 = arith.index_cast %parallel_loop3A_297 : i32 to index
        %parallel_loop3A_303 = arith.index_cast %parallel_loop3A_188 : i32 to index
        %parallel_loop3A_304 = tpu.vector_load %parallel_loop3A_301[%parallel_loop3A_302, %parallel_loop3A_303] {strides = array<i32>} : memref<32x512xf32, #tpu.memory_space<vmem>>, vector<16xf32>,
        tpu.vector_store %parallel_loop3A_301[%parallel_loop3A_302, %parallel_loop3A_303], %parallel_loop3A_296 {strides = array<i32>} : memref<32x512xf32, #tpu.memory_space<vmem>>, vector<16xf32>,
        %parallel_loop3A_305 = arith.constant 18432 : i32
        %parallel_loop3A_306 = vector.broadcast %parallel_loop3A_305 : i32 to vector<16xi32>
        %parallel_loop3A_307 = arith.addi %parallel_loop3A_196, %parallel_loop3A_306 : vector<16xi32>
        %parallel_loop3A_308 = tpu.vector_load_idx %arg11[%parallel_loop3A_307] : memref<65536xf32, #tpu.memory_space<vmem>>[vector<16xi32>], vector<16xf32>,
        %parallel_loop3A_309 = arith.constant 9 : i32
        %parallel_loop3A_310 = arith.constant 0 : i32
        %parallel_loop3A_311 = arith.constant 0 : i32
        %parallel_loop3A_312 = tpu.memref_slice %arg13[%parallel_loop3A_170, %parallel_loop3A_310, %parallel_loop3A_311] : memref<2x32x512xf32, #tpu.memory_space<vmem>> -> memref<1x32x512xf32, #tpu.memory_space<vmem>>
        %parallel_loop3A_313 = tpu.memref_squeeze %parallel_loop3A_312 : memref<1x32x512xf32, #tpu.memory_space<vmem>> -> memref<32x512xf32, #tpu.memory_space<vmem>>
        %parallel_loop3A_314 = arith.index_cast %parallel_loop3A_309 : i32 to index
        %parallel_loop3A_315 = arith.index_cast %parallel_loop3A_188 : i32 to index
        %parallel_loop3A_316 = tpu.vector_load %parallel_loop3A_313[%parallel_loop3A_314, %parallel_loop3A_315] {strides = array<i32>} : memref<32x512xf32, #tpu.memory_space<vmem>>, vector<16xf32>,
        tpu.vector_store %parallel_loop3A_313[%parallel_loop3A_314, %parallel_loop3A_315], %parallel_loop3A_308 {strides = array<i32>} : memref<32x512xf32, #tpu.memory_space<vmem>>, vector<16xf32>,
        %parallel_loop3A_317 = arith.constant 20480 : i32
        %parallel_loop3A_318 = vector.broadcast %parallel_loop3A_317 : i32 to vector<16xi32>
        %parallel_loop3A_319 = arith.addi %parallel_loop3A_196, %parallel_loop3A_318 : vector<16xi32>
        %parallel_loop3A_320 = tpu.vector_load_idx %arg11[%parallel_loop3A_319] : memref<65536xf32, #tpu.memory_space<vmem>>[vector<16xi32>], vector<16xf32>,
        %parallel_loop3A_321 = arith.constant 10 : i32
        %parallel_loop3A_322 = arith.constant 0 : i32
        %parallel_loop3A_323 = arith.constant 0 : i32
        %parallel_loop3A_324 = tpu.memref_slice %arg13[%parallel_loop3A_170, %parallel_loop3A_322, %parallel_loop3A_323] : memref<2x32x512xf32, #tpu.memory_space<vmem>> -> memref<1x32x512xf32, #tpu.memory_space<vmem>>
        %parallel_loop3A_325 = tpu.memref_squeeze %parallel_loop3A_324 : memref<1x32x512xf32, #tpu.memory_space<vmem>> -> memref<32x512xf32, #tpu.memory_space<vmem>>
        %parallel_loop3A_326 = arith.index_cast %parallel_loop3A_321 : i32 to index
        %parallel_loop3A_327 = arith.index_cast %parallel_loop3A_188 : i32 to index
        %parallel_loop3A_328 = tpu.vector_load %parallel_loop3A_325[%parallel_loop3A_326, %parallel_loop3A_327] {strides = array<i32>} : memref<32x512xf32, #tpu.memory_space<vmem>>, vector<16xf32>,
        tpu.vector_store %parallel_loop3A_325[%parallel_loop3A_326, %parallel_loop3A_327], %parallel_loop3A_320 {strides = array<i32>} : memref<32x512xf32, #tpu.memory_space<vmem>>, vector<16xf32>,
        %parallel_loop3A_329 = arith.constant 22528 : i32
        %parallel_loop3A_330 = vector.broadcast %parallel_loop3A_329 : i32 to vector<16xi32>
        %parallel_loop3A_331 = arith.addi %parallel_loop3A_196, %parallel_loop3A_330 : vector<16xi32>
        %parallel_loop3A_332 = tpu.vector_load_idx %arg11[%parallel_loop3A_331] : memref<65536xf32, #tpu.memory_space<vmem>>[vector<16xi32>], vector<16xf32>,
        %parallel_loop3A_333 = arith.constant 11 : i32
        %parallel_loop3A_334 = arith.constant 0 : i32
        %parallel_loop3A_335 = arith.constant 0 : i32
        %parallel_loop3A_336 = tpu.memref_slice %arg13[%parallel_loop3A_170, %parallel_loop3A_334, %parallel_loop3A_335] : memref<2x32x512xf32, #tpu.memory_space<vmem>> -> memref<1x32x512xf32, #tpu.memory_space<vmem>>
        %parallel_loop3A_337 = tpu.memref_squeeze %parallel_loop3A_336 : memref<1x32x512xf32, #tpu.memory_space<vmem>> -> memref<32x512xf32, #tpu.memory_space<vmem>>
        %parallel_loop3A_338 = arith.index_cast %parallel_loop3A_333 : i32 to index
        %parallel_loop3A_339 = arith.index_cast %parallel_loop3A_188 : i32 to index
        %parallel_loop3A_340 = tpu.vector_load %parallel_loop3A_337[%parallel_loop3A_338, %parallel_loop3A_339] {strides = array<i32>} : memref<32x512xf32, #tpu.memory_space<vmem>>, vector<16xf32>,
        tpu.vector_store %parallel_loop3A_337[%parallel_loop3A_338, %parallel_loop3A_339], %parallel_loop3A_332 {strides = array<i32>} : memref<32x512xf32, #tpu.memory_space<vmem>>, vector<16xf32>,
        %parallel_loop3A_341 = arith.constant 24576 : i32
        %parallel_loop3A_342 = vector.broadcast %parallel_loop3A_341 : i32 to vector<16xi32>
        %parallel_loop3A_343 = arith.addi %parallel_loop3A_196, %parallel_loop3A_342 : vector<16xi32>
        %parallel_loop3A_344 = tpu.vector_load_idx %arg11[%parallel_loop3A_343] : memref<65536xf32, #tpu.memory_space<vmem>>[vector<16xi32>], vector<16xf32>,
        %parallel_loop3A_345 = arith.constant 12 : i32
        %parallel_loop3A_346 = arith.constant 0 : i32
        %parallel_loop3A_347 = arith.constant 0 : i32
        %parallel_loop3A_348 = tpu.memref_slice %arg13[%parallel_loop3A_170, %parallel_loop3A_346, %parallel_loop3A_347] : memref<2x32x512xf32, #tpu.memory_space<vmem>> -> memref<1x32x512xf32, #tpu.memory_space<vmem>>
        %parallel_loop3A_349 = tpu.memref_squeeze %parallel_loop3A_348 : memref<1x32x512xf32, #tpu.memory_space<vmem>> -> memref<32x512xf32, #tpu.memory_space<vmem>>
        %parallel_loop3A_350 = arith.index_cast %parallel_loop3A_345 : i32 to index
        %parallel_loop3A_351 = arith.index_cast %parallel_loop3A_188 : i32 to index
        %parallel_loop3A_352 = tpu.vector_load %parallel_loop3A_349[%parallel_loop3A_350, %parallel_loop3A_351] {strides = array<i32>} : memref<32x512xf32, #tpu.memory_space<vmem>>, vector<16xf32>,
        tpu.vector_store %parallel_loop3A_349[%parallel_loop3A_350, %parallel_loop3A_351], %parallel_loop3A_344 {strides = array<i32>} : memref<32x512xf32, #tpu.memory_space<vmem>>, vector<16xf32>,
        %parallel_loop3A_353 = arith.constant 26624 : i32
        %parallel_loop3A_354 = vector.broadcast %parallel_loop3A_353 : i32 to vector<16xi32>
        %parallel_loop3A_355 = arith.addi %parallel_loop3A_196, %parallel_loop3A_354 : vector<16xi32>
        %parallel_loop3A_356 = tpu.vector_load_idx %arg11[%parallel_loop3A_355] : memref<65536xf32, #tpu.memory_space<vmem>>[vector<16xi32>], vector<16xf32>,
        %parallel_loop3A_357 = arith.constant 13 : i32
        %parallel_loop3A_358 = arith.constant 0 : i32
        %parallel_loop3A_359 = arith.constant 0 : i32
        %parallel_loop3A_360 = tpu.memref_slice %arg13[%parallel_loop3A_170, %parallel_loop3A_358, %parallel_loop3A_359] : memref<2x32x512xf32, #tpu.memory_space<vmem>> -> memref<1x32x512xf32, #tpu.memory_space<vmem>>
        %parallel_loop3A_361 = tpu.memref_squeeze %parallel_loop3A_360 : memref<1x32x512xf32, #tpu.memory_space<vmem>> -> memref<32x512xf32, #tpu.memory_space<vmem>>
        %parallel_loop3A_362 = arith.index_cast %parallel_loop3A_357 : i32 to index
        %parallel_loop3A_363 = arith.index_cast %parallel_loop3A_188 : i32 to index
        %parallel_loop3A_364 = tpu.vector_load %parallel_loop3A_361[%parallel_loop3A_362, %parallel_loop3A_363] {strides = array<i32>} : memref<32x512xf32, #tpu.memory_space<vmem>>, vector<16xf32>,
        tpu.vector_store %parallel_loop3A_361[%parallel_loop3A_362, %parallel_loop3A_363], %parallel_loop3A_356 {strides = array<i32>} : memref<32x512xf32, #tpu.memory_space<vmem>>, vector<16xf32>,
        %parallel_loop3A_365 = arith.constant 28672 : i32
        %parallel_loop3A_366 = vector.broadcast %parallel_loop3A_365 : i32 to vector<16xi32>
        %parallel_loop3A_367 = arith.addi %parallel_loop3A_196, %parallel_loop3A_366 : vector<16xi32>
        %parallel_loop3A_368 = tpu.vector_load_idx %arg11[%parallel_loop3A_367] : memref<65536xf32, #tpu.memory_space<vmem>>[vector<16xi32>], vector<16xf32>,
        %parallel_loop3A_369 = arith.constant 14 : i32
        %parallel_loop3A_370 = arith.constant 0 : i32
        %parallel_loop3A_371 = arith.constant 0 : i32
        %parallel_loop3A_372 = tpu.memref_slice %arg13[%parallel_loop3A_170, %parallel_loop3A_370, %parallel_loop3A_371] : memref<2x32x512xf32, #tpu.memory_space<vmem>> -> memref<1x32x512xf32, #tpu.memory_space<vmem>>
        %parallel_loop3A_373 = tpu.memref_squeeze %parallel_loop3A_372 : memref<1x32x512xf32, #tpu.memory_space<vmem>> -> memref<32x512xf32, #tpu.memory_space<vmem>>
        %parallel_loop3A_374 = arith.index_cast %parallel_loop3A_369 : i32 to index
        %parallel_loop3A_375 = arith.index_cast %parallel_loop3A_188 : i32 to index
        %parallel_loop3A_376 = tpu.vector_load %parallel_loop3A_373[%parallel_loop3A_374, %parallel_loop3A_375] {strides = array<i32>} : memref<32x512xf32, #tpu.memory_space<vmem>>, vector<16xf32>,
        tpu.vector_store %parallel_loop3A_373[%parallel_loop3A_374, %parallel_loop3A_375], %parallel_loop3A_368 {strides = array<i32>} : memref<32x512xf32, #tpu.memory_space<vmem>>, vector<16xf32>,
        %parallel_loop3A_377 = arith.constant 30720 : i32
        %parallel_loop3A_378 = vector.broadcast %parallel_loop3A_377 : i32 to vector<16xi32>
        %parallel_loop3A_379 = arith.addi %parallel_loop3A_196, %parallel_loop3A_378 : vector<16xi32>
        %parallel_loop3A_380 = tpu.vector_load_idx %arg11[%parallel_loop3A_379] : memref<65536xf32, #tpu.memory_space<vmem>>[vector<16xi32>], vector<16xf32>,
        %parallel_loop3A_381 = arith.constant 15 : i32
        %parallel_loop3A_382 = arith.constant 0 : i32
        %parallel_loop3A_383 = arith.constant 0 : i32
        %parallel_loop3A_384 = tpu.memref_slice %arg13[%parallel_loop3A_170, %parallel_loop3A_382, %parallel_loop3A_383] : memref<2x32x512xf32, #tpu.memory_space<vmem>> -> memref<1x32x512xf32, #tpu.memory_space<vmem>>
        %parallel_loop3A_385 = tpu.memref_squeeze %parallel_loop3A_384 : memref<1x32x512xf32, #tpu.memory_space<vmem>> -> memref<32x512xf32, #tpu.memory_space<vmem>>
        %parallel_loop3A_386 = arith.index_cast %parallel_loop3A_381 : i32 to index
        %parallel_loop3A_387 = arith.index_cast %parallel_loop3A_188 : i32 to index
        %parallel_loop3A_388 = tpu.vector_load %parallel_loop3A_385[%parallel_loop3A_386, %parallel_loop3A_387] {strides = array<i32>} : memref<32x512xf32, #tpu.memory_space<vmem>>, vector<16xf32>,
        tpu.vector_store %parallel_loop3A_385[%parallel_loop3A_386, %parallel_loop3A_387], %parallel_loop3A_380 {strides = array<i32>} : memref<32x512xf32, #tpu.memory_space<vmem>>, vector<16xf32>,
        %parallel_loop3A_389 = arith.constant 32768 : i32
        %parallel_loop3A_390 = vector.broadcast %parallel_loop3A_389 : i32 to vector<16xi32>
        %parallel_loop3A_391 = arith.addi %parallel_loop3A_196, %parallel_loop3A_390 : vector<16xi32>
        %parallel_loop3A_392 = tpu.vector_load_idx %arg11[%parallel_loop3A_391] : memref<65536xf32, #tpu.memory_space<vmem>>[vector<16xi32>], vector<16xf32>,
        %parallel_loop3A_393 = arith.constant 16 : i32
        %parallel_loop3A_394 = arith.constant 0 : i32
        %parallel_loop3A_395 = arith.constant 0 : i32
        %parallel_loop3A_396 = tpu.memref_slice %arg13[%parallel_loop3A_170, %parallel_loop3A_394, %parallel_loop3A_395] : memref<2x32x512xf32, #tpu.memory_space<vmem>> -> memref<1x32x512xf32, #tpu.memory_space<vmem>>
        %parallel_loop3A_397 = tpu.memref_squeeze %parallel_loop3A_396 : memref<1x32x512xf32, #tpu.memory_space<vmem>> -> memref<32x512xf32, #tpu.memory_space<vmem>>
        %parallel_loop3A_398 = arith.index_cast %parallel_loop3A_393 : i32 to index
        %parallel_loop3A_399 = arith.index_cast %parallel_loop3A_188 : i32 to index
        %parallel_loop3A_400 = tpu.vector_load %parallel_loop3A_397[%parallel_loop3A_398, %parallel_loop3A_399] {strides = array<i32>} : memref<32x512xf32, #tpu.memory_space<vmem>>, vector<16xf32>,
        tpu.vector_store %parallel_loop3A_397[%parallel_loop3A_398, %parallel_loop3A_399], %parallel_loop3A_392 {strides = array<i32>} : memref<32x512xf32, #tpu.memory_space<vmem>>, vector<16xf32>,
        %parallel_loop3A_401 = arith.constant 34816 : i32
        %parallel_loop3A_402 = vector.broadcast %parallel_loop3A_401 : i32 to vector<16xi32>
        %parallel_loop3A_403 = arith.addi %parallel_loop3A_196, %parallel_loop3A_402 : vector<16xi32>
        %parallel_loop3A_404 = tpu.vector_load_idx %arg11[%parallel_loop3A_403] : memref<65536xf32, #tpu.memory_space<vmem>>[vector<16xi32>], vector<16xf32>,
        %parallel_loop3A_405 = arith.constant 17 : i32
        %parallel_loop3A_406 = arith.constant 0 : i32
        %parallel_loop3A_407 = arith.constant 0 : i32
        %parallel_loop3A_408 = tpu.memref_slice %arg13[%parallel_loop3A_170, %parallel_loop3A_406, %parallel_loop3A_407] : memref<2x32x512xf32, #tpu.memory_space<vmem>> -> memref<1x32x512xf32, #tpu.memory_space<vmem>>
        %parallel_loop3A_409 = tpu.memref_squeeze %parallel_loop3A_408 : memref<1x32x512xf32, #tpu.memory_space<vmem>> -> memref<32x512xf32, #tpu.memory_space<vmem>>
        %parallel_loop3A_410 = arith.index_cast %parallel_loop3A_405 : i32 to index
        %parallel_loop3A_411 = arith.index_cast %parallel_loop3A_188 : i32 to index
        %parallel_loop3A_412 = tpu.vector_load %parallel_loop3A_409[%parallel_loop3A_410, %parallel_loop3A_411] {strides = array<i32>} : memref<32x512xf32, #tpu.memory_space<vmem>>, vector<16xf32>,
        tpu.vector_store %parallel_loop3A_409[%parallel_loop3A_410, %parallel_loop3A_411], %parallel_loop3A_404 {strides = array<i32>} : memref<32x512xf32, #tpu.memory_space<vmem>>, vector<16xf32>,
        %parallel_loop3A_413 = arith.constant 36864 : i32
        %parallel_loop3A_414 = vector.broadcast %parallel_loop3A_413 : i32 to vector<16xi32>
        %parallel_loop3A_415 = arith.addi %parallel_loop3A_196, %parallel_loop3A_414 : vector<16xi32>
        %parallel_loop3A_416 = tpu.vector_load_idx %arg11[%parallel_loop3A_415] : memref<65536xf32, #tpu.memory_space<vmem>>[vector<16xi32>], vector<16xf32>,
        %parallel_loop3A_417 = arith.constant 18 : i32
        %parallel_loop3A_418 = arith.constant 0 : i32
        %parallel_loop3A_419 = arith.constant 0 : i32
        %parallel_loop3A_420 = tpu.memref_slice %arg13[%parallel_loop3A_170, %parallel_loop3A_418, %parallel_loop3A_419] : memref<2x32x512xf32, #tpu.memory_space<vmem>> -> memref<1x32x512xf32, #tpu.memory_space<vmem>>
        %parallel_loop3A_421 = tpu.memref_squeeze %parallel_loop3A_420 : memref<1x32x512xf32, #tpu.memory_space<vmem>> -> memref<32x512xf32, #tpu.memory_space<vmem>>
        %parallel_loop3A_422 = arith.index_cast %parallel_loop3A_417 : i32 to index
        %parallel_loop3A_423 = arith.index_cast %parallel_loop3A_188 : i32 to index
        %parallel_loop3A_424 = tpu.vector_load %parallel_loop3A_421[%parallel_loop3A_422, %parallel_loop3A_423] {strides = array<i32>} : memref<32x512xf32, #tpu.memory_space<vmem>>, vector<16xf32>,
        tpu.vector_store %parallel_loop3A_421[%parallel_loop3A_422, %parallel_loop3A_423], %parallel_loop3A_416 {strides = array<i32>} : memref<32x512xf32, #tpu.memory_space<vmem>>, vector<16xf32>,
        %parallel_loop3A_425 = arith.constant 38912 : i32
        %parallel_loop3A_426 = vector.broadcast %parallel_loop3A_425 : i32 to vector<16xi32>
        %parallel_loop3A_427 = arith.addi %parallel_loop3A_196, %parallel_loop3A_426 : vector<16xi32>
        %parallel_loop3A_428 = tpu.vector_load_idx %arg11[%parallel_loop3A_427] : memref<65536xf32, #tpu.memory_space<vmem>>[vector<16xi32>], vector<16xf32>,
        %parallel_loop3A_429 = arith.constant 19 : i32
        %parallel_loop3A_430 = arith.constant 0 : i32
        %parallel_loop3A_431 = arith.constant 0 : i32
        %parallel_loop3A_432 = tpu.memref_slice %arg13[%parallel_loop3A_170, %parallel_loop3A_430, %parallel_loop3A_431] : memref<2x32x512xf32, #tpu.memory_space<vmem>> -> memref<1x32x512xf32, #tpu.memory_space<vmem>>
        %parallel_loop3A_433 = tpu.memref_squeeze %parallel_loop3A_432 : memref<1x32x512xf32, #tpu.memory_space<vmem>> -> memref<32x512xf32, #tpu.memory_space<vmem>>
        %parallel_loop3A_434 = arith.index_cast %parallel_loop3A_429 : i32 to index
        %parallel_loop3A_435 = arith.index_cast %parallel_loop3A_188 : i32 to index
        %parallel_loop3A_436 = tpu.vector_load %parallel_loop3A_433[%parallel_loop3A_434, %parallel_loop3A_435] {strides = array<i32>} : memref<32x512xf32, #tpu.memory_space<vmem>>, vector<16xf32>,
        tpu.vector_store %parallel_loop3A_433[%parallel_loop3A_434, %parallel_loop3A_435], %parallel_loop3A_428 {strides = array<i32>} : memref<32x512xf32, #tpu.memory_space<vmem>>, vector<16xf32>,
        %parallel_loop3A_437 = arith.constant 40960 : i32
        %parallel_loop3A_438 = vector.broadcast %parallel_loop3A_437 : i32 to vector<16xi32>
        %parallel_loop3A_439 = arith.addi %parallel_loop3A_196, %parallel_loop3A_438 : vector<16xi32>
        %parallel_loop3A_440 = tpu.vector_load_idx %arg11[%parallel_loop3A_439] : memref<65536xf32, #tpu.memory_space<vmem>>[vector<16xi32>], vector<16xf32>,
        %parallel_loop3A_441 = arith.constant 20 : i32
        %parallel_loop3A_442 = arith.constant 0 : i32
        %parallel_loop3A_443 = arith.constant 0 : i32
        %parallel_loop3A_444 = tpu.memref_slice %arg13[%parallel_loop3A_170, %parallel_loop3A_442, %parallel_loop3A_443] : memref<2x32x512xf32, #tpu.memory_space<vmem>> -> memref<1x32x512xf32, #tpu.memory_space<vmem>>
        %parallel_loop3A_445 = tpu.memref_squeeze %parallel_loop3A_444 : memref<1x32x512xf32, #tpu.memory_space<vmem>> -> memref<32x512xf32, #tpu.memory_space<vmem>>
        %parallel_loop3A_446 = arith.index_cast %parallel_loop3A_441 : i32 to index
        %parallel_loop3A_447 = arith.index_cast %parallel_loop3A_188 : i32 to index
        %parallel_loop3A_448 = tpu.vector_load %parallel_loop3A_445[%parallel_loop3A_446, %parallel_loop3A_447] {strides = array<i32>} : memref<32x512xf32, #tpu.memory_space<vmem>>, vector<16xf32>,
        tpu.vector_store %parallel_loop3A_445[%parallel_loop3A_446, %parallel_loop3A_447], %parallel_loop3A_440 {strides = array<i32>} : memref<32x512xf32, #tpu.memory_space<vmem>>, vector<16xf32>,
        %parallel_loop3A_449 = arith.constant 43008 : i32
        %parallel_loop3A_450 = vector.broadcast %parallel_loop3A_449 : i32 to vector<16xi32>
        %parallel_loop3A_451 = arith.addi %parallel_loop3A_196, %parallel_loop3A_450 : vector<16xi32>
        %parallel_loop3A_452 = tpu.vector_load_idx %arg11[%parallel_loop3A_451] : memref<65536xf32, #tpu.memory_space<vmem>>[vector<16xi32>], vector<16xf32>,
        %parallel_loop3A_453 = arith.constant 21 : i32
        %parallel_loop3A_454 = arith.constant 0 : i32
        %parallel_loop3A_455 = arith.constant 0 : i32
        %parallel_loop3A_456 = tpu.memref_slice %arg13[%parallel_loop3A_170, %parallel_loop3A_454, %parallel_loop3A_455] : memref<2x32x512xf32, #tpu.memory_space<vmem>> -> memref<1x32x512xf32, #tpu.memory_space<vmem>>
        %parallel_loop3A_457 = tpu.memref_squeeze %parallel_loop3A_456 : memref<1x32x512xf32, #tpu.memory_space<vmem>> -> memref<32x512xf32, #tpu.memory_space<vmem>>
        %parallel_loop3A_458 = arith.index_cast %parallel_loop3A_453 : i32 to index
        %parallel_loop3A_459 = arith.index_cast %parallel_loop3A_188 : i32 to index
        %parallel_loop3A_460 = tpu.vector_load %parallel_loop3A_457[%parallel_loop3A_458, %parallel_loop3A_459] {strides = array<i32>} : memref<32x512xf32, #tpu.memory_space<vmem>>, vector<16xf32>,
        tpu.vector_store %parallel_loop3A_457[%parallel_loop3A_458, %parallel_loop3A_459], %parallel_loop3A_452 {strides = array<i32>} : memref<32x512xf32, #tpu.memory_space<vmem>>, vector<16xf32>,
        %parallel_loop3A_461 = arith.constant 45056 : i32
        %parallel_loop3A_462 = vector.broadcast %parallel_loop3A_461 : i32 to vector<16xi32>
        %parallel_loop3A_463 = arith.addi %parallel_loop3A_196, %parallel_loop3A_462 : vector<16xi32>
        %parallel_loop3A_464 = tpu.vector_load_idx %arg11[%parallel_loop3A_463] : memref<65536xf32, #tpu.memory_space<vmem>>[vector<16xi32>], vector<16xf32>,
        %parallel_loop3A_465 = arith.constant 22 : i32
        %parallel_loop3A_466 = arith.constant 0 : i32
        %parallel_loop3A_467 = arith.constant 0 : i32
        %parallel_loop3A_468 = tpu.memref_slice %arg13[%parallel_loop3A_170, %parallel_loop3A_466, %parallel_loop3A_467] : memref<2x32x512xf32, #tpu.memory_space<vmem>> -> memref<1x32x512xf32, #tpu.memory_space<vmem>>
        %parallel_loop3A_469 = tpu.memref_squeeze %parallel_loop3A_468 : memref<1x32x512xf32, #tpu.memory_space<vmem>> -> memref<32x512xf32, #tpu.memory_space<vmem>>
        %parallel_loop3A_470 = arith.index_cast %parallel_loop3A_465 : i32 to index
        %parallel_loop3A_471 = arith.index_cast %parallel_loop3A_188 : i32 to index
        %parallel_loop3A_472 = tpu.vector_load %parallel_loop3A_469[%parallel_loop3A_470, %parallel_loop3A_471] {strides = array<i32>} : memref<32x512xf32, #tpu.memory_space<vmem>>, vector<16xf32>,
        tpu.vector_store %parallel_loop3A_469[%parallel_loop3A_470, %parallel_loop3A_471], %parallel_loop3A_464 {strides = array<i32>} : memref<32x512xf32, #tpu.memory_space<vmem>>, vector<16xf32>,
        %parallel_loop3A_473 = arith.constant 47104 : i32
        %parallel_loop3A_474 = vector.broadcast %parallel_loop3A_473 : i32 to vector<16xi32>
        %parallel_loop3A_475 = arith.addi %parallel_loop3A_196, %parallel_loop3A_474 : vector<16xi32>
        %parallel_loop3A_476 = tpu.vector_load_idx %arg11[%parallel_loop3A_475] : memref<65536xf32, #tpu.memory_space<vmem>>[vector<16xi32>], vector<16xf32>,
        %parallel_loop3A_477 = arith.constant 23 : i32
        %parallel_loop3A_478 = arith.constant 0 : i32
        %parallel_loop3A_479 = arith.constant 0 : i32
        %parallel_loop3A_480 = tpu.memref_slice %arg13[%parallel_loop3A_170, %parallel_loop3A_478, %parallel_loop3A_479] : memref<2x32x512xf32, #tpu.memory_space<vmem>> -> memref<1x32x512xf32, #tpu.memory_space<vmem>>
        %parallel_loop3A_481 = tpu.memref_squeeze %parallel_loop3A_480 : memref<1x32x512xf32, #tpu.memory_space<vmem>> -> memref<32x512xf32, #tpu.memory_space<vmem>>
        %parallel_loop3A_482 = arith.index_cast %parallel_loop3A_477 : i32 to index
        %parallel_loop3A_483 = arith.index_cast %parallel_loop3A_188 : i32 to index
        %parallel_loop3A_484 = tpu.vector_load %parallel_loop3A_481[%parallel_loop3A_482, %parallel_loop3A_483] {strides = array<i32>} : memref<32x512xf32, #tpu.memory_space<vmem>>, vector<16xf32>,
        tpu.vector_store %parallel_loop3A_481[%parallel_loop3A_482, %parallel_loop3A_483], %parallel_loop3A_476 {strides = array<i32>} : memref<32x512xf32, #tpu.memory_space<vmem>>, vector<16xf32>,
        %parallel_loop3A_485 = arith.constant 49152 : i32
        %parallel_loop3A_486 = vector.broadcast %parallel_loop3A_485 : i32 to vector<16xi32>
        %parallel_loop3A_487 = arith.addi %parallel_loop3A_196, %parallel_loop3A_486 : vector<16xi32>
        %parallel_loop3A_488 = tpu.vector_load_idx %arg11[%parallel_loop3A_487] : memref<65536xf32, #tpu.memory_space<vmem>>[vector<16xi32>], vector<16xf32>,
        %parallel_loop3A_489 = arith.constant 24 : i32
        %parallel_loop3A_490 = arith.constant 0 : i32
        %parallel_loop3A_491 = arith.constant 0 : i32
        %parallel_loop3A_492 = tpu.memref_slice %arg13[%parallel_loop3A_170, %parallel_loop3A_490, %parallel_loop3A_491] : memref<2x32x512xf32, #tpu.memory_space<vmem>> -> memref<1x32x512xf32, #tpu.memory_space<vmem>>
        %parallel_loop3A_493 = tpu.memref_squeeze %parallel_loop3A_492 : memref<1x32x512xf32, #tpu.memory_space<vmem>> -> memref<32x512xf32, #tpu.memory_space<vmem>>
        %parallel_loop3A_494 = arith.index_cast %parallel_loop3A_489 : i32 to index
        %parallel_loop3A_495 = arith.index_cast %parallel_loop3A_188 : i32 to index
        %parallel_loop3A_496 = tpu.vector_load %parallel_loop3A_493[%parallel_loop3A_494, %parallel_loop3A_495] {strides = array<i32>} : memref<32x512xf32, #tpu.memory_space<vmem>>, vector<16xf32>,
        tpu.vector_store %parallel_loop3A_493[%parallel_loop3A_494, %parallel_loop3A_495], %parallel_loop3A_488 {strides = array<i32>} : memref<32x512xf32, #tpu.memory_space<vmem>>, vector<16xf32>,
        %parallel_loop3A_497 = arith.constant 51200 : i32
        %parallel_loop3A_498 = vector.broadcast %parallel_loop3A_497 : i32 to vector<16xi32>
        %parallel_loop3A_499 = arith.addi %parallel_loop3A_196, %parallel_loop3A_498 : vector<16xi32>
        %parallel_loop3A_500 = tpu.vector_load_idx %arg11[%parallel_loop3A_499] : memref<65536xf32, #tpu.memory_space<vmem>>[vector<16xi32>], vector<16xf32>,
        %parallel_loop3A_501 = arith.constant 25 : i32
        %parallel_loop3A_502 = arith.constant 0 : i32
        %parallel_loop3A_503 = arith.constant 0 : i32
        %parallel_loop3A_504 = tpu.memref_slice %arg13[%parallel_loop3A_170, %parallel_loop3A_502, %parallel_loop3A_503] : memref<2x32x512xf32, #tpu.memory_space<vmem>> -> memref<1x32x512xf32, #tpu.memory_space<vmem>>
        %parallel_loop3A_505 = tpu.memref_squeeze %parallel_loop3A_504 : memref<1x32x512xf32, #tpu.memory_space<vmem>> -> memref<32x512xf32, #tpu.memory_space<vmem>>
        %parallel_loop3A_506 = arith.index_cast %parallel_loop3A_501 : i32 to index
        %parallel_loop3A_507 = arith.index_cast %parallel_loop3A_188 : i32 to index
        %parallel_loop3A_508 = tpu.vector_load %parallel_loop3A_505[%parallel_loop3A_506, %parallel_loop3A_507] {strides = array<i32>} : memref<32x512xf32, #tpu.memory_space<vmem>>, vector<16xf32>,
        tpu.vector_store %parallel_loop3A_505[%parallel_loop3A_506, %parallel_loop3A_507], %parallel_loop3A_500 {strides = array<i32>} : memref<32x512xf32, #tpu.memory_space<vmem>>, vector<16xf32>,
        %parallel_loop3A_509 = arith.constant 53248 : i32
        %parallel_loop3A_510 = vector.broadcast %parallel_loop3A_509 : i32 to vector<16xi32>
        %parallel_loop3A_511 = arith.addi %parallel_loop3A_196, %parallel_loop3A_510 : vector<16xi32>
        %parallel_loop3A_512 = tpu.vector_load_idx %arg11[%parallel_loop3A_511] : memref<65536xf32, #tpu.memory_space<vmem>>[vector<16xi32>], vector<16xf32>,
        %parallel_loop3A_513 = arith.constant 26 : i32
        %parallel_loop3A_514 = arith.constant 0 : i32
        %parallel_loop3A_515 = arith.constant 0 : i32
        %parallel_loop3A_516 = tpu.memref_slice %arg13[%parallel_loop3A_170, %parallel_loop3A_514, %parallel_loop3A_515] : memref<2x32x512xf32, #tpu.memory_space<vmem>> -> memref<1x32x512xf32, #tpu.memory_space<vmem>>
        %parallel_loop3A_517 = tpu.memref_squeeze %parallel_loop3A_516 : memref<1x32x512xf32, #tpu.memory_space<vmem>> -> memref<32x512xf32, #tpu.memory_space<vmem>>
        %parallel_loop3A_518 = arith.index_cast %parallel_loop3A_513 : i32 to index
        %parallel_loop3A_519 = arith.index_cast %parallel_loop3A_188 : i32 to index
        %parallel_loop3A_520 = tpu.vector_load %parallel_loop3A_517[%parallel_loop3A_518, %parallel_loop3A_519] {strides = array<i32>} : memref<32x512xf32, #tpu.memory_space<vmem>>, vector<16xf32>,
        tpu.vector_store %parallel_loop3A_517[%parallel_loop3A_518, %parallel_loop3A_519], %parallel_loop3A_512 {strides = array<i32>} : memref<32x512xf32, #tpu.memory_space<vmem>>, vector<16xf32>,
        %parallel_loop3A_521 = arith.constant 55296 : i32
        %parallel_loop3A_522 = vector.broadcast %parallel_loop3A_521 : i32 to vector<16xi32>
        %parallel_loop3A_523 = arith.addi %parallel_loop3A_196, %parallel_loop3A_522 : vector<16xi32>
        %parallel_loop3A_524 = tpu.vector_load_idx %arg11[%parallel_loop3A_523] : memref<65536xf32, #tpu.memory_space<vmem>>[vector<16xi32>], vector<16xf32>,
        %parallel_loop3A_525 = arith.constant 27 : i32
        %parallel_loop3A_526 = arith.constant 0 : i32
        %parallel_loop3A_527 = arith.constant 0 : i32
        %parallel_loop3A_528 = tpu.memref_slice %arg13[%parallel_loop3A_170, %parallel_loop3A_526, %parallel_loop3A_527] : memref<2x32x512xf32, #tpu.memory_space<vmem>> -> memref<1x32x512xf32, #tpu.memory_space<vmem>>
        %parallel_loop3A_529 = tpu.memref_squeeze %parallel_loop3A_528 : memref<1x32x512xf32, #tpu.memory_space<vmem>> -> memref<32x512xf32, #tpu.memory_space<vmem>>
        %parallel_loop3A_530 = arith.index_cast %parallel_loop3A_525 : i32 to index
        %parallel_loop3A_531 = arith.index_cast %parallel_loop3A_188 : i32 to index
        %parallel_loop3A_532 = tpu.vector_load %parallel_loop3A_529[%parallel_loop3A_530, %parallel_loop3A_531] {strides = array<i32>} : memref<32x512xf32, #tpu.memory_space<vmem>>, vector<16xf32>,
        tpu.vector_store %parallel_loop3A_529[%parallel_loop3A_530, %parallel_loop3A_531], %parallel_loop3A_524 {strides = array<i32>} : memref<32x512xf32, #tpu.memory_space<vmem>>, vector<16xf32>,
        %parallel_loop3A_533 = arith.constant 57344 : i32
        %parallel_loop3A_534 = vector.broadcast %parallel_loop3A_533 : i32 to vector<16xi32>
        %parallel_loop3A_535 = arith.addi %parallel_loop3A_196, %parallel_loop3A_534 : vector<16xi32>
        %parallel_loop3A_536 = tpu.vector_load_idx %arg11[%parallel_loop3A_535] : memref<65536xf32, #tpu.memory_space<vmem>>[vector<16xi32>], vector<16xf32>,
        %parallel_loop3A_537 = arith.constant 28 : i32
        %parallel_loop3A_538 = arith.constant 0 : i32
        %parallel_loop3A_539 = arith.constant 0 : i32
        %parallel_loop3A_540 = tpu.memref_slice %arg13[%parallel_loop3A_170, %parallel_loop3A_538, %parallel_loop3A_539] : memref<2x32x512xf32, #tpu.memory_space<vmem>> -> memref<1x32x512xf32, #tpu.memory_space<vmem>>
        %parallel_loop3A_541 = tpu.memref_squeeze %parallel_loop3A_540 : memref<1x32x512xf32, #tpu.memory_space<vmem>> -> memref<32x512xf32, #tpu.memory_space<vmem>>
        %parallel_loop3A_542 = arith.index_cast %parallel_loop3A_537 : i32 to index
        %parallel_loop3A_543 = arith.index_cast %parallel_loop3A_188 : i32 to index
        %parallel_loop3A_544 = tpu.vector_load %parallel_loop3A_541[%parallel_loop3A_542, %parallel_loop3A_543] {strides = array<i32>} : memref<32x512xf32, #tpu.memory_space<vmem>>, vector<16xf32>,
        tpu.vector_store %parallel_loop3A_541[%parallel_loop3A_542, %parallel_loop3A_543], %parallel_loop3A_536 {strides = array<i32>} : memref<32x512xf32, #tpu.memory_space<vmem>>, vector<16xf32>,
        %parallel_loop3A_545 = arith.constant 59392 : i32
        %parallel_loop3A_546 = vector.broadcast %parallel_loop3A_545 : i32 to vector<16xi32>
        %parallel_loop3A_547 = arith.addi %parallel_loop3A_196, %parallel_loop3A_546 : vector<16xi32>
        %parallel_loop3A_548 = tpu.vector_load_idx %arg11[%parallel_loop3A_547] : memref<65536xf32, #tpu.memory_space<vmem>>[vector<16xi32>], vector<16xf32>,
        %parallel_loop3A_549 = arith.constant 29 : i32
        %parallel_loop3A_550 = arith.constant 0 : i32
        %parallel_loop3A_551 = arith.constant 0 : i32
        %parallel_loop3A_552 = tpu.memref_slice %arg13[%parallel_loop3A_170, %parallel_loop3A_550, %parallel_loop3A_551] : memref<2x32x512xf32, #tpu.memory_space<vmem>> -> memref<1x32x512xf32, #tpu.memory_space<vmem>>
        %parallel_loop3A_553 = tpu.memref_squeeze %parallel_loop3A_552 : memref<1x32x512xf32, #tpu.memory_space<vmem>> -> memref<32x512xf32, #tpu.memory_space<vmem>>
        %parallel_loop3A_554 = arith.index_cast %parallel_loop3A_549 : i32 to index
        %parallel_loop3A_555 = arith.index_cast %parallel_loop3A_188 : i32 to index
        %parallel_loop3A_556 = tpu.vector_load %parallel_loop3A_553[%parallel_loop3A_554, %parallel_loop3A_555] {strides = array<i32>} : memref<32x512xf32, #tpu.memory_space<vmem>>, vector<16xf32>,
        tpu.vector_store %parallel_loop3A_553[%parallel_loop3A_554, %parallel_loop3A_555], %parallel_loop3A_548 {strides = array<i32>} : memref<32x512xf32, #tpu.memory_space<vmem>>, vector<16xf32>,
        %parallel_loop3A_557 = arith.constant 61440 : i32
        %parallel_loop3A_558 = vector.broadcast %parallel_loop3A_557 : i32 to vector<16xi32>
        %parallel_loop3A_559 = arith.addi %parallel_loop3A_196, %parallel_loop3A_558 : vector<16xi32>
        %parallel_loop3A_560 = tpu.vector_load_idx %arg11[%parallel_loop3A_559] : memref<65536xf32, #tpu.memory_space<vmem>>[vector<16xi32>], vector<16xf32>,
        %parallel_loop3A_561 = arith.constant 30 : i32
        %parallel_loop3A_562 = arith.constant 0 : i32
        %parallel_loop3A_563 = arith.constant 0 : i32
        %parallel_loop3A_564 = tpu.memref_slice %arg13[%parallel_loop3A_170, %parallel_loop3A_562, %parallel_loop3A_563] : memref<2x32x512xf32, #tpu.memory_space<vmem>> -> memref<1x32x512xf32, #tpu.memory_space<vmem>>
        %parallel_loop3A_565 = tpu.memref_squeeze %parallel_loop3A_564 : memref<1x32x512xf32, #tpu.memory_space<vmem>> -> memref<32x512xf32, #tpu.memory_space<vmem>>
        %parallel_loop3A_566 = arith.index_cast %parallel_loop3A_561 : i32 to index
        %parallel_loop3A_567 = arith.index_cast %parallel_loop3A_188 : i32 to index
        %parallel_loop3A_568 = tpu.vector_load %parallel_loop3A_565[%parallel_loop3A_566, %parallel_loop3A_567] {strides = array<i32>} : memref<32x512xf32, #tpu.memory_space<vmem>>, vector<16xf32>,
        tpu.vector_store %parallel_loop3A_565[%parallel_loop3A_566, %parallel_loop3A_567], %parallel_loop3A_560 {strides = array<i32>} : memref<32x512xf32, #tpu.memory_space<vmem>>, vector<16xf32>,
        %parallel_loop3A_569 = arith.constant 63488 : i32
        %parallel_loop3A_570 = vector.broadcast %parallel_loop3A_569 : i32 to vector<16xi32>
        %parallel_loop3A_571 = arith.addi %parallel_loop3A_196, %parallel_loop3A_570 : vector<16xi32>
        %parallel_loop3A_572 = tpu.vector_load_idx %arg11[%parallel_loop3A_571] : memref<65536xf32, #tpu.memory_space<vmem>>[vector<16xi32>], vector<16xf32>,
        %parallel_loop3A_573 = arith.constant 31 : i32
        %parallel_loop3A_574 = arith.constant 0 : i32
        %parallel_loop3A_575 = arith.constant 0 : i32
        %parallel_loop3A_576 = tpu.memref_slice %arg13[%parallel_loop3A_170, %parallel_loop3A_574, %parallel_loop3A_575] : memref<2x32x512xf32, #tpu.memory_space<vmem>> -> memref<1x32x512xf32, #tpu.memory_space<vmem>>
        %parallel_loop3A_577 = tpu.memref_squeeze %parallel_loop3A_576 : memref<1x32x512xf32, #tpu.memory_space<vmem>> -> memref<32x512xf32, #tpu.memory_space<vmem>>
        %parallel_loop3A_578 = arith.index_cast %parallel_loop3A_573 : i32 to index
        %parallel_loop3A_579 = arith.index_cast %parallel_loop3A_188 : i32 to index
        %parallel_loop3A_580 = tpu.vector_load %parallel_loop3A_577[%parallel_loop3A_578, %parallel_loop3A_579] {strides = array<i32>} : memref<32x512xf32, #tpu.memory_space<vmem>>, vector<16xf32>,
        tpu.vector_store %parallel_loop3A_577[%parallel_loop3A_578, %parallel_loop3A_579], %parallel_loop3A_572 {strides = array<i32>} : memref<32x512xf32, #tpu.memory_space<vmem>>, vector<16xf32>,
      } {sc.loop_unroll_factor = 2 : i64, sc.parallel_access}
      %dma_start3A_171 = arith.constant 1 : i32
      %dma_start3A_172 = arith.constant 0 : i32
      %dma_start3A_173 = arith.constant 0 : i32
      %dma_start3A_174 = tpu.memref_slice %arg13[%dma_start3A_171, %dma_start3A_172, %dma_start3A_173] : memref<2x32x512xf32, #tpu.memory_space<vmem>> -> memref<1x32x512xf32, #tpu.memory_space<vmem>>
      %dma_start3A_175 = tpu.memref_squeeze %dma_start3A_174 : memref<1x32x512xf32, #tpu.memory_space<vmem>> -> memref<32x512xf32, #tpu.memory_space<vmem>>
      %dma_start3A_176 = arith.constant 0 : i32
      %dma_start3A_177 = tpu.memref_slice %arg6[%add3A_142, %dma_start3A_176, %mul3A_47] : memref<200x32x16384xf32, #tpu.memory_space<hbm>> -> memref<1x32x512xf32, #tpu.memory_space<hbm>>
      %dma_start3A_178 = tpu.memref_squeeze %dma_start3A_177 : memref<1x32x512xf32, #tpu.memory_space<hbm>> -> memref<32x512xf32, #tpu.memory_space<hbm>>
      %dma_start3A_179 = arith.constant 0 : i32
      %dma_start3A_180 = tpu.memref_slice %arg6[%add3A_142, %dma_start3A_179, %mul3A_47] : memref<200x32x16384xf32, #tpu.memory_space<hbm>> -> memref<1x32x512xf32, #tpu.memory_space<hbm>>
      %dma_start3A_181 = tpu.memref_squeeze %dma_start3A_180 : memref<1x32x512xf32, #tpu.memory_space<hbm>> -> memref<32x512xf32, #tpu.memory_space<hbm>>
      %dma_start3A_182 = arith.constant 0 : i32
      %dma_start3A_183 = arith.constant 0 : i32
      %dma_start3A_184 = tpu.memref_slice %arg13[%dma_start3A_171, %dma_start3A_182, %dma_start3A_183] : memref<2x32x512xf32, #tpu.memory_space<vmem>> -> memref<1x32x512xf32, #tpu.memory_space<vmem>>
      %dma_start3A_185 = tpu.memref_squeeze %dma_start3A_184 : memref<1x32x512xf32, #tpu.memory_space<vmem>> -> memref<32x512xf32, #tpu.memory_space<vmem>>
      tpu.enqueue_dma source(%dma_start3A_185 : memref<32x512xf32, #tpu.memory_space<vmem>>) target(%dma_start3A_181 : memref<32x512xf32, #tpu.memory_space<hbm>>) target_semaphore(%arg15 : memref<!tpu.dma_semaphore, #tpu.memory_space<semaphore_mem>>)
    }
    %scan3A_64 = arith.constant 100 : i32
    %dma_wait3A = arith.constant 0 : i32
    %dma_wait3A_65 = arith.constant 0 : i32
    %dma_wait3A_66 = arith.constant 0 : i32
    %dma_wait3A_67 = arith.constant 0 : i32
    %dma_wait3A_68 = tpu.memref_slice %arg13[%dma_wait3A, %dma_wait3A_66, %dma_wait3A_67] : memref<2x32x512xf32, #tpu.memory_space<vmem>> -> memref<1x32x512xf32, #tpu.memory_space<vmem>>
    %dma_wait3A_69 = tpu.memref_squeeze %dma_wait3A_68 : memref<1x32x512xf32, #tpu.memory_space<vmem>> -> memref<32x512xf32, #tpu.memory_space<vmem>>
    %dma_wait3A_70 = arith.constant 0 : i32
    %dma_wait3A_71 = tpu.memref_slice %arg6[%dma_wait3A_65, %dma_wait3A_70, %mul3A_47] : memref<200x32x16384xf32, #tpu.memory_space<hbm>> -> memref<1x32x512xf32, #tpu.memory_space<hbm>>
    %dma_wait3A_72 = tpu.memref_squeeze %dma_wait3A_71 : memref<1x32x512xf32, #tpu.memory_space<hbm>> -> memref<32x512xf32, #tpu.memory_space<hbm>>
    %dma_wait3A_73 = arith.constant 0 : i32
    %dma_wait3A_74 = tpu.memref_slice %arg6[%dma_wait3A_65, %dma_wait3A_73, %mul3A_47] : memref<200x32x16384xf32, #tpu.memory_space<hbm>> -> memref<1x32x512xf32, #tpu.memory_space<hbm>>
    %dma_wait3A_75 = tpu.memref_squeeze %dma_wait3A_74 : memref<1x32x512xf32, #tpu.memory_space<hbm>> -> memref<32x512xf32, #tpu.memory_space<hbm>>
    %dma_wait3A_76 = arith.constant 0 : i32
    %dma_wait3A_77 = arith.constant 0 : i32
    %dma_wait3A_78 = tpu.memref_slice %arg13[%dma_wait3A, %dma_wait3A_76, %dma_wait3A_77] : memref<2x32x512xf32, #tpu.memory_space<vmem>> -> memref<1x32x512xf32, #tpu.memory_space<vmem>>
    %dma_wait3A_79 = tpu.memref_squeeze %dma_wait3A_78 : memref<1x32x512xf32, #tpu.memory_space<vmem>> -> memref<32x512xf32, #tpu.memory_space<vmem>>
    tpu.wait_dma2 semaphore(%arg15 : memref<!tpu.dma_semaphore, #tpu.memory_space<semaphore_mem>>) src(%dma_wait3A_79 : memref<32x512xf32, #tpu.memory_space<vmem>>) dst(%dma_wait3A_75 : memref<32x512xf32, #tpu.memory_space<hbm>>)
    %dma_wait3A_80 = arith.constant 0 : i32
    %dma_wait3A_81 = arith.constant 0 : i32
    %dma_wait3A_82 = arith.constant 0 : i32
    %dma_wait3A_83 = arith.constant 0 : i32
    %dma_wait3A_84 = tpu.memref_slice %arg13[%dma_wait3A_80, %dma_wait3A_82, %dma_wait3A_83] : memref<2x32x512xf32, #tpu.memory_space<vmem>> -> memref<1x32x512xf32, #tpu.memory_space<vmem>>
    %dma_wait3A_85 = tpu.memref_squeeze %dma_wait3A_84 : memref<1x32x512xf32, #tpu.memory_space<vmem>> -> memref<32x512xf32, #tpu.memory_space<vmem>>
    %dma_wait3A_86 = arith.constant 0 : i32
    %dma_wait3A_87 = tpu.memref_slice %arg6[%dma_wait3A_81, %dma_wait3A_86, %mul3A_47] : memref<200x32x16384xf32, #tpu.memory_space<hbm>> -> memref<1x32x512xf32, #tpu.memory_space<hbm>>
    %dma_wait3A_88 = tpu.memref_squeeze %dma_wait3A_87 : memref<1x32x512xf32, #tpu.memory_space<hbm>> -> memref<32x512xf32, #tpu.memory_space<hbm>>
    %dma_wait3A_89 = arith.constant 0 : i32
    %dma_wait3A_90 = tpu.memref_slice %arg6[%dma_wait3A_81, %dma_wait3A_89, %mul3A_47] : memref<200x32x16384xf32, #tpu.memory_space<hbm>> -> memref<1x32x512xf32, #tpu.memory_space<hbm>>
    %dma_wait3A_91 = tpu.memref_squeeze %dma_wait3A_90 : memref<1x32x512xf32, #tpu.memory_space<hbm>> -> memref<32x512xf32, #tpu.memory_space<hbm>>
    %dma_wait3A_92 = arith.constant 0 : i32
    %dma_wait3A_93 = arith.constant 0 : i32
    %dma_wait3A_94 = tpu.memref_slice %arg13[%dma_wait3A_80, %dma_wait3A_92, %dma_wait3A_93] : memref<2x32x512xf32, #tpu.memory_space<vmem>> -> memref<1x32x512xf32, #tpu.memory_space<vmem>>
    %dma_wait3A_95 = tpu.memref_squeeze %dma_wait3A_94 : memref<1x32x512xf32, #tpu.memory_space<vmem>> -> memref<32x512xf32, #tpu.memory_space<vmem>>
    tpu.wait_dma2 semaphore(%arg15 : memref<!tpu.dma_semaphore, #tpu.memory_space<semaphore_mem>>) src(%dma_wait3A_95 : memref<32x512xf32, #tpu.memory_space<vmem>>) dst(%dma_wait3A_91 : memref<32x512xf32, #tpu.memory_space<hbm>>)
    return
  }
}

</mosaic_0001>

<sc_bundles>
// kernel: kernel.3.cloned.1.call-start
scs
__scs_entry_jumppad:
0x0: {  	(pc) =	sbr.rel $0x88, $3  }
0x1: {  	(tag) =	ssettag $0x0;
	lr =	simm.s32 $0x1  }
0x2: {  	[smem:$0x3F9D] =	sst lr;
	_ =	strace $0xD0000000  }
0x3: {  	_ = 	snop  }
0x4: {  	_ = 	snop  }
0x5: {  	_ = 	snop  }
0x6: {  	_ = 	snop  }
0x7: {  	_ = 	snop  }
__scs_overlays_trampoline_lowered:
0x8: {  	[smem:$0x3FAC] =	sst s0  }
0x9: {  	[smem:$0x3FAD] =	sst s1  }
0xa: {  	[smem:$0x3FAE] =	sst s2  }
0xb: {  	[smem:$0x3FAF] =	sst s3  }
0xc: {  	[smem:$0x3FB0] =	sst s4  }
0xd: {  	[smem:$0x3FB1] =	sst s5  }
0xe: {  	[smem:$0x3FB2] =	sst s6  }
0xf: {  	[smem:$0x3FB3] =	sst s7  }
0x10: {  	[smem:$0x3FB4] =	sst s8  }
0x11: {  	[smem:$0x3FB5] =	sst s9;
	s0 =	simm.s32 @!p0 $0x0  }
0x12: {  	s1 =	sld [smem:$0x3F9B];
	s0 =	simm.s32 @p0 $0x1  }
0x13: {  	[smem:$0x3FB6] =	sst s0;
	s0 =	simm.s32 @!p1 $0x0  }
0x14: {  	s2 =	sld [smem:$0x3F9A];
	s0 =	simm.s32 @p1 $0x1  }
0x15: {  	[smem:$0x3FB7] =	sst s0;
	s0 =	simm.s32 @!p2 $0x0  }
0x16: {  	s3 =	sld [smem:$0x3FDB];
	s0 =	simm.s32 @p2 $0x1  }
0x17: {  	s4 =	simm.s32 $0x1BF5;
	[smem:$0x3FB9] =	sst s0  }
0x18: {  	s0 =	sld [smem:$0x3F9C];
	_ =	swait.ge [sflag:s4], $0x0  }
0x19: {  	s7 =	sld [smem:$0x3F9D]  }
0x1a: {  	s8 =	sadd.s32 $0xFFFFE003, lr  }
0x1b: {  	s9 =	sadd.s32 $0xFFFFFEF7, lr;
	s5 =	simm.s32 $0xFFFFFFFF;
	p2 =	slt.u32 s8, $0xFFFFF086  }
0x1c: {  	p1 =	slt.u32 s9, $0xF7A;
	s5 =	simm.s32 @!p2 $0x0  }
0x1d: {  	s5 =	simm.s32 @p1 $0x1;
	p0 =	seq.s32 s7, s2  }
0x1e: {  	s7 =	smul.u32 @!p0 $0xF7A, s2;
	p2 =	seq.s32 @!p0 s5, $0x0  }
0x1f: {  	s9 =	smul.u32 $0xF7A, s1;
	s8 =	simm.s32 @!p0 $0x1BF5;
	p2 =	por !p2, p0  }
0x20: {  	[sflag:s8] =	ssyncset.s32 @!p0 $0xFFFFF086;
	s6 =	sadd.s32 @!p0 s3, s7;
	s7 =	simm.s32 @!p0 $0x108  }
0x21: {  	s3 =	sadd.s32 s3, s9;
	s6 =	sadd.s32 @!p0 $0x88, s6;
	s7 =	simm.s32 @p2 $0x1082  }
0x22: {  	[simem:s7], [sflag:s8] =	dma.local @!p0 [hbm:s6], $0xF7A  }
0x23: {  	s9 =	sor.u32 $0xD0000000, s2;
	s6 =	simm.s32 $0x108;
	_ =	swait.ge @!p0 [sflag:s8], $0x0  }
0x24: {  	s3 =	sadd.s32 $0x88, s3;
	s6 =	simm.s32 @!p1 $0x1082;
	[sflag:s4] =	ssyncset.s32 $0xFFFFF086  }
0x25: {  	[simem:s6], [sflag:s4] =	dma.local [hbm:s3], $0xF7A  }
0x26: {  	[smem:$0x3F9D] =	sst s1;
	(tag) =	ssettag s2;
	_ =	strace s9  }
0x27: {  	s1 =	sld [smem:$0x3FAD]  }
0x28: {  	s2 =	sld [smem:$0x3FAE]  }
0x29: {  	s4 =	sld [smem:$0x3FB0]  }
0x2a: {  	p0 =	seq.s32 s5, $0x0;
	s5 =	sld [smem:$0x3FB1]  }
0x2b: {  	s6 =	sld [smem:$0x3FB2]  }
0x2c: {  	s7 =	sld [smem:$0x3FB3]  }
0x2d: {  	s3 =	simm.s32 $0x108;
	s8 =	sld [smem:$0x3FB4]  }
0x2e: {  	s3 =	simm.s32 @!p0 $0x1082;
	s9 =	sld [smem:$0x3FB5]  }
0x2f: {  	lr =	sadd.s32 s0, s3;
	s0 =	sld [smem:$0x3FAC]  }
0x30: {  	s3 =	sld [smem:$0x3FAF]  }
0x31: {  	[smem:$0x3FB8] =	sst s10  }
0x32: {  	s10 =	sld [smem:$0x3FB6];
	_ =	sdelay $0x3  }
0x33: {  	p0 =	seq.s32 s10, $0x1;
	s10 =	sld [smem:$0x3FB8];
	_ =	sdelay $0x3  }
0x34: {  	[smem:$0x3FB8] =	sst s10  }
0x35: {  	s10 =	sld [smem:$0x3FB7];
	_ =	sdelay $0x3  }
0x36: {  	p1 =	seq.s32 s10, $0x1;
	s10 =	sld [smem:$0x3FB8];
	_ =	sdelay $0x3  }
0x37: {  	[smem:$0x3FB8] =	sst s10  }
0x38: {  	s10 =	sld [smem:$0x3FB9]  }
0x39: {  	_ = 	snop;
	(pc) =	sbr.ind lr, $3  }
0x3a: {  	_ = 	snop  }
0x3b: {  	_ = 	snop  }
0x3c: {  	p2 =	seq.s32 s10, $0x1;
	s10 =	sld [smem:$0x3FB8]  }
0x3d: {  	_ =	shalt  }
0x3e: {  	_ =	shalt  }
0x3f: {  	_ =	shalt  }
0x40: {  	_ =	shalt  }
0x41: {  	_ =	shalt  }
0x42: {  	_ =	shalt  }
0x43: {  	_ =	shalt  }
0x44: {  	_ =	shalt  }
0x45: {  	_ =	shalt  }
0x46: {  	_ =	shalt  }
0x47: {  	_ =	shalt  }
0x48: {  	_ =	shalt  }
0x49: {  	_ =	shalt  }
0x4a: {  	_ =	shalt  }
0x4b: {  	_ =	shalt  }
0x4c: {  	_ =	shalt  }
0x4d: {  	_ =	shalt  }
0x4e: {  	_ =	shalt  }
0x4f: {  	_ =	shalt  }
0x50: {  	_ =	shalt  }
0x51: {  	_ =	shalt  }
0x52: {  	_ =	shalt  }
0x53: {  	_ =	shalt  }
0x54: {  	_ =	shalt  }
0x55: {  	_ =	shalt  }
0x56: {  	_ =	shalt  }
0x57: {  	_ =	shalt  }
0x58: {  	_ =	shalt  }
0x59: {  	_ =	shalt  }
0x5a: {  	_ =	shalt  }
0x5b: {  	_ =	shalt  }
0x5c: {  	_ =	shalt  }
0x5d: {  	_ =	shalt  }
0x5e: {  	_ =	shalt  }
0x5f: {  	_ =	shalt  }
0x60: {  	_ =	shalt  }
0x61: {  	_ =	shalt  }
0x62: {  	_ =	shalt  }
0x63: {  	_ =	shalt  }
0x64: {  	_ =	shalt  }
0x65: {  	_ =	shalt  }
0x66: {  	_ =	shalt  }
0x67: {  	_ =	shalt  }
0x68: {  	_ =	shalt  }
0x69: {  	_ =	shalt  }
0x6a: {  	_ =	shalt  }
0x6b: {  	_ =	shalt  }
0x6c: {  	_ =	shalt  }
0x6d: {  	_ =	shalt  }
0x6e: {  	_ =	shalt  }
0x6f: {  	_ =	shalt  }
0x70: {  	_ =	shalt  }
0x71: {  	_ =	shalt  }
0x72: {  	_ =	shalt  }
0x73: {  	_ =	shalt  }
0x74: {  	_ =	shalt  }
0x75: {  	_ =	shalt  }
0x76: {  	_ =	shalt  }
0x77: {  	_ =	shalt  }
0x78: {  	_ =	shalt  }
0x79: {  	_ =	shalt  }
0x7a: {  	_ =	shalt  }
0x7b: {  	_ =	shalt  }
0x7c: {  	_ =	shalt  }
0x7d: {  	_ =	shalt  }
0x7e: {  	_ =	shalt  }
0x7f: {  	_ =	shalt  }
0x80: {  	_ =	shalt  }
0x81: {  	_ =	shalt  }
0x82: {  	_ =	shalt  }
0x83: {  	_ =	shalt  }
0x84: {  	_ =	shalt  }
0x85: {  	_ =	shalt  }
0x86: {  	_ =	shalt  }
0x87: {  	_ =	shalt  }
.Lfunc_end0:
.L_simem_size_0:
called_computation_lowered:
.L_overlay_start_0:
0x88: {  	s2 =	sld [smem:$0x3FD9]  }
0x89: {  	s3 =	sld [smem:$0x3FFE];
	_ =	sdelay $0x1  }
0x8a: {  	s1 =	srdreg.scid  }
0x8b: {  	s0 =	sand.u32 $0x1, s1  }
0x8c: {  	s17 =	sshll.u32 s0, $0xA;
	s2 =	sadd.s32 s3, s2  }
0x8d: {  	s2 =	sadd.s32 s2, s17  }
0x8e: {  	[smem:$0x3FC4] =	sst s2  }
0x8f: {  	_ = 	snop  }
0x90: {  	s2 =	sld [smem:$0x3FC9]  }
0x91: {  	s18 =	sld [smem:$0x3FD0];
	(tm) =	ssettm $0x1  }
0x92: {  	s4 =	sld [smem:$0x3FFB];
	_ =	sdelay $0x3  }
0x93: {  	_ =	strace s4  }
0x94: {  	s4 =	sld [smem:$0x3FFC];
	_ =	sdelay $0x3  }
0x95: {  	_ =	strace s4  }
0x96: {  	s4 =	sld [smem:$0x3FFD];
	_ =	sdelay $0x3  }
0x97: {  	_ =	strace s4  }
0x98: {  	_ =	strace $0x8FFFFFFF  }
0x99: {  	s19 =	sld [smem:$0x3FDB];
	_ =	sdelay $0x1  }
0x9a: {  	s5 =	simm.s32 $_scs_section_size  }
0x9b: {  	s6 =	simm.s32 $_size__tile_overlayer_lowered;
	s7 =	simm.s32 $_tile_overlayer_lowered  }
0x9c: {  	s22 =	simm.s32 $0x1BFF;
	s21 =	sshll.u32 s7, $0x1;
	s4 =	sadd.s32 s5, s19  }
0x9d: {  	s8 =	simm.s32 $0x0;
	s20 =	sshll.u32 s6, $0x1;
	s6 =	sadd.s32 s21, s4  }
0x9e: {  	[timem:s8], [sflag:s22] =	dma.local [hbm:s6], s20  }
0x9f: {  	_ =	swait.ge [sflag:s22], s20  }
0xa0: {  	s5 =	ssub.s32 $0x0, s20;
	[sflag:s22] =	ssyncset.done $0x0  }
0xa1: {  	[sflag:s22] =	ssyncadd.s32 s5;
	_ =	sdelay $0x1  }
0xa2: {  	s23 =	simm.s32 $0x1B8B  }
0xa3: {  	_ =	swait.ge [sflag:s23], $0x1  }
0xa4: {  	[sflag:s23] =	ssyncset.done $0x0  }
0xa5: {  	s25 =	simm.s32 $0x1B8E;
	s24 =	sld [smem:$0x3FFE];
	[sflag:s23] =	ssyncadd.s32 $0xFFFFFFFF  }
0xa6: {  	s26 =	simm.s32 $execute0_lowered;
	[smem:$0x3FD2] =	sst s25  }
0xa7: {  	s6 =	sshll.u32 s26, $0x1;
	_ =	strace $0x80000046;
	[dreg:$0x1] =	wrdreg $0xFFFFFFFF  }
0xa8: {  	s28 =	simm.s32 $_size_execute0_lowered;
	s4 =	sadd.s32 s4, s6;
	[dreg:$0x0] =	wrdreg $0x0  }
0xa9: {  	s6 =	sshll.u32 s28, $0x1;
	[dreg:$0x2] =	wrdreg s4  }
0xaa: {  	[dreg:$0x3] =	wrdreg s6  }
0xab: {  	[dreg:$0x4] =	wrdreg $0xC0  }
0xac: {  	_ =	task [dreg:s8], $0x5FFFF  }
0xad: {  	[dreg:$0x1] =	wrdreg $0xFFFFFFFF  }
0xae: {  	[dreg:$0x0] =	wrdreg $0x60  }
0xaf: {  	[dreg:$0x2] =	wrdreg s2  }
0xb0: {  	[dreg:$0x3] =	wrdreg s24  }
0xb1: {  	[dreg:$0x4] =	wrdreg s18  }
0xb2: {  	[dreg:$0x5] =	wrdreg $0x9  }
0xb3: {  	_ =	task.clear_ibuf [dreg:s8], $0x6FFFF;
	_ =	strace $0x90000046  }
0xb4: {  	s29 =	simm.s32 $0x9;
	_ =	strace $0x80000048  }
0xb5: {  	_ =	swait.ge [sflag:s29], $0x1  }
0xb6: {  	[sflag:s29] =	ssyncadd.s32 $0xFFFFFFFF  }
0xb7: {  	_ =	strace $0x90000048  }
0xb8: {  	_ =	sfence  }
0xb9: {  	s30 =	sld [smem:$0x0];
	_ =	sdelay $0x2  }
0xba: {  	s31 =	sshll.u32 s1, $0xD;
	s1 =	sshrl.u32 s1, $0x2  }
0xbb: {  	s3 =	sand.u32 $0x4000, s31;
	s1 =	sadd.s32 s1, s30  }
0xbc: {  	s0 =	sor.u32 s3, s0;
	s1 =	sshll.u32 s1, $0x11  }
0xbd: {  	s0 =	sor.u32 s1, s0  }
0xbe: {  	s0 =	sadd.s32 $0x8F2B, s0  }
0xbf: {  	[sflag:s0] =	ssyncadd.remote.s32 $0x1  }
0xc0: {  	_ =	sfence.sel $0xFFFF  }
0xc1: {  	[dreg:$0x0] =	wrdreg $0xFFFFFFFF;
	(pc) =	sbr.abs _section_cstart, $3  }
0xc2: {  	[dreg:$0x1] =	wrdreg $0xFFFFFFFF  }
0xc3: {  	_ =	task.clear_ibuf [dreg:s8], $0x2FFFF;
	_ =	strace $0x9FFFFFFF  }
0xc4: {  	(tm) =	ssettm $0x7FFFFFFF  }
0xc5: {  	_ =	shalt  }
tec
execute0_lowered:
.L_overlay_start_1:
0x0: {  	(tag) =	ssettag $0x1  }
0x1: {  	s5 =	rddreg [dreg:$0x0]  }
0x2: {  	s0 =	rddreg [dreg:$0x1]  }
0x3: {  	s1 =	simm.s32 $0x0;
	s24 =	srdreg.scid;
	s3 =	stileid.u32  }
0x4: {  	[smem:$0x7FF] =	sst s1;
	s1 =	sand.u32 $0x1, s24;
	s3 =	sshll.u32 s3, $0xD  }
0x5: {  	s4 =	sadd.s32 $0x800, s0;
	s26 =	sadd.s32 $0x400, s0;
	_ =	strace $0x80000047  }
0x6: {  	v12 =	vimm.s32 $0x0;
	v62 =	vlaneseq.u32;
	s2 =	ssub.s32 $0x2, s1;
	s1 =	sshll.u32 s1, $0xC;
	[smem:$0x7F8] =	sst s4  }
0x7: {  	v13 =	vimm.s32 $0x1;
	v14 =	vimm.s32 $0x2;
	s0 =	sadd.s32 $0x600, s0;
	v63 =	vor.u32 $0x800, v62;
	[smem:$0x7F9] =	sst s26;
	s8 =	sor.u32 s1, s3  }
0x8: {  	v18 =	vor.u32 $0x1000, v62;
	v17 =	vor.u32 $0x1800, v62;
	v23 =	vor.u32 $0x2000, v62;
	[smem:$0x7FA] =	sst s0;
	s25 =	sshrl.u32 s2, $0x1;
	s29 =	sshrl.u32 s8, $0x3  }
0x9: {  	v21 =	vor.u32 $0x2800, v62;
	v22 =	vor.u32 $0x3000, v62;
	v15 =	vor.u32 $0x3800, v62;
	[tilespmem:$0x1FFD0] =	vst v18;
	s28 =	ssub.s32 s2, s25;
	[smem:$0x7FD] =	sst s8;
	s30 =	sadd.s32 s5, s29  }
0xa: {  	v24 =	vor.u32 $0x4000, v62;
	v25 =	vor.u32 $0x4800, v62;
	v26 =	vor.u32 $0x5000, v62;
	[tilespmem:$0x1FFE0] =	vst v17;
	s31 =	smax.u32 s28, $0x1;
	[smem:$0x7FB] =	sst s30  }
0xb: {  	s23 =	simm.s32 $0x2480;
	v27 =	vor.u32 $0x5800, v62;
	v28 =	vor.u32 $0x6000, v62;
	v29 =	vor.u32 $0x6800, v62;
	[tilespmem:$0x1FFF0] =	vst v15;
	s2 =	simm.s32 $0x0;
	[smem:$0x7FC] =	sst s31  }
.LBB2_1:
0xc: {  	s1 =	sld [smem:$0x7F8];
	_ =	sdelay $0x1  }
0xd: {  	[smem:$0x7F7] =	sst s2;
	s0 =	simm.s32 $0x0;
	s28 =	simm.s32 $0x3  }
0xe: {  	[tilespmem:s0], [sflag:$0x3] =	stream.linear.gather [hbm4b:s1+s0], $0x1000, $0x38;
	[tilespmem:$0x1A880] =	vst v63  }
0xf: {  	_ =	swait.ge [sflag:s28], $0x1000  }
0x10: {  	s29 =	sld [smem:$0x7F9]  }
0x11: {  	[sflag:s28] =	ssyncset.done $0x0  }
0x12: {  	s3 =	simm.s32 $0x1000;
	[sflag:s28] =	ssyncadd.s32 $0xFFFFF000  }
0x13: {  	[tilespmem:s3], [sflag:$0x3] =	stream.linear.gather [hbm4b:s29+s0], $0x400, $0x38;
	[tilespmem:$0x1A880] =	vst v63  }
0x14: {  	_ =	swait.ge [sflag:s28], $0x400  }
0x15: {  	s30 =	sld [smem:$0x7FA]  }
0x16: {  	[sflag:s28] =	ssyncset.done $0x0  }
0x17: {  	s31 =	simm.s32 $0x1400;
	[sflag:s28] =	ssyncadd.s32 $0xFFFFFC00  }
0x18: {  	[tilespmem:s31], [sflag:$0x3] =	stream.linear.gather [hbm4b:s30+s0], $0x80, $0x38;
	[tilespmem:$0x1A880] =	vst v63  }
0x19: {  	_ =	swait.ge [sflag:s28], $0x80  }
0x1a: {  	[sflag:s28] =	ssyncset.done $0x0  }
0x1b: {  	[sflag:s28] =	ssyncadd.s32 $0xFFFFFF80  }
0x1c: {  	v42 =	vld [tilespmem:$0x1400]  }
0x1d: {  	v41 =	vld [tilespmem:$0x1410]  }
0x1e: {  	v30 =	vld [tilespmem:$0x13D0]  }
0x1f: {  	v31 =	vld [tilespmem:$0x13B0]  }
0x20: {  	v32 =	vld [tilespmem:$0x1390]  }
0x21: {  	v33 =	vld [tilespmem:$0x1370]  }
0x22: {  	v34 =	vld [tilespmem:$0x1350]  }
0x23: {  	v35 =	vld [tilespmem:$0x1330]  }
0x24: {  	v36 =	vld [tilespmem:$0x1310]  }
0x25: {  	v37 =	vld [tilespmem:$0x12F0]  }
0x26: {  	v38 =	vld [tilespmem:$0x12D0]  }
0x27: {  	v39 =	vld [tilespmem:$0x12B0]  }
0x28: {  	v40 =	vld [tilespmem:$0x1290]  }
0x29: {  	v43 =	vld [tilespmem:$0x1270]  }
0x2a: {  	v44 =	vld [tilespmem:$0x1250]  }
0x2b: {  	v45 =	vld [tilespmem:$0x1230]  }
0x2c: {  	v46 =	vld [tilespmem:$0x1210]  }
0x2d: {  	v47 =	vld [tilespmem:$0x11F0]  }
0x2e: {  	v48 =	vld [tilespmem:$0x11D0]  }
0x2f: {  	v49 =	vld [tilespmem:$0x11B0]  }
0x30: {  	v0 =	vld [tilespmem:$0x1190]  }
0x31: {  	v1 =	vld [tilespmem:$0x1170]  }
0x32: {  	v50 =	vld [tilespmem:$0x1150]  }
0x33: {  	v2 =	vld [tilespmem:$0x1130]  }
0x34: {  	v51 =	vld [tilespmem:$0x1110]  }
0x35: {  	s5 =	simm.s32 $0x0;
	s2 =	simm.s32 $0x0;
	v52 =	vld [tilespmem:$0x10F0]  }
0x36: {  	s6 =	sand.u32 $0xFFFFFF80, s5;
	s1 =	simm.s32 $0x1;
	s3 =	sand.u32 $0x60, s0;
	v3 =	vld [tilespmem:$0x10D0]  }
.LBB2_2:
0x37: {  	p0 =	sne.s32 s1, $0x7F;
	s4 =	sor.u32 s3, s6;
	v4 =	vld [tilespmem:$0x10B0]  }
0x38: {  	v5 =	vmov s4;
	v6 =	vld [tilespmem:$0x1090]  }
0x39: {  	s0 =	sor.u32 $0x1, s4;
	v7 =	vld [tilespmem:$0x1070]  }
0x3a: {  	v8 =	vmov s0;
	v9 =	vld [tilespmem:$0x1050]  }
0x3b: {  	s7 =	sor.u32 $0x2, s4;
	v10 =	vld [tilespmem:$0x1030]  }
0x3c: {  	s0 =	simm.s32 $0x0;
	v53 =	vmov s7;
	v11 =	vld [tilespmem:$0x1010]  }
0x3d: {  	s7 =	sor.u32 $0x3, s4;
	v5 =	vld.idx.msk [tilespmem:v5+s0+$0x0], $0xffff  }
0x3e: {  	v55 =	vmov s7;
	v54 =	vld [tilespmem:$0x1000]  }
0x3f: {  	s7 =	sor.u32 $0x4, s4;
	v8 =	vld.idx.msk [tilespmem:v8+s0+$0x0], $0xffff  }
0x40: {  	v57 =	vmov s7;
	v56 =	vld [tilespmem:$0x1020]  }
0x41: {  	s7 =	sor.u32 $0x5, s4;
	v53 =	vld.idx.msk [tilespmem:v53+s0+$0x0], $0xffff  }
0x42: {  	v59 =	vmov s7;
	v58 =	vld [tilespmem:$0x1040]  }
0x43: {  	s7 =	sor.u32 $0x6, s4;
	v54 =	vmul.f32 v54, v5;
	v55 =	vld.idx.msk [tilespmem:v55+s0+$0x0], $0xffff  }
0x44: {  	v60 =	vmov s7;
	v5 =	vmul.f32 v11, v5;
	v11 =	vld [tilespmem:$0x1060]  }
0x45: {  	s7 =	sor.u32 $0x7, s4;
	v54 =	vadd.f32 v54, v42;
	v56 =	vmul.f32 v56, v8;
	v57 =	vld.idx.msk [tilespmem:v57+s0+$0x0], $0xffff  }
0x46: {  	v61 =	vmov s7;
	v5 =	vadd.f32 v5, v41;
	v8 =	vmul.f32 v10, v8;
	v10 =	vld [tilespmem:$0x1080]  }
0x47: {  	s7 =	sor.u32 $0x8, s4;
	v54 =	vadd.f32 v56, v54;
	v56 =	vmul.f32 v58, v53;
	v58 =	vld.idx.msk [tilespmem:v59+s0+$0x0], $0xffff  }
0x48: {  	v5 =	vadd.f32 v8, v5;
	v8 =	vmul.f32 v9, v53;
	v53 =	vmov s7;
	v9 =	vld [tilespmem:$0x10A0]  }
0x49: {  	s7 =	sor.u32 $0x9, s4;
	v54 =	vadd.f32 v56, v54;
	v11 =	vmul.f32 v11, v55;
	v56 =	vld.idx.msk [tilespmem:v60+s0+$0x0], $0xffff  }
0x4a: {  	v7 =	vmul.f32 v7, v55;
	v5 =	vadd.f32 v8, v5;
	v55 =	vmov s7;
	v8 =	vld [tilespmem:$0x10C0]  }
0x4b: {  	s7 =	sor.u32 $0xA, s4;
	v11 =	vadd.f32 v11, v54;
	v10 =	vmul.f32 v10, v57;
	v54 =	vld.idx.msk [tilespmem:v61+s0+$0x0], $0xffff  }
0x4c: {  	v6 =	vmul.f32 v6, v57;
	v5 =	vadd.f32 v7, v5;
	v57 =	vmov s7;
	v7 =	vld [tilespmem:$0x10E0]  }
0x4d: {  	s7 =	sor.u32 $0xB, s4;
	v10 =	vadd.f32 v10, v11;
	v9 =	vmul.f32 v9, v58;
	v11 =	vld.idx.msk [tilespmem:v53+s0+$0x0], $0xffff  }
0x4e: {  	v4 =	vmul.f32 v4, v58;
	v5 =	vadd.f32 v6, v5;
	v53 =	vmov s7;
	v6 =	vld [tilespmem:$0x1100]  }
0x4f: {  	s7 =	sor.u32 $0xC, s4;
	v9 =	vadd.f32 v9, v10;
	v8 =	vmul.f32 v8, v56;
	v10 =	vld.idx.msk [tilespmem:v55+s0+$0x0], $0xffff  }
0x50: {  	v3 =	vmul.f32 v3, v56;
	v4 =	vadd.f32 v4, v5;
	v55 =	vmov s7;
	v5 =	vld [tilespmem:$0x1120]  }
0x51: {  	s7 =	sor.u32 $0xD, s4;
	v8 =	vadd.f32 v8, v9;
	v7 =	vmul.f32 v7, v54;
	v9 =	vld.idx.msk [tilespmem:v57+s0+$0x0], $0xffff  }
0x52: {  	v3 =	vadd.f32 v3, v4;
	v4 =	vmul.f32 v52, v54;
	v54 =	vmov s7;
	v52 =	vld [tilespmem:$0x1140]  }
0x53: {  	s7 =	sor.u32 $0xE, s4;
	v7 =	vadd.f32 v7, v8;
	v6 =	vmul.f32 v6, v11;
	v8 =	vld.idx.msk [tilespmem:v53+s0+$0x0], $0xffff  }
0x54: {  	v3 =	vadd.f32 v4, v3;
	v4 =	vmul.f32 v51, v11;
	v51 =	vmov s7;
	v11 =	vld [tilespmem:$0x1160]  }
0x55: {  	s7 =	sor.u32 $0xF, s4;
	v6 =	vadd.f32 v6, v7;
	v5 =	vmul.f32 v5, v10;
	v7 =	vld.idx.msk [tilespmem:v55+s0+$0x0], $0xffff  }
0x56: {  	v2 =	vmul.f32 v2, v10;
	v3 =	vadd.f32 v4, v3;
	v10 =	vmov s7;
	s7 =	sor.u32 $0x10, s3;
	v4 =	vld [tilespmem:$0x1180]  }
0x57: {  	s6 =	sor.u32 s6, s7;
	v5 =	vadd.f32 v5, v6;
	v6 =	vmul.f32 v52, v9;
	v52 =	vld.idx.msk [tilespmem:v54+s0+$0x0], $0xffff  }
0x58: {  	v2 =	vadd.f32 v2, v3;
	v3 =	vmul.f32 v50, v9;
	v50 =	vmov s6;
	v9 =	vld [tilespmem:$0x11A0]  }
0x59: {  	s6 =	sor.u32 $0x11, s4;
	v5 =	vadd.f32 v6, v5;
	v6 =	vmul.f32 v11, v8;
	v11 =	vld.idx.msk [tilespmem:v51+s0+$0x0], $0xffff  }
0x5a: {  	v1 =	vmul.f32 v1, v8;
	v2 =	vadd.f32 v3, v2;
	v8 =	vmov s6;
	v3 =	vld [tilespmem:$0x11C0]  }
0x5b: {  	s6 =	sor.u32 $0x12, s4;
	v5 =	vadd.f32 v6, v5;
	v4 =	vmul.f32 v4, v7;
	v6 =	vld.idx.msk [tilespmem:v10+s0+$0x0], $0xffff  }
0x5c: {  	v0 =	vmul.f32 v0, v7;
	v1 =	vadd.f32 v1, v2;
	v7 =	vmov s6;
	v2 =	vld [tilespmem:$0x11E0]  }
0x5d: {  	s6 =	sor.u32 $0x13, s4;
	v4 =	vadd.f32 v4, v5;
	v5 =	vmul.f32 v9, v52;
	v9 =	vld.idx.msk [tilespmem:v50+s0+$0x0], $0xffff  }
0x5e: {  	v0 =	vadd.f32 v0, v1;
	v1 =	vmul.f32 v49, v52;
	v49 =	vmov s6;
	v10 =	vld [tilespmem:$0x1200]  }
0x5f: {  	s6 =	sor.u32 $0x14, s4;
	v4 =	vadd.f32 v5, v4;
	v3 =	vmul.f32 v3, v11;
	v5 =	vld.idx.msk [tilespmem:v8+s0+$0x0], $0xffff  }
0x60: {  	v0 =	vadd.f32 v1, v0;
	v1 =	vmul.f32 v48, v11;
	v11 =	vmov s6;
	v8 =	vld [tilespmem:$0x1220]  }
0x61: {  	s6 =	sor.u32 $0x15, s4;
	v3 =	vadd.f32 v3, v4;
	v2 =	vmul.f32 v2, v6;
	v4 =	vld.idx.msk [tilespmem:v7+s0+$0x0], $0xffff  }
0x62: {  	v0 =	vadd.f32 v1, v0;
	v1 =	vmul.f32 v47, v6;
	v7 =	vmov s6;
	v6 =	vld [tilespmem:$0x1240]  }
0x63: {  	s6 =	sor.u32 $0x16, s4;
	v2 =	vadd.f32 v2, v3;
	v3 =	vmul.f32 v10, v9;
	v10 =	vld.idx.msk [tilespmem:v49+s0+$0x0], $0xffff  }
0x64: {  	v0 =	vadd.f32 v1, v0;
	v1 =	vmul.f32 v46, v9;
	v46 =	vmov s6;
	v9 =	vld [tilespmem:$0x1260]  }
0x65: {  	s6 =	sor.u32 $0x17, s4;
	v2 =	vadd.f32 v3, v2;
	v3 =	vmul.f32 v8, v5;
	v8 =	vld.idx.msk [tilespmem:v11+s0+$0x0], $0xffff  }
0x66: {  	v0 =	vadd.f32 v1, v0;
	v1 =	vmul.f32 v45, v5;
	v11 =	vmov s6;
	v5 =	vld [tilespmem:$0x1280]  }
0x67: {  	s6 =	sor.u32 $0x18, s4;
	v2 =	vadd.f32 v3, v2;
	v3 =	vmul.f32 v6, v4;
	v6 =	vld.idx.msk [tilespmem:v7+s0+$0x0], $0xffff  }
0x68: {  	v0 =	vadd.f32 v1, v0;
	v1 =	vmul.f32 v44, v4;
	v7 =	vmov s6;
	v4 =	vld [tilespmem:$0x12A0]  }
0x69: {  	s6 =	sor.u32 $0x19, s4;
	v2 =	vadd.f32 v3, v2;
	v3 =	vmul.f32 v9, v10;
	v9 =	vld.idx.msk [tilespmem:v46+s0+$0x0], $0xffff  }
0x6a: {  	v0 =	vadd.f32 v1, v0;
	v1 =	vmul.f32 v43, v10;
	v43 =	vmov s6;
	v10 =	vld [tilespmem:$0x12C0]  }
0x6b: {  	s6 =	sor.u32 $0x1A, s4;
	v2 =	vadd.f32 v3, v2;
	v3 =	vmul.f32 v5, v8;
	v5 =	vld.idx.msk [tilespmem:v11+s0+$0x0], $0xffff  }
0x6c: {  	v0 =	vadd.f32 v1, v0;
	v1 =	vmul.f32 v40, v8;
	v11 =	vmov s6;
	v8 =	vld [tilespmem:$0x12E0]  }
0x6d: {  	s6 =	sor.u32 $0x1B, s4;
	v2 =	vadd.f32 v3, v2;
	v3 =	vmul.f32 v4, v6;
	v4 =	vld.idx.msk [tilespmem:v7+s0+$0x0], $0xffff  }
0x6e: {  	v0 =	vadd.f32 v1, v0;
	v1 =	vmul.f32 v39, v6;
	v7 =	vmov s6;
	v6 =	vld [tilespmem:$0x1300]  }
0x6f: {  	s6 =	sor.u32 $0x1C, s4;
	v2 =	vadd.f32 v3, v2;
	v3 =	vmul.f32 v10, v9;
	v10 =	vld.idx.msk [tilespmem:v43+s0+$0x0], $0xffff  }
0x70: {  	v0 =	vadd.f32 v1, v0;
	v1 =	vmul.f32 v38, v9;
	v38 =	vmov s6;
	v9 =	vld [tilespmem:$0x1320]  }
0x71: {  	s6 =	sor.u32 $0x1D, s4;
	v2 =	vadd.f32 v3, v2;
	v3 =	vmul.f32 v8, v5;
	v8 =	vld.idx.msk [tilespmem:v11+s0+$0x0], $0xffff  }
0x72: {  	v0 =	vadd.f32 v1, v0;
	v1 =	vmul.f32 v37, v5;
	v11 =	vmov s6;
	v5 =	vld [tilespmem:$0x1340]  }
0x73: {  	s6 =	sor.u32 $0x1E, s4;
	v2 =	vadd.f32 v3, v2;
	v3 =	vmul.f32 v6, v4;
	v6 =	vld.idx.msk [tilespmem:v7+s0+$0x0], $0xffff  }
0x74: {  	v0 =	vadd.f32 v1, v0;
	v1 =	vmul.f32 v36, v4;
	v7 =	vmov s6;
	v4 =	vld [tilespmem:$0x1360]  }
0x75: {  	s4 =	sor.u32 $0x1F, s4;
	v2 =	vadd.f32 v3, v2;
	v3 =	vmul.f32 v9, v10;
	v9 =	vld.idx.msk [tilespmem:v38+s0+$0x0], $0xffff  }
0x76: {  	v0 =	vadd.f32 v1, v0;
	v1 =	vmul.f32 v35, v10;
	v35 =	vmov s4;
	v10 =	vld [tilespmem:$0x1380]  }
0x77: {  	v2 =	vadd.f32 v3, v2;
	v3 =	vmul.f32 v5, v8;
	v5 =	vld.idx.msk [tilespmem:v11+s0+$0x0], $0xffff  }
0x78: {  	v0 =	vadd.f32 v1, v0;
	v1 =	vmul.f32 v34, v8;
	v8 =	vld [tilespmem:$0x13A0]  }
0x79: {  	v2 =	vadd.f32 v3, v2;
	v3 =	vmul.f32 v4, v6;
	v4 =	vld.idx.msk [tilespmem:v7+s0+$0x0], $0xffff  }
0x7a: {  	v0 =	vadd.f32 v1, v0;
	v1 =	vmul.f32 v33, v6;
	v6 =	vld [tilespmem:$0x13C0]  }
0x7b: {  	v2 =	vadd.f32 v3, v2;
	v3 =	vmul.f32 v10, v9;
	v7 =	vld.idx.msk [tilespmem:v35+s0+$0x0], $0xffff  }
0x7c: {  	v0 =	vadd.f32 v1, v0;
	v1 =	vmul.f32 v32, v9;
	v9 =	vld [tilespmem:$0x13E0]  }
0x7d: {  	v2 =	vadd.f32 v3, v2;
	v3 =	vmul.f32 v8, v5;
	v8 =	vld [tilespmem:$0x13F0]  }
0x7e: {  	v0 =	vadd.f32 v1, v0;
	v1 =	vmul.f32 v31, v5  }
0x7f: {  	v2 =	vadd.f32 v3, v2;
	v3 =	vmul.f32 v6, v4  }
0x80: {  	v0 =	vadd.f32 v1, v0;
	v1 =	vmul.f32 v30, v4  }
0x81: {  	v2 =	vadd.f32 v3, v2;
	v3 =	vmul.f32 v9, v7  }
0x82: {  	s4 =	sand.u32 $0x3FFFFF80, s5;
	v0 =	vadd.f32 v1, v0;
	v1 =	vmul.f32 v8, v7  }
0x83: {  	s4 =	sadd.s32 $0x1480, s4;
	v2 =	vadd.f32 v3, v2  }
0x84: {  	s3 =	sor.u32 s3, s4;
	v0 =	vadd.f32 v1, v0  }
0x85: {  	[tilespmem:s3+$0x0] =	vst v2;
	s3 =	sor.u32 s7, s4  }
0x86: {  	[tilespmem:s3+$0x0] =	vst v0  }
0x87: {  	v30 =	vld [tilespmem:$0x13D0]  }
0x88: {  	v31 =	vld [tilespmem:$0x13B0]  }
0x89: {  	v32 =	vld [tilespmem:$0x1390]  }
0x8a: {  	v33 =	vld [tilespmem:$0x1370]  }
0x8b: {  	v34 =	vld [tilespmem:$0x1350]  }
0x8c: {  	v35 =	vld [tilespmem:$0x1330]  }
0x8d: {  	v36 =	vld [tilespmem:$0x1310]  }
0x8e: {  	v37 =	vld [tilespmem:$0x12F0]  }
0x8f: {  	v38 =	vld [tilespmem:$0x12D0]  }
0x90: {  	v39 =	vld [tilespmem:$0x12B0]  }
0x91: {  	v40 =	vld [tilespmem:$0x1290]  }
0x92: {  	v43 =	vld [tilespmem:$0x1270]  }
0x93: {  	v44 =	vld [tilespmem:$0x1250]  }
0x94: {  	v45 =	vld [tilespmem:$0x1230]  }
0x95: {  	v46 =	vld [tilespmem:$0x1210]  }
0x96: {  	v47 =	vld [tilespmem:$0x11F0]  }
0x97: {  	v48 =	vld [tilespmem:$0x11D0]  }
0x98: {  	v49 =	vld [tilespmem:$0x11B0]  }
0x99: {  	v0 =	vld [tilespmem:$0x1190]  }
0x9a: {  	v1 =	vld [tilespmem:$0x1170]  }
.Ltmp0:
0x9b: {  	v50 =	vld [tilespmem:$0x1150];
	(pc) =	sbr.rel @p0 .LBB2_2-.Ltmp0, $4  }
0x9c: {  	v2 =	vld [tilespmem:$0x1130]  }
0x9d: {  	v51 =	vld [tilespmem:$0x1110]  }
0x9e: {  	s2 =	sadd.s32 $0x20, s2;
	s5 =	sshll.u32 s1, $0x5;
	v52 =	vld [tilespmem:$0x10F0]  }
0x9f: {  	s1 =	sadd.s32 $0x1, s1;
	s6 =	sand.u32 $0xFFFFFF80, s5;
	s3 =	sand.u32 $0x60, s2;
	v3 =	vld [tilespmem:$0x10D0]  }
0xa0: {  	v4 =	vld [tilespmem:$0x10B0]  }
0xa1: {  	s1 =	sor.u32 s3, s6;
	v6 =	vld [tilespmem:$0x1090]  }
0xa2: {  	v7 =	vld [tilespmem:$0x1070];
	v5 =	vmov s1  }
0xa3: {  	v9 =	vld [tilespmem:$0x1050];
	s2 =	sor.u32 $0x1, s1  }
0xa4: {  	v10 =	vld [tilespmem:$0x1030];
	v8 =	vmov s2  }
0xa5: {  	v11 =	vld [tilespmem:$0x1010];
	s19 =	sor.u32 $0x2, s1  }
0xa6: {  	v54 =	vld [tilespmem:$0x1000];
	s20 =	sor.u32 $0x3, s1;
	v53 =	vmov s19  }
0xa7: {  	v55 =	vmov s20;
	v5 =	vld.idx.msk [tilespmem:v5+s0+$0x0], $0xffff  }
0xa8: {  	v56 =	vld [tilespmem:$0x1020];
	s21 =	sor.u32 $0x4, s1  }
0xa9: {  	v57 =	vmov s21;
	v8 =	vld.idx.msk [tilespmem:v8+s0+$0x0], $0xffff  }
0xaa: {  	v58 =	vld [tilespmem:$0x1040];
	s22 =	sor.u32 $0x5, s1  }
0xab: {  	v59 =	vmov s22;
	v53 =	vld.idx.msk [tilespmem:v53+s0+$0x0], $0xffff  }
0xac: {  	v55 =	vld.idx.msk [tilespmem:v55+s0+$0x0], $0xffff;
	v54 =	vmul.f32 v54, v5  }
0xad: {  	s24 =	sor.u32 $0x6, s1;
	v5 =	vmul.f32 v11, v5;
	v11 =	vld [tilespmem:$0x1060]  }
0xae: {  	v60 =	vmov s24;
	v61 =	vmul.f32 v56, v8;
	v56 =	vld.idx.msk [tilespmem:v57+s0+$0x0], $0xffff;
	v42 =	vadd.f32 v54, v42  }
0xaf: {  	s25 =	sor.u32 $0x7, s1;
	v8 =	vmul.f32 v10, v8;
	v10 =	vld [tilespmem:$0x1080];
	v5 =	vadd.f32 v5, v41  }
0xb0: {  	v57 =	vld.idx.msk [tilespmem:v59+s0+$0x0], $0xffff;
	v41 =	vmov s25;
	v54 =	vmul.f32 v58, v53;
	v42 =	vadd.f32 v61, v42  }
0xb1: {  	s26 =	sor.u32 $0x8, s1;
	v5 =	vadd.f32 v8, v5;
	v61 =	vmul.f32 v9, v53;
	v9 =	vld [tilespmem:$0x10A0]  }
0xb2: {  	s28 =	sor.u32 $0x9, s1;
	v58 =	vmov s26;
	v8 =	vld [tilespmem:$0x10C0];
	v11 =	vmul.f32 v11, v55;
	v42 =	vadd.f32 v54, v42  }
0xb3: {  	v7 =	vmul.f32 v7, v55;
	v59 =	vmov s28;
	v54 =	vld.idx.msk [tilespmem:v60+s0+$0x0], $0xffff;
	v5 =	vadd.f32 v61, v5  }
0xb4: {  	s29 =	sor.u32 $0xA, s1;
	v10 =	vmul.f32 v10, v56;
	v60 =	vld [tilespmem:$0x10E0];
	v11 =	vadd.f32 v11, v42  }
0xb5: {  	v6 =	vmul.f32 v6, v56;
	v61 =	vmov s29;
	v41 =	vld.idx.msk [tilespmem:v41+s0+$0x0], $0xffff;
	v5 =	vadd.f32 v7, v5  }
0xb6: {  	v4 =	vmul.f32 v4, v57;
	v9 =	vmul.f32 v9, v57;
	v57 =	vld [tilespmem:$0x1100];
	v10 =	vadd.f32 v10, v11  }
0xb7: {  	s30 =	sor.u32 $0xB, s1;
	v11 =	vld.idx.msk [tilespmem:v58+s0+$0x0], $0xffff;
	v5 =	vadd.f32 v6, v5  }
0xb8: {  	s31 =	sor.u32 $0xC, s1;
	v58 =	vmov s30;
	v8 =	vmul.f32 v8, v54;
	v9 =	vadd.f32 v9, v10;
	v10 =	vld.idx.msk [tilespmem:v59+s0+$0x0], $0xffff  }
0xb9: {  	v3 =	vmul.f32 v3, v54;
	v4 =	vadd.f32 v4, v5;
	v5 =	vld [tilespmem:$0x1120];
	v59 =	vmov s31  }
0xba: {  	v7 =	vmul.f32 v60, v41;
	v8 =	vadd.f32 v8, v9;
	v9 =	vld.idx.msk [tilespmem:v61+s0+$0x0], $0xffff  }
0xbb: {  	s4 =	sor.u32 $0xD, s1;
	v60 =	vmul.f32 v52, v41;
	v3 =	vadd.f32 v3, v4;
	v61 =	vld [tilespmem:$0x1140]  }
0xbc: {  	s7 =	sor.u32 $0xE, s1;
	v55 =	vmov s4;
	v6 =	vmul.f32 v57, v11;
	v57 =	vld [tilespmem:$0x1160];
	v7 =	vadd.f32 v7, v8  }
0xbd: {  	v56 =	vmul.f32 v51, v11;
	v8 =	vld.idx.msk [tilespmem:v58+s0+$0x0], $0xffff;
	v3 =	vadd.f32 v60, v3;
	v58 =	vmov s7  }
0xbe: {  	s9 =	sor.u32 $0xF, s1;
	v5 =	vmul.f32 v5, v10;
	v6 =	vadd.f32 v6, v7;
	v7 =	vld.idx.msk [tilespmem:v59+s0+$0x0], $0xffff  }
0xbf: {  	s10 =	sor.u32 $0x10, s3;
	v60 =	vmov s9;
	v2 =	vmul.f32 v2, v10;
	v3 =	vadd.f32 v56, v3;
	v59 =	vld [tilespmem:$0x1180]  }
0xc0: {  	v53 =	vld [tilespmem:$0x11A0];
	s4 =	sor.u32 s6, s10;
	v61 =	vmul.f32 v61, v9;
	v5 =	vadd.f32 v5, v6  }
0xc1: {  	v54 =	vmov s4;
	v52 =	vld.idx.msk [tilespmem:v55+s0+$0x0], $0xffff;
	v2 =	vadd.f32 v2, v3;
	v3 =	vmul.f32 v50, v9  }
0xc2: {  	s11 =	sor.u32 $0x11, s1;
	v55 =	vmul.f32 v57, v8;
	v56 =	vld.idx.msk [tilespmem:v58+s0+$0x0], $0xffff;
	v5 =	vadd.f32 v61, v5  }
0xc3: {  	v1 =	vmul.f32 v1, v8;
	v57 =	vmov s11;
	v2 =	vadd.f32 v3, v2;
	v3 =	vld [tilespmem:$0x11C0]  }
0xc4: {  	v58 =	vld.idx.msk [tilespmem:v60+s0+$0x0], $0xffff;
	v4 =	vmul.f32 v59, v7;
	v5 =	vadd.f32 v55, v5  }
0xc5: {  	s12 =	sor.u32 $0x12, s1;
	v0 =	vmul.f32 v0, v7;
	v1 =	vadd.f32 v1, v2;
	v2 =	vld [tilespmem:$0x11E0]  }
0xc6: {  	s13 =	sor.u32 $0x13, s1;
	v60 =	vmul.f32 v53, v52;
	v61 =	vld.idx.msk [tilespmem:v54+s0+$0x0], $0xffff;
	v59 =	vmov s12;
	v4 =	vadd.f32 v4, v5  }
0xc7: {  	v50 =	vmov s13;
	v0 =	vadd.f32 v0, v1;
	v1 =	vmul.f32 v49, v52;
	v49 =	vld [tilespmem:$0x1200]  }
0xc8: {  	s14 =	sor.u32 $0x14, s1;
	v51 =	vld.idx.msk [tilespmem:v57+s0+$0x0], $0xffff;
	v3 =	vmul.f32 v3, v56;
	v4 =	vadd.f32 v60, v4  }
0xc9: {  	v53 =	vmov s14;
	v52 =	vld [tilespmem:$0x1220];
	v0 =	vadd.f32 v1, v0;
	v1 =	vmul.f32 v48, v56  }
0xca: {  	v55 =	vld [tilespmem:$0x1240];
	v2 =	vmul.f32 v2, v58;
	v3 =	vadd.f32 v3, v4  }
0xcb: {  	s15 =	sor.u32 $0x15, s1;
	v54 =	vld.idx.msk [tilespmem:v59+s0+$0x0], $0xffff;
	v0 =	vadd.f32 v1, v0;
	v1 =	vmul.f32 v47, v58  }
0xcc: {  	v57 =	vld.idx.msk [tilespmem:v50+s0+$0x0], $0xffff;
	v56 =	vmov s15;
	v2 =	vadd.f32 v2, v3;
	v3 =	vmul.f32 v49, v61  }
0xcd: {  	s16 =	sor.u32 $0x16, s1;
	v58 =	vld [tilespmem:$0x1260];
	v0 =	vadd.f32 v1, v0;
	v1 =	vmul.f32 v46, v61  }
0xce: {  	v59 =	vmov s16;
	v60 =	vld.idx.msk [tilespmem:v53+s0+$0x0], $0xffff;
	v2 =	vadd.f32 v3, v2;
	v3 =	vmul.f32 v52, v51  }
0xcf: {  	s17 =	sor.u32 $0x17, s1;
	v61 =	vld [tilespmem:$0x1280];
	v0 =	vadd.f32 v1, v0;
	v1 =	vmul.f32 v45, v51  }
0xd0: {  	v47 =	vld [tilespmem:$0x12A0];
	v45 =	vmov s17;
	v2 =	vadd.f32 v3, v2;
	v3 =	vmul.f32 v55, v54  }
0xd1: {  	s18 =	sor.u32 $0x18, s1;
	v46 =	vld.idx.msk [tilespmem:v56+s0+$0x0], $0xffff;
	v0 =	vadd.f32 v1, v0;
	v1 =	vmul.f32 v44, v54  }
0xd2: {  	v50 =	vld [tilespmem:$0x12C0];
	v48 =	vmov s18;
	v2 =	vadd.f32 v3, v2;
	v3 =	vmul.f32 v58, v57  }
0xd3: {  	s19 =	sor.u32 $0x19, s1;
	v49 =	vld.idx.msk [tilespmem:v59+s0+$0x0], $0xffff;
	v0 =	vadd.f32 v1, v0;
	v1 =	vmul.f32 v43, v57  }
0xd4: {  	s20 =	sor.u32 $0x1A, s1;
	v53 =	vld [tilespmem:$0x12E0];
	v51 =	vmov s19;
	v2 =	vadd.f32 v3, v2;
	v3 =	vmul.f32 v61, v60  }
0xd5: {  	v54 =	vmov s20;
	v52 =	vld.idx.msk [tilespmem:v45+s0+$0x0], $0xffff;
	v0 =	vadd.f32 v1, v0;
	v1 =	vmul.f32 v40, v60  }
0xd6: {  	v56 =	vld [tilespmem:$0x1300];
	v2 =	vadd.f32 v3, v2;
	v3 =	vmul.f32 v47, v46  }
0xd7: {  	s21 =	sor.u32 $0x1B, s1;
	v55 =	vld.idx.msk [tilespmem:v48+s0+$0x0], $0xffff;
	v0 =	vadd.f32 v1, v0;
	v1 =	vmul.f32 v39, v46  }
0xd8: {  	v59 =	vld [tilespmem:$0x1320];
	v57 =	vmov s21;
	v2 =	vadd.f32 v3, v2;
	v3 =	vmul.f32 v50, v49  }
0xd9: {  	s22 =	sor.u32 $0x1C, s1;
	v58 =	vld.idx.msk [tilespmem:v51+s0+$0x0], $0xffff;
	v0 =	vadd.f32 v1, v0;
	v1 =	vmul.f32 v38, v49  }
0xda: {  	v60 =	vmov s22;
	v61 =	vld.idx.msk [tilespmem:v54+s0+$0x0], $0xffff;
	v2 =	vadd.f32 v3, v2;
	v3 =	vmul.f32 v53, v52  }
0xdb: {  	s24 =	sor.u32 $0x1D, s1;
	v39 =	vld [tilespmem:$0x1340];
	v0 =	vadd.f32 v1, v0;
	v1 =	vmul.f32 v37, v52  }
0xdc: {  	s25 =	sor.u32 $0x1E, s1;
	v42 =	vld [tilespmem:$0x1360];
	v40 =	vmov s24;
	v2 =	vadd.f32 v3, v2;
	v3 =	vmul.f32 v56, v55  }
0xdd: {  	v43 =	vmov s25;
	v41 =	vld.idx.msk [tilespmem:v57+s0+$0x0], $0xffff;
	v0 =	vadd.f32 v1, v0;
	v1 =	vmul.f32 v36, v55  }
0xde: {  	v45 =	vld [tilespmem:$0x1380];
	v2 =	vadd.f32 v3, v2;
	v3 =	vmul.f32 v59, v58  }
0xdf: {  	s1 =	sor.u32 $0x1F, s1;
	v44 =	vld.idx.msk [tilespmem:v60+s0+$0x0], $0xffff;
	v0 =	vadd.f32 v1, v0;
	v1 =	vmul.f32 v35, v58  }
0xe0: {  	v48 =	vld [tilespmem:$0x13A0];
	v46 =	vmov s1;
	v2 =	vadd.f32 v3, v2;
	v3 =	vmul.f32 v39, v61  }
0xe1: {  	v47 =	vld.idx.msk [tilespmem:v40+s0+$0x0], $0xffff;
	v0 =	vadd.f32 v1, v0;
	v1 =	vmul.f32 v34, v61  }
0xe2: {  	v49 =	vld.idx.msk [tilespmem:v43+s0+$0x0], $0xffff;
	v2 =	vadd.f32 v3, v2;
	v3 =	vmul.f32 v42, v41  }
0xe3: {  	v50 =	vld [tilespmem:$0x13C0];
	v0 =	vadd.f32 v1, v0;
	v1 =	vmul.f32 v33, v41  }
0xe4: {  	v52 =	vld [tilespmem:$0x13E0];
	v2 =	vadd.f32 v3, v2;
	v3 =	vmul.f32 v45, v44  }
0xe5: {  	v51 =	vld.idx.msk [tilespmem:v46+s0+$0x0], $0xffff;
	v0 =	vadd.f32 v1, v0;
	v1 =	vmul.f32 v32, v44  }
0xe6: {  	v53 =	vld [tilespmem:$0x13F0];
	v2 =	vadd.f32 v3, v2;
	v3 =	vmul.f32 v48, v47  }
0xe7: {  	v0 =	vadd.f32 v1, v0;
	v1 =	vmul.f32 v31, v47  }
0xe8: {  	v2 =	vadd.f32 v3, v2;
	v3 =	vmul.f32 v50, v49  }
0xe9: {  	v0 =	vadd.f32 v1, v0;
	v1 =	vmul.f32 v30, v49  }
0xea: {  	v2 =	vadd.f32 v3, v2;
	v3 =	vmul.f32 v52, v51  }
0xeb: {  	s26 =	sand.u32 $0x3FFFFF80, s5;
	v0 =	vadd.f32 v1, v0;
	v1 =	vmul.f32 v53, v51  }
0xec: {  	s1 =	sadd.s32 $0x1480, s26;
	v2 =	vadd.f32 v3, v2  }
0xed: {  	s28 =	sor.u32 s3, s1;
	v0 =	vadd.f32 v1, v0  }
0xee: {  	s1 =	sor.u32 s10, s1;
	[tilespmem:s28+$0x0] =	vst v2  }
0xef: {  	s29 =	sand.u32 $0xFE0, s0;
	[tilespmem:s1+$0x0] =	vst v0  }
0xf0: {  	v0 =	vld [tilespmem:s29+$0x1480]  }
0xf1: {  	v1 =	vld [tilespmem:s29+$0x1490];
	_ =	sdelay $0x3  }
0xf2: {  	v37 =	vimm.s32 $0x8;
	v2 =	vperm.xlane v0, v12  }
0xf3: {  	v16 =	vimm.s32 $0x4;
	s1 =	simm.s32 $0x2480;
	v3 =	vperm.xlane v1, v37  }
0xf4: {  	s30 =	sand.u32 $0x7F0, s0;
	v54 =	vperm.xlane v0, v16;
	[tilespmem:s1+$0x0] =	vst v2  }
0xf5: {  	v18 =	vimm.s32 $0x6;
	v55 =	vperm.xlane v0, v13;
	[tilespmem:s30+$0xE480] =	vst v3  }
0xf6: {  	v15 =	vimm.s32 $0x3;
	v56 =	vperm.xlane v1, v18;
	[tilespmem:s30+$0x4480] =	vst v54  }
0xf7: {  	v57 =	vperm.xlane v1, v15;
	[tilespmem:s30+$0x2C80] =	vst v55  }
0xf8: {  	v42 =	vimm.s32 $0xD;
	v58 =	vperm.xlane v1, v12;
	[tilespmem:s30+$0xD480] =	vst v56  }
0xf9: {  	v39 =	vimm.s32 $0xA;
	v59 =	vperm.xlane v0, v42;
	[tilespmem:s30+$0xBC80] =	vst v57  }
0xfa: {  	v36 =	vimm.s32 $0x7;
	v60 =	vperm.xlane v0, v39;
	[tilespmem:s30+$0xA480] =	vst v58  }
0xfb: {  	v61 =	vperm.xlane v0, v36;
	[tilespmem:s30+$0x8C80] =	vst v59  }
0xfc: {  	v2 =	vperm.xlane v0, v15;
	[tilespmem:s30+$0x7480] =	vst v60  }
0xfd: {  	v38 =	vimm.s32 $0x9;
	v3 =	vperm.xlane v0, v14;
	[tilespmem:s30+$0x5C80] =	vst v61  }
0xfe: {  	[tilespmem:s30+$0x3C80] =	vst v2;
	v2 =	vperm.xlane v1, v38  }
0xff: {  	v17 =	vimm.s32 $0x5;
	[tilespmem:s30+$0x3480] =	vst v3;
	v3 =	vperm.xlane v1, v36  }
0x100: {  	[tilespmem:s30+$0xEC80] =	vst v2;
	v2 =	vperm.xlane v1, v17  }
0x101: {  	[tilespmem:s30+$0xDC80] =	vst v3;
	v3 =	vperm.xlane v1, v16  }
0x102: {  	[tilespmem:s30+$0xCC80] =	vst v2;
	v2 =	vperm.xlane v1, v14  }
0x103: {  	v43 =	vimm.s32 $0xF;
	[tilespmem:s30+$0xC480] =	vst v3;
	v3 =	vperm.xlane v1, v13  }
0x104: {  	v19 =	vimm.s32 $0xE;
	[tilespmem:s30+$0xB480] =	vst v2;
	v2 =	vperm.xlane v0, v43  }
0x105: {  	v41 =	vimm.s32 $0xC;
	[tilespmem:s30+$0xAC80] =	vst v3;
	v3 =	vperm.xlane v0, v19  }
0x106: {  	v40 =	vimm.s32 $0xB;
	[tilespmem:s30+$0x9C80] =	vst v2;
	v2 =	vperm.xlane v0, v41  }
0x107: {  	[tilespmem:s30+$0x9480] =	vst v3;
	v3 =	vperm.xlane v0, v40  }
0x108: {  	[tilespmem:s30+$0x8480] =	vst v2;
	v2 =	vperm.xlane v0, v38  }
0x109: {  	[tilespmem:s30+$0x7C80] =	vst v3;
	v3 =	vperm.xlane v0, v37  }
0x10a: {  	[tilespmem:s30+$0x6C80] =	vst v2;
	v2 =	vperm.xlane v0, v18  }
0x10b: {  	v0 =	vperm.xlane v0, v17;
	[tilespmem:s30+$0x6480] =	vst v3  }
0x10c: {  	v3 =	vperm.xlane v1, v39;
	[tilespmem:s30+$0x5480] =	vst v2  }
0x10d: {  	v2 =	vperm.xlane v1, v40;
	[tilespmem:s30+$0x4C80] =	vst v0  }
0x10e: {  	v0 =	vperm.xlane v1, v41;
	[tilespmem:s30+$0xF480] =	vst v3  }
0x10f: {  	v3 =	vperm.xlane v1, v42;
	[tilespmem:s30+$0xFC80] =	vst v2  }
0x110: {  	v2 =	vperm.xlane v1, v19;
	[tilespmem:s30+$0x10480] =	vst v0  }
0x111: {  	v0 =	vperm.xlane v1, v43;
	[tilespmem:s30+$0x10C80] =	vst v3  }
0x112: {  	s31 =	simm.s32 $0x20;
	[tilespmem:s30+$0x11480] =	vst v2  }
0x113: {  	s4 =	sand.u32 $0xFE0, s31;
	[tilespmem:s30+$0x11C80] =	vst v0  }
0x114: {  	s2 =	simm.s32 $0x40;
	v0 =	vld [tilespmem:s4+$0x1480]  }
.LBB2_4:
0x115: {  	p0 =	sne.s32 s2, $0xFE0;
	v1 =	vld [tilespmem:s4+$0x1490];
	_ =	sdelay $0x3  }
0x116: {  	v2 =	vperm.xlane v0, v12;
	v3 =	vperm.xlane v0, v16  }
0x117: {  	s0 =	sadd.s32 $0x10, s0;
	s1 =	sadd.s32 $0x10, s1;
	v4 =	vperm.xlane v0, v15;
	v5 =	vperm.xlane v1, v37  }
0x118: {  	s3 =	sand.u32 $0x7F0, s0;
	v6 =	vperm.xlane v0, v14;
	[tilespmem:s1+$0x0] =	vst v2;
	v2 =	vperm.xlane v0, v13  }
0x119: {  	v7 =	vperm.xlane v1, v36;
	[tilespmem:s3+$0xE480] =	vst v5;
	v5 =	vperm.xlane v1, v38  }
0x11a: {  	v8 =	vperm.xlane v1, v18;
	[tilespmem:s3+$0x4480] =	vst v3;
	v3 =	vperm.xlane v1, v17  }
0x11b: {  	v9 =	vperm.xlane v1, v16;
	[tilespmem:s3+$0x3C80] =	vst v4;
	v4 =	vperm.xlane v1, v15  }
0x11c: {  	v10 =	vperm.xlane v1, v14;
	[tilespmem:s3+$0x3480] =	vst v6;
	v6 =	vperm.xlane v1, v13  }
0x11d: {  	v11 =	vperm.xlane v1, v12;
	[tilespmem:s3+$0x2C80] =	vst v2;
	v2 =	vperm.xlane v0, v43  }
0x11e: {  	v30 =	vperm.xlane v0, v42;
	v31 =	vperm.xlane v0, v19;
	[tilespmem:s3+$0xEC80] =	vst v5  }
0x11f: {  	v32 =	vperm.xlane v0, v41;
	v5 =	vperm.xlane v0, v40;
	[tilespmem:s3+$0xDC80] =	vst v7  }
0x120: {  	v33 =	vperm.xlane v0, v39;
	v7 =	vperm.xlane v0, v38;
	[tilespmem:s3+$0xD480] =	vst v8  }
0x121: {  	v34 =	vperm.xlane v0, v37;
	v8 =	vperm.xlane v0, v36;
	[tilespmem:s3+$0xCC80] =	vst v3  }
0x122: {  	v3 =	vperm.xlane v0, v17;
	v0 =	vperm.xlane v0, v18;
	[tilespmem:s3+$0xC480] =	vst v9  }
0x123: {  	v9 =	vperm.xlane v1, v40;
	[tilespmem:s3+$0xBC80] =	vst v4;
	v4 =	vperm.xlane v1, v39  }
0x124: {  	v35 =	vperm.xlane v1, v42;
	[tilespmem:s3+$0xB480] =	vst v10;
	v10 =	vperm.xlane v1, v41  }
0x125: {  	[tilespmem:s3+$0xAC80] =	vst v6;
	v6 =	vperm.xlane v1, v19;
	v1 =	vperm.xlane v1, v43  }
0x126: {  	[tilespmem:s3+$0xA480] =	vst v11  }
0x127: {  	[tilespmem:s3+$0x9C80] =	vst v2  }
0x128: {  	[tilespmem:s3+$0x9480] =	vst v31  }
0x129: {  	[tilespmem:s3+$0x8C80] =	vst v30  }
0x12a: {  	[tilespmem:s3+$0x8480] =	vst v32  }
0x12b: {  	[tilespmem:s3+$0x7C80] =	vst v5  }
0x12c: {  	[tilespmem:s3+$0x7480] =	vst v33  }
0x12d: {  	[tilespmem:s3+$0x6C80] =	vst v7  }
0x12e: {  	[tilespmem:s3+$0x6480] =	vst v34  }
0x12f: {  	[tilespmem:s3+$0x5C80] =	vst v8  }
0x130: {  	[tilespmem:s3+$0x5480] =	vst v0  }
0x131: {  	[tilespmem:s3+$0x4C80] =	vst v3  }
0x132: {  	[tilespmem:s3+$0xF480] =	vst v4  }
0x133: {  	[tilespmem:s3+$0xFC80] =	vst v9  }
.Ltmp1:
0x134: {  	[tilespmem:s3+$0x10480] =	vst v10;
	(pc) =	sbr.rel @p0 .LBB2_4-.Ltmp1, $4  }
0x135: {  	[tilespmem:s3+$0x10C80] =	vst v35  }
0x136: {  	[tilespmem:s3+$0x11480] =	vst v6  }
0x137: {  	s4 =	sand.u32 $0xFE0, s2;
	[tilespmem:s3+$0x11C80] =	vst v1  }
0x138: {  	s2 =	sadd.s32 $0x20, s2;
	v0 =	vld [tilespmem:s4+$0x1480]  }
0x139: {  	v1 =	vld [tilespmem:s4+$0x1490];
	_ =	sdelay $0x3  }
0x13a: {  	v2 =	vperm.xlane v0, v12  }
0x13b: {  	s0 =	sadd.s32 $0x10, s0;
	s1 =	sadd.s32 $0x10, s1;
	v3 =	vperm.xlane v1, v37  }
0x13c: {  	s0 =	sand.u32 $0x7F0, s0;
	v4 =	vperm.xlane v0, v16;
	[tilespmem:s1+$0x0] =	vst v2  }
0x13d: {  	v59 =	vperm.xlane v0, v15;
	[tilespmem:s0+$0xE480] =	vst v3  }
0x13e: {  	v60 =	vperm.xlane v0, v14;
	[tilespmem:s0+$0x4480] =	vst v4  }
0x13f: {  	v61 =	vperm.xlane v0, v13;
	[tilespmem:s0+$0x3C80] =	vst v59  }
0x140: {  	v8 =	vperm.xlane v1, v38;
	[tilespmem:s0+$0x3480] =	vst v60  }
0x141: {  	v9 =	vperm.xlane v1, v36;
	[tilespmem:s0+$0x2C80] =	vst v61  }
0x142: {  	v10 =	vperm.xlane v1, v18;
	[tilespmem:s0+$0xEC80] =	vst v8  }
0x143: {  	v11 =	vperm.xlane v1, v17;
	[tilespmem:s0+$0xDC80] =	vst v9  }
0x144: {  	v32 =	vperm.xlane v1, v16;
	[tilespmem:s0+$0xD480] =	vst v10  }
0x145: {  	v33 =	vperm.xlane v1, v15;
	[tilespmem:s0+$0xCC80] =	vst v11  }
0x146: {  	v34 =	vperm.xlane v1, v14;
	[tilespmem:s0+$0xC480] =	vst v32  }
0x147: {  	v35 =	vperm.xlane v1, v13;
	[tilespmem:s0+$0xBC80] =	vst v33  }
0x148: {  	v44 =	vperm.xlane v1, v12;
	[tilespmem:s0+$0xB480] =	vst v34  }
0x149: {  	v45 =	vperm.xlane v0, v43;
	[tilespmem:s0+$0xAC80] =	vst v35  }
0x14a: {  	v46 =	vperm.xlane v0, v19;
	[tilespmem:s0+$0xA480] =	vst v44  }
0x14b: {  	v47 =	vperm.xlane v0, v42;
	[tilespmem:s0+$0x9C80] =	vst v45  }
0x14c: {  	v48 =	vperm.xlane v0, v41;
	[tilespmem:s0+$0x9480] =	vst v46  }
0x14d: {  	v49 =	vperm.xlane v0, v40;
	[tilespmem:s0+$0x8C80] =	vst v47  }
0x14e: {  	v50 =	vperm.xlane v0, v39;
	[tilespmem:s0+$0x8480] =	vst v48  }
0x14f: {  	v51 =	vperm.xlane v0, v38;
	[tilespmem:s0+$0x7C80] =	vst v49  }
0x150: {  	v52 =	vperm.xlane v0, v37;
	[tilespmem:s0+$0x7480] =	vst v50  }
0x151: {  	v53 =	vperm.xlane v0, v36;
	[tilespmem:s0+$0x6C80] =	vst v51  }
0x152: {  	v54 =	vperm.xlane v0, v18;
	[tilespmem:s0+$0x6480] =	vst v52  }
0x153: {  	v55 =	vperm.xlane v0, v17;
	[tilespmem:s0+$0x5C80] =	vst v53  }
0x154: {  	v56 =	vperm.xlane v1, v39;
	[tilespmem:s0+$0x5480] =	vst v54  }
0x155: {  	v57 =	vperm.xlane v1, v40;
	[tilespmem:s0+$0x4C80] =	vst v55  }
0x156: {  	v58 =	vperm.xlane v1, v41;
	[tilespmem:s0+$0xF480] =	vst v56  }
0x157: {  	v59 =	vperm.xlane v1, v42;
	[tilespmem:s0+$0xFC80] =	vst v57  }
0x158: {  	v60 =	vperm.xlane v1, v19;
	[tilespmem:s0+$0x10480] =	vst v58  }
0x159: {  	s24 =	sld [smem:$0x7FB];
	v61 =	vperm.xlane v1, v43;
	[tilespmem:s0+$0x10C80] =	vst v59  }
0x15a: {  	[tilespmem:s0+$0x11480] =	vst v60  }
0x15b: {  	s3 =	simm.s32 $0x0;
	s25 =	simm.s32 $0x12480;
	[tilespmem:s0+$0x11C80] =	vst v61  }
0x15c: {  	[tilespmem:s25], [sflag:$0x1] =	stream.linear.gather [hbm4b:s24+s3], $0x80, $0x38;
	[tilespmem:$0x1A880] =	vst v63  }
0x15d: {  	s2 =	simm.s32 $0x12580;
	s26 =	sadd.s32 $0x80, s24  }
0x15e: {  	[tilespmem:s2], [sflag:$0x1] =	stream.linear.gather [hbm4b:s26+s3], $0x80, $0x38;
	[tilespmem:$0x1A880] =	vst v63  }
0x15f: {  	s29 =	simm.s32 $0x12680;
	s28 =	sadd.s32 $0x100, s24  }
0x160: {  	v18 =	vld [tilespmem:$0x1FFD0];
	[tilespmem:s29], [sflag:$0x1] =	stream.linear.gather [hbm4b:s28+s3], $0x80, $0x38  }
0x161: {  	s31 =	simm.s32 $0x12780;
	s30 =	sadd.s32 $0x180, s24;
	v17 =	vld [tilespmem:$0x1FFE0];
	s24 =	simm.s32 $0x0  }
0x162: {  	v15 =	vld [tilespmem:$0x1FFF0];
	[tilespmem:s31], [sflag:$0x1] =	stream.linear.gather [hbm4b:s30+s3], $0x80, $0x38  }
.LBB2_6:
0x163: {  	s0 =	sshllo.u32 s24, $0x1;
	s1 =	sshll.u32 s24, $0xF  }
0x164: {  	s14 =	simm.s32 $0x1;
	[smem:$0x7F4] =	sst s0;
	s0 =	sshll.u32 s0, $0x7  }
0x165: {  	s1 =	sand.u32 $0x3E0000, s1;
	s0 =	sand.u32 $0x380, s0;
	_ =	swait.ge [sflag:s14], $0x200  }
0x166: {  	s0 =	sor.u32 s0, s1;
	[sflag:s14] =	ssyncset.done $0x0  }
0x167: {  	s0 =	sor.u32 s8, s0;
	[sflag:s14] =	ssyncadd.s32 $0xFFFFFE00  }
0x168: {  	s0 =	sshrl.u32 s0, $0x3;
	s1 =	rddreg [dreg:$0x0]  }
0x169: {  	s2 =	simm.s32 $0x0;
	s15 =	simm.s32 $0x12500;
	s0 =	sadd.s32 s1, s0  }
0x16a: {  	[tilespmem:s15], [sflag:$0x1] =	stream.linear.gather [hbm4b:s0+s2], $0x80, $0x38;
	[tilespmem:$0x1A880] =	vst v63  }
0x16b: {  	s3 =	simm.s32 $0x12600;
	s16 =	sadd.s32 $0x80, s0  }
0x16c: {  	[tilespmem:s3], [sflag:$0x1] =	stream.linear.gather [hbm4b:s16+s2], $0x80, $0x38;
	[tilespmem:$0x1A880] =	vst v63  }
0x16d: {  	s18 =	simm.s32 $0x12700;
	s19 =	simm.s32 $0x12800;
	s17 =	sadd.s32 $0x100, s0  }
0x16e: {  	[tilespmem:s18], [sflag:$0x1] =	stream.linear.gather [hbm4b:s17+s2], $0x80, $0x38;
	[tilespmem:$0x1A880] =	vst v63  }
0x16f: {  	p0 =	seq.s32 s24, $0x0;
	s20 =	simm.s32 $0x0;
	s0 =	sadd.s32 $0x180, s0  }
0x170: {  	[tilespmem:s19], [sflag:$0x1] =	stream.linear.gather [hbm4b:s0+s2], $0x80, $0x38;
	[tilespmem:$0x1A880] =	vst v63  }
0x171: {  	s16 =	sand.u32 $0xC00, s20;
	s0 =	simm.s32 @!p0 $0x2  }
0x172: {  	s21 =	sshrl.u32 s16, $0x2;
	_ =	swait.ge @!p0 [sflag:s0], $0x4000  }
0x173: {  	s25 =	sand.u32 $0x60, s20;
	s1 =	sor.u32 $0x12480, s21;
	[sflag:s0] =	ssyncset.done @!p0 $0x0  }
0x174: {  	s22 =	sor.u32 s25, s1;
	[sflag:s0] =	ssyncadd.s32 @!p0 $0xFFFFC000  }
0x175: {  	v0 =	vld [tilespmem:s22+$0x0];
	_ =	sdelay $0x4  }
0x176: {  	v51 =	vshll.u32 v0, $0x4  }
0x177: {  	v0 =	vor.u32 v62, v51;
	_ =	sdelay $0x4  }
0x178: {  	v0 =	vld.idx.msk [tilespmem:v0+s23+$0x0], $0xffff  }
0x179: {  	v1 =	vadd.s32 v63, v51;
	_ =	sdelay $0x1  }
0x17a: {  	s30 =	sor.u32 $0x10, s25;
	s26 =	sadd.s32 $0x12880, s16  }
0x17b: {  	s4 =	sor.u32 s25, s26;
	s1 =	sor.u32 s30, s1  }
0x17c: {  	v2 =	vld [tilespmem:s1+$0x0];
	[tilespmem:s4+$0x0] =	vst v0  }
0x17d: {  	v0 =	vld.idx.msk [tilespmem:v1+s23+$0x0], $0xffff  }
0x17e: {  	v1 =	vadd.s32 v18, v51;
	_ =	sdelay $0x3  }
0x17f: {  	v50 =	vshll.u32 v2, $0x4;
	[tilespmem:s4+$0x80] =	vst v0  }
0x180: {  	v0 =	vor.u32 v62, v50;
	v1 =	vld.idx.msk [tilespmem:v1+s23+$0x0], $0xffff  }
0x181: {  	v2 =	vadd.s32 v17, v51;
	_ =	sdelay $0x3  }
0x182: {  	v0 =	vld.idx.msk [tilespmem:v0+s23+$0x0], $0xffff;
	[tilespmem:s4+$0x100] =	vst v1  }
0x183: {  	v1 =	vadd.s32 v63, v50;
	v2 =	vld.idx.msk [tilespmem:v2+s23+$0x0], $0xffff  }
0x184: {  	v3 =	vadd.s32 v23, v51;
	_ =	sdelay $0x1  }
0x185: {  	s31 =	sor.u32 s30, s26  }
0x186: {  	[tilespmem:s31+$0x0] =	vst v0  }
0x187: {  	v0 =	vld.idx.msk [tilespmem:v1+s23+$0x0], $0xffff;
	[tilespmem:s4+$0x180] =	vst v2  }
0x188: {  	v1 =	vadd.s32 v18, v50;
	v2 =	vld.idx.msk [tilespmem:v3+s23+$0x0], $0xffff  }
0x189: {  	v3 =	vadd.s32 v21, v51;
	_ =	sdelay $0x2  }
0x18a: {  	[tilespmem:s31+$0x80] =	vst v0  }
0x18b: {  	v0 =	vld.idx.msk [tilespmem:v1+s23+$0x0], $0xffff;
	[tilespmem:s4+$0x200] =	vst v2  }
0x18c: {  	v1 =	vadd.s32 v17, v50;
	v2 =	vld.idx.msk [tilespmem:v3+s23+$0x0], $0xffff  }
0x18d: {  	v3 =	vadd.s32 v22, v51;
	_ =	sdelay $0x2  }
0x18e: {  	[tilespmem:s31+$0x100] =	vst v0  }
0x18f: {  	s5 =	simm.s32 $0x100;
	v0 =	vld.idx.msk [tilespmem:v1+s23+$0x0], $0xffff;
	[tilespmem:s4+$0x280] =	vst v2  }
0x190: {  	s29 =	sand.u32 $0xC00, s5;
	v1 =	vadd.s32 v23, v50;
	v2 =	vld.idx.msk [tilespmem:v3+s23+$0x0], $0xffff  }
0x191: {  	s6 =	simm.s32 $0x20;
	s0 =	sshrl.u32 s29, $0x2;
	v3 =	vadd.s32 v15, v51  }
0x192: {  	s3 =	sand.u32 $0x60, s6;
	s0 =	sor.u32 $0x12480, s0  }
0x193: {  	s1 =	sor.u32 s3, s0  }
0x194: {  	[tilespmem:s31+$0x180] =	vst v0;
	v0 =	vld [tilespmem:s1+$0x0]  }
0x195: {  	v1 =	vld.idx.msk [tilespmem:v1+s23+$0x0], $0xffff;
	[tilespmem:s4+$0x300] =	vst v2  }
0x196: {  	v2 =	vadd.s32 v21, v50;
	v3 =	vld.idx.msk [tilespmem:v3+s23+$0x0], $0xffff  }
0x197: {  	s14 =	sor.u32 $0x10, s3;
	v4 =	vadd.s32 v24, v51  }
0x198: {  	s0 =	sor.u32 s14, s0  }
0x199: {  	v5 =	vld [tilespmem:s0+$0x0];
	v48 =	vshll.u32 v0, $0x4  }
0x19a: {  	[tilespmem:s31+$0x200] =	vst v1;
	v0 =	vor.u32 v62, v48  }
0x19b: {  	v1 =	vld.idx.msk [tilespmem:v2+s23+$0x0], $0xffff;
	[tilespmem:s4+$0x380] =	vst v3  }
0x19c: {  	v2 =	vadd.s32 v22, v50;
	v3 =	vld.idx.msk [tilespmem:v4+s23+$0x0], $0xffff  }
0x19d: {  	v4 =	vadd.s32 v25, v51  }
0x19e: {  	v49 =	vshll.u32 v5, $0x4  }
0x19f: {  	s7 =	sadd.s32 $0x13880, s16;
	v5 =	vor.u32 v62, v49;
	v0 =	vld.idx.msk [tilespmem:v0+s23+$0x0], $0xffff  }
0x1a0: {  	s9 =	sor.u32 s25, s7;
	[tilespmem:s31+$0x280] =	vst v1;
	v1 =	vadd.s32 v63, v48  }
0x1a1: {  	v2 =	vld.idx.msk [tilespmem:v2+s23+$0x0], $0xffff;
	[tilespmem:s9+$0x0] =	vst v3  }
0x1a2: {  	s10 =	sadd.s32 $0x12880, s29;
	v3 =	vadd.s32 v15, v50;
	v4 =	vld.idx.msk [tilespmem:v4+s23+$0x0], $0xffff  }
0x1a3: {  	s0 =	sor.u32 s3, s10;
	v6 =	vadd.s32 v26, v51  }
0x1a4: {  	v5 =	vld.idx.msk [tilespmem:v5+s23+$0x0], $0xffff;
	[tilespmem:s0+$0x0] =	vst v0  }
0x1a5: {  	s5 =	sadd.s32 $0x13900, s16;
	v0 =	vadd.s32 v63, v49;
	v1 =	vld.idx.msk [tilespmem:v1+s23+$0x0], $0xffff  }
0x1a6: {  	s6 =	sor.u32 s25, s5;
	[tilespmem:s31+$0x300] =	vst v2;
	v2 =	vadd.s32 v18, v48  }
0x1a7: {  	v3 =	vld.idx.msk [tilespmem:v3+s23+$0x0], $0xffff;
	[tilespmem:s6+$0x0] =	vst v4  }
0x1a8: {  	s1 =	sor.u32 s14, s10;
	v4 =	vadd.s32 v24, v50;
	v6 =	vld.idx.msk [tilespmem:v6+s23+$0x0], $0xffff  }
0x1a9: {  	[tilespmem:s1+$0x0] =	vst v5;
	v5 =	vadd.s32 v27, v51  }
0x1aa: {  	v0 =	vld.idx.msk [tilespmem:v0+s23+$0x0], $0xffff;
	[tilespmem:s0+$0x80] =	vst v1  }
0x1ab: {  	s11 =	sadd.s32 $0x13980, s16;
	v1 =	vadd.s32 v18, v49;
	v2 =	vld.idx.msk [tilespmem:v2+s23+$0x0], $0xffff  }
0x1ac: {  	s12 =	sor.u32 s25, s11;
	[tilespmem:s31+$0x380] =	vst v3;
	v3 =	vadd.s32 v17, v48  }
0x1ad: {  	v4 =	vld.idx.msk [tilespmem:v4+s23+$0x0], $0xffff;
	[tilespmem:s12+$0x0] =	vst v6  }
0x1ae: {  	v6 =	vadd.s32 v25, v50;
	v5 =	vld.idx.msk [tilespmem:v5+s23+$0x0], $0xffff  }
0x1af: {  	[tilespmem:s1+$0x80] =	vst v0;
	v0 =	vadd.s32 v28, v51  }
0x1b0: {  	v1 =	vld.idx.msk [tilespmem:v1+s23+$0x0], $0xffff;
	[tilespmem:s0+$0x100] =	vst v2  }
0x1b1: {  	s15 =	sadd.s32 $0x13A00, s16;
	s13 =	sor.u32 s30, s7;
	v2 =	vadd.s32 v17, v49;
	v3 =	vld.idx.msk [tilespmem:v3+s23+$0x0], $0xffff  }
0x1b2: {  	s17 =	sor.u32 s25, s15;
	[tilespmem:s13+$0x0] =	vst v4;
	v4 =	vadd.s32 v23, v48  }
0x1b3: {  	v6 =	vld.idx.msk [tilespmem:v6+s23+$0x0], $0xffff;
	[tilespmem:s17+$0x0] =	vst v5  }
0x1b4: {  	v5 =	vadd.s32 v26, v50;
	v0 =	vld.idx.msk [tilespmem:v0+s23+$0x0], $0xffff  }
0x1b5: {  	[tilespmem:s1+$0x100] =	vst v1;
	v1 =	vadd.s32 v29, v51  }
0x1b6: {  	v2 =	vld.idx.msk [tilespmem:v2+s23+$0x0], $0xffff;
	[tilespmem:s0+$0x180] =	vst v3  }
0x1b7: {  	s18 =	sor.u32 s30, s5;
	s9 =	sadd.s32 $0x13A80, s16;
	v3 =	vadd.s32 v23, v49;
	v4 =	vld.idx.msk [tilespmem:v4+s23+$0x0], $0xffff  }
0x1b8: {  	s19 =	sor.u32 s25, s9;
	[tilespmem:s18+$0x0] =	vst v6;
	v6 =	vadd.s32 v21, v48  }
0x1b9: {  	v5 =	vld.idx.msk [tilespmem:v5+s23+$0x0], $0xffff;
	[tilespmem:s19+$0x0] =	vst v0  }
0x1ba: {  	v30 =	vor.u32 $0x7000, v62;
	v0 =	vadd.s32 v27, v50;
	v1 =	vld.idx.msk [tilespmem:v1+s23+$0x0], $0xffff  }
0x1bb: {  	[tilespmem:s1+$0x180] =	vst v2;
	v2 =	vadd.s32 v30, v51  }
0x1bc: {  	v3 =	vld.idx.msk [tilespmem:v3+s23+$0x0], $0xffff;
	[tilespmem:s0+$0x200] =	vst v4  }
0x1bd: {  	s20 =	sor.u32 s30, s11;
	s10 =	sadd.s32 $0x13B00, s16;
	v4 =	vadd.s32 v21, v49;
	v6 =	vld.idx.msk [tilespmem:v6+s23+$0x0], $0xffff  }
0x1be: {  	s21 =	sor.u32 s25, s10;
	[tilespmem:s20+$0x0] =	vst v5;
	v5 =	vadd.s32 v22, v48  }
0x1bf: {  	v0 =	vld.idx.msk [tilespmem:v0+s23+$0x0], $0xffff;
	[tilespmem:s21+$0x0] =	vst v1  }
0x1c0: {  	v31 =	vor.u32 $0x7800, v62;
	v1 =	vadd.s32 v28, v50;
	v2 =	vld.idx.msk [tilespmem:v2+s23+$0x0], $0xffff  }
0x1c1: {  	[tilespmem:s1+$0x200] =	vst v3;
	v3 =	vadd.s32 v31, v51  }
0x1c2: {  	s22 =	simm.s32 $0x200;
	v4 =	vld.idx.msk [tilespmem:v4+s23+$0x0], $0xffff;
	[tilespmem:s0+$0x280] =	vst v6  }
0x1c3: {  	s11 =	sadd.s32 $0x13B80, s16;
	s4 =	sor.u32 s30, s15;
	s13 =	sand.u32 $0xC00, s22;
	v6 =	vadd.s32 v22, v49;
	v5 =	vld.idx.msk [tilespmem:v5+s23+$0x0], $0xffff  }
0x1c4: {  	s26 =	sor.u32 s25, s11;
	v7 =	vadd.s32 v15, v48;
	s6 =	simm.s32 $0x40;
	s31 =	sshrl.u32 s13, $0x2;
	[tilespmem:s4+$0x0] =	vst v0  }
0x1c5: {  	s8 =	sand.u32 $0x60, s6;
	s7 =	sor.u32 $0x12480, s31;
	v0 =	vld.idx.msk [tilespmem:v1+s23+$0x0], $0xffff;
	[tilespmem:s26+$0x0] =	vst v2  }
0x1c6: {  	s4 =	sor.u32 s8, s7;
	v1 =	vadd.s32 v29, v50;
	v2 =	vld.idx.msk [tilespmem:v3+s23+$0x0], $0xffff  }
0x1c7: {  	v32 =	vor.u32 $0x8000, v62;
	[tilespmem:s1+$0x280] =	vst v4;
	v3 =	vld [tilespmem:s4+$0x0]  }
0x1c8: {  	s20 =	sor.u32 $0x10, s8;
	v4 =	vld.idx.msk [tilespmem:v6+s23+$0x0], $0xffff;
	[tilespmem:s0+$0x300] =	vst v5;
	v5 =	vadd.s32 v32, v51  }
0x1c9: {  	s12 =	sor.u32 s30, s9;
	s2 =	sor.u32 s20, s7;
	v6 =	vadd.s32 v15, v49;
	v7 =	vld.idx.msk [tilespmem:v7+s23+$0x0], $0xffff  }
0x1ca: {  	s15 =	sadd.s32 $0x13C00, s16;
	[tilespmem:s12+$0x0] =	vst v0;
	v0 =	vld [tilespmem:s2+$0x0]  }
0x1cb: {  	v8 =	vadd.s32 v24, v48;
	s17 =	sor.u32 s25, s15;
	v1 =	vld.idx.msk [tilespmem:v1+s23+$0x0], $0xffff  }
0x1cc: {  	v9 =	vadd.s32 v30, v50;
	[tilespmem:s17+$0x0] =	vst v2;
	v52 =	vshll.u32 v3, $0x4  }
0x1cd: {  	v34 =	vor.u32 $0x8800, v62;
	[tilespmem:s1+$0x300] =	vst v4;
	v2 =	vld.idx.msk [tilespmem:v5+s23+$0x0], $0xffff;
	v3 =	vor.u32 v62, v52  }
0x1ce: {  	v4 =	vld.idx.msk [tilespmem:v6+s23+$0x0], $0xffff;
	v5 =	vadd.s32 v34, v51  }
0x1cf: {  	s18 =	sor.u32 s30, s10;
	v6 =	vadd.s32 v24, v49;
	[tilespmem:s0+$0x380] =	vst v7;
	v53 =	vshll.u32 v0, $0x4  }
0x1d0: {  	s4 =	sadd.s32 $0x14880, s16;
	v0 =	vld.idx.msk [tilespmem:v8+s23+$0x0], $0xffff;
	[tilespmem:s18+$0x0] =	vst v1;
	v1 =	vor.u32 v62, v53  }
0x1d1: {  	s19 =	sor.u32 s25, s4;
	v8 =	vadd.s32 v25, v48;
	v7 =	vld.idx.msk [tilespmem:v9+s23+$0x0], $0xffff  }
0x1d2: {  	v9 =	vadd.s32 v31, v50;
	[tilespmem:s19+$0x0] =	vst v2;
	v2 =	vld.idx.msk [tilespmem:v3+s23+$0x0], $0xffff  }
0x1d3: {  	v33 =	vor.u32 $0x9000, v62;
	s21 =	sadd.s32 $0x13880, s29;
	[tilespmem:s1+$0x380] =	vst v4;
	v4 =	vadd.s32 v63, v52;
	v3 =	vld.idx.msk [tilespmem:v5+s23+$0x0], $0xffff  }
0x1d4: {  	s22 =	sor.u32 s3, s21;
	v5 =	vld.idx.msk [tilespmem:v6+s23+$0x0], $0xffff;
	v6 =	vadd.s32 v33, v51  }
0x1d5: {  	s31 =	sadd.s32 $0x12880, s13;
	s26 =	sor.u32 s30, s11;
	[tilespmem:s22+$0x0] =	vst v0;
	v0 =	vadd.s32 v25, v49;
	v1 =	vld.idx.msk [tilespmem:v1+s23+$0x0], $0xffff  }
0x1d6: {  	s5 =	sadd.s32 $0x14900, s16;
	s0 =	sor.u32 s8, s31;
	[tilespmem:s26+$0x0] =	vst v7;
	v7 =	vld.idx.msk [tilespmem:v8+s23+$0x0], $0xffff;
	v8 =	vadd.s32 v63, v53  }
0x1d7: {  	v10 =	vadd.s32 v26, v48;
	s7 =	sor.u32 s25, s5;
	v9 =	vld.idx.msk [tilespmem:v9+s23+$0x0], $0xffff;
	[tilespmem:s0+$0x0] =	vst v2  }
0x1d8: {  	s1 =	sor.u32 s14, s21;
	v2 =	vadd.s32 v32, v50;
	[tilespmem:s7+$0x0] =	vst v3;
	v3 =	vld.idx.msk [tilespmem:v4+s23+$0x0], $0xffff  }
0x1d9: {  	v36 =	vor.u32 $0x9800, v62;
	s11 =	sadd.s32 $0x13900, s29;
	[tilespmem:s1+$0x0] =	vst v5;
	s1 =	sor.u32 s20, s31;
	v5 =	vadd.s32 v18, v52;
	v4 =	vld.idx.msk [tilespmem:v6+s23+$0x0], $0xffff  }
0x1da: {  	s12 =	sor.u32 s3, s11;
	v0 =	vld.idx.msk [tilespmem:v0+s23+$0x0], $0xffff;
	[tilespmem:s1+$0x0] =	vst v1;
	v1 =	vadd.s32 v36, v51  }
0x1db: {  	s6 =	sor.u32 s30, s15;
	v6 =	vadd.s32 v26, v49;
	[tilespmem:s12+$0x0] =	vst v7;
	v7 =	vld.idx.msk [tilespmem:v8+s23+$0x0], $0xffff  }
0x1dc: {  	[tilespmem:s6+$0x0] =	vst v9;
	s6 =	sadd.s32 $0x14980, s16;
	v8 =	vld.idx.msk [tilespmem:v10+s23+$0x0], $0xffff;
	v9 =	vadd.s32 v18, v53  }
0x1dd: {  	s15 =	sor.u32 s25, s6;
	v2 =	vld.idx.msk [tilespmem:v2+s23+$0x0], $0xffff;
	[tilespmem:s0+$0x80] =	vst v3;
	v3 =	vadd.s32 v27, v48  }
0x1de: {  	s9 =	sor.u32 s14, s11;
	v10 =	vadd.s32 v34, v50;
	[tilespmem:s15+$0x0] =	vst v4;
	v4 =	vld.idx.msk [tilespmem:v5+s23+$0x0], $0xffff  }
0x1df: {  	v37 =	vor.u32 $0xA000, v62;
	s17 =	sadd.s32 $0x13980, s29;
	[tilespmem:s9+$0x0] =	vst v0;
	v0 =	vld.idx.msk [tilespmem:v1+s23+$0x0], $0xffff;
	v1 =	vadd.s32 v17, v52  }
0x1e0: {  	s18 =	sor.u32 s3, s17;
	v5 =	vld.idx.msk [tilespmem:v6+s23+$0x0], $0xffff;
	v6 =	vadd.s32 v37, v51;
	[tilespmem:s1+$0x80] =	vst v7  }
0x1e1: {  	s19 =	sor.u32 s30, s4;
	v7 =	vadd.s32 v27, v49;
	v9 =	vld.idx.msk [tilespmem:v9+s23+$0x0], $0xffff;
	[tilespmem:s18+$0x0] =	vst v8  }
0x1e2: {  	s21 =	sadd.s32 $0x14A00, s16;
	[tilespmem:s19+$0x0] =	vst v2;
	v2 =	vadd.s32 v17, v53;
	v3 =	vld.idx.msk [tilespmem:v3+s23+$0x0], $0xffff  }
0x1e3: {  	s22 =	sor.u32 s25, s21;
	v8 =	vld.idx.msk [tilespmem:v10+s23+$0x0], $0xffff;
	v10 =	vadd.s32 v28, v48;
	[tilespmem:s0+$0x100] =	vst v4  }
0x1e4: {  	s10 =	sor.u32 s14, s17;
	v4 =	vadd.s32 v33, v50;
	[tilespmem:s22+$0x0] =	vst v0;
	v0 =	vld.idx.msk [tilespmem:v1+s23+$0x0], $0xffff  }
0x1e5: {  	v38 =	vor.u32 $0xA800, v62;
	s26 =	sadd.s32 $0x13A00, s29;
	[tilespmem:s10+$0x0] =	vst v5;
	v5 =	vadd.s32 v23, v52;
	v1 =	vld.idx.msk [tilespmem:v6+s23+$0x0], $0xffff  }
0x1e6: {  	s31 =	sor.u32 s3, s26;
	v6 =	vld.idx.msk [tilespmem:v7+s23+$0x0], $0xffff;
	v7 =	vadd.s32 v38, v51;
	[tilespmem:s1+$0x100] =	vst v9  }
0x1e7: {  	s2 =	sor.u32 s30, s5;
	v9 =	vadd.s32 v28, v49;
	v2 =	vld.idx.msk [tilespmem:v2+s23+$0x0], $0xffff;
	[tilespmem:s31+$0x0] =	vst v3  }
0x1e8: {  	s5 =	sadd.s32 $0x14A80, s16;
	v3 =	vadd.s32 v23, v53;
	[tilespmem:s2+$0x0] =	vst v8;
	v8 =	vld.idx.msk [tilespmem:v10+s23+$0x0], $0xffff  }
0x1e9: {  	s7 =	sor.u32 s25, s5;
	v4 =	vld.idx.msk [tilespmem:v4+s23+$0x0], $0xffff;
	[tilespmem:s0+$0x180] =	vst v0;
	v0 =	vadd.s32 v29, v48  }
0x1ea: {  	s10 =	sor.u32 s14, s26;
	v10 =	vadd.s32 v36, v50;
	[tilespmem:s7+$0x0] =	vst v1;
	v1 =	vld.idx.msk [tilespmem:v5+s23+$0x0], $0xffff  }
0x1eb: {  	v40 =	vor.u32 $0xB000, v62;
	s11 =	sadd.s32 $0x13A80, s29;
	[tilespmem:s10+$0x0] =	vst v6;
	v6 =	vadd.s32 v21, v52;
	v5 =	vld.idx.msk [tilespmem:v7+s23+$0x0], $0xffff  }
0x1ec: {  	s12 =	sor.u32 s3, s11;
	v7 =	vld.idx.msk [tilespmem:v9+s23+$0x0], $0xffff;
	[tilespmem:s1+$0x180] =	vst v2;
	v2 =	vadd.s32 v40, v51  }
0x1ed: {  	s6 =	sor.u32 s30, s6;
	v9 =	vadd.s32 v29, v49;
	v3 =	vld.idx.msk [tilespmem:v3+s23+$0x0], $0xffff;
	[tilespmem:s12+$0x0] =	vst v8  }
0x1ee: {  	s2 =	sadd.s32 $0x14B00, s16;
	[tilespmem:s6+$0x0] =	vst v4;
	v4 =	vadd.s32 v21, v53;
	v0 =	vld.idx.msk [tilespmem:v0+s23+$0x0], $0xffff  }
0x1ef: {  	s15 =	sor.u32 s25, s2;
	v8 =	vld.idx.msk [tilespmem:v10+s23+$0x0], $0xffff;
	[tilespmem:s0+$0x200] =	vst v1;
	v1 =	vadd.s32 v30, v48  }
0x1f0: {  	s10 =	sor.u32 s14, s11;
	v10 =	vadd.s32 v37, v50;
	[tilespmem:s15+$0x0] =	vst v5;
	v5 =	vld.idx.msk [tilespmem:v6+s23+$0x0], $0xffff  }
0x1f1: {  	s17 =	sadd.s32 $0x13B00, s29;
	[tilespmem:s10+$0x0] =	vst v7;
	v6 =	vadd.s32 v22, v52;
	v2 =	vld.idx.msk [tilespmem:v2+s23+$0x0], $0xffff  }
0x1f2: {  	v39 =	vor.u32 $0xB800, v62;
	s18 =	sor.u32 s3, s17;
	v7 =	vld.idx.msk [tilespmem:v9+s23+$0x0], $0xffff;
	[tilespmem:s1+$0x200] =	vst v3  }
0x1f3: {  	s4 =	sor.u32 s30, s21;
	v3 =	vadd.s32 v39, v51;
	v4 =	vld.idx.msk [tilespmem:v4+s23+$0x0], $0xffff;
	[tilespmem:s18+$0x0] =	vst v0  }
0x1f4: {  	v9 =	vadd.s32 v30, v49;
	[tilespmem:s4+$0x0] =	vst v8;
	v1 =	vld.idx.msk [tilespmem:v1+s23+$0x0], $0xffff;
	s4 =	sadd.s32 $0x14B80, s16  }
0x1f5: {  	v0 =	vadd.s32 v22, v53;
	v8 =	vld.idx.msk [tilespmem:v10+s23+$0x0], $0xffff;
	[tilespmem:s0+$0x280] =	vst v5;
	s19 =	sor.u32 s25, s4  }
0x1f6: {  	s6 =	sor.u32 s14, s17;
	v5 =	vadd.s32 v31, v48;
	v6 =	vld.idx.msk [tilespmem:v6+s23+$0x0], $0xffff;
	[tilespmem:s19+$0x0] =	vst v2  }
0x1f7: {  	s12 =	sadd.s32 $0x13B80, s29;
	v10 =	vadd.s32 v38, v50;
	[tilespmem:s6+$0x0] =	vst v7  }
0x1f8: {  	s21 =	sor.u32 s3, s12;
	v2 =	vadd.s32 v15, v52;
	v3 =	vld.idx.msk [tilespmem:v3+s23+$0x0], $0xffff;
	[tilespmem:s1+$0x280] =	vst v4  }
0x1f9: {  	v35 =	vor.u32 $0xC000, v62;
	s22 =	sor.u32 s30, s5;
	s26 =	simm.s32 $0x300;
	v7 =	vld.idx.msk [tilespmem:v9+s23+$0x0], $0xffff;
	[tilespmem:s21+$0x0] =	vst v1  }
0x1fa: {  	s9 =	sand.u32 $0xC00, s26;
	s7 =	simm.s32 $0x60;
	v4 =	vadd.s32 v35, v51;
	v0 =	vld.idx.msk [tilespmem:v0+s23+$0x0], $0xffff;
	[tilespmem:s22+$0x0] =	vst v8  }
0x1fb: {  	s31 =	sshrl.u32 s9, $0x2;
	s7 =	sand.u32 $0x60, s7;
	s10 =	simm.s32 $0x60;
	v1 =	vld.idx.msk [tilespmem:v5+s23+$0x0], $0xffff;
	[tilespmem:s0+$0x300] =	vst v6  }
0x1fc: {  	s6 =	sadd.s32 $0x14C00, s16;
	s19 =	sor.u32 $0x12480, s31;
	v5 =	vadd.s32 v15, v53;
	v8 =	vld.idx.msk [tilespmem:v10+s23+$0x0], $0xffff;
	[dreg:$0xd] =	wrdreg s10  }
0x1fd: {  	s18 =	sor.u32 s25, s6;
	s11 =	sor.u32 s7, s19;
	v6 =	vadd.s32 v32, v48;
	v2 =	vld.idx.msk [tilespmem:v2+s23+$0x0], $0xffff  }
0x1fe: {  	s10 =	sor.u32 $0x10, s7;
	[tilespmem:s18+$0x0] =	vst v3;
	v3 =	vadd.s32 v40, v50;
	v10 =	vld [tilespmem:s11+$0x0]  }
0x1ff: {  	v9 =	vadd.s32 v31, v49;
	s21 =	sadd.s32 $0x13C00, s29;
	s19 =	sor.u32 s10, s19;
	v4 =	vld.idx.msk [tilespmem:v4+s23+$0x0], $0xffff  }
0x200: {  	v41 =	vor.u32 $0xC800, v62;
	s15 =	sor.u32 s3, s21;
	[tilespmem:s1+$0x300] =	vst v0;
	v0 =	vadd.s32 v24, v52;
	v11 =	vld [tilespmem:s19+$0x0]  }
0x201: {  	s2 =	sor.u32 s30, s2;
	v5 =	vld.idx.msk [tilespmem:v5+s23+$0x0], $0xffff;
	[tilespmem:s15+$0x0] =	vst v1;
	v1 =	vadd.s32 v41, v51  }
0x202: {  	v42 =	vadd.s32 v24, v53;
	s12 =	sor.u32 s14, s12;
	[tilespmem:s2+$0x0] =	vst v8;
	v6 =	vld.idx.msk [tilespmem:v6+s23+$0x0], $0xffff  }
0x203: {  	[tilespmem:s12+$0x0] =	vst v7;
	v7 =	vadd.s32 v34, v48;
	s2 =	sadd.s32 $0x15880, s16;
	v3 =	vld.idx.msk [tilespmem:v3+s23+$0x0], $0xffff  }
0x204: {  	v9 =	vld.idx.msk [tilespmem:v9+s23+$0x0], $0xffff;
	v8 =	vadd.s32 v39, v50;
	s17 =	sor.u32 s25, s2;
	[tilespmem:s0+$0x380] =	vst v2;
	v55 =	vshll.u32 v10, $0x4  }
0x205: {  	s12 =	sadd.s32 $0x14880, s29;
	v0 =	vld.idx.msk [tilespmem:v0+s23+$0x0], $0xffff;
	[tilespmem:s17+$0x0] =	vst v4;
	v2 =	vor.u32 v62, v55;
	v54 =	vshll.u32 v11, $0x4  }
0x206: {  	s18 =	sor.u32 s3, s12;
	[tilespmem:s1+$0x380] =	vst v5;
	v1 =	vld.idx.msk [tilespmem:v1+s23+$0x0], $0xffff;
	v4 =	vor.u32 v62, v54  }
0x207: {  	s19 =	sor.u32 s30, s4;
	v10 =	vadd.s32 v25, v52;
	v5 =	vld.idx.msk [tilespmem:v42+s23+$0x0], $0xffff;
	[tilespmem:s18+$0x0] =	vst v6;
	v42 =	vor.u32 $0xD000, v62  }
0x208: {  	s26 =	sadd.s32 $0x13880, s13;
	s22 =	sor.u32 s14, s21;
	v6 =	vld.idx.msk [tilespmem:v7+s23+$0x0], $0xffff;
	v7 =	vadd.s32 v42, v51;
	[tilespmem:s19+$0x0] =	vst v3  }
0x209: {  	s31 =	sor.u32 s8, s26;
	s4 =	sadd.s32 $0x15900, s16;
	[tilespmem:s22+$0x0] =	vst v9;
	v3 =	vadd.s32 v25, v53;
	v8 =	vld.idx.msk [tilespmem:v8+s23+$0x0], $0xffff  }
0x20a: {  	s1 =	sor.u32 s25, s4;
	[tilespmem:s31+$0x0] =	vst v0;
	v0 =	vld.idx.msk [tilespmem:v2+s23+$0x0], $0xffff;
	v2 =	vadd.s32 v33, v48  }
0x20b: {  	s5 =	sor.u32 s20, s26;
	s19 =	sadd.s32 $0x14900, s29;
	[tilespmem:s1+$0x0] =	vst v1;
	v1 =	vadd.s32 v63, v55;
	v4 =	vld.idx.msk [tilespmem:v4+s23+$0x0], $0xffff  }
0x20c: {  	s11 =	sor.u32 s3, s19;
	v9 =	vld.idx.msk [tilespmem:v10+s23+$0x0], $0xffff;
	[tilespmem:s5+$0x0] =	vst v5;
	v5 =	vadd.s32 v63, v54  }
0x20d: {  	s6 =	sor.u32 s30, s6;
	s15 =	sadd.s32 $0x12880, s9;
	v7 =	vld.idx.msk [tilespmem:v7+s23+$0x0], $0xffff;
	[tilespmem:s11+$0x0] =	vst v6;
	v6 =	vadd.s32 v26, v52  }
0x20e: {  	v10 =	vadd.s32 v32, v49;
	s1 =	sor.u32 s7, s15;
	v3 =	vld.idx.msk [tilespmem:v3+s23+$0x0], $0xffff;
	[tilespmem:s6+$0x0] =	vst v8  }
0x20f: {  	v43 =	vor.u32 $0xD800, v62;
	s0 =	sor.u32 s10, s15;
	s17 =	sadd.s32 $0x13900, s13;
	v2 =	vld.idx.msk [tilespmem:v2+s23+$0x0], $0xffff;
	[tilespmem:s1+$0x0] =	vst v0;
	v0 =	vadd.s32 v26, v53  }
0x210: {  	s26 =	sor.u32 s8, s17;
	s6 =	sadd.s32 $0x15980, s16;
	v8 =	vadd.s32 v43, v51;
	v1 =	vld.idx.msk [tilespmem:v1+s23+$0x0], $0xffff;
	[tilespmem:s0+$0x0] =	vst v4  }
0x211: {  	v4 =	vadd.s32 v36, v48;
	[tilespmem:s26+$0x0] =	vst v9;
	s22 =	sor.u32 s25, s6;
	v5 =	vld.idx.msk [tilespmem:v5+s23+$0x0], $0xffff  }
0x212: {  	s21 =	sadd.s32 $0x14980, s29;
	s18 =	sor.u32 s20, s17;
	v9 =	vadd.s32 v35, v50;
	[tilespmem:s22+$0x0] =	vst v7;
	v6 =	vld.idx.msk [tilespmem:v6+s23+$0x0], $0xffff  }
0x213: {  	s31 =	sor.u32 s3, s21;
	v7 =	vld.idx.msk [tilespmem:v10+s23+$0x0], $0xffff;
	v10 =	vadd.s32 v18, v55;
	[tilespmem:s18+$0x0] =	vst v3  }
0x214: {  	v3 =	vadd.s32 v18, v54;
	[tilespmem:s31+$0x0] =	vst v2;
	v0 =	vld.idx.msk [tilespmem:v0+s23+$0x0], $0xffff  }
0x215: {  	s5 =	sadd.s32 $0x13980, s13;
	v2 =	vadd.s32 v34, v49;
	v8 =	vld.idx.msk [tilespmem:v8+s23+$0x0], $0xffff;
	[tilespmem:s1+$0x80] =	vst v1  }
0x216: {  	s11 =	sor.u32 s8, s5;
	v4 =	vld.idx.msk [tilespmem:v4+s23+$0x0], $0xffff;
	v1 =	vadd.s32 v27, v53;
	[tilespmem:s0+$0x80] =	vst v5  }
0x217: {  	s12 =	sor.u32 s14, s12;
	v9 =	vld.idx.msk [tilespmem:v9+s23+$0x0], $0xffff;
	v5 =	vadd.s32 v27, v52;
	[tilespmem:s11+$0x0] =	vst v6  }
0x218: {  	s15 =	sor.u32 s20, s5;
	v6 =	vadd.s32 v37, v48;
	[tilespmem:s12+$0x0] =	vst v7;
	v10 =	vld.idx.msk [tilespmem:v10+s23+$0x0], $0xffff;
	s12 =	sadd.s32 $0x15A00, s16  }
0x219: {  	s18 =	sadd.s32 $0x14A00, s29;
	v7 =	vadd.s32 v41, v50;
	v3 =	vld.idx.msk [tilespmem:v3+s23+$0x0], $0xffff;
	s26 =	sor.u32 s25, s12;
	[tilespmem:s15+$0x0] =	vst v0  }
0x21a: {  	s17 =	sor.u32 s3, s18;
	v0 =	vadd.s32 v17, v54;
	v2 =	vld.idx.msk [tilespmem:v2+s23+$0x0], $0xffff;
	[tilespmem:s26+$0x0] =	vst v8  }
0x21b: {  	s2 =	sor.u32 s30, s2;
	[tilespmem:s17+$0x0] =	vst v4;
	v4 =	vadd.s32 v17, v55;
	v1 =	vld.idx.msk [tilespmem:v1+s23+$0x0], $0xffff  }
0x21c: {  	v8 =	vadd.s32 v33, v49;
	[tilespmem:s2+$0x0] =	vst v9;
	v5 =	vld.idx.msk [tilespmem:v5+s23+$0x0], $0xffff  }
0x21d: {  	v9 =	vadd.s32 v28, v53;
	v6 =	vld.idx.msk [tilespmem:v6+s23+$0x0], $0xffff;
	[tilespmem:s1+$0x100] =	vst v10  }
0x21e: {  	s5 =	sadd.s32 $0x13A00, s13;
	s31 =	sor.u32 s14, s19;
	v7 =	vld.idx.msk [tilespmem:v7+s23+$0x0], $0xffff;
	[tilespmem:s0+$0x100] =	vst v3;
	v3 =	vadd.s32 v28, v52  }
0x21f: {  	s11 =	sor.u32 s20, s5;
	v10 =	vadd.s32 v38, v48;
	v0 =	vld.idx.msk [tilespmem:v0+s23+$0x0], $0xffff;
	[tilespmem:s31+$0x0] =	vst v2  }
0x220: {  	s19 =	sadd.s32 $0x14A80, s29;
	s15 =	sor.u32 s8, s5;
	v2 =	vadd.s32 v42, v50;
	v4 =	vld.idx.msk [tilespmem:v4+s23+$0x0], $0xffff;
	[tilespmem:s11+$0x0] =	vst v1  }
0x221: {  	s17 =	sor.u32 s3, s19;
	v1 =	vadd.s32 v23, v54;
	v8 =	vld.idx.msk [tilespmem:v8+s23+$0x0], $0xffff;
	[tilespmem:s15+$0x0] =	vst v5  }
0x222: {  	v44 =	vor.u32 $0xE000, v62;
	s4 =	sor.u32 s30, s4;
	v5 =	vadd.s32 v23, v55;
	v9 =	vld.idx.msk [tilespmem:v9+s23+$0x0], $0xffff;
	[tilespmem:s17+$0x0] =	vst v6  }
0x223: {  	v6 =	vadd.s32 v44, v51;
	[tilespmem:s4+$0x0] =	vst v7;
	v3 =	vld.idx.msk [tilespmem:v3+s23+$0x0], $0xffff  }
0x224: {  	v7 =	vadd.s32 v36, v49;
	v10 =	vld.idx.msk [tilespmem:v10+s23+$0x0], $0xffff;
	[tilespmem:s0+$0x180] =	vst v0  }
0x225: {  	s22 =	sor.u32 s14, s21;
	s26 =	sadd.s32 $0x13A80, s13;
	v0 =	vadd.s32 v29, v53;
	v2 =	vld.idx.msk [tilespmem:v2+s23+$0x0], $0xffff;
	[tilespmem:s1+$0x180] =	vst v4  }
0x226: {  	s31 =	sor.u32 s20, s26;
	v1 =	vld.idx.msk [tilespmem:v1+s23+$0x0], $0xffff;
	v4 =	vadd.s32 v29, v52;
	[tilespmem:s22+$0x0] =	vst v8  }
0x227: {  	s21 =	sadd.s32 $0x14B00, s29;
	s4 =	sor.u32 s8, s26;
	v5 =	vld.idx.msk [tilespmem:v5+s23+$0x0], $0xffff;
	[tilespmem:s31+$0x0] =	vst v9  }
0x228: {  	s5 =	sor.u32 s3, s21;
	v8 =	vadd.s32 v43, v50;
	v6 =	vld.idx.msk [tilespmem:v6+s23+$0x0], $0xffff;
	[tilespmem:s4+$0x0] =	vst v3  }
0x229: {  	s6 =	sor.u32 s30, s6;
	v9 =	vadd.s32 v21, v54;
	v7 =	vld.idx.msk [tilespmem:v7+s23+$0x0], $0xffff;
	[tilespmem:s5+$0x0] =	vst v10  }
0x22a: {  	v3 =	vadd.s32 v21, v55;
	v0 =	vld.idx.msk [tilespmem:v0+s23+$0x0], $0xffff;
	[tilespmem:s6+$0x0] =	vst v2  }
0x22b: {  	v45 =	vor.u32 $0xE800, v62;
	v10 =	vadd.s32 v40, v48;
	s6 =	sadd.s32 $0x15A80, s16;
	v2 =	vld.idx.msk [tilespmem:v4+s23+$0x0], $0xffff;
	[tilespmem:s0+$0x200] =	vst v1  }
0x22c: {  	v4 =	vadd.s32 v45, v51;
	s11 =	sor.u32 s25, s6;
	[tilespmem:s1+$0x200] =	vst v5  }
0x22d: {  	s15 =	sor.u32 s14, s18;
	s17 =	sadd.s32 $0x13B00, s13;
	v8 =	vld.idx.msk [tilespmem:v8+s23+$0x0], $0xffff;
	[tilespmem:s11+$0x0] =	vst v6  }
0x22e: {  	s22 =	sor.u32 s20, s17;
	v9 =	vld.idx.msk [tilespmem:v9+s23+$0x0], $0xffff;
	[tilespmem:s15+$0x0] =	vst v7  }
0x22f: {  	s26 =	sor.u32 s8, s17;
	v47 =	vld.idx.msk [tilespmem:v3+s23+$0x0], $0xffff;
	[tilespmem:s22+$0x0] =	vst v0  }
0x230: {  	v1 =	vadd.s32 v30, v53;
	v10 =	vld.idx.msk [tilespmem:v10+s23+$0x0], $0xffff;
	[tilespmem:s26+$0x0] =	vst v2  }
0x231: {  	s31 =	sadd.s32 $0x13980, s9;
	s5 =	sshll.u32 s24, $0x1;
	v4 =	vld.idx.msk [tilespmem:v4+s23+$0x0], $0xffff;
	[smem:$0x7F5] =	sst s24  }
0x232: {  	v11 =	vadd.s32 v30, v52;
	s15 =	smov.u32 s9;
	s9 =	sor.u32 s7, s31;
	[smem:$0x7F6] =	sst s5  }
0x233: {  	v46 =	vadd.s32 v37, v49;
	s12 =	sor.u32 s30, s12;
	[dreg:$0x18] =	wrdreg s9  }
0x234: {  	v7 =	vadd.s32 v22, v54;
	s5 =	smov.u32 s10;
	s10 =	sor.u32 s10, s31;
	[tilespmem:s12+$0x0] =	vst v8  }
0x235: {  	s28 =	smov.u32 s8;
	v59 =	vadd.s32 v22, v55;
	v5 =	vld.idx.msk [tilespmem:v1+s23+$0x0], $0xffff;
	[dreg:$0x19] =	wrdreg s10  }
0x236: {  	v60 =	vadd.s32 v39, v48;
	s21 =	sor.u32 s14, s21;
	s17 =	smov.u32 s7;
	s4 =	smov.u32 s13;
	[tilespmem:s0+$0x280] =	vst v9  }
0x237: {  	v20 =	vmov v63;
	v58 =	vadd.s32 v35, v49;
	v56 =	vadd.s32 v35, v53;
	s11 =	sadd.s32 $0x14B80, s29;
	s7 =	sor.u32 s30, s6;
	s6 =	simm.s32 $0x6;
	v6 =	vld.idx.msk [tilespmem:v11+s23+$0x0], $0xffff;
	[tilespmem:s1+$0x280] =	vst v47  }
0x238: {  	v57 =	vadd.s32 v35, v54;
	v62 =	vadd.s32 v39, v49;
	v63 =	vadd.s32 v15, v55;
	s18 =	sor.u32 s14, s11;
	s22 =	sadd.s32 $0x15B00, s16;
	v3 =	vld.idx.msk [tilespmem:v46+s23+$0x0], $0xffff;
	[dreg:$0x5] =	wrdreg s16  }
0x239: {  	v0 =	vadd.s32 v40, v49;
	v2 =	vadd.s32 v44, v50;
	s26 =	sor.u32 s25, s22;
	s24 =	sor.u32 s14, s19;
	s19 =	sor.u32 s3, s11;
	v1 =	vadd.s32 v38, v49;
	v9 =	vld.idx.msk [tilespmem:v7+s23+$0x0], $0xffff  }
0x23a: {  	s22 =	sor.u32 s30, s22;
	s31 =	sadd.s32 $0x13B80, s13;
	v8 =	vadd.s32 v31, v52;
	s12 =	simm.s32 $0x400;
	[tilespmem:s19+$0x0] =	vst v10;
	v10 =	vld.idx.msk [tilespmem:v59+s23+$0x0], $0xffff;
	v7 =	vadd.s32 v31, v53  }
0x23b: {  	v19 =	vlaneseq.u32;
	v61 =	vmovc v35;
	v11 =	vadd.s32 v15, v54;
	s16 =	smov.u32 s25;
	[tilespmem:s26+$0x0] =	vst v4;
	s19 =	sor.u32 s8, s31;
	s26 =	sor.u32 s20, s31;
	v59 =	vmovc v35;
	v4 =	vld.idx.msk [tilespmem:v60+s23+$0x0], $0xffff;
	v60 =	vmov v35  }
.LBB2_7:
0x23c: {  	_ = 	snop  }
0x23d: {  	[tilespmem:s26+$0x0] =	vst v5  }
0x23e: {  	s8 =	rddreg [dreg:$0xd];
	[tilespmem:s19+$0x0] =	vst v6;
	v2 =	vld.idx.msk [tilespmem:v2+s23+$0x0], $0xffff  }
0x23f: {  	s25 =	sand.u32 $0xC00, s12;
	s2 =	smov.u32 s30;
	s8 =	sadd.s32 $0x20, s8;
	v6 =	vld.idx.msk [tilespmem:v7+s23+$0x0], $0xffff;
	v7 =	vadd.s32 v61, v48;
	[tilespmem:s24+$0x0] =	vst v3  }
0x240: {  	s9 =	sshrl.u32 s25, $0x2;
	s31 =	sadd.s32 $0x13980, s25;
	v8 =	vld.idx.msk [tilespmem:v8+s23+$0x0], $0xffff;
	[dreg:$0xd] =	wrdreg s8;
	[tilespmem:s0+$0x300] =	vst v9  }
0x241: {  	s30 =	sand.u32 $0x60, s8;
	s10 =	sor.u32 $0x12480, s9;
	s9 =	sadd.s32 $0x14C00, s29;
	v3 =	vadd.s32 v45, v50;
	v9 =	vld.idx.msk [tilespmem:v1+s23+$0x0], $0xffff  }
0x242: {  	[tilespmem:s1+$0x300] =	vst v10;
	s11 =	sor.u32 s30, s10;
	s13 =	sor.u32 $0x10, s30;
	s8 =	sor.u32 s3, s9;
	v10 =	vld.idx.msk [tilespmem:v11+s23+$0x0], $0xffff  }
0x243: {  	v47 =	vadd.s32 v32, v52;
	s26 =	sor.u32 s30, s31;
	s24 =	sor.u32 s13, s31;
	s31 =	sadd.s32 $0x13C00, s4;
	v11 =	vld.idx.msk [tilespmem:v63+s23+$0x0], $0xffff;
	[tilespmem:s8+$0x0] =	vst v4  }
0x244: {  	s19 =	sor.u32 s14, s9;
	s9 =	sor.u32 s28, s31;
	s31 =	sor.u32 s20, s31;
	v4 =	vld.idx.msk [tilespmem:v7+s23+$0x0], $0xffff;
	[tilespmem:s7+$0x0] =	vst v2  }
0x245: {  	v2 =	vadd.s32 v24, v55;
	[tilespmem:s31+$0x0] =	vst v6;
	v6 =	vld [tilespmem:s11+$0x0]  }
0x246: {  	s10 =	sor.u32 s13, s10;
	v7 =	vadd.s32 v41, v48;
	[tilespmem:s9+$0x0] =	vst v8;
	v3 =	vld.idx.msk [tilespmem:v3+s23+$0x0], $0xffff  }
0x247: {  	v12 =	vadd.s32 v24, v54;
	v46 =	vor.u32 $0xF000, v19;
	v8 =	vld [tilespmem:s10+$0x0];
	[tilespmem:s21+$0x0] =	vst v9  }
0x248: {  	s10 =	sadd.s32 $0x15880, s29;
	v9 =	vld.idx.msk [tilespmem:v47+s23+$0x0], $0xffff;
	[tilespmem:s0+$0x380] =	vst v10;
	v10 =	vadd.s32 v46, v50  }
0x249: {  	[tilespmem:s1+$0x380] =	vst v11;
	s11 =	sor.u32 s3, s10;
	v11 =	vadd.s32 v46, v51;
	v0 =	vld.idx.msk [tilespmem:v0+s23+$0x0], $0xffff  }
0x24a: {  	v13 =	vadd.s32 v34, v52;
	v47 =	vld.idx.msk [tilespmem:v2+s23+$0x0], $0xffff;
	[tilespmem:s11+$0x0] =	vst v4  }
0x24b: {  	v4 =	vshll.u32 v6, $0x4;
	v7 =	vld.idx.msk [tilespmem:v7+s23+$0x0], $0xffff;
	[tilespmem:s22+$0x0] =	vst v3;
	s22 =	sadd.s32 $0x14880, s4  }
0x24c: {  	v3 =	vor.u32 v19, v4;
	v12 =	vld.idx.msk [tilespmem:v12+s23+$0x0], $0xffff;
	s31 =	sor.u32 s28, s22  }
0x24d: {  	v63 =	vadd.s32 v15, v4;
	v8 =	vshll.u32 v8, $0x4;
	v15 =	vadd.s32 v25, v55;
	v10 =	vld.idx.msk [tilespmem:v10+s23+$0x0], $0xffff;
	[tilespmem:s31+$0x0] =	vst v9  }
0x24e: {  	s7 =	sadd.s32 $0x13880, s15;
	v16 =	vor.u32 v19, v8;
	v9 =	vld.idx.msk [tilespmem:v11+s23+$0x0], $0xffff  }
0x24f: {  	v14 =	vadd.s32 v25, v54;
	s9 =	sor.u32 s17, s7;
	s21 =	sor.u32 s14, s10;
	s10 =	sadd.s32 $0x15900, s29;
	v11 =	vld.idx.msk [tilespmem:v13+s23+$0x0], $0xffff;
	v13 =	vadd.s32 v42, v48;
	[tilespmem:s18+$0x0] =	vst v0  }
0x250: {  	v18 =	vadd.s32 v33, v52;
	v5 =	vadd.s32 v32, v53;
	v61 =	vmov v60;
	s0 =	sor.u32 s5, s7;
	s7 =	rddreg [dreg:$0x5];
	s11 =	sor.u32 s3, s10;
	[tilespmem:s9+$0x0] =	vst v47;
	v62 =	vld.idx.msk [tilespmem:v62+s23+$0x0], $0xffff  }
0x251: {  	v60 =	vmov v59;
	s8 =	smov.u32 s28;
	v1 =	vadd.s32 v41, v49;
	v2 =	vadd.s32 v34, v53;
	s28 =	sor.u32 s20, s22;
	s22 =	sadd.s32 $0x15B80, s7;
	v17 =	vld.idx.msk [tilespmem:v3+s23+$0x0], $0xffff;
	[tilespmem:s11+$0x0] =	vst v7  }
0x252: {  	s1 =	sor.u32 s2, s22;
	v0 =	vadd.s32 v42, v49;
	v47 =	vor.u32 $0xF800, v19;
	v3 =	vadd.s32 v33, v53;
	v7 =	vld.idx.msk [tilespmem:v15+s23+$0x0], $0xffff;
	[tilespmem:s0+$0x0] =	vst v12  }
0x253: {  	s31 =	sadd.s32 $0x14900, s4;
	s18 =	sor.u32 s14, s10;
	s10 =	sor.u32 s16, s22;
	v12 =	vadd.s32 v47, v51;
	v51 =	vmovc v48;
	v48 =	vmov v52;
	v52 =	vmov v55;
	v16 =	vld.idx.msk [tilespmem:v16+s23+$0x0], $0xffff;
	[tilespmem:s1+$0x0] =	vst v10  }
0x254: {  	s22 =	sor.u32 s8, s31;
	v15 =	vadd.s32 v20, v4;
	v55 =	vmov v4;
	v10 =	vadd.s32 v47, v50;
	v4 =	vld.idx.msk [tilespmem:v13+s23+$0x0], $0xffff;
	[tilespmem:s10+$0x0] =	vst v9  }
0x255: {  	v59 =	vmovc v35;
	s9 =	sadd.s32 $0x12880, s25;
	v50 =	vmovc v49;
	v49 =	vmov v53;
	v53 =	vmov v54;
	v54 =	vmov v8;
	v9 =	vld.idx.msk [tilespmem:v14+s23+$0x0], $0xffff;
	[tilespmem:s22+$0x0] =	vst v11  }
0x256: {  	v6 =	vadd.s32 v59, v8;
	s1 =	sor.u32 s30, s9;
	v8 =	vadd.s32 v20, v54;
	v13 =	vld.idx.msk [tilespmem:v18+s23+$0x0], $0xffff  }
0x257: {  	s11 =	sadd.s32 $0x13900, s15;
	v11 =	vadd.s32 v26, v52;
	v18 =	vld [tilespmem:$0x1FFD0];
	[tilespmem:s1+$0x0] =	vst v17  }
0x258: {  	[tilespmem:s19+$0x0] =	vst v62;
	s19 =	sor.u32 s17, s11;
	v12 =	vld.idx.msk [tilespmem:v12+s23+$0x0], $0xffff  }
0x259: {  	s0 =	sor.u32 s13, s9;
	s22 =	sadd.s32 $0x15980, s29;
	[tilespmem:s19+$0x0] =	vst v7;
	v7 =	vadd.s32 v26, v53;
	v10 =	vld.idx.msk [tilespmem:v10+s23+$0x0], $0xffff  }
0x25a: {  	s9 =	sor.u32 s5, s11;
	s11 =	sor.u32 s3, s22;
	v14 =	vld.idx.msk [tilespmem:v15+s23+$0x0], $0xffff;
	[tilespmem:s0+$0x0] =	vst v16;
	v15 =	vadd.s32 v36, v48  }
0x25b: {  	v17 =	vadd.s32 v43, v51;
	s19 =	sadd.s32 $0x14980, s4;
	v8 =	vld.idx.msk [tilespmem:v8+s23+$0x0], $0xffff;
	[tilespmem:s11+$0x0] =	vst v4  }
0x25c: {  	s10 =	sadd.s32 $0x15C00, s7;
	[tilespmem:s9+$0x0] =	vst v9;
	s11 =	sor.u32 s8, s19;
	v11 =	vld.idx.msk [tilespmem:v11+s23+$0x0], $0xffff  }
0x25d: {  	s7 =	sor.u32 s16, s10;
	v5 =	vld.idx.msk [tilespmem:v5+s23+$0x0], $0xffff;
	[tilespmem:s11+$0x0] =	vst v13  }
0x25e: {  	s31 =	sor.u32 s20, s31;
	v9 =	vadd.s32 v18, v54;
	v7 =	vld.idx.msk [tilespmem:v7+s23+$0x0], $0xffff;
	[tilespmem:s7+$0x0] =	vst v12  }
0x25f: {  	v16 =	vadd.s32 v18, v55;
	s11 =	smov.u32 s29;
	s29 =	smov.u32 s4;
	s4 =	sor.u32 s2, s10;
	v12 =	vld.idx.msk [tilespmem:v15+s23+$0x0], $0xffff;
	[tilespmem:s1+$0x80] =	vst v14  }
0x260: {  	s16 =	smov.u32 s3;
	s22 =	sor.u32 s14, s22;
	s3 =	smov.u32 s8;
	[tilespmem:s4+$0x0] =	vst v10;
	v13 =	vld.idx.msk [tilespmem:v17+s23+$0x0], $0xffff  }
0x261: {  	s19 =	sor.u32 s20, s19;
	s8 =	smov.u32 s17;
	s7 =	rddreg [dreg:$0x18];
	v10 =	vadd.s32 v27, v53;
	v17 =	vld [tilespmem:$0x1FFE0];
	[tilespmem:s0+$0x80] =	vst v8  }
0x262: {  	s17 =	smov.u32 s30;
	s30 =	smov.u32 s14;
	s14 =	smov.u32 s20;
	v8 =	vadd.s32 v27, v52;
	v14 =	vld.idx.msk [tilespmem:v58+s23+$0x0], $0xffff;
	[tilespmem:s7+$0x0] =	vst v11  }
0x263: {  	s20 =	smov.u32 s5;
	s5 =	smov.u32 s13;
	s13 =	rddreg [dreg:$0x19];
	v9 =	vld.idx.msk [tilespmem:v9+s23+$0x0], $0xffff;
	[tilespmem:s28+$0x0] =	vst v5  }
0x264: {  	s9 =	smov.u32 s26;
	s2 =	smov.u32 s15;
	s10 =	sadd.s32 $0x14A00, s29;
	v58 =	vmovc v56;
	v56 =	vmov v57;
	v11 =	vadd.s32 v37, v48;
	v57 =	vmov v6;
	v6 =	vld.idx.msk [tilespmem:v16+s23+$0x0], $0xffff;
	[tilespmem:s13+$0x0] =	vst v7  }
0x265: {  	s15 =	smov.u32 s25;
	s26 =	sadd.s32 $0x15A00, s11;
	s25 =	sor.u32 s3, s10;
	v2 =	vld.idx.msk [tilespmem:v2+s23+$0x0], $0xffff  }
0x266: {  	s7 =	sor.u32 s16, s26;
	v7 =	vld.idx.msk [tilespmem:v10+s23+$0x0], $0xffff;
	[tilespmem:s25+$0x0] =	vst v12;
	v5 =	vadd.s32 v17, v54  }
0x267: {  	v15 =	vadd.s32 v17, v55;
	v8 =	vld.idx.msk [tilespmem:v8+s23+$0x0], $0xffff;
	[tilespmem:s7+$0x0] =	vst v13  }
0x268: {  	[tilespmem:s21+$0x0] =	vst v14  }
0x269: {  	v11 =	vld.idx.msk [tilespmem:v11+s23+$0x0], $0xffff;
	[tilespmem:s0+$0x100] =	vst v9;
	v9 =	vadd.s32 v28, v52  }
0x26a: {  	s13 =	smov.u32 s24;
	s24 =	sadd.s32 $0x13A00, s2;
	v10 =	vadd.s32 v28, v53;
	[tilespmem:s1+$0x100] =	vst v6;
	v12 =	vld.idx.msk [tilespmem:v1+s23+$0x0], $0xffff  }
0x26b: {  	[dreg:$0x18] =	wrdreg s9;
	s9 =	sor.u32 s20, s24;
	v6 =	vadd.s32 v38, v48;
	v5 =	vld.idx.msk [tilespmem:v5+s23+$0x0], $0xffff;
	[tilespmem:s31+$0x0] =	vst v2  }
0x26c: {  	s4 =	sadd.s32 $0x14A80, s29;
	s25 =	sor.u32 s8, s24;
	v13 =	vld.idx.msk [tilespmem:v15+s23+$0x0], $0xffff;
	[tilespmem:s9+$0x0] =	vst v7  }
0x26d: {  	s7 =	sor.u32 s3, s4;
	v14 =	vadd.s32 v23, v54;
	[tilespmem:s25+$0x0] =	vst v8;
	v3 =	vld.idx.msk [tilespmem:v3+s23+$0x0], $0xffff  }
0x26e: {  	v7 =	vadd.s32 v23, v55;
	v9 =	vld.idx.msk [tilespmem:v9+s23+$0x0], $0xffff;
	[tilespmem:s7+$0x0] =	vst v11  }
0x26f: {  	v8 =	vld.idx.msk [tilespmem:v10+s23+$0x0], $0xffff;
	v10 =	vadd.s32 v44, v51;
	[tilespmem:s18+$0x0] =	vst v12  }
0x270: {  	v6 =	vld.idx.msk [tilespmem:v6+s23+$0x0], $0xffff;
	[tilespmem:s0+$0x180] =	vst v5  }
0x271: {  	v62 =	vadd.s32 v36, v49;
	v11 =	vld.idx.msk [tilespmem:v0+s23+$0x0], $0xffff  }
0x272: {  	[dreg:$0x19] =	wrdreg s13;
	s13 =	sadd.s32 $0x13A80, s2;
	v5 =	vadd.s32 v29, v53;
	[tilespmem:s1+$0x180] =	vst v13;
	v12 =	vld.idx.msk [tilespmem:v14+s23+$0x0], $0xffff  }
0x273: {  	s9 =	sor.u32 s20, s13;
	v13 =	vadd.s32 v29, v52;
	v7 =	vld.idx.msk [tilespmem:v7+s23+$0x0], $0xffff;
	[tilespmem:s19+$0x0] =	vst v3  }
0x274: {  	s21 =	sadd.s32 $0x14B00, s29;
	s18 =	sor.u32 s8, s13;
	[tilespmem:s9+$0x0] =	vst v8;
	v8 =	vld.idx.msk [tilespmem:v10+s23+$0x0], $0xffff;
	v10 =	vadd.s32 v21, v55  }
0x275: {  	v4 =	vadd.s32 v43, v50;
	s25 =	sor.u32 s3, s21;
	[tilespmem:s18+$0x0] =	vst v9  }
0x276: {  	v3 =	vadd.s32 v21, v54;
	v9 =	vld.idx.msk [tilespmem:v62+s23+$0x0], $0xffff;
	[tilespmem:s25+$0x0] =	vst v6  }
0x277: {  	v6 =	vadd.s32 v40, v48;
	v5 =	vld.idx.msk [tilespmem:v5+s23+$0x0], $0xffff;
	[tilespmem:s22+$0x0] =	vst v11  }
0x278: {  	v14 =	vadd.s32 v45, v51;
	v13 =	vld.idx.msk [tilespmem:v13+s23+$0x0], $0xffff;
	[tilespmem:s1+$0x200] =	vst v7  }
0x279: {  	s31 =	sadd.s32 $0x15A80, s11;
	v7 =	vadd.s32 v30, v52;
	[tilespmem:s0+$0x200] =	vst v12;
	v10 =	vld.idx.msk [tilespmem:v10+s23+$0x0], $0xffff  }
0x27a: {  	s24 =	sor.u32 s14, s4;
	v15 =	vadd.s32 v22, v55;
	s4 =	sor.u32 s16, s31;
	v4 =	vld.idx.msk [tilespmem:v4+s23+$0x0], $0xffff  }
0x27b: {  	s13 =	sadd.s32 $0x13B00, s2;
	v3 =	vld.idx.msk [tilespmem:v3+s23+$0x0], $0xffff;
	[tilespmem:s4+$0x0] =	vst v8  }
0x27c: {  	s18 =	sor.u32 s8, s13;
	v11 =	vadd.s32 v30, v53;
	v12 =	vld.idx.msk [tilespmem:v6+s23+$0x0], $0xffff  }
0x27d: {  	v14 =	vld.idx.msk [tilespmem:v14+s23+$0x0], $0xffff;
	[tilespmem:s18+$0x0] =	vst v13  }
0x27e: {  	v16 =	vadd.s32 v37, v49;
	s28 =	sor.u32 s14, s10;
	v6 =	vld.idx.msk [tilespmem:v7+s23+$0x0], $0xffff;
	[tilespmem:s1+$0x280] =	vst v10  }
0x27f: {  	s6 =	sadd.s32 $0x2, s6;
	s9 =	sor.u32 s20, s13;
	v8 =	vadd.s32 v22, v54;
	[tilespmem:s28+$0x0] =	vst v9;
	v10 =	vld.idx.msk [tilespmem:v15+s23+$0x0], $0xffff  }
0x280: {  	s12 =	sadd.s32 $0x100, s12;
	p0 =	slt.u32 s6, $0x1E;
	s26 =	sor.u32 s30, s26;
	[tilespmem:s9+$0x0] =	vst v5;
	v13 =	vadd.s32 v39, v48;
	v15 =	vld [tilespmem:$0x1FFF0]  }
.Ltmp2:
0x281: {  	[dreg:$0x5] =	wrdreg s11;
	s21 =	sor.u32 s14, s21;
	v5 =	vld.idx.msk [tilespmem:v11+s23+$0x0], $0xffff;
	[tilespmem:s26+$0x0] =	vst v4;
	(pc) =	sbr.rel @p0 .LBB2_7-.Ltmp2, $4  }
0x282: {  	s7 =	sor.u32 s30, s31;
	s19 =	sadd.s32 $0x14B80, s29;
	s25 =	sadd.s32 $0x15B00, s11;
	[tilespmem:s0+$0x280] =	vst v3  }
0x283: {  	v1 =	vadd.s32 v38, v49;
	v2 =	vadd.s32 v44, v50;
	v0 =	vadd.s32 v40, v49;
	s31 =	sor.u32 s16, s25;
	s22 =	sor.u32 s3, s19;
	s4 =	smov.u32 s2;
	v3 =	vld.idx.msk [tilespmem:v16+s23+$0x0], $0xffff  }
0x284: {  	v62 =	vadd.s32 v39, v49;
	s28 =	smov.u32 s8;
	s18 =	sor.u32 s14, s19;
	v7 =	vadd.s32 v31, v53;
	s26 =	sadd.s32 $0x13B80, s2;
	[tilespmem:s22+$0x0] =	vst v12;
	v9 =	vld.idx.msk [tilespmem:v8+s23+$0x0], $0xffff  }
0x285: {  	s22 =	sor.u32 s30, s25;
	s19 =	sor.u32 s8, s26;
	s26 =	sor.u32 s20, s26;
	v8 =	vadd.s32 v31, v52;
	v4 =	vld.idx.msk [tilespmem:v13+s23+$0x0], $0xffff;
	[tilespmem:s31+$0x0] =	vst v14;
	v11 =	vadd.s32 v15, v54  }
0x286: {  	_ =	sdelay $0x2  }
0x287: {  	[tilespmem:s1+$0x300] =	vst v10  }
0x288: {  	[tilespmem:s0+$0x300] =	vst v9;
	v9 =	vld.idx.msk [tilespmem:v63+s23+$0x0], $0xffff  }
0x289: {  	v63 =	vadd.s32 v24, v55  }
0x28a: {  	v10 =	vld.idx.msk [tilespmem:v11+s23+$0x0], $0xffff  }
0x28b: {  	v12 =	vadd.s32 v24, v54;
	_ =	sdelay $0x1  }
0x28c: {  	[tilespmem:s1+$0x380] =	vst v9  }
0x28d: {  	v9 =	vld.idx.msk [tilespmem:v63+s23+$0x0], $0xffff  }
0x28e: {  	[tilespmem:s0+$0x380] =	vst v10;
	v63 =	vadd.s32 v25, v55  }
0x28f: {  	v10 =	vld.idx.msk [tilespmem:v12+s23+$0x0], $0xffff  }
0x290: {  	s10 =	sadd.s32 $0x13880, s15;
	v12 =	vadd.s32 v25, v54  }
0x291: {  	s11 =	sor.u32 s17, s10  }
0x292: {  	[tilespmem:s11+$0x0] =	vst v9  }
0x293: {  	s0 =	sor.u32 s5, s10;
	v9 =	vld.idx.msk [tilespmem:v63+s23+$0x0], $0xffff  }
0x294: {  	[tilespmem:s0+$0x0] =	vst v10;
	v63 =	vadd.s32 v26, v55  }
0x295: {  	v10 =	vld.idx.msk [tilespmem:v12+s23+$0x0], $0xffff  }
0x296: {  	s12 =	sadd.s32 $0x13900, s15;
	v12 =	vadd.s32 v26, v54  }
0x297: {  	s25 =	sor.u32 s17, s12  }
0x298: {  	[tilespmem:s25+$0x0] =	vst v9  }
0x299: {  	s0 =	sor.u32 s5, s12;
	v9 =	vld.idx.msk [tilespmem:v63+s23+$0x0], $0xffff  }
0x29a: {  	[tilespmem:s0+$0x0] =	vst v10;
	v63 =	vadd.s32 v27, v55  }
0x29b: {  	v10 =	vld.idx.msk [tilespmem:v12+s23+$0x0], $0xffff  }
0x29c: {  	v12 =	vadd.s32 v27, v54  }
0x29d: {  	s0 =	rddreg [dreg:$0x18]  }
0x29e: {  	[tilespmem:s0+$0x0] =	vst v9  }
0x29f: {  	s0 =	rddreg [dreg:$0x19];
	v9 =	vld.idx.msk [tilespmem:v63+s23+$0x0], $0xffff  }
0x2a0: {  	v63 =	vadd.s32 v28, v55;
	[tilespmem:s0+$0x0] =	vst v10  }
0x2a1: {  	v10 =	vld.idx.msk [tilespmem:v12+s23+$0x0], $0xffff  }
0x2a2: {  	s1 =	sadd.s32 $0x13A00, s15;
	v12 =	vadd.s32 v28, v54  }
0x2a3: {  	s2 =	sor.u32 s17, s1  }
0x2a4: {  	[tilespmem:s2+$0x0] =	vst v9  }
0x2a5: {  	s0 =	sor.u32 s5, s1;
	v9 =	vld.idx.msk [tilespmem:v63+s23+$0x0], $0xffff  }
0x2a6: {  	v63 =	vadd.s32 v29, v55;
	[tilespmem:s0+$0x0] =	vst v10  }
0x2a7: {  	v10 =	vld.idx.msk [tilespmem:v12+s23+$0x0], $0xffff  }
0x2a8: {  	s6 =	sadd.s32 $0x13A80, s15;
	v12 =	vadd.s32 v29, v54  }
0x2a9: {  	s8 =	sor.u32 s17, s6  }
0x2aa: {  	[tilespmem:s8+$0x0] =	vst v9  }
0x2ab: {  	s0 =	sor.u32 s5, s6;
	v9 =	vld.idx.msk [tilespmem:v63+s23+$0x0], $0xffff  }
0x2ac: {  	v63 =	vadd.s32 v30, v55;
	[tilespmem:s0+$0x0] =	vst v10  }
0x2ad: {  	v10 =	vld.idx.msk [tilespmem:v12+s23+$0x0], $0xffff  }
0x2ae: {  	s9 =	sadd.s32 $0x13B00, s15;
	v12 =	vadd.s32 v30, v54  }
0x2af: {  	s10 =	sor.u32 s17, s9  }
0x2b0: {  	[tilespmem:s10+$0x0] =	vst v9  }
0x2b1: {  	s0 =	sor.u32 s5, s9;
	v9 =	vld.idx.msk [tilespmem:v63+s23+$0x0], $0xffff  }
0x2b2: {  	v63 =	vadd.s32 v31, v55;
	[tilespmem:s0+$0x0] =	vst v10  }
0x2b3: {  	v10 =	vld.idx.msk [tilespmem:v12+s23+$0x0], $0xffff  }
0x2b4: {  	s11 =	sadd.s32 $0x13B80, s15;
	[tilespmem:s19+$0x0] =	vst v6;
	v12 =	vadd.s32 v31, v54  }
0x2b5: {  	s12 =	sor.u32 s17, s11;
	[tilespmem:s26+$0x0] =	vst v5;
	v5 =	vld.idx.msk [tilespmem:v8+s23+$0x0], $0xffff  }
0x2b6: {  	v6 =	vld.idx.msk [tilespmem:v7+s23+$0x0], $0xffff;
	v7 =	vadd.s32 v32, v52;
	[tilespmem:s12+$0x0] =	vst v9  }
0x2b7: {  	v8 =	vadd.s32 v32, v53;
	s0 =	sor.u32 s5, s11;
	v9 =	vld.idx.msk [tilespmem:v63+s23+$0x0], $0xffff  }
0x2b8: {  	s19 =	sadd.s32 $0x13C00, s4;
	v63 =	vadd.s32 v32, v55;
	[tilespmem:s0+$0x0] =	vst v10  }
0x2b9: {  	s25 =	sor.u32 s28, s19;
	v10 =	vld.idx.msk [tilespmem:v12+s23+$0x0], $0xffff  }
0x2ba: {  	s26 =	sadd.s32 $0x13C00, s15;
	[tilespmem:s25+$0x0] =	vst v5;
	s0 =	sor.u32 s20, s19;
	v12 =	vadd.s32 v32, v54  }
0x2bb: {  	s2 =	sor.u32 s17, s26;
	v5 =	vld.idx.msk [tilespmem:v7+s23+$0x0], $0xffff;
	[tilespmem:s0+$0x0] =	vst v6  }
0x2bc: {  	v6 =	vadd.s32 v34, v52;
	v7 =	vld.idx.msk [tilespmem:v8+s23+$0x0], $0xffff;
	[tilespmem:s2+$0x0] =	vst v9  }
0x2bd: {  	s1 =	sor.u32 s5, s26;
	v8 =	vadd.s32 v34, v53;
	v9 =	vld.idx.msk [tilespmem:v63+s23+$0x0], $0xffff  }
0x2be: {  	s6 =	sadd.s32 $0x14880, s4;
	[tilespmem:s1+$0x0] =	vst v10;
	v10 =	vadd.s32 v34, v55  }
0x2bf: {  	s8 =	sor.u32 s28, s6;
	v63 =	vld.idx.msk [tilespmem:v12+s23+$0x0], $0xffff  }
0x2c0: {  	[tilespmem:s8+$0x0] =	vst v5;
	s9 =	sadd.s32 $0x14880, s15;
	s0 =	sor.u32 s20, s6;
	v12 =	vadd.s32 v34, v54  }
0x2c1: {  	s10 =	sor.u32 s17, s9;
	v5 =	vld.idx.msk [tilespmem:v6+s23+$0x0], $0xffff;
	[tilespmem:s0+$0x0] =	vst v7  }
0x2c2: {  	v6 =	vadd.s32 v33, v52;
	v7 =	vld.idx.msk [tilespmem:v8+s23+$0x0], $0xffff;
	[tilespmem:s10+$0x0] =	vst v9  }
0x2c3: {  	s1 =	sor.u32 s5, s9;
	v8 =	vadd.s32 v33, v53;
	v9 =	vld.idx.msk [tilespmem:v10+s23+$0x0], $0xffff  }
0x2c4: {  	s11 =	sadd.s32 $0x14900, s4;
	[tilespmem:s1+$0x0] =	vst v63;
	v63 =	vadd.s32 v33, v55  }
0x2c5: {  	s19 =	sor.u32 s28, s11;
	v11 =	vld.idx.msk [tilespmem:v12+s23+$0x0], $0xffff  }
0x2c6: {  	s25 =	sadd.s32 $0x14900, s15;
	s0 =	sor.u32 s20, s11;
	v12 =	vadd.s32 v33, v54;
	[tilespmem:s19+$0x0] =	vst v5  }
0x2c7: {  	s26 =	sor.u32 s17, s25;
	[tilespmem:s0+$0x0] =	vst v7;
	v5 =	vld.idx.msk [tilespmem:v6+s23+$0x0], $0xffff  }
0x2c8: {  	v6 =	vadd.s32 v36, v52;
	v7 =	vld.idx.msk [tilespmem:v8+s23+$0x0], $0xffff;
	[tilespmem:s26+$0x0] =	vst v9  }
0x2c9: {  	s2 =	sor.u32 s5, s25;
	v8 =	vadd.s32 v36, v53;
	v9 =	vld.idx.msk [tilespmem:v63+s23+$0x0], $0xffff  }
0x2ca: {  	s6 =	sadd.s32 $0x14980, s4;
	v10 =	vadd.s32 v36, v55;
	[tilespmem:s2+$0x0] =	vst v11  }
0x2cb: {  	s8 =	sor.u32 s28, s6;
	[tilespmem:s24+$0x0] =	vst v3;
	v11 =	vld.idx.msk [tilespmem:v12+s23+$0x0], $0xffff  }
0x2cc: {  	s9 =	sadd.s32 $0x14980, s15;
	v3 =	vadd.s32 v36, v54;
	v2 =	vld.idx.msk [tilespmem:v2+s23+$0x0], $0xffff;
	s0 =	sor.u32 s20, s6;
	[tilespmem:s8+$0x0] =	vst v5  }
0x2cd: {  	s10 =	sor.u32 s17, s9;
	v5 =	vadd.s32 v61, v48;
	[tilespmem:s0+$0x0] =	vst v7;
	s0 =	sadd.s32 $0x14C00, s29;
	v6 =	vld.idx.msk [tilespmem:v6+s23+$0x0], $0xffff  }
0x2ce: {  	v7 =	vadd.s32 v37, v52;
	v8 =	vld.idx.msk [tilespmem:v8+s23+$0x0], $0xffff;
	s11 =	sor.u32 s3, s0;
	[tilespmem:s10+$0x0] =	vst v9  }
0x2cf: {  	s1 =	sor.u32 s5, s9;
	v63 =	vadd.s32 v37, v53;
	[tilespmem:s11+$0x0] =	vst v4;
	v10 =	vld.idx.msk [tilespmem:v10+s23+$0x0], $0xffff  }
0x2d0: {  	s19 =	sadd.s32 $0x14A00, s4;
	v1 =	vld.idx.msk [tilespmem:v1+s23+$0x0], $0xffff;
	v4 =	vadd.s32 v37, v55;
	[tilespmem:s1+$0x0] =	vst v11  }
0x2d1: {  	[tilespmem:s7+$0x0] =	vst v2;
	s2 =	sor.u32 s28, s19;
	v3 =	vld.idx.msk [tilespmem:v3+s23+$0x0], $0xffff  }
0x2d2: {  	s24 =	sadd.s32 $0x14A00, s15;
	v2 =	vadd.s32 v37, v54;
	v5 =	vld.idx.msk [tilespmem:v5+s23+$0x0], $0xffff;
	s1 =	sor.u32 s20, s19;
	[tilespmem:s2+$0x0] =	vst v6  }
0x2d3: {  	s25 =	sor.u32 s17, s24;
	v61 =	vadd.s32 v45, v50;
	[tilespmem:s1+$0x0] =	vst v8;
	v6 =	vld.idx.msk [tilespmem:v7+s23+$0x0], $0xffff  }
0x2d4: {  	v7 =	vadd.s32 v38, v52;
	v8 =	vld.idx.msk [tilespmem:v63+s23+$0x0], $0xffff;
	[tilespmem:s25+$0x0] =	vst v10  }
0x2d5: {  	[tilespmem:s21+$0x0] =	vst v1;
	s2 =	sor.u32 s5, s24;
	s1 =	sadd.s32 $0x15880, s29;
	v63 =	vadd.s32 v38, v53;
	v4 =	vld.idx.msk [tilespmem:v4+s23+$0x0], $0xffff  }
0x2d6: {  	s6 =	sadd.s32 $0x14A80, s4;
	v1 =	vadd.s32 v38, v55;
	v0 =	vld.idx.msk [tilespmem:v0+s23+$0x0], $0xffff;
	s26 =	sor.u32 s3, s1;
	[tilespmem:s2+$0x0] =	vst v3  }
0x2d7: {  	s7 =	sor.u32 s28, s6;
	[tilespmem:s26+$0x0] =	vst v5;
	v2 =	vld.idx.msk [tilespmem:v2+s23+$0x0], $0xffff  }
0x2d8: {  	s12 =	smov.u32 s4;
	s4 =	sor.u32 s20, s6;
	s8 =	sadd.s32 $0x14A80, s15;
	v5 =	vadd.s32 v38, v54;
	v3 =	vld.idx.msk [tilespmem:v61+s23+$0x0], $0xffff;
	[tilespmem:s7+$0x0] =	vst v6  }
0x2d9: {  	s9 =	sor.u32 s17, s8;
	v61 =	vadd.s32 v41, v48;
	[tilespmem:s4+$0x0] =	vst v8;
	v7 =	vld.idx.msk [tilespmem:v7+s23+$0x0], $0xffff  }
0x2da: {  	v6 =	vadd.s32 v46, v50;
	v9 =	vld.idx.msk [tilespmem:v63+s23+$0x0], $0xffff;
	[tilespmem:s9+$0x0] =	vst v4  }
0x2db: {  	[tilespmem:s18+$0x0] =	vst v0;
	s2 =	sor.u32 s5, s8;
	v8 =	vadd.s32 v40, v52;
	v1 =	vld.idx.msk [tilespmem:v1+s23+$0x0], $0xffff  }
0x2dc: {  	s10 =	sadd.s32 $0x14B00, s12;
	v4 =	vadd.s32 v40, v53;
	[tilespmem:s2+$0x0] =	vst v2  }
0x2dd: {  	s11 =	sor.u32 s28, s10;
	[tilespmem:s22+$0x0] =	vst v3;
	v2 =	vadd.s32 v40, v55;
	v3 =	vld.idx.msk [tilespmem:v5+s23+$0x0], $0xffff  }
0x2de: {  	v0 =	vadd.s32 v40, v54;
	s18 =	sadd.s32 $0x14B00, s15;
	s2 =	sor.u32 s20, s10;
	v5 =	vld.idx.msk [tilespmem:v61+s23+$0x0], $0xffff;
	[tilespmem:s11+$0x0] =	vst v7  }
0x2df: {  	s6 =	sor.u32 s17, s18;
	v63 =	vadd.s32 v46, v51;
	v6 =	vld.idx.msk [tilespmem:v6+s23+$0x0], $0xffff;
	[tilespmem:s2+$0x0] =	vst v9  }
0x2e0: {  	v7 =	vld.idx.msk [tilespmem:v8+s23+$0x0], $0xffff;
	[tilespmem:s6+$0x0] =	vst v1  }
0x2e1: {  	s4 =	sor.u32 s5, s18;
	s2 =	sadd.s32 $0x15900, s29;
	v8 =	vadd.s32 v39, v52;
	v4 =	vld.idx.msk [tilespmem:v4+s23+$0x0], $0xffff;
	s7 =	rddreg [dreg:$0x5]  }
0x2e2: {  	s19 =	sor.u32 s3, s2;
	v1 =	vadd.s32 v39, v53;
	v2 =	vld.idx.msk [tilespmem:v2+s23+$0x0], $0xffff;
	s9 =	sadd.s32 $0x15B80, s7;
	[tilespmem:s4+$0x0] =	vst v3  }
0x2e3: {  	s22 =	sadd.s32 $0x14B80, s12;
	[tilespmem:s19+$0x0] =	vst v5;
	v3 =	vadd.s32 v39, v55;
	s21 =	sor.u32 s30, s9;
	v0 =	vld.idx.msk [tilespmem:v0+s23+$0x0], $0xffff  }
0x2e4: {  	s24 =	sor.u32 s28, s22;
	v5 =	vld.idx.msk [tilespmem:v63+s23+$0x0], $0xffff;
	[tilespmem:s21+$0x0] =	vst v6;
	v6 =	vadd.s32 v39, v54  }
0x2e5: {  	s25 =	sadd.s32 $0x14B80, s15;
	v61 =	vadd.s32 v42, v48;
	s6 =	sor.u32 s20, s22;
	v63 =	vld.idx.msk [tilespmem:v62+s23+$0x0], $0xffff;
	[tilespmem:s24+$0x0] =	vst v7  }
0x2e6: {  	s26 =	sor.u32 s17, s25;
	v7 =	vld.idx.msk [tilespmem:v8+s23+$0x0], $0xffff;
	[tilespmem:s6+$0x0] =	vst v4  }
0x2e7: {  	s4 =	sor.u32 s5, s25;
	v1 =	vld.idx.msk [tilespmem:v1+s23+$0x0], $0xffff;
	[tilespmem:s26+$0x0] =	vst v2;
	v2 =	vadd.s32 v60, v52  }
0x2e8: {  	s8 =	sor.u32 s16, s9;
	[tilespmem:s4+$0x0] =	vst v0;
	v0 =	vld.idx.msk [tilespmem:v3+s23+$0x0], $0xffff  }
0x2e9: {  	s0 =	sor.u32 s14, s0;
	s9 =	sadd.s32 $0x14C00, s12;
	[tilespmem:s8+$0x0] =	vst v5;
	v3 =	vadd.s32 v59, v55;
	v4 =	vld.idx.msk [tilespmem:v6+s23+$0x0], $0xffff  }
0x2ea: {  	s10 =	sor.u32 s28, s9;
	v5 =	vld.idx.msk [tilespmem:v61+s23+$0x0], $0xffff;
	[tilespmem:s0+$0x0] =	vst v63  }
0x2eb: {  	s18 =	sadd.s32 $0x14C00, s15;
	s11 =	sor.u32 s20, s9;
	v8 =	vld.idx.msk [tilespmem:v58+s23+$0x0], $0xffff;
	v6 =	vadd.s32 v47, v51;
	[tilespmem:s10+$0x0] =	vst v7  }
0x2ec: {  	s19 =	sor.u32 s17, s18;
	v7 =	vadd.s32 v41, v49;
	[tilespmem:s11+$0x0] =	vst v1;
	v2 =	vld.idx.msk [tilespmem:v2+s23+$0x0], $0xffff  }
0x2ed: {  	s21 =	sadd.s32 $0x15980, s29;
	s4 =	sor.u32 s5, s18;
	v1 =	vld.idx.msk [tilespmem:v56+s23+$0x0], $0xffff;
	[tilespmem:s19+$0x0] =	vst v0;
	v0 =	vadd.s32 v41, v52  }
0x2ee: {  	s22 =	sor.u32 s3, s21;
	[tilespmem:s4+$0x0] =	vst v4;
	v4 =	vadd.s32 v41, v53;
	v3 =	vld.idx.msk [tilespmem:v3+s23+$0x0], $0xffff  }
0x2ef: {  	s1 =	sor.u32 s14, s1;
	s24 =	sadd.s32 $0x15880, s12;
	[tilespmem:s22+$0x0] =	vst v5;
	v5 =	vadd.s32 v41, v55;
	v51 =	vld.idx.msk [tilespmem:v57+s23+$0x0], $0xffff  }
0x2f0: {  	s25 =	sor.u32 s28, s24;
	[tilespmem:s1+$0x0] =	vst v8;
	v8 =	vadd.s32 v41, v54;
	v6 =	vld.idx.msk [tilespmem:v6+s23+$0x0], $0xffff  }
0x2f1: {  	s26 =	sadd.s32 $0x15880, s15;
	v58 =	vadd.s32 v43, v48;
	v7 =	vld.idx.msk [tilespmem:v7+s23+$0x0], $0xffff;
	s4 =	sor.u32 s20, s24;
	[tilespmem:s25+$0x0] =	vst v2  }
0x2f2: {  	s6 =	sor.u32 s17, s26;
	v2 =	vadd.s32 v42, v49;
	[tilespmem:s4+$0x0] =	vst v1;
	v0 =	vld.idx.msk [tilespmem:v0+s23+$0x0], $0xffff  }
0x2f3: {  	s7 =	sadd.s32 $0x15C00, s7;
	s1 =	sor.u32 s5, s26;
	v1 =	vadd.s32 v42, v52;
	[tilespmem:s6+$0x0] =	vst v3;
	v3 =	vld.idx.msk [tilespmem:v4+s23+$0x0], $0xffff  }
0x2f4: {  	s8 =	sor.u32 s16, s7;
	v4 =	vadd.s32 v42, v53;
	[tilespmem:s1+$0x0] =	vst v51;
	v5 =	vld.idx.msk [tilespmem:v5+s23+$0x0], $0xffff  }
0x2f5: {  	s2 =	sor.u32 s14, s2;
	s9 =	sadd.s32 $0x15900, s12;
	[tilespmem:s8+$0x0] =	vst v6;
	v6 =	vadd.s32 v42, v55;
	v8 =	vld.idx.msk [tilespmem:v8+s23+$0x0], $0xffff  }
0x2f6: {  	s10 =	sor.u32 s28, s9;
	v59 =	vld.idx.msk [tilespmem:v58+s23+$0x0], $0xffff;
	[tilespmem:s2+$0x0] =	vst v7;
	v7 =	vadd.s32 v42, v54  }
0x2f7: {  	s11 =	sadd.s32 $0x15900, s15;
	v56 =	vadd.s32 v47, v50;
	s1 =	sor.u32 s20, s9;
	v2 =	vld.idx.msk [tilespmem:v2+s23+$0x0], $0xffff;
	[tilespmem:s10+$0x0] =	vst v0  }
0x2f8: {  	s16 =	sor.u32 s17, s11;
	v0 =	vadd.s32 v43, v49;
	v1 =	vld.idx.msk [tilespmem:v1+s23+$0x0], $0xffff;
	[tilespmem:s1+$0x0] =	vst v3  }
0x2f9: {  	s18 =	sor.u32 s5, s11;
	s26 =	sadd.s32 $0x15A00, s29;
	v3 =	vadd.s32 v43, v52;
	[tilespmem:s16+$0x0] =	vst v5;
	v4 =	vld.idx.msk [tilespmem:v4+s23+$0x0], $0xffff  }
0x2fa: {  	s2 =	sor.u32 s3, s26;
	v5 =	vadd.s32 v43, v53;
	[tilespmem:s18+$0x0] =	vst v8;
	v6 =	vld.idx.msk [tilespmem:v6+s23+$0x0], $0xffff  }
0x2fb: {  	s0 =	sor.u32 s14, s21;
	s21 =	sadd.s32 $0x15980, s12;
	[tilespmem:s2+$0x0] =	vst v59;
	v8 =	vadd.s32 v43, v55;
	v7 =	vld.idx.msk [tilespmem:v7+s23+$0x0], $0xffff  }
0x2fc: {  	s22 =	sor.u32 s28, s21;
	v57 =	vld.idx.msk [tilespmem:v56+s23+$0x0], $0xffff;
	[tilespmem:s0+$0x0] =	vst v2;
	v2 =	vadd.s32 v43, v54  }
0x2fd: {  	v60 =	vadd.s32 v44, v48;
	s24 =	sadd.s32 $0x15980, s15;
	s1 =	sor.u32 s20, s21;
	v0 =	vld.idx.msk [tilespmem:v0+s23+$0x0], $0xffff;
	[tilespmem:s22+$0x0] =	vst v1  }
0x2fe: {  	s25 =	sor.u32 s17, s24;
	v1 =	vadd.s32 v44, v49;
	v3 =	vld.idx.msk [tilespmem:v3+s23+$0x0], $0xffff;
	[tilespmem:s1+$0x0] =	vst v4  }
0x2ff: {  	s0 =	sor.u32 s5, s24;
	v4 =	vadd.s32 v44, v52;
	[tilespmem:s25+$0x0] =	vst v6;
	v5 =	vld.idx.msk [tilespmem:v5+s23+$0x0], $0xffff  }
0x300: {  	s19 =	sor.u32 s30, s7;
	v6 =	vadd.s32 v44, v53;
	[tilespmem:s0+$0x0] =	vst v7;
	v7 =	vld.idx.msk [tilespmem:v8+s23+$0x0], $0xffff  }
0x301: {  	s4 =	sadd.s32 $0x15A00, s12;
	[tilespmem:s19+$0x0] =	vst v57;
	s1 =	sor.u32 s14, s26;
	v8 =	vadd.s32 v44, v55;
	v2 =	vld.idx.msk [tilespmem:v2+s23+$0x0], $0xffff  }
0x302: {  	s6 =	sor.u32 s28, s4;
	v9 =	vld.idx.msk [tilespmem:v60+s23+$0x0], $0xffff;
	[tilespmem:s1+$0x0] =	vst v0;
	v0 =	vadd.s32 v44, v54  }
0x303: {  	v61 =	vadd.s32 v45, v48;
	s7 =	sadd.s32 $0x15A00, s15;
	s0 =	sor.u32 s20, s4;
	v1 =	vld.idx.msk [tilespmem:v1+s23+$0x0], $0xffff;
	[tilespmem:s6+$0x0] =	vst v3  }
0x304: {  	s8 =	sor.u32 s17, s7;
	v3 =	vadd.s32 v45, v49;
	v4 =	vld.idx.msk [tilespmem:v4+s23+$0x0], $0xffff;
	[tilespmem:s0+$0x0] =	vst v5  }
0x305: {  	s9 =	sadd.s32 $0x15A80, s29;
	s1 =	sor.u32 s5, s7;
	v5 =	vadd.s32 v45, v52;
	[tilespmem:s8+$0x0] =	vst v7;
	v6 =	vld.idx.msk [tilespmem:v6+s23+$0x0], $0xffff  }
0x306: {  	s10 =	sor.u32 s3, s9;
	[tilespmem:s1+$0x0] =	vst v2;
	v2 =	vadd.s32 v45, v53;
	v7 =	vld.idx.msk [tilespmem:v8+s23+$0x0], $0xffff  }
0x307: {  	s11 =	sadd.s32 $0x15A80, s12;
	[tilespmem:s10+$0x0] =	vst v9;
	s0 =	sor.u32 s14, s9;
	v8 =	vadd.s32 v45, v55;
	v0 =	vld.idx.msk [tilespmem:v0+s23+$0x0], $0xffff  }
0x308: {  	s16 =	sor.u32 s28, s11;
	v9 =	vld.idx.msk [tilespmem:v61+s23+$0x0], $0xffff;
	[tilespmem:s0+$0x0] =	vst v1;
	v1 =	vadd.s32 v45, v54  }
0x309: {  	v62 =	vadd.s32 v46, v48;
	s18 =	sadd.s32 $0x15A80, s15;
	s1 =	sor.u32 s20, s11;
	v3 =	vld.idx.msk [tilespmem:v3+s23+$0x0], $0xffff;
	[tilespmem:s16+$0x0] =	vst v4  }
0x30a: {  	s19 =	sor.u32 s17, s18;
	v4 =	vadd.s32 v46, v49;
	v5 =	vld.idx.msk [tilespmem:v5+s23+$0x0], $0xffff;
	[tilespmem:s1+$0x0] =	vst v6  }
0x30b: {  	s21 =	sadd.s32 $0x15B00, s29;
	s0 =	sor.u32 s5, s18;
	v6 =	vadd.s32 v46, v52;
	[tilespmem:s19+$0x0] =	vst v7;
	v2 =	vld.idx.msk [tilespmem:v2+s23+$0x0], $0xffff  }
0x30c: {  	s22 =	sor.u32 s3, s21;
	[tilespmem:s0+$0x0] =	vst v0;
	v0 =	vadd.s32 v46, v53;
	v7 =	vld.idx.msk [tilespmem:v8+s23+$0x0], $0xffff  }
0x30d: {  	s24 =	sadd.s32 $0x15B00, s12;
	[tilespmem:s22+$0x0] =	vst v9;
	s1 =	sor.u32 s14, s21;
	v8 =	vadd.s32 v46, v55;
	v1 =	vld.idx.msk [tilespmem:v1+s23+$0x0], $0xffff  }
0x30e: {  	v63 =	vadd.s32 v46, v54;
	s25 =	sor.u32 s28, s24;
	[tilespmem:s1+$0x0] =	vst v3;
	v3 =	vld.idx.msk [tilespmem:v62+s23+$0x0], $0xffff  }
0x30f: {  	v50 =	vadd.s32 v47, v48;
	s26 =	sadd.s32 $0x15B00, s15;
	s0 =	sor.u32 s20, s24;
	v4 =	vld.idx.msk [tilespmem:v4+s23+$0x0], $0xffff;
	[tilespmem:s25+$0x0] =	vst v5  }
0x310: {  	s2 =	sor.u32 s17, s26;
	v5 =	vadd.s32 v47, v49;
	[tilespmem:s0+$0x0] =	vst v2;
	v2 =	vld.idx.msk [tilespmem:v6+s23+$0x0], $0xffff  }
0x311: {  	s4 =	sadd.s32 $0x15B80, s29;
	s1 =	sor.u32 s5, s26;
	v6 =	vadd.s32 v47, v52;
	[tilespmem:s2+$0x0] =	vst v7;
	v0 =	vld.idx.msk [tilespmem:v0+s23+$0x0], $0xffff  }
0x312: {  	s6 =	sor.u32 s3, s4;
	[tilespmem:s1+$0x0] =	vst v1;
	v1 =	vadd.s32 v47, v53;
	v7 =	vld.idx.msk [tilespmem:v8+s23+$0x0], $0xffff  }
0x313: {  	s7 =	sadd.s32 $0x15B80, s12;
	s0 =	sor.u32 s14, s4;
	[tilespmem:s6+$0x0] =	vst v3;
	v3 =	vld.idx.msk [tilespmem:v63+s23+$0x0], $0xffff  }
0x314: {  	s8 =	sor.u32 s28, s7;
	[tilespmem:s0+$0x0] =	vst v4;
	v4 =	vld.idx.msk [tilespmem:v50+s23+$0x0], $0xffff  }
0x315: {  	s9 =	sadd.s32 $0x15B80, s15;
	s1 =	sor.u32 s20, s7;
	v5 =	vld.idx.msk [tilespmem:v5+s23+$0x0], $0xffff;
	[tilespmem:s8+$0x0] =	vst v2  }
0x316: {  	s10 =	sor.u32 s17, s9;
	[tilespmem:s1+$0x0] =	vst v0;
	v0 =	vld.idx.msk [tilespmem:v6+s23+$0x0], $0xffff  }
0x317: {  	s11 =	sadd.s32 $0x15C00, s29;
	v8 =	vadd.s32 v47, v55;
	s0 =	sor.u32 s5, s9;
	[tilespmem:s10+$0x0] =	vst v7;
	v1 =	vld.idx.msk [tilespmem:v1+s23+$0x0], $0xffff  }
0x318: {  	v51 =	vadd.s32 v47, v54;
	s16 =	sor.u32 s3, s11;
	[tilespmem:s0+$0x0] =	vst v3  }
0x319: {  	s18 =	sor.u32 s14, s11;
	s19 =	sadd.s32 $0x15C00, s12;
	[tilespmem:s16+$0x0] =	vst v4  }
0x31a: {  	s21 =	sor.u32 s28, s19;
	[tilespmem:s18+$0x0] =	vst v5  }
0x31b: {  	s22 =	sor.u32 s20, s19;
	[tilespmem:s21+$0x0] =	vst v0  }
0x31c: {  	s13 =	smov.u32 s5;
	v2 =	vld.idx.msk [tilespmem:v8+s23+$0x0], $0xffff;
	s5 =	sld [smem:$0x7F5];
	[tilespmem:s22+$0x0] =	vst v1  }
0x31d: {  	v3 =	vld.idx.msk [tilespmem:v51+s23+$0x0], $0xffff;
	s3 =	sld [smem:$0x7FD];
	_ =	sdelay $0x1  }
0x31e: {  	s24 =	sadd.s32 $0x15C00, s15;
	s25 =	sshll.u32 s5, $0x14  }
0x31f: {  	s26 =	sor.u32 s17, s24;
	s6 =	rddreg [dreg:$0x2];
	s2 =	sor.u32 s3, s25  }
0x320: {  	s7 =	simm.s32 $0x1000;
	s1 =	sor.u32 s13, s24;
	[tilespmem:s26+$0x0] =	vst v2;
	s4 =	sshrl.u32 s2, $0x3  }
0x321: {  	s9 =	simm.s32 $0x12880;
	s8 =	simm.s32 $0x20000;
	[tilespmem:s1+$0x0] =	vst v3;
	s0 =	sadd.s32 s6, s4  }
0x322: {  	[hbm4b:s0+s7] =	stream.strided.scatter [tilespmem:s9], [sflag:$0x2], $0x4000, s8, s7, $0x38;
	[tilespmem:$0x1A880] =	vst v63  }
0x323: {  	s0 =	sld [smem:$0x7F6];
	_ =	sdelay $0x1  }
0x324: {  	p0 =	seq.s32 s5, $0x63  }
0x325: {  	s0 =	sadd.s32 @!p0 $0x2, s0  }
0x326: {  	s10 =	simm.s32 $0x1;
	s1 =	sshll.u32 @!p0 s0, $0x7;
	s0 =	sshll.u32 @!p0 s0, $0xE  }
0x327: {  	_ =	swait.ge [sflag:s10], $0x200;
	s1 =	sand.u32 @!p0 $0x300, s1;
	s0 =	sand.u32 @!p0 $0x7E0000, s0  }
0x328: {  	[sflag:s10] =	ssyncset.done $0x0;
	s0 =	sor.u32 @!p0 s0, s1  }
0x329: {  	[sflag:s10] =	ssyncadd.s32 $0xFFFFFE00;
	s0 =	sor.u32 @!p0 s3, s0  }
0x32a: {  	s1 =	rddreg [dreg:$0x0];
	s0 =	sshrl.u32 @!p0 s0, $0x3  }
0x32b: {  	s2 =	simm.s32 @!p0 $0x12480;
	s0 =	sadd.s32 @!p0 s1, s0;
	s1 =	simm.s32 @!p0 $0x0  }
0x32c: {  	[tilespmem:s2], [sflag:$0x1] =	stream.linear.gather @!p0 [hbm4b:s0+s1], $0x80, $0x38;
	[tilespmem:$0x1A880] =	vst v63  }
0x32d: {  	s3 =	simm.s32 @!p0 $0x12580;
	s2 =	sadd.s32 @!p0 $0x80, s0  }
0x32e: {  	[tilespmem:s3], [sflag:$0x1] =	stream.linear.gather @!p0 [hbm4b:s2+s1], $0x80, $0x38;
	[tilespmem:$0x1A880] =	vst v63  }
0x32f: {  	s2 =	sadd.s32 @!p0 $0x100, s0;
	s3 =	simm.s32 @!p0 $0x12680  }
0x330: {  	[tilespmem:s3], [sflag:$0x1] =	stream.linear.gather @!p0 [hbm4b:s2+s1], $0x80, $0x38;
	[tilespmem:$0x1A880] =	vst v63  }
0x331: {  	p1 =	seq.s32 @!p0 s5, $0x0;
	s0 =	sadd.s32 @!p0 $0x180, s0;
	s2 =	simm.s32 @!p0 $0x12780  }
0x332: {  	[tilespmem:s2], [sflag:$0x1] =	stream.linear.gather @!p0 [hbm4b:s0+s1], $0x80, $0x38;
	[tilespmem:$0x1A880] =	vst v63  }
0x333: {  	s11 =	simm.s32 $0x0;
	p0 =	por p0, !p1  }
0x334: {  	s29 =	sand.u32 $0xC00, s11;
	s0 =	simm.s32 @p0 $0x2  }
0x335: {  	s12 =	sshrl.u32 s29, $0x2;
	_ =	swait.ge @p0 [sflag:s0], $0x4000  }
0x336: {  	s28 =	sand.u32 $0x60, s11;
	s13 =	sor.u32 $0x12480, s12;
	[sflag:s0] =	ssyncset.done @p0 $0x0  }
0x337: {  	s1 =	sor.u32 s28, s13;
	[sflag:s0] =	ssyncadd.s32 @p0 $0xFFFFC000  }
0x338: {  	v0 =	vld [tilespmem:s1+$0x80];
	_ =	sdelay $0x4  }
0x339: {  	v62 =	vlaneseq.u32;
	v55 =	vshll.u32 v0, $0x4  }
0x33a: {  	v0 =	vor.u32 v62, v55;
	_ =	sdelay $0x4  }
0x33b: {  	v0 =	vld.idx.msk [tilespmem:v0+s23+$0x0], $0xffff  }
0x33c: {  	v1 =	vadd.s32 v20, v55;
	_ =	sdelay $0x1  }
0x33d: {  	s14 =	sadd.s32 $0x16880, s29  }
0x33e: {  	s15 =	sor.u32 s28, s14  }
0x33f: {  	[tilespmem:s15+$0x0] =	vst v0  }
0x340: {  	v0 =	vld.idx.msk [tilespmem:v1+s23+$0x0], $0xffff  }
0x341: {  	v1 =	vadd.s32 v18, v55;
	_ =	sdelay $0x1  }
0x342: {  	s5 =	sor.u32 $0x10, s28  }
0x343: {  	s0 =	sor.u32 s5, s13  }
0x344: {  	v2 =	vld [tilespmem:s0+$0x80];
	[tilespmem:s15+$0x80] =	vst v0  }
0x345: {  	v0 =	vld.idx.msk [tilespmem:v1+s23+$0x0], $0xffff  }
0x346: {  	v1 =	vadd.s32 v17, v55;
	_ =	sdelay $0x3  }
0x347: {  	v51 =	vshll.u32 v2, $0x4;
	[tilespmem:s15+$0x100] =	vst v0  }
0x348: {  	v2 =	vor.u32 v62, v51;
	v0 =	vld.idx.msk [tilespmem:v1+s23+$0x0], $0xffff  }
0x349: {  	v1 =	vadd.s32 v23, v55;
	_ =	sdelay $0x3  }
0x34a: {  	v2 =	vld.idx.msk [tilespmem:v2+s23+$0x0], $0xffff;
	[tilespmem:s15+$0x180] =	vst v0  }
0x34b: {  	v3 =	vadd.s32 v20, v51;
	v0 =	vld.idx.msk [tilespmem:v1+s23+$0x0], $0xffff  }
0x34c: {  	v1 =	vadd.s32 v21, v55;
	_ =	sdelay $0x1  }
0x34d: {  	s1 =	sor.u32 s5, s14  }
0x34e: {  	s17 =	simm.s32 $0x100;
	[tilespmem:s1+$0x0] =	vst v2  }
0x34f: {  	s16 =	sand.u32 $0xC00, s17;
	v2 =	vld.idx.msk [tilespmem:v3+s23+$0x0], $0xffff;
	[tilespmem:s15+$0x200] =	vst v0  }
0x350: {  	s18 =	simm.s32 $0x20;
	s19 =	sshrl.u32 s16, $0x2;
	v1 =	vld.idx.msk [tilespmem:v1+s23+$0x0], $0xffff  }
0x351: {  	s20 =	sor.u32 $0x12480, s19;
	s13 =	sand.u32 $0x60, s18  }
0x352: {  	s0 =	sor.u32 s13, s20  }
0x353: {  	v0 =	vld [tilespmem:s0+$0x80]  }
0x354: {  	v3 =	vadd.s32 v18, v51;
	[tilespmem:s1+$0x80] =	vst v2  }
0x355: {  	v4 =	vadd.s32 v22, v55;
	[tilespmem:s15+$0x280] =	vst v1  }
0x356: {  	v15 =	vld [tilespmem:$0x1FFF0];
	_ =	sdelay $0x1  }
0x357: {  	v48 =	vshll.u32 v0, $0x4  }
0x358: {  	v0 =	vld.idx.msk [tilespmem:v3+s23+$0x0], $0xffff;
	v1 =	vor.u32 v62, v48  }
0x359: {  	v2 =	vadd.s32 v17, v51;
	v3 =	vld.idx.msk [tilespmem:v4+s23+$0x0], $0xffff  }
0x35a: {  	v4 =	vadd.s32 v15, v55;
	_ =	sdelay $0x2  }
0x35b: {  	[tilespmem:s1+$0x100] =	vst v0;
	v0 =	vld.idx.msk [tilespmem:v1+s23+$0x0], $0xffff  }
0x35c: {  	v1 =	vld.idx.msk [tilespmem:v2+s23+$0x0], $0xffff;
	v2 =	vadd.s32 v20, v48;
	[tilespmem:s15+$0x300] =	vst v3  }
0x35d: {  	v3 =	vadd.s32 v23, v51;
	v4 =	vld.idx.msk [tilespmem:v4+s23+$0x0], $0xffff  }
0x35e: {  	s2 =	sadd.s32 $0x16880, s16;
	v5 =	vadd.s32 v24, v55  }
0x35f: {  	s0 =	sor.u32 s13, s2  }
0x360: {  	[tilespmem:s0+$0x0] =	vst v0  }
0x361: {  	[tilespmem:s1+$0x180] =	vst v1;
	v0 =	vld.idx.msk [tilespmem:v2+s23+$0x0], $0xffff  }
0x362: {  	v1 =	vld.idx.msk [tilespmem:v3+s23+$0x0], $0xffff;
	v2 =	vadd.s32 v18, v48;
	[tilespmem:s15+$0x380] =	vst v4  }
0x363: {  	v3 =	vadd.s32 v21, v51;
	v4 =	vld.idx.msk [tilespmem:v5+s23+$0x0], $0xffff  }
0x364: {  	v5 =	vadd.s32 v25, v55;
	_ =	sdelay $0x1  }
0x365: {  	s21 =	sadd.s32 $0x17880, s29;
	[tilespmem:s0+$0x80] =	vst v0  }
0x366: {  	s22 =	sor.u32 s28, s21;
	[tilespmem:s1+$0x200] =	vst v1;
	v0 =	vld.idx.msk [tilespmem:v2+s23+$0x0], $0xffff  }
0x367: {  	v1 =	vld.idx.msk [tilespmem:v3+s23+$0x0], $0xffff;
	v2 =	vadd.s32 v17, v48;
	[tilespmem:s22+$0x0] =	vst v4  }
0x368: {  	v3 =	vadd.s32 v22, v51;
	v4 =	vld.idx.msk [tilespmem:v5+s23+$0x0], $0xffff  }
0x369: {  	v5 =	vadd.s32 v26, v55;
	_ =	sdelay $0x1  }
0x36a: {  	s24 =	sadd.s32 $0x17900, s29;
	[tilespmem:s0+$0x100] =	vst v0  }
0x36b: {  	s25 =	sor.u32 s28, s24;
	[tilespmem:s1+$0x280] =	vst v1;
	v0 =	vld.idx.msk [tilespmem:v2+s23+$0x0], $0xffff  }
0x36c: {  	v1 =	vld.idx.msk [tilespmem:v3+s23+$0x0], $0xffff;
	v2 =	vadd.s32 v23, v48;
	[tilespmem:s25+$0x0] =	vst v4  }
0x36d: {  	v4 =	vadd.s32 v15, v51;
	v3 =	vld.idx.msk [tilespmem:v5+s23+$0x0], $0xffff  }
0x36e: {  	v5 =	vadd.s32 v27, v55;
	_ =	sdelay $0x1  }
0x36f: {  	s8 =	sadd.s32 $0x17980, s29;
	[tilespmem:s0+$0x180] =	vst v0  }
0x370: {  	s26 =	sor.u32 s28, s8;
	[tilespmem:s1+$0x300] =	vst v1;
	v0 =	vld.idx.msk [tilespmem:v2+s23+$0x0], $0xffff  }
0x371: {  	v1 =	vadd.s32 v21, v48;
	v2 =	vld.idx.msk [tilespmem:v4+s23+$0x0], $0xffff;
	[tilespmem:s26+$0x0] =	vst v3  }
0x372: {  	v4 =	vadd.s32 v24, v51;
	v3 =	vld.idx.msk [tilespmem:v5+s23+$0x0], $0xffff  }
0x373: {  	s15 =	sor.u32 $0x10, s13;
	v5 =	vadd.s32 v28, v55  }
0x374: {  	s4 =	sor.u32 s15, s20  }
0x375: {  	s3 =	sadd.s32 $0x17A00, s29;
	v6 =	vld [tilespmem:s4+$0x80];
	[tilespmem:s0+$0x200] =	vst v0  }
0x376: {  	s10 =	sor.u32 s28, s3;
	v0 =	vld.idx.msk [tilespmem:v1+s23+$0x0], $0xffff;
	[tilespmem:s1+$0x380] =	vst v2  }
0x377: {  	v1 =	vadd.s32 v22, v48;
	v2 =	vld.idx.msk [tilespmem:v4+s23+$0x0], $0xffff;
	[tilespmem:s10+$0x0] =	vst v3  }
0x378: {  	v4 =	vadd.s32 v25, v51;
	v3 =	vld.idx.msk [tilespmem:v5+s23+$0x0], $0xffff  }
0x379: {  	v5 =	vadd.s32 v29, v55  }
0x37a: {  	s11 =	simm.s32 $0x200  }
0x37b: {  	s12 =	sor.u32 s5, s21;
	s14 =	sadd.s32 $0x17A80, s29;
	v49 =	vshll.u32 v6, $0x4;
	s26 =	sand.u32 $0xC00, s11;
	[tilespmem:s0+$0x280] =	vst v0  }
0x37c: {  	s17 =	sor.u32 s28, s14;
	s11 =	sshrl.u32 s26, $0x2;
	v0 =	vor.u32 v62, v49;
	s10 =	simm.s32 $0x40;
	v1 =	vld.idx.msk [tilespmem:v1+s23+$0x0], $0xffff;
	[tilespmem:s12+$0x0] =	vst v2  }
0x37d: {  	s1 =	sor.u32 $0x12480, s11;
	v2 =	vadd.s32 v15, v48;
	[tilespmem:s17+$0x0] =	vst v3;
	s17 =	sand.u32 $0x60, s10;
	v3 =	vld.idx.msk [tilespmem:v4+s23+$0x0], $0xffff  }
0x37e: {  	v4 =	vld.idx.msk [tilespmem:v5+s23+$0x0], $0xffff;
	s18 =	sor.u32 s17, s1;
	v5 =	vadd.s32 v26, v51  }
0x37f: {  	v6 =	vld [tilespmem:s18+$0x80]  }
0x380: {  	v7 =	vadd.s32 v30, v55  }
0x381: {  	s19 =	sor.u32 s5, s24;
	v0 =	vld.idx.msk [tilespmem:v0+s23+$0x0], $0xffff;
	[tilespmem:s0+$0x300] =	vst v1  }
0x382: {  	s11 =	sadd.s32 $0x17B00, s29;
	v1 =	vadd.s32 v20, v49;
	v2 =	vld.idx.msk [tilespmem:v2+s23+$0x0], $0xffff;
	[tilespmem:s19+$0x0] =	vst v3  }
0x383: {  	s20 =	sor.u32 s28, s11;
	v3 =	vadd.s32 v24, v48;
	v5 =	vld.idx.msk [tilespmem:v5+s23+$0x0], $0xffff  }
0x384: {  	[tilespmem:s20+$0x0] =	vst v4;
	v4 =	vadd.s32 v27, v51;
	v50 =	vshll.u32 v6, $0x4  }
0x385: {  	s4 =	sor.u32 s15, s2;
	v6 =	vld.idx.msk [tilespmem:v7+s23+$0x0], $0xffff;
	v7 =	vor.u32 v62, v50  }
0x386: {  	[tilespmem:s4+$0x0] =	vst v0;
	v0 =	vadd.s32 v31, v55  }
0x387: {  	s21 =	sor.u32 s5, s8;
	v1 =	vld.idx.msk [tilespmem:v1+s23+$0x0], $0xffff;
	[tilespmem:s0+$0x380] =	vst v2  }
0x388: {  	s10 =	sadd.s32 $0x17B80, s29;
	v2 =	vadd.s32 v18, v49;
	v3 =	vld.idx.msk [tilespmem:v3+s23+$0x0], $0xffff;
	[tilespmem:s21+$0x0] =	vst v5  }
0x389: {  	s22 =	sor.u32 s28, s10;
	v5 =	vadd.s32 v25, v48;
	v4 =	vld.idx.msk [tilespmem:v4+s23+$0x0], $0xffff  }
0x38a: {  	[tilespmem:s22+$0x0] =	vst v6;
	v6 =	vld.idx.msk [tilespmem:v7+s23+$0x0], $0xffff;
	v7 =	vadd.s32 v28, v51  }
0x38b: {  	s12 =	sadd.s32 $0x17880, s16;
	v8 =	vadd.s32 v20, v50;
	v0 =	vld.idx.msk [tilespmem:v0+s23+$0x0], $0xffff  }
0x38c: {  	s24 =	sor.u32 s13, s12;
	[tilespmem:s4+$0x80] =	vst v1;
	v1 =	vadd.s32 v32, v55  }
0x38d: {  	s7 =	sor.u32 s5, s3;
	s0 =	sadd.s32 $0x16880, s26;
	v2 =	vld.idx.msk [tilespmem:v2+s23+$0x0], $0xffff;
	[tilespmem:s24+$0x0] =	vst v3  }
0x38e: {  	s9 =	sadd.s32 $0x17C00, s29;
	s2 =	sor.u32 s17, s0;
	v3 =	vadd.s32 v17, v49;
	v5 =	vld.idx.msk [tilespmem:v5+s23+$0x0], $0xffff;
	[tilespmem:s7+$0x0] =	vst v4  }
0x38f: {  	s25 =	sor.u32 s28, s9;
	v4 =	vadd.s32 v26, v48;
	[tilespmem:s2+$0x0] =	vst v6;
	v6 =	vld.idx.msk [tilespmem:v7+s23+$0x0], $0xffff  }
0x390: {  	[tilespmem:s25+$0x0] =	vst v0;
	v7 =	vadd.s32 v29, v51;
	v0 =	vld.idx.msk [tilespmem:v8+s23+$0x0], $0xffff  }
0x391: {  	s8 =	sadd.s32 $0x17900, s16;
	v1 =	vld.idx.msk [tilespmem:v1+s23+$0x0], $0xffff;
	v8 =	vadd.s32 v18, v50  }
0x392: {  	s3 =	sor.u32 s13, s8;
	[tilespmem:s4+$0x100] =	vst v2;
	v2 =	vadd.s32 v34, v55  }
0x393: {  	s14 =	sor.u32 s5, s14;
	v3 =	vld.idx.msk [tilespmem:v3+s23+$0x0], $0xffff;
	[tilespmem:s3+$0x0] =	vst v5  }
0x394: {  	s6 =	sadd.s32 $0x18880, s29;
	v5 =	vadd.s32 v23, v49;
	v4 =	vld.idx.msk [tilespmem:v4+s23+$0x0], $0xffff;
	[tilespmem:s14+$0x0] =	vst v6  }
0x395: {  	s18 =	sor.u32 s28, s6;
	v6 =	vadd.s32 v27, v48;
	[tilespmem:s2+$0x80] =	vst v0;
	v0 =	vld.idx.msk [tilespmem:v7+s23+$0x0], $0xffff  }
0x396: {  	[tilespmem:s18+$0x0] =	vst v1;
	v7 =	vadd.s32 v30, v51;
	v1 =	vld.idx.msk [tilespmem:v8+s23+$0x0], $0xffff  }
0x397: {  	s7 =	sadd.s32 $0x17980, s16;
	v2 =	vld.idx.msk [tilespmem:v2+s23+$0x0], $0xffff;
	v8 =	vadd.s32 v17, v50  }
0x398: {  	s19 =	sor.u32 s13, s7;
	[tilespmem:s4+$0x180] =	vst v3;
	v3 =	vadd.s32 v33, v55  }
0x399: {  	s11 =	sor.u32 s5, s11;
	v5 =	vld.idx.msk [tilespmem:v5+s23+$0x0], $0xffff;
	[tilespmem:s19+$0x0] =	vst v4  }
0x39a: {  	s3 =	sadd.s32 $0x18900, s29;
	v4 =	vadd.s32 v21, v49;
	v6 =	vld.idx.msk [tilespmem:v6+s23+$0x0], $0xffff;
	[tilespmem:s11+$0x0] =	vst v0  }
0x39b: {  	s20 =	sor.u32 s28, s3;
	v0 =	vadd.s32 v28, v48;
	[tilespmem:s2+$0x100] =	vst v1;
	v1 =	vld.idx.msk [tilespmem:v7+s23+$0x0], $0xffff  }
0x39c: {  	[tilespmem:s20+$0x0] =	vst v2;
	v7 =	vadd.s32 v31, v51;
	v2 =	vld.idx.msk [tilespmem:v8+s23+$0x0], $0xffff  }
0x39d: {  	s11 =	sadd.s32 $0x17A00, s16;
	v3 =	vld.idx.msk [tilespmem:v3+s23+$0x0], $0xffff;
	v8 =	vadd.s32 v23, v50  }
0x39e: {  	s21 =	sor.u32 s13, s11;
	[tilespmem:s4+$0x200] =	vst v5;
	v5 =	vadd.s32 v36, v55  }
0x39f: {  	s10 =	sor.u32 s5, s10;
	v4 =	vld.idx.msk [tilespmem:v4+s23+$0x0], $0xffff;
	[tilespmem:s21+$0x0] =	vst v6  }
0x3a0: {  	s20 =	sadd.s32 $0x18980, s29;
	v6 =	vadd.s32 v22, v49;
	v0 =	vld.idx.msk [tilespmem:v0+s23+$0x0], $0xffff;
	[tilespmem:s10+$0x0] =	vst v1  }
0x3a1: {  	s22 =	sor.u32 s28, s20;
	v1 =	vadd.s32 v29, v48;
	[tilespmem:s2+$0x180] =	vst v2;
	v2 =	vld.idx.msk [tilespmem:v7+s23+$0x0], $0xffff  }
0x3a2: {  	[tilespmem:s22+$0x0] =	vst v3;
	v7 =	vadd.s32 v32, v51;
	v3 =	vld.idx.msk [tilespmem:v8+s23+$0x0], $0xffff  }
0x3a3: {  	s10 =	sadd.s32 $0x17A80, s16;
	v5 =	vld.idx.msk [tilespmem:v5+s23+$0x0], $0xffff;
	v8 =	vadd.s32 v21, v50  }
0x3a4: {  	s24 =	sor.u32 s13, s10;
	[tilespmem:s4+$0x280] =	vst v4;
	v4 =	vadd.s32 v37, v55  }
0x3a5: {  	s9 =	sor.u32 s5, s9;
	v6 =	vld.idx.msk [tilespmem:v6+s23+$0x0], $0xffff;
	[tilespmem:s24+$0x0] =	vst v0  }
0x3a6: {  	s24 =	sadd.s32 $0x18A00, s29;
	v0 =	vld.idx.msk [tilespmem:v1+s23+$0x0], $0xffff;
	v1 =	vadd.s32 v15, v49;
	[tilespmem:s9+$0x0] =	vst v2  }
0x3a7: {  	s25 =	sor.u32 s28, s24;
	v2 =	vadd.s32 v30, v48;
	[tilespmem:s2+$0x200] =	vst v3;
	v3 =	vld.idx.msk [tilespmem:v7+s23+$0x0], $0xffff  }
0x3a8: {  	[tilespmem:s25+$0x0] =	vst v5;
	v7 =	vadd.s32 v34, v51;
	v5 =	vld.idx.msk [tilespmem:v8+s23+$0x0], $0xffff  }
0x3a9: {  	s9 =	sadd.s32 $0x17B00, s16;
	v4 =	vld.idx.msk [tilespmem:v4+s23+$0x0], $0xffff;
	v8 =	vadd.s32 v22, v50  }
0x3aa: {  	s14 =	sor.u32 s13, s9;
	[tilespmem:s4+$0x300] =	vst v6;
	v6 =	vadd.s32 v38, v55  }
0x3ab: {  	s6 =	sor.u32 s5, s6;
	[tilespmem:s14+$0x0] =	vst v0;
	v0 =	vld.idx.msk [tilespmem:v1+s23+$0x0], $0xffff  }
0x3ac: {  	s19 =	sadd.s32 $0x18A80, s29;
	v1 =	vld.idx.msk [tilespmem:v2+s23+$0x0], $0xffff;
	v2 =	vadd.s32 v24, v49;
	[tilespmem:s6+$0x0] =	vst v3  }
0x3ad: {  	s18 =	sor.u32 s28, s19;
	v3 =	vadd.s32 v31, v48;
	[tilespmem:s2+$0x280] =	vst v5;
	v5 =	vld.idx.msk [tilespmem:v7+s23+$0x0], $0xffff  }
0x3ae: {  	[tilespmem:s18+$0x0] =	vst v4;
	v7 =	vadd.s32 v33, v51;
	v4 =	vld.idx.msk [tilespmem:v8+s23+$0x0], $0xffff  }
0x3af: {  	s30 =	sadd.s32 $0x17B80, s16;
	v6 =	vld.idx.msk [tilespmem:v6+s23+$0x0], $0xffff;
	v8 =	vadd.s32 v15, v50  }
0x3b0: {  	v52 =	vadd.s32 v40, v55;
	s21 =	sor.u32 s13, s30;
	[tilespmem:s4+$0x380] =	vst v0  }
0x3b1: {  	s22 =	sor.u32 s5, s3;
	[tilespmem:s21+$0x0] =	vst v1;
	v0 =	vld.idx.msk [tilespmem:v2+s23+$0x0], $0xffff  }
0x3b2: {  	s18 =	sadd.s32 $0x18B00, s29;
	v2 =	vadd.s32 v25, v49;
	v1 =	vld.idx.msk [tilespmem:v3+s23+$0x0], $0xffff;
	[tilespmem:s22+$0x0] =	vst v5  }
0x3b3: {  	s25 =	sor.u32 s28, s18;
	v3 =	vadd.s32 v32, v48;
	[tilespmem:s2+$0x300] =	vst v4;
	v4 =	vld.idx.msk [tilespmem:v7+s23+$0x0], $0xffff  }
0x3b4: {  	s21 =	sor.u32 $0x10, s17;
	[tilespmem:s25+$0x0] =	vst v6;
	v6 =	vadd.s32 v36, v51;
	v5 =	vld.idx.msk [tilespmem:v8+s23+$0x0], $0xffff  }
0x3b5: {  	s12 =	sor.u32 s15, s12;
	s4 =	sadd.s32 $0x17C00, s16;
	s1 =	sor.u32 s21, s1;
	v7 =	vld.idx.msk [tilespmem:v52+s23+$0x0], $0xffff;
	v8 =	vadd.s32 v24, v50  }
0x3b6: {  	v54 =	vadd.s32 v39, v55;
	s3 =	sor.u32 s13, s4;
	v53 =	vld [tilespmem:s1+$0x80];
	[tilespmem:s12+$0x0] =	vst v0  }
0x3b7: {  	s6 =	sor.u32 s5, s20;
	[tilespmem:s3+$0x0] =	vst v1;
	v0 =	vld.idx.msk [tilespmem:v2+s23+$0x0], $0xffff  }
0x3b8: {  	s14 =	simm.s32 $0x300;
	s20 =	sadd.s32 $0x18B80, s29;
	v1 =	vld.idx.msk [tilespmem:v3+s23+$0x0], $0xffff;
	[tilespmem:s6+$0x0] =	vst v4  }
0x3b9: {  	s8 =	sor.u32 s15, s8;
	s25 =	sor.u32 s28, s20;
	s3 =	sand.u32 $0xC00, s14;
	v2 =	vadd.s32 v26, v49;
	[tilespmem:s2+$0x380] =	vst v5;
	v4 =	vld.idx.msk [tilespmem:v6+s23+$0x0], $0xffff  }
0x3ba: {  	s14 =	sadd.s32 $0x18880, s16;
	s22 =	sshrl.u32 s3, $0x2;
	v3 =	vadd.s32 v34, v48;
	s6 =	simm.s32 $0x60;
	[tilespmem:s25+$0x0] =	vst v7;
	v5 =	vld.idx.msk [tilespmem:v8+s23+$0x0], $0xffff  }
0x3bb: {  	s1 =	sand.u32 $0x60, s6;
	s2 =	sor.u32 $0x12480, s22;
	v7 =	vld.idx.msk [tilespmem:v54+s23+$0x0], $0xffff;
	[smem:$0x7EE] =	sst s14  }
0x3bc: {  	v6 =	vadd.s32 v37, v51;
	s25 =	sadd.s32 $0x17880, s26;
	s12 =	sor.u32 s1, s2;
	[tilespmem:s8+$0x0] =	vst v0  }
0x3bd: {  	s22 =	sor.u32 s13, s14;
	v8 =	vadd.s32 v25, v50;
	v56 =	vld [tilespmem:s12+$0x80];
	[smem:$0x7EF] =	sst s25  }
0x3be: {  	v0 =	vadd.s32 v35, v55;
	[tilespmem:s22+$0x0] =	vst v1;
	v1 =	vld.idx.msk [tilespmem:v2+s23+$0x0], $0xffff  }
0x3bf: {  	s24 =	sor.u32 s5, s24;
	v2 =	vld.idx.msk [tilespmem:v3+s23+$0x0], $0xffff  }
0x3c0: {  	s6 =	sor.u32 s17, s25;
	s25 =	sadd.s32 $0x18C00, s29;
	v3 =	vadd.s32 v27, v49;
	[tilespmem:s24+$0x0] =	vst v4  }
0x3c1: {  	s12 =	sor.u32 s28, s25;
	v4 =	vadd.s32 v33, v48;
	[tilespmem:s6+$0x0] =	vst v5;
	v5 =	vld.idx.msk [tilespmem:v6+s23+$0x0], $0xffff  }
0x3c2: {  	s31 =	sadd.s32 $0x18900, s16;
	s7 =	sor.u32 s15, s7;
	s14 =	sor.u32 $0x10, s1;
	[tilespmem:s12+$0x0] =	vst v7;
	v6 =	vld.idx.msk [tilespmem:v8+s23+$0x0], $0xffff;
	v8 =	vadd.s32 v38, v51  }
0x3c3: {  	v57 =	vadd.s32 v26, v50;
	v52 =	vshll.u32 v53, $0x4;
	s2 =	sor.u32 s14, s2;
	s22 =	sor.u32 s13, s31;
	v0 =	vld.idx.msk [tilespmem:v0+s23+$0x0], $0xffff;
	[tilespmem:s7+$0x0] =	vst v1  }
0x3c4: {  	v58 =	vor.u32 v62, v52;
	v7 =	vld [tilespmem:s2+$0x80];
	s6 =	sadd.s32 $0x17900, s26;
	[tilespmem:s22+$0x0] =	vst v2  }
0x3c5: {  	s24 =	sor.u32 s5, s19;
	v2 =	vld.idx.msk [tilespmem:v3+s23+$0x0], $0xffff;
	[smem:$0x7F0] =	sst s6  }
0x3c6: {  	s2 =	sor.u32 s17, s6;
	v1 =	vadd.s32 v41, v55;
	v3 =	vld.idx.msk [tilespmem:v4+s23+$0x0], $0xffff;
	[tilespmem:s24+$0x0] =	vst v5;
	s24 =	sadd.s32 $0x19880, s29  }
0x3c7: {  	v4 =	vadd.s32 v28, v49;
	[tilespmem:s2+$0x0] =	vst v6;
	v6 =	vld.idx.msk [tilespmem:v8+s23+$0x0], $0xffff;
	s7 =	sor.u32 s28, s24  }
0x3c8: {  	s8 =	sor.u32 s15, s11;
	s11 =	sadd.s32 $0x18980, s16;
	v5 =	vadd.s32 v36, v48;
	v8 =	vld.idx.msk [tilespmem:v57+s23+$0x0], $0xffff;
	[tilespmem:s7+$0x0] =	vst v0  }
0x3c9: {  	v59 =	vadd.s32 v40, v51;
	v0 =	vld.idx.msk [tilespmem:v58+s23+$0x0], $0xffff;
	[smem:$0x7F1] =	sst s11  }
0x3ca: {  	v60 =	vadd.s32 v27, v50;
	s12 =	sor.u32 s13, s11;
	[tilespmem:s8+$0x0] =	vst v2  }
0x3cb: {  	s19 =	sadd.s32 $0x17980, s26;
	v54 =	vshll.u32 v56, $0x4;
	v2 =	vadd.s32 v20, v52;
	v1 =	vld.idx.msk [tilespmem:v1+s23+$0x0], $0xffff;
	[tilespmem:s12+$0x0] =	vst v3  }
0x3cc: {  	s18 =	sor.u32 s5, s18;
	v53 =	vshll.u32 v7, $0x4;
	v7 =	vor.u32 v62, v54;
	v4 =	vld.idx.msk [tilespmem:v4+s23+$0x0], $0xffff;
	[smem:$0x7F2] =	sst s19  }
0x3cd: {  	s22 =	sor.u32 s17, s19;
	v3 =	vor.u32 v62, v53;
	[tilespmem:s18+$0x0] =	vst v6;
	v5 =	vld.idx.msk [tilespmem:v5+s23+$0x0], $0xffff  }
0x3ce: {  	s0 =	sor.u32 s21, s0;
	s12 =	sadd.s32 $0x19900, s29;
	v6 =	vadd.s32 v29, v49;
	[tilespmem:s22+$0x0] =	vst v8;
	v8 =	vld.idx.msk [tilespmem:v59+s23+$0x0], $0xffff  }
0x3cf: {  	s6 =	sor.u32 s28, s12;
	[tilespmem:s0+$0x0] =	vst v0;
	v61 =	vld.idx.msk [tilespmem:v60+s23+$0x0], $0xffff  }
0x3d0: {  	s7 =	sor.u32 s15, s10;
	s19 =	sadd.s32 $0x18A00, s16;
	v0 =	vadd.s32 v37, v48;
	[tilespmem:s6+$0x0] =	vst v1;
	v1 =	vld.idx.msk [tilespmem:v2+s23+$0x0], $0xffff  }
0x3d1: {  	s8 =	sor.u32 s13, s19;
	v7 =	vld.idx.msk [tilespmem:v7+s23+$0x0], $0xffff;
	v2 =	vadd.s32 v42, v55;
	[tilespmem:s7+$0x0] =	vst v4  }
0x3d2: {  	s10 =	sor.u32 s5, s20;
	s18 =	sadd.s32 $0x17A00, s26;
	v4 =	vadd.s32 v18, v52;
	v3 =	vld.idx.msk [tilespmem:v3+s23+$0x0], $0xffff;
	[tilespmem:s8+$0x0] =	vst v5  }
0x3d3: {  	s11 =	sor.u32 s17, s18;
	v5 =	vadd.s32 v20, v53;
	v6 =	vld.idx.msk [tilespmem:v6+s23+$0x0], $0xffff;
	[tilespmem:s10+$0x0] =	vst v8  }
0x3d4: {  	s20 =	sadd.s32 $0x16880, s3;
	v8 =	vadd.s32 v39, v51;
	[tilespmem:s11+$0x0] =	vst v61  }
0x3d5: {  	v56 =	vadd.s32 v20, v54;
	v0 =	vld.idx.msk [tilespmem:v0+s23+$0x0], $0xffff;
	s10 =	sor.u32 s1, s20;
	[tilespmem:s0+$0x80] =	vst v1  }
0x3d6: {  	s6 =	sor.u32 s14, s20;
	v1 =	vadd.s32 v28, v50;
	v2 =	vld.idx.msk [tilespmem:v2+s23+$0x0], $0xffff;
	[tilespmem:s10+$0x0] =	vst v7  }
0x3d7: {  	s22 =	sor.u32 s15, s9;
	v4 =	vld.idx.msk [tilespmem:v4+s23+$0x0], $0xffff;
	[tilespmem:s6+$0x0] =	vst v3;
	v3 =	vadd.s32 v30, v49  }
0x3d8: {  	s9 =	sadd.s32 $0x19980, s29;
	[tilespmem:s22+$0x0] =	vst v6;
	v6 =	vadd.s32 v17, v52;
	v5 =	vld.idx.msk [tilespmem:v5+s23+$0x0], $0xffff;
	s22 =	sadd.s32 $0x18A80, s16  }
0x3d9: {  	v7 =	vadd.s32 v18, v53;
	v8 =	vld.idx.msk [tilespmem:v8+s23+$0x0], $0xffff;
	s8 =	sor.u32 s13, s22;
	[smem:$0x7F3] =	sst s9  }
0x3da: {  	v57 =	vadd.s32 v38, v48;
	s11 =	sor.u32 s28, s9;
	[tilespmem:s8+$0x0] =	vst v0;
	v0 =	vld.idx.msk [tilespmem:v56+s23+$0x0], $0xffff  }
0x3db: {  	[tilespmem:s11+$0x0] =	vst v2;
	v2 =	vadd.s32 v18, v54;
	v1 =	vld.idx.msk [tilespmem:v1+s23+$0x0], $0xffff  }
0x3dc: {  	[tilespmem:s0+$0x100] =	vst v4;
	v4 =	vadd.s32 v43, v55;
	v3 =	vld.idx.msk [tilespmem:v3+s23+$0x0], $0xffff  }
0x3dd: {  	s20 =	sor.u32 s5, s25;
	v6 =	vld.idx.msk [tilespmem:v6+s23+$0x0], $0xffff;
	[tilespmem:s6+$0x80] =	vst v5;
	v5 =	vadd.s32 v35, v51  }
0x3de: {  	s8 =	sadd.s32 $0x17A80, s26;
	[tilespmem:s20+$0x0] =	vst v8;
	v8 =	vadd.s32 v23, v52;
	v7 =	vld.idx.msk [tilespmem:v7+s23+$0x0], $0xffff  }
0x3df: {  	v9 =	vld.idx.msk [tilespmem:v57+s23+$0x0], $0xffff;
	s25 =	sor.u32 s17, s8;
	[tilespmem:s10+$0x80] =	vst v0;
	v0 =	vadd.s32 v17, v53  }
0x3e0: {  	s7 =	sor.u32 s15, s30;
	[tilespmem:s25+$0x0] =	vst v1;
	v1 =	vld.idx.msk [tilespmem:v2+s23+$0x0], $0xffff;
	v2 =	vadd.s32 v29, v50  }
0x3e1: {  	[tilespmem:s7+$0x0] =	vst v3;
	v3 =	vadd.s32 v17, v54;
	v4 =	vld.idx.msk [tilespmem:v4+s23+$0x0], $0xffff  }
0x3e2: {  	s11 =	sadd.s32 $0x18B00, s16;
	[tilespmem:s0+$0x180] =	vst v6;
	v6 =	vadd.s32 v31, v49;
	v5 =	vld.idx.msk [tilespmem:v5+s23+$0x0], $0xffff  }
0x3e3: {  	s9 =	sor.u32 s13, s11;
	v8 =	vld.idx.msk [tilespmem:v8+s23+$0x0], $0xffff;
	[tilespmem:s6+$0x100] =	vst v7;
	v7 =	vadd.s32 v40, v48  }
0x3e4: {  	s30 =	sadd.s32 $0x19A00, s29;
	[tilespmem:s9+$0x0] =	vst v9;
	v0 =	vld.idx.msk [tilespmem:v0+s23+$0x0], $0xffff  }
0x3e5: {  	v58 =	vadd.s32 v21, v52;
	s20 =	sor.u32 s28, s30;
	[tilespmem:s10+$0x100] =	vst v1;
	v2 =	vld.idx.msk [tilespmem:v2+s23+$0x0], $0xffff  }
0x3e6: {  	s25 =	sor.u32 s5, s24;
	v1 =	vadd.s32 v23, v53;
	[tilespmem:s20+$0x0] =	vst v4;
	v3 =	vld.idx.msk [tilespmem:v3+s23+$0x0], $0xffff  }
0x3e7: {  	v4 =	vadd.s32 v44, v55;
	[tilespmem:s25+$0x0] =	vst v5;
	v6 =	vld.idx.msk [tilespmem:v6+s23+$0x0], $0xffff  }
0x3e8: {  	s24 =	sadd.s32 $0x17B00, s26;
	v5 =	vadd.s32 v23, v54;
	[tilespmem:s0+$0x200] =	vst v8;
	v7 =	vld.idx.msk [tilespmem:v7+s23+$0x0], $0xffff  }
0x3e9: {  	s7 =	sor.u32 s17, s24;
	v8 =	vadd.s32 v41, v51;
	[tilespmem:s6+$0x180] =	vst v0  }
0x3ea: {  	v9 =	vld.idx.msk [tilespmem:v58+s23+$0x0], $0xffff;
	[tilespmem:s7+$0x0] =	vst v2  }
0x3eb: {  	s4 =	sor.u32 s15, s4;
	s2 =	sadd.s32 $0x18B80, s16;
	v1 =	vld.idx.msk [tilespmem:v1+s23+$0x0], $0xffff;
	[tilespmem:s10+$0x180] =	vst v3  }
0x3ec: {  	s9 =	sor.u32 s13, s2;
	v0 =	vadd.s32 v30, v50;
	v4 =	vld.idx.msk [tilespmem:v4+s23+$0x0], $0xffff;
	[tilespmem:s4+$0x0] =	vst v6;
	s4 =	sadd.s32 $0x19B80, s29  }
0x3ed: {  	v5 =	vld.idx.msk [tilespmem:v5+s23+$0x0], $0xffff;
	[tilespmem:s9+$0x0] =	vst v7;
	s20 =	sor.u32 s28, s4  }
0x3ee: {  	v8 =	vld.idx.msk [tilespmem:v8+s23+$0x0], $0xffff;
	s4 =	sor.u32 s5, s4;
	[dreg:$0xe] =	wrdreg s20  }
0x3ef: {  	s25 =	sadd.s32 $0x19B80, s16;
	[dreg:$0xc] =	wrdreg s4  }
0x3f0: {  	v2 =	vadd.s32 v22, v52;
	s7 =	sor.u32 s13, s25;
	[tilespmem:s0+$0x280] =	vst v9  }
0x3f1: {  	v3 =	vadd.s32 v21, v53;
	s20 =	sor.u32 s15, s25;
	v0 =	vld.idx.msk [tilespmem:v0+s23+$0x0], $0xffff;
	[dreg:$0x7] =	wrdreg s7  }
0x3f2: {  	v6 =	vadd.s32 v32, v49;
	s7 =	sadd.s32 $0x19A80, s29;
	[dreg:$0x6] =	wrdreg s20  }
0x3f3: {  	s4 =	sadd.s32 $0x17B80, s26;
	[tilespmem:s6+$0x200] =	vst v1;
	s25 =	sor.u32 s28, s7  }
0x3f4: {  	s9 =	sor.u32 s17, s4;
	s4 =	sor.u32 s21, s4;
	[tilespmem:s25+$0x0] =	vst v4  }
0x3f5: {  	v7 =	vadd.s32 v21, v54;
	v2 =	vld.idx.msk [tilespmem:v2+s23+$0x0], $0xffff;
	[dreg:$0x12] =	wrdreg s4;
	s4 =	sadd.s32 $0x19B80, s26  }
0x3f6: {  	s20 =	smov.u32 s26;
	v3 =	vld.idx.msk [tilespmem:v3+s23+$0x0], $0xffff;
	[tilespmem:s10+$0x200] =	vst v5;
	s26 =	sor.u32 s17, s4  }
0x3f7: {  	s12 =	sor.u32 s5, s12;
	v6 =	vld.idx.msk [tilespmem:v6+s23+$0x0], $0xffff;
	[dreg:$0x9] =	wrdreg s26  }
0x3f8: {  	s4 =	sor.u32 s21, s4;
	[tilespmem:s12+$0x0] =	vst v8  }
0x3f9: {  	s26 =	sadd.s32 $0x17B80, s3;
	[dreg:$0x8] =	wrdreg s4  }
0x3fa: {  	s12 =	sor.u32 s1, s26;
	v7 =	vld.idx.msk [tilespmem:v7+s23+$0x0], $0xffff;
	[dreg:$0x4] =	wrdreg s3  }
0x3fb: {  	[dreg:$0x14] =	wrdreg s12  }
0x3fc: {  	s25 =	smov.u32 s14;
	s26 =	sor.u32 s14, s26;
	s4 =	sadd.s32 $0x19B80, s3;
	[tilespmem:s9+$0x0] =	vst v0  }
0x3fd: {  	s14 =	smov.u32 s1;
	s1 =	sor.u32 s1, s4;
	[dreg:$0x13] =	wrdreg s26  }
0x3fe: {  	s9 =	sor.u32 s25, s4;
	[dreg:$0xa] =	wrdreg s1  }
0x3ff: {  	[dreg:$0xb] =	wrdreg s9  }
0x400: {  	[tilespmem:s0+$0x300] =	vst v2  }
0x401: {  	s12 =	sld [smem:$0x7EE]  }
0x402: {  	v59 =	vadd.s32 v39, v48;
	s26 =	sld [smem:$0x7EF]  }
0x403: {  	v1 =	vadd.s32 v45, v55;
	s3 =	sld [smem:$0x7F0];
	_ =	sdelay $0x1  }
0x404: {  	s4 =	sor.u32 s15, s12;
	s12 =	sor.u32 s21, s26;
	s26 =	sld [smem:$0x7F1]  }
0x405: {  	s1 =	sor.u32 s21, s3;
	s3 =	sld [smem:$0x7F2]  }
0x406: {  	v9 =	vld.idx.msk [tilespmem:v59+s23+$0x0], $0xffff  }
0x407: {  	v4 =	vadd.s32 v15, v52;
	v1 =	vld.idx.msk [tilespmem:v1+s23+$0x0], $0xffff;
	[dreg:$0x1e] =	wrdreg s1;
	s1 =	sor.u32 s15, s26  }
0x408: {  	[dreg:$0x16] =	wrdreg s1;
	s1 =	sor.u32 s21, s3  }
0x409: {  	v5 =	vadd.s32 v22, v53;
	[dreg:$0x1d] =	wrdreg s1  }
0x40a: {  	[tilespmem:s6+$0x280] =	vst v3  }
0x40b: {  	[tilespmem:s4+$0x0] =	vst v6;
	s4 =	sor.u32 s15, s19  }
0x40c: {  	v4 =	vld.idx.msk [tilespmem:v4+s23+$0x0], $0xffff;
	s19 =	sor.u32 s21, s18;
	[dreg:$0x15] =	wrdreg s4  }
0x40d: {  	v8 =	vadd.s32 v42, v51;
	s26 =	sor.u32 s15, s22;
	[dreg:$0x1c] =	wrdreg s19  }
0x40e: {  	s18 =	sadd.s32 $0x18C00, s16;
	v61 =	vld.idx.msk [tilespmem:v5+s23+$0x0], $0xffff;
	[dreg:$0x11] =	wrdreg s26  }
0x40f: {  	v0 =	vadd.s32 v22, v54;
	s1 =	sor.u32 s13, s18;
	[tilespmem:s10+$0x280] =	vst v7  }
0x410: {  	s3 =	smov.u32 s29;
	s19 =	sadd.s32 $0x19B00, s29;
	[tilespmem:s1+$0x0] =	vst v9  }
0x411: {  	s29 =	smov.u32 s13;
	s26 =	sor.u32 s21, s8;
	s13 =	sld [smem:$0x7F3]  }
0x412: {  	v2 =	vadd.s32 v34, v49;
	v56 =	vld.idx.msk [tilespmem:v8+s23+$0x0], $0xffff;
	s1 =	sor.u32 s28, s19;
	[dreg:$0x1a] =	wrdreg s26  }
0x413: {  	s11 =	sor.u32 s15, s11;
	[tilespmem:s1+$0x0] =	vst v1  }
0x414: {  	v60 =	vadd.s32 v31, v50;
	v5 =	vld.idx.msk [tilespmem:v0+s23+$0x0], $0xffff;
	[dreg:$0x10] =	wrdreg s11;
	s4 =	sor.u32 s5, s13;
	s13 =	sor.u32 s21, s24  }
0x415: {  	v12 =	vadd.s32 v35, v48;
	[dreg:$0x1b] =	wrdreg s13  }
0x416: {  	s7 =	sor.u32 s5, s7;
	s9 =	sor.u32 s15, s31;
	v7 =	vadd.s32 v24, v52;
	s24 =	sor.u32 s15, s2;
	[tilespmem:s0+$0x380] =	vst v4  }
0x417: {  	s31 =	smov.u32 s28;
	s26 =	sor.u32 s5, s19;
	v3 =	vld.idx.msk [tilespmem:v2+s23+$0x0], $0xffff;
	[dreg:$0xf] =	wrdreg s24  }
0x418: {  	s22 =	smov.u32 s15;
	s8 =	sor.u32 s5, s30;
	[dreg:$0x17] =	wrdreg s26  }
0x419: {  	s30 =	simm.s32 $0x400;
	s28 =	smov.u32 s20;
	s20 =	sadd.s32 $0x17C00, s20;
	v58 =	vld.idx.msk [tilespmem:v60+s23+$0x0], $0xffff  }
0x41a: {  	v57 =	vadd.s32 v33, v49;
	v6 =	vadd.s32 v15, v54;
	s19 =	smov.u32 s5;
	v1 =	vadd.s32 v46, v55;
	s11 =	sor.u32 s15, s18;
	s15 =	sadd.s32 $0x19880, s16;
	v4 =	vld.idx.msk [tilespmem:v12+s23+$0x0], $0xffff  }
0x41b: {  	v63 =	vmov v20;
	v55 =	vadd.s32 v47, v55;
	s13 =	smov.u32 s16;
	v2 =	vadd.s32 v43, v51;
	s26 =	simm.s32 $0x6;
	s24 =	simm.s32 $0x80;
	[tilespmem:s6+$0x300] =	vst v61;
	v0 =	vld.idx.msk [tilespmem:v7+s23+$0x0], $0xffff  }
.LBB2_9:
0x41c: {  	[smem:$0x7EA] =	sst s11  }
0x41d: {  	[smem:$0x7EC] =	sst s15  }
0x41e: {  	[dreg:$0x1f] =	wrdreg s6;
	s11 =	smov.u32 s22  }
0x41f: {  	s22 =	smov.u32 s31;
	s31 =	sand.u32 $0xC00, s30;
	s6 =	sor.u32 s29, s15  }
0x420: {  	s1 =	smov.u32 s25;
	s25 =	smov.u32 s21;
	s21 =	smov.u32 s29  }
0x421: {  	v1 =	vld.idx.msk [tilespmem:v1+s23+$0x0], $0xffff;
	s29 =	sand.u32 $0x60, s24;
	s2 =	sshrl.u32 s31, $0x2;
	s15 =	sadd.s32 $0x17B80, s31;
	[tilespmem:s4+$0x0] =	vst v56  }
0x422: {  	[tilespmem:s10+$0x300] =	vst v5;
	s4 =	sor.u32 $0x12480, s2;
	s2 =	sor.u32 s29, s15;
	v2 =	vld.idx.msk [tilespmem:v2+s23+$0x0], $0xffff  }
0x423: {  	s0 =	sor.u32 s17, s20;
	v6 =	vld.idx.msk [tilespmem:v6+s23+$0x0], $0xffff;
	[tilespmem:s9+$0x0] =	vst v3;
	[smem:$0x7ED] =	sst s2;
	s2 =	sor.u32 $0x10, s29  }
0x424: {  	v5 =	vadd.s32 v25, v52;
	s9 =	sor.u32 s29, s4;
	[tilespmem:s0+$0x0] =	vst v58;
	v3 =	vld.idx.msk [tilespmem:v57+s23+$0x0], $0xffff;
	s15 =	sor.u32 s2, s15  }
0x425: {  	v7 =	vadd.s32 v32, v50;
	s5 =	sadd.s32 $0x19B80, s31;
	v9 =	vld [tilespmem:s9+$0x80];
	s4 =	sor.u32 s2, s4;
	[tilespmem:s6+$0x0] =	vst v4;
	[smem:$0x7EB] =	sst s15  }
0x426: {  	v8 =	vadd.s32 v44, v51;
	s0 =	sor.u32 s29, s5;
	v4 =	vld [tilespmem:s4+$0x80];
	[tilespmem:s12+$0x0] =	vst v0;
	s12 =	rddreg [dreg:$0xe]  }
0x427: {  	v10 =	vadd.s32 v24, v54;
	s6 =	sor.u32 s2, s5;
	s15 =	sadd.s32 $0x19C00, s3;
	s3 =	rddreg [dreg:$0x1e]  }
0x428: {  	v12 =	vadd.s32 v41, v48;
	s5 =	smov.u32 s31;
	s9 =	sor.u32 s22, s15;
	s22 =	rddreg [dreg:$0x4]  }
0x429: {  	v11 =	vadd.s32 v36, v49;
	[tilespmem:s12+$0x0] =	vst v1;
	[dreg:$0x4] =	wrdreg s5;
	v5 =	vld.idx.msk [tilespmem:v5+s23+$0x0], $0xffff  }
0x42a: {  	s16 =	smov.u32 s28;
	s28 =	smov.u32 s13;
	s12 =	rddreg [dreg:$0x7];
	v1 =	vld.idx.msk [tilespmem:v7+s23+$0x0], $0xffff;
	[tilespmem:s8+$0x0] =	vst v2  }
0x42b: {  	s18 =	sadd.s32 $0x16880, s31;
	s4 =	sor.u32 s19, s15;
	s5 =	rddreg [dreg:$0x9];
	[tilespmem:s10+$0x380] =	vst v6;
	v2 =	vadd.s32 v26, v52;
	v6 =	vld.idx.msk [tilespmem:v8+s23+$0x0], $0xffff  }
0x42c: {  	s15 =	smov.u32 s16;
	s19 =	smov.u32 s11;
	s8 =	rddreg [dreg:$0x16];
	v7 =	vld.idx.msk [tilespmem:v10+s23+$0x0], $0xffff;
	v8 =	vadd.s32 v34, v50  }
0x42d: {  	v57 =	vadd.s32 v45, v51;
	s16 =	smov.u32 s22;
	s11 =	sadd.s32 $0x18880, s15;
	s13 =	smov.u32 s12;
	v0 =	vshll.u32 v9, $0x4;
	[tilespmem:s8+$0x0] =	vst v3;
	v12 =	vld.idx.msk [tilespmem:v12+s23+$0x0], $0xffff  }
0x42e: {  	s10 =	smov.u32 s17;
	s17 =	smov.u32 s14;
	[dreg:$0xe] =	wrdreg s13;
	v3 =	vor.u32 v62, v0;
	v4 =	vshll.u32 v4, $0x4;
	v56 =	vld.idx.msk [tilespmem:v11+s23+$0x0], $0xffff  }
0x42f: {  	s12 =	sadd.s32 $0x17880, s16;
	s13 =	rddreg [dreg:$0xa];
	s14 =	sor.u32 s10, s11;
	v58 =	vor.u32 v62, v4;
	[tilespmem:s3+$0x0] =	vst v5;
	v5 =	vld.idx.msk [tilespmem:v55+s23+$0x0], $0xffff  }
0x430: {  	s8 =	smov.u32 s29;
	s29 =	smov.u32 s10;
	s10 =	smov.u32 s5;
	[tilespmem:s14+$0x0] =	vst v1;
	v1 =	vld.idx.msk [tilespmem:v2+s23+$0x0], $0xffff;
	v2 =	vadd.s32 v37, v49  }
0x431: {  	v13 =	vadd.s32 v25, v54;
	s31 =	smov.u32 s21;
	[dreg:$0x7] =	wrdreg s10;
	s10 =	sor.u32 s17, s12;
	v8 =	vld.idx.msk [tilespmem:v8+s23+$0x0], $0xffff;
	[tilespmem:s7+$0x0] =	vst v6  }
0x432: {  	s14 =	smov.u32 s13;
	s13 =	sadd.s32 $0x19900, s28;
	s3 =	rddreg [dreg:$0x15];
	[tilespmem:s10+$0x0] =	vst v7;
	v6 =	vadd.s32 v27, v52;
	v7 =	vld.idx.msk [tilespmem:v57+s23+$0x0], $0xffff  }
0x433: {  	v59 =	vadd.s32 v33, v50;
	s5 =	smov.u32 s0;
	[dreg:$0x9] =	wrdreg s14;
	s14 =	sor.u32 s31, s13;
	v3 =	vld.idx.msk [tilespmem:v3+s23+$0x0], $0xffff;
	[tilespmem:s3+$0x0] =	vst v56  }
0x434: {  	[dreg:$0xa] =	wrdreg s5;
	[tilespmem:s14+$0x0] =	vst v12;
	v12 =	vadd.s32 v46, v51;
	v11 =	vld.idx.msk [tilespmem:v58+s23+$0x0], $0xffff  }
0x435: {  	s21 =	smov.u32 s1;
	v60 =	vadd.s32 v63, v0;
	s5 =	sadd.s32 $0x18900, s15;
	s10 =	rddreg [dreg:$0x1d];
	[tilespmem:s9+$0x0] =	vst v5;
	v2 =	vld.idx.msk [tilespmem:v2+s23+$0x0], $0xffff  }
0x436: {  	s22 =	smov.u32 s25;
	s25 =	smov.u32 s2;
	v14 =	vadd.s32 v63, v4;
	s7 =	sor.u32 s29, s5;
	v5 =	vld.idx.msk [tilespmem:v13+s23+$0x0], $0xffff;
	[tilespmem:s10+$0x0] =	vst v1  }
0x437: {  	s2 =	sadd.s32 $0x17900, s16;
	s0 =	sor.u32 s19, s13;
	s13 =	rddreg [dreg:$0x17];
	[tilespmem:s7+$0x0] =	vst v8;
	v1 =	vld.idx.msk [tilespmem:v6+s23+$0x0], $0xffff;
	v6 =	vadd.s32 v38, v49  }
0x438: {  	s1 =	sor.u32 s21, s2;
	s10 =	sor.u32 s8, s18;
	v8 =	vadd.s32 v26, v54;
	v10 =	vld.idx.msk [tilespmem:v59+s23+$0x0], $0xffff;
	[tilespmem:s13+$0x0] =	vst v7  }
0x439: {  	s9 =	sor.u32 s22, s5;
	s5 =	rddreg [dreg:$0x11];
	s18 =	sor.u32 s25, s18;
	[tilespmem:s10+$0x0] =	vst v3;
	v3 =	vadd.s32 v28, v52;
	v7 =	vld.idx.msk [tilespmem:v12+s23+$0x0], $0xffff  }
0x43a: {  	v61 =	vadd.s32 v36, v50;
	s14 =	smov.u32 s8;
	s7 =	sadd.s32 $0x18980, s15;
	s13 =	rddreg [dreg:$0x1c];
	v9 =	vld.idx.msk [tilespmem:v60+s23+$0x0], $0xffff;
	[tilespmem:s18+$0x0] =	vst v11  }
0x43b: {  	s3 =	sor.u32 s17, s2;
	s8 =	sor.u32 s29, s7;
	v12 =	vadd.s32 v18, v0;
	v13 =	vld.idx.msk [tilespmem:v14+s23+$0x0], $0xffff;
	[tilespmem:s5+$0x0] =	vst v2;
	s5 =	rddreg [dreg:$0x6]  }
0x43c: {  	s2 =	sor.u32 s22, s7;
	v14 =	vadd.s32 v18, v4;
	v2 =	vadd.s32 v47, v51;
	[tilespmem:s3+$0x0] =	vst v5;
	s3 =	rddreg [dreg:$0xc];
	v5 =	vld.idx.msk [tilespmem:v6+s23+$0x0], $0xffff;
	s7 =	smov.u32 s5  }
0x43d: {  	v51 =	vmovc v49;
	v49 =	vmov v52;
	v52 =	vmov v53;
	v53 =	vmov v4;
	v4 =	vld.idx.msk [tilespmem:v8+s23+$0x0], $0xffff;
	[tilespmem:s13+$0x0] =	vst v1;
	[dreg:$0xc] =	wrdreg s7  }
0x43e: {  	[tilespmem:s8+$0x0] =	vst v10;
	v1 =	vld.idx.msk [tilespmem:v3+s23+$0x0], $0xffff;
	v3 =	vadd.s32 v40, v51;
	s8 =	rddreg [dreg:$0x8]  }
0x43f: {  	v6 =	vadd.s32 v27, v54;
	s7 =	smov.u32 s6;
	s6 =	rddreg [dreg:$0x10];
	v8 =	vld.idx.msk [tilespmem:v61+s23+$0x0], $0xffff;
	[tilespmem:s10+$0x80] =	vst v9  }
0x440: {  	[tilespmem:s3+$0x0] =	vst v7;
	s3 =	rddreg [dreg:$0xb];
	v7 =	vadd.s32 v29, v49;
	v9 =	vld.idx.msk [tilespmem:v12+s23+$0x0], $0xffff  }
0x441: {  	v55 =	vadd.s32 v37, v50;
	s13 =	smov.u32 s8;
	[dreg:$0xb] =	wrdreg s7;
	s8 =	sadd.s32 $0x17980, s16;
	v2 =	vld.idx.msk [tilespmem:v2+s23+$0x0], $0xffff;
	[tilespmem:s18+$0x80] =	vst v13  }
0x442: {  	[dreg:$0x6] =	wrdreg s13;
	s13 =	sor.u32 s17, s8;
	v12 =	vadd.s32 v42, v48;
	v56 =	vld.idx.msk [tilespmem:v14+s23+$0x0], $0xffff;
	[tilespmem:s6+$0x0] =	vst v5  }
0x443: {  	s7 =	sadd.s32 $0x18A00, s15;
	v5 =	vadd.s32 v17, v0;
	[tilespmem:s13+$0x0] =	vst v4;
	s13 =	rddreg [dreg:$0x1a];
	v3 =	vld.idx.msk [tilespmem:v3+s23+$0x0], $0xffff  }
0x444: {  	s5 =	smov.u32 s3;
	s3 =	sor.u32 s21, s8;
	s8 =	sor.u32 s29, s7;
	v4 =	vadd.s32 v17, v53;
	v6 =	vld.idx.msk [tilespmem:v6+s23+$0x0], $0xffff;
	[tilespmem:s13+$0x0] =	vst v1  }
0x445: {  	[tilespmem:s8+$0x0] =	vst v8;
	v1 =	vld.idx.msk [tilespmem:v7+s23+$0x0], $0xffff  }
0x446: {  	[dreg:$0x8] =	wrdreg s5;
	v7 =	vadd.s32 v39, v51;
	v10 =	vld.idx.msk [tilespmem:v55+s23+$0x0], $0xffff;
	[tilespmem:s10+$0x100] =	vst v9  }
0x447: {  	[dreg:$0x1d] =	wrdreg s3;
	v8 =	vadd.s32 v28, v54;
	[tilespmem:s4+$0x0] =	vst v2;
	v9 =	vld.idx.msk [tilespmem:v12+s23+$0x0], $0xffff  }
0x448: {  	v57 =	vadd.s32 v38, v50;
	s3 =	sor.u32 s22, s7;
	s7 =	rddreg [dreg:$0xf];
	s4 =	sadd.s32 $0x17A00, s16;
	v5 =	vld.idx.msk [tilespmem:v5+s23+$0x0], $0xffff;
	[tilespmem:s18+$0x100] =	vst v56  }
0x449: {  	[dreg:$0x15] =	wrdreg s3;
	v2 =	vadd.s32 v30, v49;
	s5 =	sor.u32 s17, s4;
	v4 =	vld.idx.msk [tilespmem:v4+s23+$0x0], $0xffff;
	[tilespmem:s7+$0x0] =	vst v3  }
0x44a: {  	s3 =	rddreg [dreg:$0x1b];
	s8 =	sadd.s32 $0x18A80, s15;
	v12 =	vadd.s32 v43, v48;
	s6 =	sor.u32 s21, s4;
	[tilespmem:s5+$0x0] =	vst v6  }
0x44b: {  	s13 =	sor.u32 s29, s8;
	[dreg:$0x1c] =	wrdreg s6;
	v3 =	vadd.s32 v23, v0;
	s6 =	sadd.s32 $0x19980, s28;
	v6 =	vld.idx.msk [tilespmem:v7+s23+$0x0], $0xffff;
	[tilespmem:s3+$0x0] =	vst v1  }
0x44c: {  	v7 =	vadd.s32 v23, v53;
	v8 =	vld.idx.msk [tilespmem:v8+s23+$0x0], $0xffff;
	s7 =	sor.u32 s31, s6;
	[tilespmem:s13+$0x0] =	vst v10  }
0x44d: {  	v11 =	vld.idx.msk [tilespmem:v57+s23+$0x0], $0xffff;
	[tilespmem:s7+$0x0] =	vst v9  }
0x44e: {  	s4 =	sor.u32 s19, s6;
	s6 =	sld [smem:$0x7EA];
	v1 =	vld.idx.msk [tilespmem:v2+s23+$0x0], $0xffff;
	v2 =	vadd.s32 v35, v51;
	[tilespmem:s10+$0x180] =	vst v5  }
0x44f: {  	v58 =	vadd.s32 v29, v54;
	v9 =	vld.idx.msk [tilespmem:v12+s23+$0x0], $0xffff  }
0x450: {  	s5 =	sor.u32 s22, s8;
	s8 =	sadd.s32 $0x17A80, s16;
	v3 =	vld.idx.msk [tilespmem:v3+s23+$0x0], $0xffff;
	[tilespmem:s18+$0x180] =	vst v4;
	v4 =	vadd.s32 v40, v50  }
0x451: {  	[dreg:$0x16] =	wrdreg s2;
	s13 =	sor.u32 s17, s8;
	v5 =	vadd.s32 v31, v49;
	v7 =	vld.idx.msk [tilespmem:v7+s23+$0x0], $0xffff;
	[tilespmem:s6+$0x0] =	vst v6  }
0x452: {  	s3 =	sor.u32 s21, s8;
	s7 =	sadd.s32 $0x18B00, s15;
	v12 =	vadd.s32 v44, v48;
	[tilespmem:s13+$0x0] =	vst v8;
	s13 =	rddreg [dreg:$0x12]  }
0x453: {  	[dreg:$0x1a] =	wrdreg s3;
	s3 =	sadd.s32 $0x19A00, s28;
	s8 =	sor.u32 s29, s7;
	v6 =	vadd.s32 v21, v0;
	v2 =	vld.idx.msk [tilespmem:v2+s23+$0x0], $0xffff;
	[tilespmem:s13+$0x0] =	vst v1  }
0x454: {  	s2 =	sor.u32 s22, s7;
	s7 =	rddreg [dreg:$0x13];
	v8 =	vadd.s32 v21, v53;
	s6 =	sor.u32 s31, s3;
	v10 =	vld.idx.msk [tilespmem:v58+s23+$0x0], $0xffff;
	[tilespmem:s8+$0x0] =	vst v11  }
0x455: {  	s8 =	sor.u32 s19, s3;
	s3 =	sld [smem:$0x7EB];
	v4 =	vld.idx.msk [tilespmem:v4+s23+$0x0], $0xffff;
	[tilespmem:s6+$0x0] =	vst v9  }
0x456: {  	s13 =	smov.u32 s7;
	s7 =	sld [smem:$0x7EC];
	v1 =	vld.idx.msk [tilespmem:v5+s23+$0x0], $0xffff;
	v5 =	vadd.s32 v41, v51;
	[tilespmem:s10+$0x200] =	vst v3  }
0x457: {  	[dreg:$0x1e] =	wrdreg s1;
	v59 =	vadd.s32 v30, v54;
	s6 =	sadd.s32 $0x17B00, s16;
	v9 =	vld.idx.msk [tilespmem:v12+s23+$0x0], $0xffff  }
0x458: {  	[dreg:$0x11] =	wrdreg s5;
	s5 =	smov.u32 s3;
	[tilespmem:s18+$0x200] =	vst v7;
	v7 =	vadd.s32 v39, v50;
	s3 =	sor.u32 s17, s6;
	v6 =	vld.idx.msk [tilespmem:v6+s23+$0x0], $0xffff  }
0x459: {  	[dreg:$0x12] =	wrdreg s13;
	v3 =	vadd.s32 v32, v49;
	s13 =	sor.u32 s19, s7;
	s7 =	sor.u32 s21, s6;
	v8 =	vld.idx.msk [tilespmem:v8+s23+$0x0], $0xffff;
	[tilespmem:s3+$0x0] =	vst v10  }
0x45a: {  	s1 =	sor.u32 s22, s20;
	v60 =	vadd.s32 v22, v53;
	[dreg:$0x1b] =	wrdreg s7;
	[tilespmem:s13+$0x0] =	vst v2;
	s13 =	sadd.s32 $0x18B80, s15  }
0x45b: {  	v12 =	vadd.s32 v45, v48;
	v5 =	vld.idx.msk [tilespmem:v5+s23+$0x0], $0xffff;
	s3 =	sor.u32 s29, s13;
	[tilespmem:s1+$0x0] =	vst v1;
	s7 =	sor.u32 s22, s13;
	s13 =	sadd.s32 $0x19A80, s28  }
0x45c: {  	v2 =	vadd.s32 v15, v52;
	v11 =	vld.idx.msk [tilespmem:v59+s23+$0x0], $0xffff;
	[tilespmem:s3+$0x0] =	vst v4;
	s20 =	sor.u32 s31, s13  }
0x45d: {  	v7 =	vld.idx.msk [tilespmem:v7+s23+$0x0], $0xffff;
	[tilespmem:s20+$0x0] =	vst v9  }
0x45e: {  	[dreg:$0x13] =	wrdreg s5;
	v4 =	vadd.s32 v42, v51;
	v3 =	vld.idx.msk [tilespmem:v3+s23+$0x0], $0xffff;
	[tilespmem:s18+$0x280] =	vst v8  }
0x45f: {  	v13 =	vadd.s32 v22, v0;
	s1 =	sadd.s32 $0x19B00, s28;
	[dreg:$0xf] =	wrdreg s7;
	[tilespmem:s10+$0x280] =	vst v6;
	v10 =	vld.idx.msk [tilespmem:v60+s23+$0x0], $0xffff  }
0x460: {  	s5 =	sor.u32 s31, s1;
	s6 =	sor.u32 s19, s1;
	s1 =	sld [smem:$0x7ED];
	v6 =	vadd.s32 v34, v49;
	v9 =	vld.idx.msk [tilespmem:v12+s23+$0x0], $0xffff  }
0x461: {  	s26 =	sadd.s32 $0x2, s26;
	s7 =	sor.u32 s19, s13;
	s13 =	rddreg [dreg:$0x14];
	v8 =	vadd.s32 v31, v54;
	v12 =	vld.idx.msk [tilespmem:v2+s23+$0x0], $0xffff;
	[tilespmem:s0+$0x0] =	vst v5  }
0x462: {  	p0 =	slt.u32 s26, $0x1E;
	s11 =	sor.u32 s22, s11;
	v14 =	vadd.s32 v35, v50;
	s20 =	sadd.s32 $0x18C00, s15;
	[tilespmem:s13+$0x0] =	vst v11  }
0x463: {  	v61 =	vadd.s32 v24, v52;
	[dreg:$0x17] =	wrdreg s6;
	s6 =	smov.u32 s1;
	s13 =	sor.u32 s29, s20;
	v56 =	vld.idx.msk [tilespmem:v4+s23+$0x0], $0xffff;
	[tilespmem:s11+$0x0] =	vst v3  }
.Ltmp3:
0x464: {  	[dreg:$0x14] =	wrdreg s6;
	s6 =	smov.u32 s18;
	v5 =	vld.idx.msk [tilespmem:v13+s23+$0x0], $0xffff;
	[tilespmem:s13+$0x0] =	vst v7;
	(pc) =	sbr.rel @p0 .LBB2_9-.Ltmp3, $4  }
0x465: {  	s24 =	sadd.s32 $0x20, s24;
	s30 =	sadd.s32 $0x100, s30;
	v3 =	vld.idx.msk [tilespmem:v6+s23+$0x0], $0xffff;
	[tilespmem:s6+$0x300] =	vst v10  }
0x466: {  	s12 =	sor.u32 s21, s12;
	v55 =	vadd.s32 v47, v48;
	s11 =	sor.u32 s22, s20;
	s20 =	rddreg [dreg:$0x1f];
	v58 =	vld.idx.msk [tilespmem:v8+s23+$0x0], $0xffff;
	[tilespmem:s5+$0x0] =	vst v9  }
0x467: {  	v57 =	vadd.s32 v33, v49;
	[dreg:$0x10] =	wrdreg s2;
	v1 =	vadd.s32 v46, v48;
	v48 =	vmov v50;
	s3 =	smov.u32 s28;
	s28 =	smov.u32 s16;
	[tilespmem:s20+$0x380] =	vst v12;
	v4 =	vld.idx.msk [tilespmem:v14+s23+$0x0], $0xffff  }
0x468: {  	v50 =	vmovc v54;
	v54 =	vmov v0;
	v2 =	vadd.s32 v43, v51;
	s13 =	smov.u32 s15;
	s15 =	sadd.s32 $0x19880, s15;
	v6 =	vadd.s32 v15, v0;
	s20 =	sadd.s32 $0x17C00, s16;
	v0 =	vld.idx.msk [tilespmem:v61+s23+$0x0], $0xffff  }
0x469: {  	_ = 	snop  }
0x46a: {  	v7 =	vadd.s32 v15, v53;
	_ =	sdelay $0x1  }
0x46b: {  	[tilespmem:s10+$0x300] =	vst v5  }
0x46c: {  	v5 =	vld.idx.msk [tilespmem:v6+s23+$0x0], $0xffff  }
0x46d: {  	v61 =	vadd.s32 v24, v54  }
0x46e: {  	v7 =	vld.idx.msk [tilespmem:v7+s23+$0x0], $0xffff  }
0x46f: {  	v8 =	vadd.s32 v24, v53;
	_ =	sdelay $0x1  }
0x470: {  	v59 =	vadd.s32 v25, v52;
	[tilespmem:s10+$0x380] =	vst v5  }
0x471: {  	v6 =	vld.idx.msk [tilespmem:v61+s23+$0x0], $0xffff  }
0x472: {  	v60 =	vadd.s32 v25, v54;
	[tilespmem:s6+$0x380] =	vst v7  }
0x473: {  	v8 =	vld.idx.msk [tilespmem:v8+s23+$0x0], $0xffff;
	s6 =	rddreg [dreg:$0x4]  }
0x474: {  	v9 =	vadd.s32 v25, v53;
	[tilespmem:s12+$0x0] =	vst v0;
	s0 =	sadd.s32 $0x17880, s6  }
0x475: {  	v0 =	vld.idx.msk [tilespmem:v59+s23+$0x0], $0xffff;
	s2 =	sor.u32 s14, s0  }
0x476: {  	v61 =	vadd.s32 v26, v52;
	[tilespmem:s2+$0x0] =	vst v6  }
0x477: {  	s0 =	sor.u32 s25, s0;
	v6 =	vld.idx.msk [tilespmem:v60+s23+$0x0], $0xffff  }
0x478: {  	v59 =	vadd.s32 v26, v54;
	[tilespmem:s0+$0x0] =	vst v8  }
0x479: {  	v8 =	vld.idx.msk [tilespmem:v9+s23+$0x0], $0xffff;
	s1 =	rddreg [dreg:$0x1e]  }
0x47a: {  	s16 =	sadd.s32 $0x17900, s6;
	v60 =	vadd.s32 v26, v53;
	[tilespmem:s1+$0x0] =	vst v0  }
0x47b: {  	s18 =	sor.u32 s14, s16;
	v0 =	vld.idx.msk [tilespmem:v61+s23+$0x0], $0xffff  }
0x47c: {  	v61 =	vadd.s32 v27, v52;
	[tilespmem:s18+$0x0] =	vst v6  }
0x47d: {  	s0 =	sor.u32 s25, s16;
	v6 =	vld.idx.msk [tilespmem:v59+s23+$0x0], $0xffff  }
0x47e: {  	v59 =	vadd.s32 v27, v54;
	[tilespmem:s0+$0x0] =	vst v8  }
0x47f: {  	v8 =	vld.idx.msk [tilespmem:v60+s23+$0x0], $0xffff;
	s1 =	rddreg [dreg:$0x1d]  }
0x480: {  	s24 =	sadd.s32 $0x17980, s6;
	v60 =	vadd.s32 v27, v53;
	[tilespmem:s1+$0x0] =	vst v0  }
0x481: {  	s26 =	sor.u32 s14, s24;
	v0 =	vld.idx.msk [tilespmem:v61+s23+$0x0], $0xffff  }
0x482: {  	v61 =	vadd.s32 v28, v52;
	[tilespmem:s26+$0x0] =	vst v6  }
0x483: {  	s0 =	sor.u32 s25, s24;
	v6 =	vld.idx.msk [tilespmem:v59+s23+$0x0], $0xffff  }
0x484: {  	v59 =	vadd.s32 v28, v54;
	[tilespmem:s0+$0x0] =	vst v8  }
0x485: {  	v8 =	vld.idx.msk [tilespmem:v60+s23+$0x0], $0xffff;
	s1 =	rddreg [dreg:$0x1c]  }
0x486: {  	s30 =	sadd.s32 $0x17A00, s6;
	v60 =	vadd.s32 v28, v53;
	[tilespmem:s1+$0x0] =	vst v0  }
0x487: {  	s2 =	sor.u32 s14, s30;
	v0 =	vld.idx.msk [tilespmem:v61+s23+$0x0], $0xffff  }
0x488: {  	v61 =	vadd.s32 v29, v52;
	[tilespmem:s2+$0x0] =	vst v6  }
0x489: {  	s0 =	sor.u32 s25, s30;
	v6 =	vld.idx.msk [tilespmem:v59+s23+$0x0], $0xffff  }
0x48a: {  	v59 =	vadd.s32 v29, v54;
	[tilespmem:s0+$0x0] =	vst v8  }
0x48b: {  	v8 =	vld.idx.msk [tilespmem:v60+s23+$0x0], $0xffff;
	s1 =	rddreg [dreg:$0x1a]  }
0x48c: {  	s5 =	sadd.s32 $0x17A80, s6;
	v60 =	vadd.s32 v29, v53;
	[tilespmem:s1+$0x0] =	vst v0  }
0x48d: {  	s10 =	sor.u32 s14, s5;
	v0 =	vld.idx.msk [tilespmem:v61+s23+$0x0], $0xffff  }
0x48e: {  	v61 =	vadd.s32 v30, v52;
	[tilespmem:s10+$0x0] =	vst v6  }
0x48f: {  	s0 =	sor.u32 s25, s5;
	v6 =	vld.idx.msk [tilespmem:v59+s23+$0x0], $0xffff  }
0x490: {  	v59 =	vadd.s32 v30, v54;
	[tilespmem:s0+$0x0] =	vst v8  }
0x491: {  	v8 =	vld.idx.msk [tilespmem:v60+s23+$0x0], $0xffff;
	s1 =	rddreg [dreg:$0x1b]  }
0x492: {  	s12 =	sadd.s32 $0x17B00, s6;
	v60 =	vadd.s32 v30, v53;
	[tilespmem:s1+$0x0] =	vst v0  }
0x493: {  	s16 =	sor.u32 s14, s12;
	v0 =	vld.idx.msk [tilespmem:v61+s23+$0x0], $0xffff  }
0x494: {  	[tilespmem:s16+$0x0] =	vst v6  }
0x495: {  	s0 =	sor.u32 s25, s12;
	v6 =	vld.idx.msk [tilespmem:v59+s23+$0x0], $0xffff  }
0x496: {  	v61 =	vadd.s32 v31, v52;
	[tilespmem:s0+$0x0] =	vst v8  }
0x497: {  	v59 =	vadd.s32 v31, v54;
	v8 =	vld.idx.msk [tilespmem:v60+s23+$0x0], $0xffff;
	s0 =	rddreg [dreg:$0x12]  }
0x498: {  	v9 =	vadd.s32 v31, v53;
	[tilespmem:s0+$0x0] =	vst v0  }
0x499: {  	s0 =	rddreg [dreg:$0x14]  }
0x49a: {  	[tilespmem:s0+$0x0] =	vst v6  }
0x49b: {  	v60 =	vadd.s32 v32, v50;
	v5 =	vld.idx.msk [tilespmem:v61+s23+$0x0], $0xffff;
	s0 =	rddreg [dreg:$0x13]  }
0x49c: {  	v61 =	vadd.s32 v32, v52;
	v7 =	vld.idx.msk [tilespmem:v59+s23+$0x0], $0xffff;
	[tilespmem:s0+$0x0] =	vst v8  }
0x49d: {  	v59 =	vadd.s32 v32, v54;
	v9 =	vld.idx.msk [tilespmem:v9+s23+$0x0], $0xffff  }
0x49e: {  	v10 =	vadd.s32 v32, v53;
	s18 =	sor.u32 s17, s20  }
0x49f: {  	s24 =	sor.u32 s21, s20;
	s26 =	sadd.s32 $0x17C00, s6;
	[tilespmem:s18+$0x0] =	vst v58  }
0x4a0: {  	s30 =	sor.u32 s14, s26;
	v0 =	vld.idx.msk [tilespmem:v60+s23+$0x0], $0xffff;
	[tilespmem:s24+$0x0] =	vst v5  }
0x4a1: {  	s1 =	sor.u32 s25, s26;
	v60 =	vadd.s32 v34, v50;
	v6 =	vld.idx.msk [tilespmem:v61+s23+$0x0], $0xffff;
	[tilespmem:s30+$0x0] =	vst v7  }
0x4a2: {  	v61 =	vadd.s32 v34, v52;
	v8 =	vld.idx.msk [tilespmem:v59+s23+$0x0], $0xffff;
	[tilespmem:s1+$0x0] =	vst v9  }
0x4a3: {  	s2 =	sadd.s32 $0x18880, s28;
	v32 =	vadd.s32 v34, v54;
	v10 =	vld.idx.msk [tilespmem:v10+s23+$0x0], $0xffff  }
0x4a4: {  	v11 =	vadd.s32 v34, v53;
	s5 =	sor.u32 s17, s2;
	[tilespmem:s4+$0x0] =	vst v56  }
0x4a5: {  	s10 =	sadd.s32 $0x18880, s6;
	s0 =	sor.u32 s21, s2;
	[tilespmem:s5+$0x0] =	vst v0  }
0x4a6: {  	s12 =	sor.u32 s14, s10;
	v0 =	vld.idx.msk [tilespmem:v60+s23+$0x0], $0xffff;
	[tilespmem:s0+$0x0] =	vst v6  }
0x4a7: {  	s16 =	sor.u32 s25, s10;
	v58 =	vadd.s32 v33, v50;
	v6 =	vld.idx.msk [tilespmem:v61+s23+$0x0], $0xffff;
	[tilespmem:s12+$0x0] =	vst v8  }
0x4a8: {  	v59 =	vadd.s32 v33, v52;
	v8 =	vld.idx.msk [tilespmem:v32+s23+$0x0], $0xffff;
	[tilespmem:s16+$0x0] =	vst v10  }
0x4a9: {  	s20 =	sadd.s32 $0x18900, s28;
	[tilespmem:s9+$0x0] =	vst v3;
	s18 =	sor.u32 s29, s15;
	v61 =	vld.idx.msk [tilespmem:v11+s23+$0x0], $0xffff  }
0x4aa: {  	[tilespmem:s18+$0x0] =	vst v4;
	s24 =	sor.u32 s17, s20;
	v60 =	vadd.s32 v33, v54  }
0x4ab: {  	v1 =	vld.idx.msk [tilespmem:v1+s23+$0x0], $0xffff;
	s26 =	sor.u32 s21, s20;
	s30 =	sadd.s32 $0x18900, s6;
	v32 =	vadd.s32 v33, v53;
	[tilespmem:s24+$0x0] =	vst v0  }
0x4ac: {  	s2 =	sor.u32 s14, s30;
	v5 =	vld.idx.msk [tilespmem:v58+s23+$0x0], $0xffff;
	[tilespmem:s26+$0x0] =	vst v6  }
0x4ad: {  	v56 =	vadd.s32 v36, v50;
	s4 =	sor.u32 s25, s30;
	v7 =	vld.idx.msk [tilespmem:v59+s23+$0x0], $0xffff;
	[tilespmem:s2+$0x0] =	vst v8  }
0x4ae: {  	v33 =	vld.idx.msk [tilespmem:v57+s23+$0x0], $0xffff;
	v57 =	vadd.s32 v36, v52;
	[tilespmem:s4+$0x0] =	vst v61  }
0x4af: {  	v34 =	vadd.s32 v36, v49;
	s5 =	sadd.s32 $0x18980, s28;
	v3 =	vld.idx.msk [tilespmem:v60+s23+$0x0], $0xffff;
	s0 =	rddreg [dreg:$0xe]  }
0x4b0: {  	s10 =	sor.u32 s17, s5;
	v58 =	vadd.s32 v36, v54;
	v4 =	vld.idx.msk [tilespmem:v32+s23+$0x0], $0xffff;
	[tilespmem:s0+$0x0] =	vst v1  }
0x4b1: {  	v59 =	vld.idx.msk [tilespmem:v2+s23+$0x0], $0xffff;
	v60 =	vadd.s32 v36, v53;
	s0 =	sor.u32 s21, s5;
	s9 =	rddreg [dreg:$0x16];
	[tilespmem:s10+$0x0] =	vst v5  }
0x4b2: {  	s12 =	sadd.s32 $0x18980, s6;
	v61 =	vadd.s32 v44, v51;
	[tilespmem:s0+$0x0] =	vst v7;
	v8 =	vld.idx.msk [tilespmem:v56+s23+$0x0], $0xffff  }
0x4b3: {  	s16 =	sor.u32 s14, s12;
	[tilespmem:s9+$0x0] =	vst v33;
	v33 =	vadd.s32 v37, v50;
	v9 =	vld.idx.msk [tilespmem:v57+s23+$0x0], $0xffff  }
0x4b4: {  	s18 =	sor.u32 s25, s12;
	[tilespmem:s16+$0x0] =	vst v3;
	v6 =	vld.idx.msk [tilespmem:v34+s23+$0x0], $0xffff;
	v34 =	vadd.s32 v37, v52  }
0x4b5: {  	s20 =	sadd.s32 $0x18A00, s28;
	v32 =	vadd.s32 v37, v49;
	v1 =	vld.idx.msk [tilespmem:v58+s23+$0x0], $0xffff;
	[tilespmem:s18+$0x0] =	vst v4  }
0x4b6: {  	s26 =	sor.u32 s17, s20;
	v36 =	vadd.s32 v37, v54;
	[tilespmem:s8+$0x0] =	vst v59;
	v2 =	vld.idx.msk [tilespmem:v60+s23+$0x0], $0xffff  }
0x4b7: {  	s0 =	sor.u32 s21, s20;
	v56 =	vadd.s32 v37, v53;
	v5 =	vld.idx.msk [tilespmem:v61+s23+$0x0], $0xffff;
	s24 =	rddreg [dreg:$0x15];
	[tilespmem:s26+$0x0] =	vst v8  }
0x4b8: {  	s30 =	sadd.s32 $0x18A00, s6;
	v57 =	vadd.s32 v41, v48;
	[tilespmem:s0+$0x0] =	vst v9;
	v3 =	vld.idx.msk [tilespmem:v33+s23+$0x0], $0xffff  }
0x4b9: {  	s2 =	sor.u32 s14, s30;
	v59 =	vadd.s32 v38, v50;
	[tilespmem:s24+$0x0] =	vst v6;
	v4 =	vld.idx.msk [tilespmem:v34+s23+$0x0], $0xffff  }
0x4ba: {  	s4 =	sor.u32 s25, s30;
	v60 =	vadd.s32 v38, v52;
	[tilespmem:s2+$0x0] =	vst v1;
	v7 =	vld.idx.msk [tilespmem:v32+s23+$0x0], $0xffff  }
0x4bb: {  	s5 =	sadd.s32 $0x18A80, s28;
	v58 =	vadd.s32 v38, v49;
	v0 =	vld.idx.msk [tilespmem:v36+s23+$0x0], $0xffff;
	[tilespmem:s4+$0x0] =	vst v2  }
0x4bc: {  	s8 =	sor.u32 s17, s5;
	v61 =	vadd.s32 v38, v54;
	[tilespmem:s7+$0x0] =	vst v5;
	v6 =	vld.idx.msk [tilespmem:v56+s23+$0x0], $0xffff  }
0x4bd: {  	s0 =	sor.u32 s21, s5;
	v33 =	vadd.s32 v38, v53;
	v32 =	vld.idx.msk [tilespmem:v57+s23+$0x0], $0xffff;
	s7 =	rddreg [dreg:$0x11];
	[tilespmem:s8+$0x0] =	vst v3  }
0x4be: {  	s9 =	sadd.s32 $0x18A80, s6;
	[tilespmem:s0+$0x0] =	vst v4;
	v1 =	vld.idx.msk [tilespmem:v59+s23+$0x0], $0xffff  }
0x4bf: {  	s10 =	sor.u32 s14, s9;
	v37 =	vadd.s32 v40, v50;
	[tilespmem:s7+$0x0] =	vst v7;
	v2 =	vld.idx.msk [tilespmem:v60+s23+$0x0], $0xffff  }
0x4c0: {  	s1 =	sor.u32 s25, s9;
	v38 =	vadd.s32 v40, v52;
	s0 =	sadd.s32 $0x19900, s13;
	[tilespmem:s10+$0x0] =	vst v0;
	v34 =	vld.idx.msk [tilespmem:v58+s23+$0x0], $0xffff  }
0x4c1: {  	s16 =	sadd.s32 $0x18B00, s28;
	v36 =	vadd.s32 v40, v49;
	s12 =	sor.u32 s29, s0;
	v5 =	vld.idx.msk [tilespmem:v61+s23+$0x0], $0xffff;
	[tilespmem:s1+$0x0] =	vst v6  }
0x4c2: {  	s18 =	sor.u32 s17, s16;
	v56 =	vadd.s32 v40, v54;
	[tilespmem:s12+$0x0] =	vst v32;
	v8 =	vld.idx.msk [tilespmem:v33+s23+$0x0], $0xffff  }
0x4c3: {  	v57 =	vld.idx.msk [tilespmem:v55+s23+$0x0], $0xffff;
	v58 =	vadd.s32 v40, v53;
	s1 =	sor.u32 s21, s16;
	s2 =	rddreg [dreg:$0x10];
	[tilespmem:s18+$0x0] =	vst v1  }
0x4c4: {  	s20 =	sadd.s32 $0x18B00, s6;
	[tilespmem:s1+$0x0] =	vst v2;
	v0 =	vld.idx.msk [tilespmem:v37+s23+$0x0], $0xffff  }
0x4c5: {  	s24 =	sor.u32 s14, s20;
	v59 =	vadd.s32 v45, v51;
	[tilespmem:s2+$0x0] =	vst v34;
	v6 =	vld.idx.msk [tilespmem:v38+s23+$0x0], $0xffff  }
0x4c6: {  	v61 =	vadd.s32 v39, v50;
	s1 =	sadd.s32 $0x19C00, s3;
	[tilespmem:s24+$0x0] =	vst v5;
	s2 =	sor.u32 s25, s20;
	v4 =	vld.idx.msk [tilespmem:v36+s23+$0x0], $0xffff  }
0x4c7: {  	s30 =	sadd.s32 $0x18B80, s28;
	v60 =	vadd.s32 v39, v49;
	s26 =	sor.u32 s31, s1;
	v7 =	vld.idx.msk [tilespmem:v56+s23+$0x0], $0xffff;
	[tilespmem:s2+$0x0] =	vst v8  }
0x4c8: {  	v32 =	vadd.s32 v39, v52;
	s3 =	sor.u32 s17, s30;
	[tilespmem:s26+$0x0] =	vst v57;
	v9 =	vld.idx.msk [tilespmem:v58+s23+$0x0], $0xffff  }
0x4c9: {  	v33 =	vadd.s32 v39, v54;
	s2 =	sor.u32 s21, s30;
	s31 =	rddreg [dreg:$0xf];
	[tilespmem:s3+$0x0] =	vst v0  }
0x4ca: {  	s5 =	sadd.s32 $0x18B80, s6;
	v1 =	vld.idx.msk [tilespmem:v59+s23+$0x0], $0xffff;
	v34 =	vadd.s32 v39, v53;
	[tilespmem:s2+$0x0] =	vst v6  }
0x4cb: {  	s7 =	sor.u32 s14, s5;
	[tilespmem:s31+$0x0] =	vst v4;
	v5 =	vld.idx.msk [tilespmem:v61+s23+$0x0], $0xffff  }
0x4cc: {  	s8 =	sor.u32 s25, s5;
	v36 =	vadd.s32 v46, v51;
	[tilespmem:s7+$0x0] =	vst v7;
	v2 =	vld.idx.msk [tilespmem:v60+s23+$0x0], $0xffff  }
0x4cd: {  	v38 =	vadd.s32 v35, v50;
	v39 =	vld.idx.msk [tilespmem:v32+s23+$0x0], $0xffff;
	[tilespmem:s8+$0x0] =	vst v9  }
0x4ce: {  	s9 =	sadd.s32 $0x18C00, s28;
	v40 =	vadd.s32 v35, v52;
	v3 =	vld.idx.msk [tilespmem:v33+s23+$0x0], $0xffff;
	s2 =	rddreg [dreg:$0x17]  }
0x4cf: {  	s10 =	sor.u32 s17, s9;
	v37 =	vadd.s32 v35, v49;
	v4 =	vld.idx.msk [tilespmem:v34+s23+$0x0], $0xffff;
	[tilespmem:s2+$0x0] =	vst v1  }
0x4d0: {  	v55 =	vadd.s32 v35, v54;
	[tilespmem:s10+$0x0] =	vst v5  }
0x4d1: {  	v57 =	vadd.s32 v35, v53;
	s2 =	sor.u32 s21, s9;
	v56 =	vld.idx.msk [tilespmem:v36+s23+$0x0], $0xffff;
	[tilespmem:s11+$0x0] =	vst v2;
	s11 =	sadd.s32 $0x18C00, s6  }
0x4d2: {  	v58 =	vadd.s32 v47, v51;
	[tilespmem:s2+$0x0] =	vst v39;
	v6 =	vld.idx.msk [tilespmem:v38+s23+$0x0], $0xffff;
	s12 =	sor.u32 s14, s11  }
0x4d3: {  	v60 =	vadd.s32 v41, v50;
	v7 =	vld.idx.msk [tilespmem:v40+s23+$0x0], $0xffff;
	s16 =	sor.u32 s25, s11;
	[tilespmem:s12+$0x0] =	vst v3  }
0x4d4: {  	v61 =	vadd.s32 v41, v52;
	v0 =	vld.idx.msk [tilespmem:v37+s23+$0x0], $0xffff;
	[tilespmem:s16+$0x0] =	vst v4  }
0x4d5: {  	v59 =	vadd.s32 v41, v49;
	s20 =	sadd.s32 $0x19880, s28;
	v1 =	vld.idx.msk [tilespmem:v55+s23+$0x0], $0xffff;
	s2 =	rddreg [dreg:$0xc]  }
0x4d6: {  	s24 =	sor.u32 s17, s20;
	v32 =	vadd.s32 v41, v54;
	v2 =	vld.idx.msk [tilespmem:v57+s23+$0x0], $0xffff;
	[tilespmem:s2+$0x0] =	vst v56  }
0x4d7: {  	s26 =	sor.u32 s21, s20;
	v33 =	vadd.s32 v41, v53;
	v9 =	vld.idx.msk [tilespmem:v58+s23+$0x0], $0xffff;
	[tilespmem:s24+$0x0] =	vst v6  }
0x4d8: {  	s18 =	sor.u32 s22, s15;
	s30 =	sadd.s32 $0x19880, s6;
	v34 =	vadd.s32 v42, v48;
	[tilespmem:s26+$0x0] =	vst v7;
	v3 =	vld.idx.msk [tilespmem:v60+s23+$0x0], $0xffff  }
0x4d9: {  	s31 =	sor.u32 s14, s30;
	v36 =	vadd.s32 v42, v50;
	[tilespmem:s18+$0x0] =	vst v0;
	v4 =	vld.idx.msk [tilespmem:v61+s23+$0x0], $0xffff  }
0x4da: {  	s3 =	sor.u32 s25, s30;
	v37 =	vadd.s32 v42, v52;
	v5 =	vld.idx.msk [tilespmem:v59+s23+$0x0], $0xffff;
	[tilespmem:s31+$0x0] =	vst v1  }
0x4db: {  	s4 =	sadd.s32 $0x19900, s28;
	s1 =	sor.u32 s19, s1;
	v35 =	vadd.s32 v42, v49;
	[tilespmem:s3+$0x0] =	vst v2;
	v38 =	vld.idx.msk [tilespmem:v32+s23+$0x0], $0xffff  }
0x4dc: {  	s5 =	sor.u32 s17, s4;
	v39 =	vadd.s32 v42, v54;
	v0 =	vld.idx.msk [tilespmem:v33+s23+$0x0], $0xffff;
	[tilespmem:s1+$0x0] =	vst v9  }
0x4dd: {  	v41 =	vadd.s32 v42, v53;
	v40 =	vld.idx.msk [tilespmem:v34+s23+$0x0], $0xffff;
	s1 =	sor.u32 s21, s4;
	[tilespmem:s5+$0x0] =	vst v3  }
0x4de: {  	s0 =	sor.u32 s22, s0;
	s7 =	sadd.s32 $0x19900, s6;
	v42 =	vadd.s32 v43, v48;
	[tilespmem:s1+$0x0] =	vst v4;
	v1 =	vld.idx.msk [tilespmem:v36+s23+$0x0], $0xffff  }
0x4df: {  	s8 =	sor.u32 s14, s7;
	v55 =	vadd.s32 v43, v50;
	[tilespmem:s0+$0x0] =	vst v5;
	v2 =	vld.idx.msk [tilespmem:v37+s23+$0x0], $0xffff  }
0x4e0: {  	s9 =	sadd.s32 $0x19980, s13;
	v56 =	vadd.s32 v43, v52;
	s0 =	sor.u32 s25, s7;
	v6 =	vld.idx.msk [tilespmem:v35+s23+$0x0], $0xffff;
	[tilespmem:s8+$0x0] =	vst v38  }
0x4e1: {  	v51 =	vadd.s32 v43, v49;
	s10 =	sor.u32 s29, s9;
	s11 =	sadd.s32 $0x19980, s28;
	[tilespmem:s0+$0x0] =	vst v0;
	v7 =	vld.idx.msk [tilespmem:v39+s23+$0x0], $0xffff  }
0x4e2: {  	s12 =	sor.u32 s17, s11;
	v57 =	vadd.s32 v43, v54;
	[tilespmem:s10+$0x0] =	vst v40;
	v5 =	vld.idx.msk [tilespmem:v41+s23+$0x0], $0xffff  }
0x4e3: {  	v58 =	vadd.s32 v43, v53;
	v9 =	vld.idx.msk [tilespmem:v42+s23+$0x0], $0xffff;
	s0 =	sor.u32 s21, s11;
	[tilespmem:s12+$0x0] =	vst v1  }
0x4e4: {  	s15 =	sadd.s32 $0x19980, s6;
	v59 =	vadd.s32 v44, v48;
	s1 =	sor.u32 s22, s9;
	[tilespmem:s0+$0x0] =	vst v2;
	v4 =	vld.idx.msk [tilespmem:v55+s23+$0x0], $0xffff  }
0x4e5: {  	s16 =	sor.u32 s14, s15;
	v61 =	vadd.s32 v44, v50;
	[tilespmem:s1+$0x0] =	vst v6;
	v0 =	vld.idx.msk [tilespmem:v56+s23+$0x0], $0xffff  }
0x4e6: {  	s18 =	sadd.s32 $0x19A00, s13;
	v32 =	vadd.s32 v44, v52;
	s1 =	sor.u32 s25, s15;
	v3 =	vld.idx.msk [tilespmem:v51+s23+$0x0], $0xffff;
	[tilespmem:s16+$0x0] =	vst v7  }
0x4e7: {  	s20 =	sadd.s32 $0x19A00, s28;
	v60 =	vadd.s32 v44, v49;
	s19 =	sor.u32 s29, s18;
	[tilespmem:s1+$0x0] =	vst v5;
	v7 =	vld.idx.msk [tilespmem:v57+s23+$0x0], $0xffff  }
0x4e8: {  	s24 =	sor.u32 s17, s20;
	v33 =	vadd.s32 v44, v54;
	[tilespmem:s19+$0x0] =	vst v9;
	v6 =	vld.idx.msk [tilespmem:v58+s23+$0x0], $0xffff  }
0x4e9: {  	v34 =	vadd.s32 v44, v53;
	v9 =	vld.idx.msk [tilespmem:v59+s23+$0x0], $0xffff;
	s1 =	sor.u32 s21, s20;
	[tilespmem:s24+$0x0] =	vst v4  }
0x4ea: {  	s26 =	sadd.s32 $0x19A00, s6;
	v35 =	vadd.s32 v45, v48;
	s0 =	sor.u32 s22, s18;
	[tilespmem:s1+$0x0] =	vst v0;
	v2 =	vld.idx.msk [tilespmem:v61+s23+$0x0], $0xffff  }
0x4eb: {  	s30 =	sor.u32 s14, s26;
	v37 =	vadd.s32 v45, v50;
	[tilespmem:s0+$0x0] =	vst v3;
	v5 =	vld.idx.msk [tilespmem:v32+s23+$0x0], $0xffff  }
0x4ec: {  	s31 =	sadd.s32 $0x19A80, s13;
	v38 =	vadd.s32 v45, v52;
	s0 =	sor.u32 s25, s26;
	v1 =	vld.idx.msk [tilespmem:v60+s23+$0x0], $0xffff;
	[tilespmem:s30+$0x0] =	vst v7  }
0x4ed: {  	s3 =	sadd.s32 $0x19A80, s28;
	s2 =	sor.u32 s29, s31;
	v36 =	vadd.s32 v45, v49;
	[tilespmem:s0+$0x0] =	vst v6;
	v7 =	vld.idx.msk [tilespmem:v33+s23+$0x0], $0xffff  }
0x4ee: {  	s4 =	sor.u32 s17, s3;
	v39 =	vadd.s32 v45, v54;
	[tilespmem:s2+$0x0] =	vst v9;
	v3 =	vld.idx.msk [tilespmem:v34+s23+$0x0], $0xffff  }
0x4ef: {  	v40 =	vadd.s32 v45, v53;
	v9 =	vld.idx.msk [tilespmem:v35+s23+$0x0], $0xffff;
	s0 =	sor.u32 s21, s3;
	[tilespmem:s4+$0x0] =	vst v2  }
0x4f0: {  	s5 =	sadd.s32 $0x19A80, s6;
	s1 =	sor.u32 s22, s31;
	[tilespmem:s0+$0x0] =	vst v5;
	v0 =	vld.idx.msk [tilespmem:v37+s23+$0x0], $0xffff  }
0x4f1: {  	s7 =	sor.u32 s14, s5;
	v41 =	vadd.s32 v46, v48;
	[tilespmem:s1+$0x0] =	vst v1;
	v6 =	vld.idx.msk [tilespmem:v38+s23+$0x0], $0xffff  }
0x4f2: {  	s8 =	sadd.s32 $0x19B00, s13;
	s1 =	sor.u32 s25, s5;
	v4 =	vld.idx.msk [tilespmem:v36+s23+$0x0], $0xffff;
	[tilespmem:s7+$0x0] =	vst v7  }
0x4f3: {  	s10 =	sadd.s32 $0x19B00, s28;
	v42 =	vadd.s32 v46, v49;
	s9 =	sor.u32 s29, s8;
	[tilespmem:s1+$0x0] =	vst v3;
	v7 =	vld.idx.msk [tilespmem:v39+s23+$0x0], $0xffff  }
0x4f4: {  	s11 =	sor.u32 s17, s10;
	[tilespmem:s9+$0x0] =	vst v9;
	v1 =	vld.idx.msk [tilespmem:v40+s23+$0x0], $0xffff  }
0x4f5: {  	v43 =	vadd.s32 v46, v50;
	s1 =	sor.u32 s21, s10;
	[tilespmem:s11+$0x0] =	vst v0  }
0x4f6: {  	s12 =	sadd.s32 $0x19B00, s6;
	v9 =	vld.idx.msk [tilespmem:v41+s23+$0x0], $0xffff;
	s0 =	sor.u32 s22, s8;
	[tilespmem:s1+$0x0] =	vst v6  }
0x4f7: {  	v44 =	vadd.s32 v46, v52;
	s15 =	sor.u32 s14, s12;
	[tilespmem:s0+$0x0] =	vst v4  }
0x4f8: {  	s0 =	sor.u32 s25, s12;
	v2 =	vld.idx.msk [tilespmem:v42+s23+$0x0], $0xffff;
	[tilespmem:s15+$0x0] =	vst v7  }
0x4f9: {  	v45 =	vadd.s32 v46, v54;
	[tilespmem:s0+$0x0] =	vst v1  }
0x4fa: {  	v5 =	vld.idx.msk [tilespmem:v43+s23+$0x0], $0xffff;
	s0 =	rddreg [dreg:$0x7]  }
0x4fb: {  	v46 =	vadd.s32 v46, v53;
	[tilespmem:s0+$0x0] =	vst v9  }
0x4fc: {  	v48 =	vadd.s32 v47, v48;
	v3 =	vld.idx.msk [tilespmem:v44+s23+$0x0], $0xffff;
	s0 =	rddreg [dreg:$0x6]  }
0x4fd: {  	v49 =	vadd.s32 v47, v49;
	[tilespmem:s0+$0x0] =	vst v2  }
0x4fe: {  	v51 =	vadd.s32 v47, v50;
	v7 =	vld.idx.msk [tilespmem:v45+s23+$0x0], $0xffff;
	s0 =	rddreg [dreg:$0x9]  }
0x4ff: {  	v55 =	vadd.s32 v47, v52;
	[tilespmem:s0+$0x0] =	vst v5  }
0x500: {  	v56 =	vadd.s32 v47, v54;
	v4 =	vld.idx.msk [tilespmem:v46+s23+$0x0], $0xffff;
	s0 =	rddreg [dreg:$0x8]  }
0x501: {  	v58 =	vadd.s32 v47, v53;
	v57 =	vld.idx.msk [tilespmem:v48+s23+$0x0], $0xffff;
	[tilespmem:s0+$0x0] =	vst v3  }
0x502: {  	v0 =	vld.idx.msk [tilespmem:v49+s23+$0x0], $0xffff;
	s0 =	rddreg [dreg:$0xa]  }
0x503: {  	v59 =	vld.idx.msk [tilespmem:v51+s23+$0x0], $0xffff;
	[tilespmem:s0+$0x0] =	vst v7  }
0x504: {  	s16 =	sadd.s32 $0x19C00, s13;
	v1 =	vld.idx.msk [tilespmem:v55+s23+$0x0], $0xffff;
	s1 =	rddreg [dreg:$0xb]  }
0x505: {  	s18 =	sor.u32 s29, s16;
	v60 =	vld.idx.msk [tilespmem:v56+s23+$0x0], $0xffff;
	[tilespmem:s1+$0x0] =	vst v4  }
0x506: {  	s19 =	sadd.s32 $0x19C00, s28;
	s0 =	sor.u32 s22, s16;
	[tilespmem:s18+$0x0] =	vst v57;
	v61 =	vld.idx.msk [tilespmem:v58+s23+$0x0], $0xffff  }
0x507: {  	s20 =	sor.u32 s17, s19;
	[tilespmem:s0+$0x0] =	vst v0  }
0x508: {  	s22 =	sadd.s32 $0x19C00, s6;
	s1 =	sor.u32 s21, s19;
	[tilespmem:s20+$0x0] =	vst v59  }
0x509: {  	s24 =	sor.u32 s14, s22;
	s2 =	sld [smem:$0x7F4];
	[tilespmem:s1+$0x0] =	vst v1  }
0x50a: {  	s0 =	sor.u32 s25, s22;
	s8 =	sld [smem:$0x7FD];
	[tilespmem:s24+$0x0] =	vst v60  }
0x50b: {  	[tilespmem:s0+$0x0] =	vst v61  }
0x50c: {  	s24 =	sld [smem:$0x7F5];
	_ =	sdelay $0x2  }
0x50d: {  	s24 =	sadd.s32 $0x1, s24  }
0x50e: {  	p0 =	sne.s32 s24, $0x64  }
.Ltmp4:
0x50f: {  	s2 =	sshll.u32 s2, $0x13;
	(pc) =	sbr.rel @p0 .LBB2_6-.Ltmp4, $4  }
0x510: {  	s2 =	sor.u32 s8, s2  }
0x511: {  	s28 =	rddreg [dreg:$0x2];
	s29 =	simm.s32 $0x1000;
	s26 =	sshrl.u32 s2, $0x3  }
0x512: {  	s31 =	simm.s32 $0x16880;
	s30 =	simm.s32 $0x20000;
	s0 =	sadd.s32 s28, s26  }
0x513: {  	[hbm4b:s0+s29] =	stream.strided.scatter [tilespmem:s31], [sflag:$0x2], $0x4000, s30, s29, $0x38;
	[tilespmem:$0x1A880] =	vst v63  }
0x514: {  	s1 =	simm.s32 $0x2  }
0x515: {  	_ =	swait.ge [sflag:s1], $0x4000  }
0x516: {  	[sflag:s1] =	ssyncset.done $0x0  }
0x517: {  	[sflag:s1] =	ssyncadd.s32 $0xFFFFC000  }
0x518: {  	_ =	swait.ge [sflag:s1], $0x4000  }
0x519: {  	s2 =	sld [smem:$0x7F7]  }
0x51a: {  	s0 =	sld [smem:$0x7FC];
	_ =	sdelay $0x1  }
0x51b: {  	s2 =	sadd.s32 $0x1, s2  }
0x51c: {  	p0 =	sne.s32 s2, s0  }
.Ltmp5:
0x51d: {  	_ = 	snop;
	(pc) =	sbr.rel @p0 .LBB2_1-.Ltmp5, $3  }
0x51e: {  	_ =	sdelay $0x1  }
0x51f: {  	[sflag:s1] =	ssyncset.done $0x0  }
0x520: {  	v12 =	vimm.s32 $0x0;
	v13 =	vimm.s32 $0x1;
	v14 =	vimm.s32 $0x2;
	[sflag:s1] =	ssyncadd.s32 $0xFFFFC000  }
0x521: {  	_ =	sfence.sel $0x180000  }
0x522: {  	[bflag:$0x0] =	sbarrier.arrive $0xFFFF  }
0x523: {  	_ =	strace $0x90000047  }
0x524: {  	s0 =	stileid.u32;
	[bflag:$0x2] =	sbarrier.arrive $0xFFFF  }
0x525: {  	p0 =	sne.s32 s0, $0x0;
	s0 =	rddreg [dreg:$0x3]  }
0x526: {  	s0 =	sadd.s32 @!p0 $0x100000, s0  }
0x527: {  	[sflag:s0] =	ssyncadd.tile.s32 @!p0 $0x1;
	_ =	shalt  }
.Lfunc_end2:
_tile_overlayer_lowered:
.L_overlay_start_2:
0x528: {  	(tag) =	ssettag $0x2  }
0x529: {  	s0 =	rddreg [dreg:$0x0];
	s2 =	stileid.u32  }
0x52a: {  	s1 =	rddreg [dreg:$0x1];
	p0 =	sne.s32 s2, $0x0  }
0x52b: {  	s3 =	rddreg [dreg:$0x2];
	[bflag:$0x3] =	sbarrier.arrive $0xFFFF;
	s2 =	simm.s32 @!p0 $0x1C03  }
0x52c: {  	[timem:s3], [sflag:s2] =	dma.local @!p0 [hbm:s0], s1  }
0x52d: {  	s0 =	simm.s32 @!p0 $0x3  }
0x52e: {  	_ =	swait.ge @!p0 [sflag:s0], s1  }
0x52f: {  	s1 =	ssub.s32 @!p0 $0x0, s1;
	[sflag:s0] =	ssyncset.done @!p0 $0x0  }
0x530: {  	[sflag:s0] =	ssyncadd.s32 @!p0 s1  }
0x531: {  	[bflag:$0x3] =	sbarrier.arrive $0xFFFF  }
0x532: {  	_ =	shalt  }

</sc_bundles>
